<compile_context>
chip_gen: v7x
topology: tpu7x:2x2x1
jax: 0.10.2.dev20260603
libtpu: 0.0.44.dev20260713+nightly
codegen_flags: <defaults>
</compile_context>

<pallas_src>
import functools

import jax
import jax.numpy as jnp
from jax import lax
from jax.experimental import pallas as pl
from jax.experimental.pallas import tpu as pltpu
from jax.experimental.pallas import tpu_sc as plsc

N, E, DIN, H = 10000, 320000, 128, 246

NC, NS, LANES = 2, 16, 16
NPAD = 10240
F = 256
FH = F // NC
CHUNK = 80
EC = 256
EPAD = NS * EC * CHUNK
ECH = EC // NC
BCH = 16
RPT = NPAD // NS
RB = 1280
NBLK = NPAD // RB



def _deg_body(srcb, dstg, ones_h, zeros_h, out, sidx, didx, ones_v,
              od_sh, id_sh, o0, o1, o2, o3, i0, i1, i2, i3):
    c = lax.axis_index("c")
    s = lax.axis_index("s")
    osem = (o0, o1, o2, o3)
    isem = (i0, i1, i2, i3)
    pltpu.sync_copy(zeros_h, od_sh.at[pl.ds(s * RPT, RPT)])
    pltpu.sync_copy(zeros_h, id_sh.at[pl.ds(s * RPT, RPT)])
    pltpu.sync_copy(ones_h, ones_v)
    pltpu.sync_copy(srcb.at[s, pl.ds(c * ECH, ECH)], sidx)
    pltpu.sync_copy(dstg.at[s, pl.ds(c * ECH, ECH)], didx)
    plsc.subcore_barrier()

    def quad(q, carry):
        for bb in range(4):
            j = 4 * q + bb

            @pl.when(j >= 4)
            def _():
                pltpu.make_async_copy(ones_v, od_sh.at[sidx.at[j]],
                                      osem[bb]).wait()
                pltpu.make_async_copy(ones_v, id_sh.at[didx.at[j]],
                                      isem[bb]).wait()

            pltpu.async_copy(ones_v, od_sh.at[sidx.at[j]], osem[bb], add=True)
            pltpu.async_copy(ones_v, id_sh.at[didx.at[j]], isem[bb], add=True)
        return carry

    lax.fori_loop(0, ECH // 4, quad, 0)
    for bb in range(4):
        pltpu.make_async_copy(ones_v, od_sh.at[sidx.at[0]], osem[bb]).wait()
        pltpu.make_async_copy(ones_v, id_sh.at[didx.at[0]], isem[bb]).wait()
    plsc.subcore_barrier()
    pltpu.sync_copy(od_sh.at[pl.ds(s * RPT, RPT)],
                    out.at[c, 0, pl.ds(s * RPT, RPT)])
    pltpu.sync_copy(id_sh.at[pl.ds(s * RPT, RPT)],
                    out.at[c, 1, pl.ds(s * RPT, RPT)])


@functools.lru_cache(maxsize=None)
def _sc_calls():
    mesh = plsc.VectorSubcoreMesh(core_axis_name="c", subcore_axis_name="s",
                                  num_cores=NC, num_subcores=NS)
    deg_call = pl.kernel(
        _deg_body,
        out_type=jax.ShapeDtypeStruct((NC, 2, NPAD), jnp.float32),
        mesh=mesh,
        scratch_types=[
            pltpu.VMEM((ECH, CHUNK), jnp.int32),
            pltpu.VMEM((ECH, CHUNK), jnp.int32),
            pltpu.VMEM((CHUNK,), jnp.float32),
            pltpu.VMEM_SHARED((NPAD,), jnp.float32),
            pltpu.VMEM_SHARED((NPAD,), jnp.float32),
            pltpu.SemaphoreType.DMA,
            pltpu.SemaphoreType.DMA,
            pltpu.SemaphoreType.DMA,
            pltpu.SemaphoreType.DMA,
            pltpu.SemaphoreType.DMA,
            pltpu.SemaphoreType.DMA,
            pltpu.SemaphoreType.DMA,
            pltpu.SemaphoreType.DMA,
        ],
    )
    seg_call = pl.kernel(
        _seg_body,
        out_type=jax.ShapeDtypeStruct((NC, NPAD, FH), jnp.float32),
        mesh=mesh,
        scratch_types=[
            pltpu.VMEM((BCH, CHUNK), jnp.int32),
            pltpu.VMEM((BCH, CHUNK), jnp.int32),
            pltpu.VMEM((BCH, CHUNK), jnp.int32),
            pltpu.VMEM((BCH, CHUNK), jnp.int32),
            pltpu.VMEM((CHUNK, FH), jnp.float32),
            pltpu.VMEM((CHUNK, FH), jnp.float32),
            pltpu.VMEM((CHUNK, FH), jnp.float32),
            pltpu.VMEM((CHUNK, FH), jnp.float32),
            pltpu.VMEM_SHARED((NPAD, FH), jnp.float32),
            pltpu.SemaphoreType.DMA,
            pltpu.SemaphoreType.DMA,
            pltpu.SemaphoreType.DMA,
            pltpu.SemaphoreType.DMA,
            pltpu.SemaphoreType.DMA,
            pltpu.SemaphoreType.DMA,
            pltpu.SemaphoreType.DMA,
            pltpu.SemaphoreType.DMA,
            pltpu.SemaphoreType.DMA,
        ],
    )
    return deg_call, seg_call


def _seg_body(srcb, dstg, table, zeros_h, out, sidxA, didxA, sidxB, didxB,
              rows0, rows1, rows2, rows3, acc_sh,
              g0, g1, g2, g3, s0, s1, s2, s3, isem):
    c = lax.axis_index("c")
    s = lax.axis_index("s")
    rows = (rows0, rows1, rows2, rows3)
    gsem = (g0, g1, g2, g3)
    ssem = (s0, s1, s2, s3)
    nblk = EC // BCH
    pltpu.sync_copy(srcb.at[s, pl.ds(0, BCH)], sidxA)
    pltpu.sync_copy(dstg.at[s, pl.ds(0, BCH)], didxA)
    pltpu.async_copy(table.at[c].at[sidxA.at[0]], rows0, gsem[0])
    pltpu.async_copy(table.at[c].at[sidxA.at[1]], rows1, gsem[1])
    pltpu.sync_copy(zeros_h, acc_sh.at[pl.ds(s * RPT, RPT)])
    plsc.subcore_barrier()

    def process(b, cur_s, cur_d, nxt_s, nxt_d):
        def quad(q, carry):
            for bb in range(4):
                ch = 4 * q + bb
                g = b * BCH + ch
                nb = (bb + 2) % 4
                pltpu.make_async_copy(table.at[c].at[cur_s.at[ch]], rows[bb],
                                      gsem[bb]).wait()
                pltpu.async_copy(rows[bb], acc_sh.at[cur_d.at[ch]], ssem[bb],
                                 add=True)
                if bb == 2:
                    @pl.when((ch == 2) & (b + 1 < nblk))
                    def _():
                        pltpu.async_copy(srcb.at[s,
                                                 pl.ds((b + 1) * BCH, BCH)],
                                         nxt_s, isem)
                        pltpu.async_copy(dstg.at[s, pl.ds((b + 1) * BCH, BCH)],
                                         nxt_d, isem)

                @pl.when(g >= 2)
                def _():
                    pltpu.make_async_copy(rows[nb], acc_sh.at[cur_d.at[ch]],
                                          ssem[nb]).wait()

                @pl.when(ch + 2 < BCH)
                def _():
                    pltpu.async_copy(table.at[c].at[cur_s.at[ch + 2]], rows[nb],
                                     gsem[nb])

                @pl.when((ch + 2 >= BCH) & (b + 1 < nblk))
                def _():
                    @pl.when(ch == BCH - 2)
                    def _():
                        pltpu.make_async_copy(
                            srcb.at[s, pl.ds(0, BCH)], nxt_s, isem).wait()
                        pltpu.make_async_copy(
                            dstg.at[s, pl.ds(0, BCH)], nxt_d, isem).wait()

                    pltpu.async_copy(table.at[c].at[nxt_s.at[ch + 2 - BCH]],
                                     rows[nb], gsem[nb])

            return carry

        lax.fori_loop(0, BCH // 4, quad, 0)

    def pairs(pp, carry):
        process(2 * pp, sidxA, didxA, sidxB, didxB)
        process(2 * pp + 1, sidxB, didxB, sidxA, didxA)
        return carry

    lax.fori_loop(0, nblk // 2, pairs, 0)
    pltpu.make_async_copy(rows2, acc_sh.at[didxA.at[0]], ssem[2]).wait()
    pltpu.make_async_copy(rows3, acc_sh.at[didxA.at[0]], ssem[3]).wait()

    plsc.subcore_barrier()
    pltpu.sync_copy(acc_sh.at[pl.ds(s * RPT, RPT)],
                    out.at[c, pl.ds(s * RPT, RPT)])


def _mm1_body(x_ref, od_ref, w_ref, out_ref):
    od = od_ref[0] + od_ref[1]
    nsrc = jnp.where(od > 0, lax.rsqrt(jnp.maximum(od, 1.0)), 0.0)
    xs = (x_ref[...] * nsrc[:, None]).astype(jnp.bfloat16)
    y = jnp.dot(xs, w_ref[...].astype(jnp.bfloat16),
                preferred_element_type=jnp.float32)
    out_ref[0] = y[:, :FH]
    out_ref[1] = y[:, FH:]


def _mm1(xp, odp, w1p):
    return pl.pallas_call(
        _mm1_body,
        grid=(NBLK,),
        in_specs=[
            pl.BlockSpec((RB, DIN), lambda i: (i, 0)),
            pl.BlockSpec((NC, RB), lambda i: (0, i)),
            pl.BlockSpec((DIN, F), lambda i: (0, 0)),
        ],
        out_specs=pl.BlockSpec((NC, RB, FH), lambda i: (0, i, 0)),
        out_shape=jax.ShapeDtypeStruct((NC, NPAD, FH), jnp.float32),
    )(xp, odp, w1p)


def _mm2_body(agg_ref, od_ref, id_ref, b_ref, w_ref, out_ref):
    od = od_ref[0] + od_ref[1]
    idg = id_ref[0] + id_ref[1]
    nsrc = jnp.where(od > 0, lax.rsqrt(jnp.maximum(od, 1.0)), 0.0)
    ndst = jnp.where(idg > 0, lax.rsqrt(jnp.maximum(idg, 1.0)), 0.0)
    agg = jnp.concatenate([agg_ref[0], agg_ref[1]], axis=1)
    h = jnp.maximum(agg * ndst[:, None] + b_ref[...], 0.0)
    hs = (h * nsrc[:, None]).astype(jnp.bfloat16)
    y = jnp.dot(hs, w_ref[...].astype(jnp.bfloat16),
                preferred_element_type=jnp.float32)
    out_ref[0] = y[:, :FH]
    out_ref[1] = y[:, FH:]


def _mm2(agg, odp, idp, b1p, w2p):
    return pl.pallas_call(
        _mm2_body,
        grid=(NBLK,),
        in_specs=[
            pl.BlockSpec((NC, RB, FH), lambda i: (0, i, 0)),
            pl.BlockSpec((NC, RB), lambda i: (0, i)),
            pl.BlockSpec((NC, RB), lambda i: (0, i)),
            pl.BlockSpec((1, F), lambda i: (0, 0)),
            pl.BlockSpec((F, F), lambda i: (0, 0)),
        ],
        out_specs=pl.BlockSpec((NC, RB, FH), lambda i: (0, i, 0)),
        out_shape=jax.ShapeDtypeStruct((NC, NPAD, FH), jnp.float32),
    )(agg, odp, idp, b1p, w2p)


def _fin_body(agg_ref, id_ref, b_ref, wfc_ref, out_ref):
    i = pl.program_id(0)
    idg = id_ref[0] + id_ref[1]
    ndst = jnp.where(idg > 0, lax.rsqrt(jnp.maximum(idg, 1.0)), 0.0)
    agg = jnp.concatenate([agg_ref[0], agg_ref[1]], axis=1)
    h = jnp.maximum(agg * ndst[:, None] + b_ref[...], 0.0)
    rows = i * RB + lax.broadcasted_iota(jnp.int32, (RB, 1), 0)
    h = jnp.where(rows < N, h, 0.0)
    part = jnp.sum(h * wfc_ref[...], dtype=jnp.float32) / N

    @pl.when(i == 0)
    def _():
        out_ref[0, 0] = 0.0

    out_ref[0, 0] += part


def _fin(agg, idp, b2p, wfcp):
    return pl.pallas_call(
        _fin_body,
        grid=(NBLK,),
        in_specs=[
            pl.BlockSpec((NC, RB, FH), lambda i: (0, i, 0)),
            pl.BlockSpec((NC, RB), lambda i: (0, i)),
            pl.BlockSpec((1, F), lambda i: (0, 0)),
            pl.BlockSpec((1, F), lambda i: (0, 0)),
        ],
        out_specs=pl.BlockSpec((1, 1), lambda i: (0, 0),
                               memory_space=pltpu.SMEM),
        out_shape=jax.ShapeDtypeStruct((1, 1), jnp.float32),
    )(agg, idp, b2p, wfcp)


def kernel(x, edge_index, W1, b1, W2, b2, W_fc, b_fc):
    src = edge_index[0].astype(jnp.int32)
    dst = edge_index[1].astype(jnp.int32)
    npad_e = EPAD - E
    padr = (jnp.arange(npad_e, dtype=jnp.int32) % (NPAD - N)) + N
    srcb = jnp.concatenate([src, padr]).reshape(NS, EC, CHUNK)
    dstb = jnp.concatenate([dst, padr]).reshape(NS, EC, CHUNK)

    xp = jnp.pad(x, ((0, NPAD - N), (0, 0)))
    w1p = jnp.pad(W1, ((0, 0), (0, F - H)))
    w2p = jnp.pad(W2, ((0, F - H), (0, F - H)))
    b1p = jnp.pad(b1, (0, F - H)).reshape(1, F)
    b2p = jnp.pad(b2, (0, F - H)).reshape(1, F)
    wfcp = jnp.pad(W_fc, ((0, 0), (0, F - H)))

    ones_h = jnp.ones((CHUNK,), jnp.float32)
    zeros_1d = jnp.zeros((RPT,), jnp.float32)
    zeros_2d = jnp.zeros((RPT, FH), jnp.float32)

    deg_call, seg_call = _sc_calls()
    deg = deg_call(srcb, dstb, ones_h, zeros_1d)
    odp = deg[:, 0, :]
    idp = deg[:, 1, :]

    t1 = _mm1(xp, odp, w1p)
    agg1 = seg_call(srcb, dstb, t1, zeros_2d)
    t2 = _mm2(agg1, odp, idp, b1p, w2p)
    agg2 = seg_call(srcb, dstb, t2, zeros_2d)
    out = _fin(agg2, idp, b2p, wfcp)
    return out.reshape(1) + b_fc

# --- scband reference (transcript-rebuilt; emitter-appended) ---
"""Pipeline reference for scband-model-29300266893901 (READ-ONLY COPY).

The authoritative reference and input builder live on the scoring server;
editing this copy changes nothing except your own understanding.
"""

import jax, jax.numpy as jnp
import numpy as np

N, E, DIN, H = 10000, 320000, 128, 246

def setup_inputs(seed: int = 0) -> dict:
    key = jax.random.key(seed)
    ks = jax.random.split(key, 8)
    x = jax.random.normal(ks[0], (N, DIN), dtype=jnp.float32)
    edge_index = jax.random.randint(ks[1], (2, E), 0, N, dtype=jnp.int32)
    s1 = 1.0 / np.sqrt(DIN)
    W1 = jax.random.uniform(ks[2], (DIN, H), minval=-s1, maxval=s1, dtype=jnp.float32)
    b1 = jnp.zeros((H,), dtype=jnp.float32)
    s2 = 1.0 / np.sqrt(H)
    W2 = jax.random.uniform(ks[3], (H, H), minval=-s2, maxval=s2, dtype=jnp.float32)
    b2 = jnp.zeros((H,), dtype=jnp.float32)
    W_fc = jax.random.uniform(ks[4], (1, H), minval=-s2, maxval=s2, dtype=jnp.float32)
    b_fc = jax.random.uniform(ks[5], (1,), minval=-s2, maxval=s2, dtype=jnp.float32)
    return {"x": x, "edge_index": edge_index, "W1": W1, "b1": b1, "W2": W2, "b2": b2, "W_fc": W_fc, "b_fc": b_fc}

def _graph_conv(h, edge_index, W, b):
    # DGL GraphConv, norm='both': D_dst^{-1/2} A D_src^{-1/2} X W + b
    src = edge_index[0]
    dst = edge_index[1]
    n = h.shape[0]
    out_deg = jnp.zeros((n,), dtype=h.dtype).at[src].add(1.0)
    in_deg = jnp.zeros((n,), dtype=h.dtype).at[dst].add(1.0)
    norm_src = jnp.where(out_deg > 0, jax.lax.rsqrt(jnp.maximum(out_deg, 1.0)), 0.0)
    norm_dst = jnp.where(in_deg > 0, jax.lax.rsqrt(jnp.maximum(in_deg, 1.0)), 0.0)
    h = h * norm_src[:, None]
    h = h @ W  # mult W first (in_feats >= out_feats path in DGL)
    msg = jnp.take(h, src, axis=0)
    agg = jnp.zeros((n, h.shape[1]), dtype=h.dtype).at[dst].add(msg)
    agg = agg * norm_dst[:, None]
    return agg + b

def reference(x, edge_index, W1, b1, W2, b2, W_fc, b_fc):
    h = x.astype(jnp.float32)
    h = jax.nn.relu(_graph_conv(h, edge_index, W1, b1))
    # dropout is identity in eval mode
    h = jax.nn.relu(_graph_conv(h, edge_index, W2, b2))
    pooled = h.mean(axis=0)  # graph-level mean readout over nodes -> [246]
    out = pooled @ W_fc.T + b_fc  # [1]
    return out

if __name__ == "__main__":
    import jax
    _d = setup_inputs()
    print(jax.jit(kernel)(*tuple(_d.values())))

</pallas_src>

<mosaic_0001>
#map = affine_map<(d0, d1) -> (0, 0, 0)>
#map1 = affine_map<(d0, d1) -> (0, 0)>
module attributes {stable_mosaic.version = 14 : i64} {
  func.func @_seg_body(%arg0: i32, %arg1: i32, %arg2: memref<16x256x80xi32, #tpu.memory_space<hbm>>, %arg3: memref<16x256x80xi32, #tpu.memory_space<hbm>>, %arg4: memref<2x10240x128xf32, #tpu.memory_space<hbm>>, %arg5: memref<640x128xf32, #tpu.memory_space<hbm>>, %arg6: memref<2x10240x128xf32, #tpu.memory_space<hbm>>, %arg7: memref<16x80xi32, #tpu.memory_space<vmem>>, %arg8: memref<16x80xi32, #tpu.memory_space<vmem>>, %arg9: memref<16x80xi32, #tpu.memory_space<vmem>>, %arg10: memref<16x80xi32, #tpu.memory_space<vmem>>, %arg11: memref<80x128xf32, #tpu.memory_space<vmem>>, %arg12: memref<80x128xf32, #tpu.memory_space<vmem>>, %arg13: memref<80x128xf32, #tpu.memory_space<vmem>>, %arg14: memref<80x128xf32, #tpu.memory_space<vmem>>, %arg15: memref<10240x128xf32, #tpu.memory_space<vmem_shared>>, %arg16: memref<!tpu.dma_semaphore, #tpu.memory_space<semaphore_mem>>, %arg17: memref<!tpu.dma_semaphore, #tpu.memory_space<semaphore_mem>>, %arg18: memref<!tpu.dma_semaphore, #tpu.memory_space<semaphore_mem>>, %arg19: memref<!tpu.dma_semaphore, #tpu.memory_space<semaphore_mem>>, %arg20: memref<!tpu.dma_semaphore, #tpu.memory_space<semaphore_mem>>, %arg21: memref<!tpu.dma_semaphore, #tpu.memory_space<semaphore_mem>>, %arg22: memref<!tpu.dma_semaphore, #tpu.memory_space<semaphore_mem>>, %arg23: memref<!tpu.dma_semaphore, #tpu.memory_space<semaphore_mem>>, %arg24: memref<!tpu.dma_semaphore, #tpu.memory_space<semaphore_mem>>) attributes {dimension_semantics = [#tpu.dimension_semantics<core_parallel>, #tpu.dimension_semantics<subcore_parallel>], iteration_bounds = array<i64: 2, 16>, scalar_prefetch = 0 : i64, scratch_operands = 18 : i64, tpu.core_type = #tpu.core_type<sc_vector_subcore>, window_params = [{transform_indices = #map}, {transform_indices = #map}, {transform_indices = #map}, {transform_indices = #map1}, {transform_indices = #map}]} {
    "tpu.region"() ({
      %run_scoped3A = tpu.sem_alloc : memref<!tpu.dma_semaphore, #tpu.memory_space<semaphore_mem>>
      %dma_start3A_45 = arith.constant 0 : i32
      %dma_start3A_46 = arith.constant 0 : i32
      %dma_start3A_47 = tpu.memref_slice %arg2[%arg1, %dma_start3A_45, %dma_start3A_46] : memref<16x256x80xi32, #tpu.memory_space<hbm>> -> memref<1x16x80xi32, #tpu.memory_space<hbm>>
      %dma_start3A_48 = tpu.memref_squeeze %dma_start3A_47 : memref<1x16x80xi32, #tpu.memory_space<hbm>> -> memref<16x80xi32, #tpu.memory_space<hbm>>
      %dma_start3A_49 = arith.constant 0 : i32
      %dma_start3A_50 = arith.constant 0 : i32
      %dma_start3A_51 = tpu.memref_slice %arg2[%arg1, %dma_start3A_49, %dma_start3A_50] : memref<16x256x80xi32, #tpu.memory_space<hbm>> -> memref<1x16x80xi32, #tpu.memory_space<hbm>>
      %dma_start3A_52 = tpu.memref_squeeze %dma_start3A_51 : memref<1x16x80xi32, #tpu.memory_space<hbm>> -> memref<16x80xi32, #tpu.memory_space<hbm>>
      tpu.enqueue_dma source(%dma_start3A_52 : memref<16x80xi32, #tpu.memory_space<hbm>>) target(%arg7 : memref<16x80xi32, #tpu.memory_space<vmem>>) target_semaphore(%run_scoped3A : memref<!tpu.dma_semaphore, #tpu.memory_space<semaphore_mem>>)
      %dma_wait3A_53 = arith.constant 0 : i32
      %dma_wait3A_54 = arith.constant 0 : i32
      %dma_wait3A_55 = tpu.memref_slice %arg2[%arg1, %dma_wait3A_53, %dma_wait3A_54] : memref<16x256x80xi32, #tpu.memory_space<hbm>> -> memref<1x16x80xi32, #tpu.memory_space<hbm>>
      %dma_wait3A_56 = tpu.memref_squeeze %dma_wait3A_55 : memref<1x16x80xi32, #tpu.memory_space<hbm>> -> memref<16x80xi32, #tpu.memory_space<hbm>>
      %dma_wait3A_57 = arith.constant 0 : i32
      %dma_wait3A_58 = arith.constant 0 : i32
      %dma_wait3A_59 = tpu.memref_slice %arg2[%arg1, %dma_wait3A_57, %dma_wait3A_58] : memref<16x256x80xi32, #tpu.memory_space<hbm>> -> memref<1x16x80xi32, #tpu.memory_space<hbm>>
      %dma_wait3A_60 = tpu.memref_squeeze %dma_wait3A_59 : memref<1x16x80xi32, #tpu.memory_space<hbm>> -> memref<16x80xi32, #tpu.memory_space<hbm>>
      tpu.wait_dma2 semaphore(%run_scoped3A : memref<!tpu.dma_semaphore, #tpu.memory_space<semaphore_mem>>) src(%dma_wait3A_60 : memref<16x80xi32, #tpu.memory_space<hbm>>) dst(%arg7 : memref<16x80xi32, #tpu.memory_space<vmem>>)
      tpu.yield
    }) : () -> ()
    "tpu.region"() ({
      %run_scoped3A = tpu.sem_alloc : memref<!tpu.dma_semaphore, #tpu.memory_space<semaphore_mem>>
      %dma_start3A_45 = arith.constant 0 : i32
      %dma_start3A_46 = arith.constant 0 : i32
      %dma_start3A_47 = tpu.memref_slice %arg3[%arg1, %dma_start3A_45, %dma_start3A_46] : memref<16x256x80xi32, #tpu.memory_space<hbm>> -> memref<1x16x80xi32, #tpu.memory_space<hbm>>
      %dma_start3A_48 = tpu.memref_squeeze %dma_start3A_47 : memref<1x16x80xi32, #tpu.memory_space<hbm>> -> memref<16x80xi32, #tpu.memory_space<hbm>>
      %dma_start3A_49 = arith.constant 0 : i32
      %dma_start3A_50 = arith.constant 0 : i32
      %dma_start3A_51 = tpu.memref_slice %arg3[%arg1, %dma_start3A_49, %dma_start3A_50] : memref<16x256x80xi32, #tpu.memory_space<hbm>> -> memref<1x16x80xi32, #tpu.memory_space<hbm>>
      %dma_start3A_52 = tpu.memref_squeeze %dma_start3A_51 : memref<1x16x80xi32, #tpu.memory_space<hbm>> -> memref<16x80xi32, #tpu.memory_space<hbm>>
      tpu.enqueue_dma source(%dma_start3A_52 : memref<16x80xi32, #tpu.memory_space<hbm>>) target(%arg8 : memref<16x80xi32, #tpu.memory_space<vmem>>) target_semaphore(%run_scoped3A : memref<!tpu.dma_semaphore, #tpu.memory_space<semaphore_mem>>)
      %dma_wait3A_53 = arith.constant 0 : i32
      %dma_wait3A_54 = arith.constant 0 : i32
      %dma_wait3A_55 = tpu.memref_slice %arg3[%arg1, %dma_wait3A_53, %dma_wait3A_54] : memref<16x256x80xi32, #tpu.memory_space<hbm>> -> memref<1x16x80xi32, #tpu.memory_space<hbm>>
      %dma_wait3A_56 = tpu.memref_squeeze %dma_wait3A_55 : memref<1x16x80xi32, #tpu.memory_space<hbm>> -> memref<16x80xi32, #tpu.memory_space<hbm>>
      %dma_wait3A_57 = arith.constant 0 : i32
      %dma_wait3A_58 = arith.constant 0 : i32
      %dma_wait3A_59 = tpu.memref_slice %arg3[%arg1, %dma_wait3A_57, %dma_wait3A_58] : memref<16x256x80xi32, #tpu.memory_space<hbm>> -> memref<1x16x80xi32, #tpu.memory_space<hbm>>
      %dma_wait3A_60 = tpu.memref_squeeze %dma_wait3A_59 : memref<1x16x80xi32, #tpu.memory_space<hbm>> -> memref<16x80xi32, #tpu.memory_space<hbm>>
      tpu.wait_dma2 semaphore(%run_scoped3A : memref<!tpu.dma_semaphore, #tpu.memory_space<semaphore_mem>>) src(%dma_wait3A_60 : memref<16x80xi32, #tpu.memory_space<hbm>>) dst(%arg8 : memref<16x80xi32, #tpu.memory_space<vmem>>)
      tpu.yield
    }) : () -> ()
    %dma_start3A = arith.constant 0 : i32
    %dma_start3A_0 = arith.constant 0 : i32
    %dma_start3A_1 = tpu.memref_slice %arg7[%dma_start3A, %dma_start3A_0] : memref<16x80xi32, #tpu.memory_space<vmem>> -> memref<1x80xi32, #tpu.memory_space<vmem>>
    %dma_start3A_2 = tpu.memref_squeeze %dma_start3A_1 : memref<1x80xi32, #tpu.memory_space<vmem>> -> memref<80xi32, #tpu.memory_space<vmem>>
    %dma_start3A_3 = arith.constant 0 : i32
    %dma_start3A_4 = arith.constant 0 : i32
    %dma_start3A_5 = tpu.memref_slice %arg4[%arg0, %dma_start3A_3, %dma_start3A_4] : memref<2x10240x128xf32, #tpu.memory_space<hbm>> -> memref<1x10240x128xf32, #tpu.memory_space<hbm>>
    %dma_start3A_6 = tpu.memref_squeeze %dma_start3A_5 : memref<1x10240x128xf32, #tpu.memory_space<hbm>> -> memref<10240x128xf32, #tpu.memory_space<hbm>>
    %dma_start3A_7 = arith.constant 0 : i32
    %dma_start3A_8 = arith.constant 0 : i32
    %dma_start3A_9 = tpu.memref_slice %dma_start3A_6[%dma_start3A_7, %dma_start3A_8] : memref<10240x128xf32, #tpu.memory_space<hbm>> -> memref<10240x128xf32, #tpu.memory_space<hbm>>
    tpu.enqueue_indirect_dma source(%dma_start3A_9 : memref<10240x128xf32, #tpu.memory_space<hbm>>) target(%arg11 : memref<80x128xf32, #tpu.memory_space<vmem>>) offsets(%dma_start3A_2 : memref<80xi32, #tpu.memory_space<vmem>>) semaphore(%arg16 : memref<!tpu.dma_semaphore, #tpu.memory_space<semaphore_mem>>)
    %dma_start3A_10 = arith.constant 1 : i32
    %dma_start3A_11 = arith.constant 0 : i32
    %dma_start3A_12 = tpu.memref_slice %arg7[%dma_start3A_10, %dma_start3A_11] : memref<16x80xi32, #tpu.memory_space<vmem>> -> memref<1x80xi32, #tpu.memory_space<vmem>>
    %dma_start3A_13 = tpu.memref_squeeze %dma_start3A_12 : memref<1x80xi32, #tpu.memory_space<vmem>> -> memref<80xi32, #tpu.memory_space<vmem>>
    %dma_start3A_14 = arith.constant 0 : i32
    %dma_start3A_15 = arith.constant 0 : i32
    %dma_start3A_16 = tpu.memref_slice %arg4[%arg0, %dma_start3A_14, %dma_start3A_15] : memref<2x10240x128xf32, #tpu.memory_space<hbm>> -> memref<1x10240x128xf32, #tpu.memory_space<hbm>>
    %dma_start3A_17 = tpu.memref_squeeze %dma_start3A_16 : memref<1x10240x128xf32, #tpu.memory_space<hbm>> -> memref<10240x128xf32, #tpu.memory_space<hbm>>
    %dma_start3A_18 = arith.constant 0 : i32
    %dma_start3A_19 = arith.constant 0 : i32
    %dma_start3A_20 = tpu.memref_slice %dma_start3A_17[%dma_start3A_18, %dma_start3A_19] : memref<10240x128xf32, #tpu.memory_space<hbm>> -> memref<10240x128xf32, #tpu.memory_space<hbm>>
    tpu.enqueue_indirect_dma source(%dma_start3A_20 : memref<10240x128xf32, #tpu.memory_space<hbm>>) target(%arg12 : memref<80x128xf32, #tpu.memory_space<vmem>>) offsets(%dma_start3A_13 : memref<80xi32, #tpu.memory_space<vmem>>) semaphore(%arg17 : memref<!tpu.dma_semaphore, #tpu.memory_space<semaphore_mem>>)
    %mul3A = arith.constant 640 : i32
    %mul3A_21 = arith.muli %arg1, %mul3A : i32
    "tpu.region"() ({
      %run_scoped3A = tpu.sem_alloc : memref<!tpu.dma_semaphore, #tpu.memory_space<semaphore_mem>>
      %dma_start3A_45 = arith.constant 0 : i32
      %dma_start3A_46 = tpu.memref_slice %arg15[%mul3A_21, %dma_start3A_45] : memref<10240x128xf32, #tpu.memory_space<vmem_shared>> -> memref<640x128xf32, #tpu.memory_space<vmem_shared>>
      tpu.enqueue_dma source(%arg5 : memref<640x128xf32, #tpu.memory_space<hbm>>) target(%dma_start3A_46 : memref<640x128xf32, #tpu.memory_space<vmem_shared>>) target_semaphore(%run_scoped3A : memref<!tpu.dma_semaphore, #tpu.memory_space<semaphore_mem>>)
      %dma_wait3A_47 = arith.constant 0 : i32
      %dma_wait3A_48 = tpu.memref_slice %arg15[%mul3A_21, %dma_wait3A_47] : memref<10240x128xf32, #tpu.memory_space<vmem_shared>> -> memref<640x128xf32, #tpu.memory_space<vmem_shared>>
      tpu.wait_dma2 semaphore(%run_scoped3A : memref<!tpu.dma_semaphore, #tpu.memory_space<semaphore_mem>>) src(%arg5 : memref<640x128xf32, #tpu.memory_space<hbm>>) dst(%dma_wait3A_48 : memref<640x128xf32, #tpu.memory_space<vmem_shared>>)
      tpu.yield
    }) : () -> ()
    %barrier3A = arith.constant 0 : index
    tpu.barrier barrier_id(%barrier3A)
    %scan3A = arith.constant 0 : i32
    %scan3A_22 = arith.constant 0 : i32
    %scan3A_23 = arith.constant 8 : i32
    %scan3A_24 = arith.addi %scan3A_22, %scan3A_23 : i32
    %scan3A_25 = arith.constant 1 : i32
    scf.for %scan3A_45 = %scan3A_22 to %scan3A_24 step %scan3A_25  : i32 {
      %mul3A_46 = arith.constant 2 : i32
      %mul3A_47 = arith.muli %mul3A_46, %scan3A_45 : i32
      %scan3A_48 = arith.constant 0 : i32
      %scan3A_49 = arith.constant 0 : i32
      %scan3A_50 = arith.constant 4 : i32
      %scan3A_51 = arith.addi %scan3A_49, %scan3A_50 : i32
      %scan3A_52 = arith.constant 1 : i32
      scf.for %scan3A_63 = %scan3A_49 to %scan3A_51 step %scan3A_52  : i32 {
        %mul3A_64 = arith.constant 4 : i32
        %mul3A_65 = arith.muli %mul3A_64, %scan3A_63 : i32
        %add3A_66 = arith.constant 0 : i32
        %add3A_67 = arith.addi %mul3A_65, %add3A_66 : i32
        %mul3A_68 = arith.constant 16 : i32
        %mul3A_69 = arith.muli %mul3A_47, %mul3A_68 : i32
        %add3A_70 = arith.addi %mul3A_69, %add3A_67 : i32
        %dma_wait3A_71 = arith.constant 0 : i32
        %dma_wait3A_72 = tpu.memref_slice %arg7[%add3A_67, %dma_wait3A_71] : memref<16x80xi32, #tpu.memory_space<vmem>> -> memref<1x80xi32, #tpu.memory_space<vmem>>
        %dma_wait3A_73 = tpu.memref_squeeze %dma_wait3A_72 : memref<1x80xi32, #tpu.memory_space<vmem>> -> memref<80xi32, #tpu.memory_space<vmem>>
        %dma_wait3A_74 = arith.constant 0 : i32
        %dma_wait3A_75 = arith.constant 0 : i32
        %dma_wait3A_76 = tpu.memref_slice %arg4[%arg0, %dma_wait3A_74, %dma_wait3A_75] : memref<2x10240x128xf32, #tpu.memory_space<hbm>> -> memref<1x10240x128xf32, #tpu.memory_space<hbm>>
        %dma_wait3A_77 = tpu.memref_squeeze %dma_wait3A_76 : memref<1x10240x128xf32, #tpu.memory_space<hbm>> -> memref<10240x128xf32, #tpu.memory_space<hbm>>
        %dma_wait3A_78 = arith.constant 0 : i32
        %dma_wait3A_79 = arith.constant 0 : i32
        %dma_wait3A_80 = tpu.memref_slice %dma_wait3A_77[%dma_wait3A_78, %dma_wait3A_79] : memref<10240x128xf32, #tpu.memory_space<hbm>> -> memref<10240x128xf32, #tpu.memory_space<hbm>>
        tpu.wait_indirect_dma semaphore(%arg16 : memref<!tpu.dma_semaphore, #tpu.memory_space<semaphore_mem>>) src(%dma_wait3A_80 : memref<10240x128xf32, #tpu.memory_space<hbm>>) dst(%arg11 : memref<80x128xf32, #tpu.memory_space<vmem>>)
        %dma_start3A_81 = arith.constant 0 : i32
        %dma_start3A_82 = tpu.memref_slice %arg8[%add3A_67, %dma_start3A_81] : memref<16x80xi32, #tpu.memory_space<vmem>> -> memref<1x80xi32, #tpu.memory_space<vmem>>
        %dma_start3A_83 = tpu.memref_squeeze %dma_start3A_82 : memref<1x80xi32, #tpu.memory_space<vmem>> -> memref<80xi32, #tpu.memory_space<vmem>>
        %dma_start3A_84 = arith.constant 0 : i32
        %dma_start3A_85 = arith.constant 0 : i32
        %dma_start3A_86 = tpu.memref_slice %arg15[%dma_start3A_84, %dma_start3A_85] : memref<10240x128xf32, #tpu.memory_space<vmem_shared>> -> memref<10240x128xf32, #tpu.memory_space<vmem_shared>>
        tpu.enqueue_indirect_dma source(%arg11 : memref<80x128xf32, #tpu.memory_space<vmem>>) target(%dma_start3A_86 : memref<10240x128xf32, #tpu.memory_space<vmem_shared>>) offsets(%dma_start3A_83 : memref<80xi32, #tpu.memory_space<vmem>>) semaphore(%arg20 : memref<!tpu.dma_semaphore, #tpu.memory_space<semaphore_mem>>) {add = true}
        %ge3A = arith.constant 2 : i32
        %ge3A_87 = arith.cmpi sge, %add3A_70, %ge3A : i32
        %convert_element_type3A = arith.extui %ge3A_87 : i1 to i32
        %cond3A = arith.constant 0 : i32
        %cond3A_88 = arith.cmpi ne, %convert_element_type3A, %cond3A : i32
        scf.if %cond3A_88 {
          %dma_wait3A_256 = arith.constant 0 : i32
          %dma_wait3A_257 = tpu.memref_slice %arg8[%add3A_67, %dma_wait3A_256] : memref<16x80xi32, #tpu.memory_space<vmem>> -> memref<1x80xi32, #tpu.memory_space<vmem>>
          %dma_wait3A_258 = tpu.memref_squeeze %dma_wait3A_257 : memref<1x80xi32, #tpu.memory_space<vmem>> -> memref<80xi32, #tpu.memory_space<vmem>>
          %dma_wait3A_259 = arith.constant 0 : i32
          %dma_wait3A_260 = arith.constant 0 : i32
          %dma_wait3A_261 = tpu.memref_slice %arg15[%dma_wait3A_259, %dma_wait3A_260] : memref<10240x128xf32, #tpu.memory_space<vmem_shared>> -> memref<10240x128xf32, #tpu.memory_space<vmem_shared>>
          tpu.wait_indirect_dma semaphore(%arg22 : memref<!tpu.dma_semaphore, #tpu.memory_space<semaphore_mem>>) src(%arg13 : memref<80x128xf32, #tpu.memory_space<vmem>>) dst(%dma_wait3A_261 : memref<10240x128xf32, #tpu.memory_space<vmem_shared>>)
        } else {
        }
        %add3A_89 = arith.constant 2 : i32
        %add3A_90 = arith.addi %add3A_67, %add3A_89 : i32
        %lt3A = arith.constant 16 : i32
        %lt3A_91 = arith.cmpi slt, %add3A_90, %lt3A : i32
        %convert_element_type3A_92 = arith.extui %lt3A_91 : i1 to i32
        %cond3A_93 = arith.constant 0 : i32
        %cond3A_94 = arith.cmpi ne, %convert_element_type3A_92, %cond3A_93 : i32
        scf.if %cond3A_94 {
          %add3A_256 = arith.constant 2 : i32
          %add3A_257 = arith.addi %add3A_67, %add3A_256 : i32
          %dma_start3A_258 = arith.constant 0 : i32
          %dma_start3A_259 = tpu.memref_slice %arg7[%add3A_257, %dma_start3A_258] : memref<16x80xi32, #tpu.memory_space<vmem>> -> memref<1x80xi32, #tpu.memory_space<vmem>>
          %dma_start3A_260 = tpu.memref_squeeze %dma_start3A_259 : memref<1x80xi32, #tpu.memory_space<vmem>> -> memref<80xi32, #tpu.memory_space<vmem>>
          %dma_start3A_261 = arith.constant 0 : i32
          %dma_start3A_262 = arith.constant 0 : i32
          %dma_start3A_263 = tpu.memref_slice %arg4[%arg0, %dma_start3A_261, %dma_start3A_262] : memref<2x10240x128xf32, #tpu.memory_space<hbm>> -> memref<1x10240x128xf32, #tpu.memory_space<hbm>>
          %dma_start3A_264 = tpu.memref_squeeze %dma_start3A_263 : memref<1x10240x128xf32, #tpu.memory_space<hbm>> -> memref<10240x128xf32, #tpu.memory_space<hbm>>
          %dma_start3A_265 = arith.constant 0 : i32
          %dma_start3A_266 = arith.constant 0 : i32
          %dma_start3A_267 = tpu.memref_slice %dma_start3A_264[%dma_start3A_265, %dma_start3A_266] : memref<10240x128xf32, #tpu.memory_space<hbm>> -> memref<10240x128xf32, #tpu.memory_space<hbm>>
          tpu.enqueue_indirect_dma source(%dma_start3A_267 : memref<10240x128xf32, #tpu.memory_space<hbm>>) target(%arg13 : memref<80x128xf32, #tpu.memory_space<vmem>>) offsets(%dma_start3A_260 : memref<80xi32, #tpu.memory_space<vmem>>) semaphore(%arg18 : memref<!tpu.dma_semaphore, #tpu.memory_space<semaphore_mem>>)
        } else {
        }
        %add3A_95 = arith.constant 2 : i32
        %add3A_96 = arith.addi %add3A_67, %add3A_95 : i32
        %ge3A_97 = arith.constant 16 : i32
        %ge3A_98 = arith.cmpi sge, %add3A_96, %ge3A_97 : i32
        %add3A_99 = arith.constant 1 : i32
        %add3A_100 = arith.addi %mul3A_47, %add3A_99 : i32
        %lt3A_101 = arith.constant 16 : i32
        %lt3A_102 = arith.cmpi slt, %add3A_100, %lt3A_101 : i32
        %and3A = arith.andi %ge3A_98, %lt3A_102 : i1
        %convert_element_type3A_103 = arith.extui %and3A : i1 to i32
        %cond3A_104 = arith.constant 0 : i32
        %cond3A_105 = arith.cmpi ne, %convert_element_type3A_103, %cond3A_104 : i32
        scf.if %cond3A_105 {
          %eq3A_256 = arith.constant 14 : i32
          %eq3A_257 = arith.cmpi eq, %add3A_67, %eq3A_256 : i32
          %convert_element_type3A_258 = arith.extui %eq3A_257 : i1 to i32
          %cond3A_259 = arith.constant 0 : i32
          %cond3A_260 = arith.cmpi ne, %convert_element_type3A_258, %cond3A_259 : i32
          scf.if %cond3A_260 {
            %dma_wait3A_274 = arith.constant 0 : i32
            %dma_wait3A_275 = arith.constant 0 : i32
            %dma_wait3A_276 = tpu.memref_slice %arg2[%arg1, %dma_wait3A_274, %dma_wait3A_275] : memref<16x256x80xi32, #tpu.memory_space<hbm>> -> memref<1x16x80xi32, #tpu.memory_space<hbm>>
            %dma_wait3A_277 = tpu.memref_squeeze %dma_wait3A_276 : memref<1x16x80xi32, #tpu.memory_space<hbm>> -> memref<16x80xi32, #tpu.memory_space<hbm>>
            %dma_wait3A_278 = arith.constant 0 : i32
            %dma_wait3A_279 = arith.constant 0 : i32
            %dma_wait3A_280 = tpu.memref_slice %arg2[%arg1, %dma_wait3A_278, %dma_wait3A_279] : memref<16x256x80xi32, #tpu.memory_space<hbm>> -> memref<1x16x80xi32, #tpu.memory_space<hbm>>
            %dma_wait3A_281 = tpu.memref_squeeze %dma_wait3A_280 : memref<1x16x80xi32, #tpu.memory_space<hbm>> -> memref<16x80xi32, #tpu.memory_space<hbm>>
            tpu.wait_dma2 semaphore(%arg24 : memref<!tpu.dma_semaphore, #tpu.memory_space<semaphore_mem>>) src(%dma_wait3A_281 : memref<16x80xi32, #tpu.memory_space<hbm>>) dst(%arg9 : memref<16x80xi32, #tpu.memory_space<vmem>>)
            %dma_wait3A_282 = arith.constant 0 : i32
            %dma_wait3A_283 = arith.constant 0 : i32
            %dma_wait3A_284 = tpu.memref_slice %arg3[%arg1, %dma_wait3A_282, %dma_wait3A_283] : memref<16x256x80xi32, #tpu.memory_space<hbm>> -> memref<1x16x80xi32, #tpu.memory_space<hbm>>
            %dma_wait3A_285 = tpu.memref_squeeze %dma_wait3A_284 : memref<1x16x80xi32, #tpu.memory_space<hbm>> -> memref<16x80xi32, #tpu.memory_space<hbm>>
            %dma_wait3A_286 = arith.constant 0 : i32
            %dma_wait3A_287 = arith.constant 0 : i32
            %dma_wait3A_288 = tpu.memref_slice %arg3[%arg1, %dma_wait3A_286, %dma_wait3A_287] : memref<16x256x80xi32, #tpu.memory_space<hbm>> -> memref<1x16x80xi32, #tpu.memory_space<hbm>>
            %dma_wait3A_289 = tpu.memref_squeeze %dma_wait3A_288 : memref<1x16x80xi32, #tpu.memory_space<hbm>> -> memref<16x80xi32, #tpu.memory_space<hbm>>
            tpu.wait_dma2 semaphore(%arg24 : memref<!tpu.dma_semaphore, #tpu.memory_space<semaphore_mem>>) src(%dma_wait3A_289 : memref<16x80xi32, #tpu.memory_space<hbm>>) dst(%arg10 : memref<16x80xi32, #tpu.memory_space<vmem>>)
          } else {
          }
          %add3A_261 = arith.constant 2 : i32
          %add3A_262 = arith.addi %add3A_67, %add3A_261 : i32
          %sub3A = arith.constant 16 : i32
          %sub3A_263 = arith.subi %add3A_262, %sub3A : i32
          %dma_start3A_264 = arith.constant 0 : i32
          %dma_start3A_265 = tpu.memref_slice %arg9[%sub3A_263, %dma_start3A_264] : memref<16x80xi32, #tpu.memory_space<vmem>> -> memref<1x80xi32, #tpu.memory_space<vmem>>
          %dma_start3A_266 = tpu.memref_squeeze %dma_start3A_265 : memref<1x80xi32, #tpu.memory_space<vmem>> -> memref<80xi32, #tpu.memory_space<vmem>>
          %dma_start3A_267 = arith.constant 0 : i32
          %dma_start3A_268 = arith.constant 0 : i32
          %dma_start3A_269 = tpu.memref_slice %arg4[%arg0, %dma_start3A_267, %dma_start3A_268] : memref<2x10240x128xf32, #tpu.memory_space<hbm>> -> memref<1x10240x128xf32, #tpu.memory_space<hbm>>
          %dma_start3A_270 = tpu.memref_squeeze %dma_start3A_269 : memref<1x10240x128xf32, #tpu.memory_space<hbm>> -> memref<10240x128xf32, #tpu.memory_space<hbm>>
          %dma_start3A_271 = arith.constant 0 : i32
          %dma_start3A_272 = arith.constant 0 : i32
          %dma_start3A_273 = tpu.memref_slice %dma_start3A_270[%dma_start3A_271, %dma_start3A_272] : memref<10240x128xf32, #tpu.memory_space<hbm>> -> memref<10240x128xf32, #tpu.memory_space<hbm>>
          tpu.enqueue_indirect_dma source(%dma_start3A_273 : memref<10240x128xf32, #tpu.memory_space<hbm>>) target(%arg13 : memref<80x128xf32, #tpu.memory_space<vmem>>) offsets(%dma_start3A_266 : memref<80xi32, #tpu.memory_space<vmem>>) semaphore(%arg18 : memref<!tpu.dma_semaphore, #tpu.memory_space<semaphore_mem>>)
        } else {
        }
        %mul3A_106 = arith.constant 4 : i32
        %mul3A_107 = arith.muli %mul3A_106, %scan3A_63 : i32
        %add3A_108 = arith.constant 1 : i32
        %add3A_109 = arith.addi %mul3A_107, %add3A_108 : i32
        %mul3A_110 = arith.constant 16 : i32
        %mul3A_111 = arith.muli %mul3A_47, %mul3A_110 : i32
        %add3A_112 = arith.addi %mul3A_111, %add3A_109 : i32
        %dma_wait3A_113 = arith.constant 0 : i32
        %dma_wait3A_114 = tpu.memref_slice %arg7[%add3A_109, %dma_wait3A_113] : memref<16x80xi32, #tpu.memory_space<vmem>> -> memref<1x80xi32, #tpu.memory_space<vmem>>
        %dma_wait3A_115 = tpu.memref_squeeze %dma_wait3A_114 : memref<1x80xi32, #tpu.memory_space<vmem>> -> memref<80xi32, #tpu.memory_space<vmem>>
        %dma_wait3A_116 = arith.constant 0 : i32
        %dma_wait3A_117 = arith.constant 0 : i32
        %dma_wait3A_118 = tpu.memref_slice %arg4[%arg0, %dma_wait3A_116, %dma_wait3A_117] : memref<2x10240x128xf32, #tpu.memory_space<hbm>> -> memref<1x10240x128xf32, #tpu.memory_space<hbm>>
        %dma_wait3A_119 = tpu.memref_squeeze %dma_wait3A_118 : memref<1x10240x128xf32, #tpu.memory_space<hbm>> -> memref<10240x128xf32, #tpu.memory_space<hbm>>
        %dma_wait3A_120 = arith.constant 0 : i32
        %dma_wait3A_121 = arith.constant 0 : i32
        %dma_wait3A_122 = tpu.memref_slice %dma_wait3A_119[%dma_wait3A_120, %dma_wait3A_121] : memref<10240x128xf32, #tpu.memory_space<hbm>> -> memref<10240x128xf32, #tpu.memory_space<hbm>>
        tpu.wait_indirect_dma semaphore(%arg17 : memref<!tpu.dma_semaphore, #tpu.memory_space<semaphore_mem>>) src(%dma_wait3A_122 : memref<10240x128xf32, #tpu.memory_space<hbm>>) dst(%arg12 : memref<80x128xf32, #tpu.memory_space<vmem>>)
        %dma_start3A_123 = arith.constant 0 : i32
        %dma_start3A_124 = tpu.memref_slice %arg8[%add3A_109, %dma_start3A_123] : memref<16x80xi32, #tpu.memory_space<vmem>> -> memref<1x80xi32, #tpu.memory_space<vmem>>
        %dma_start3A_125 = tpu.memref_squeeze %dma_start3A_124 : memref<1x80xi32, #tpu.memory_space<vmem>> -> memref<80xi32, #tpu.memory_space<vmem>>
        %dma_start3A_126 = arith.constant 0 : i32
        %dma_start3A_127 = arith.constant 0 : i32
        %dma_start3A_128 = tpu.memref_slice %arg15[%dma_start3A_126, %dma_start3A_127] : memref<10240x128xf32, #tpu.memory_space<vmem_shared>> -> memref<10240x128xf32, #tpu.memory_space<vmem_shared>>
        tpu.enqueue_indirect_dma source(%arg12 : memref<80x128xf32, #tpu.memory_space<vmem>>) target(%dma_start3A_128 : memref<10240x128xf32, #tpu.memory_space<vmem_shared>>) offsets(%dma_start3A_125 : memref<80xi32, #tpu.memory_space<vmem>>) semaphore(%arg21 : memref<!tpu.dma_semaphore, #tpu.memory_space<semaphore_mem>>) {add = true}
        %ge3A_129 = arith.constant 2 : i32
        %ge3A_130 = arith.cmpi sge, %add3A_112, %ge3A_129 : i32
        %convert_element_type3A_131 = arith.extui %ge3A_130 : i1 to i32
        %cond3A_132 = arith.constant 0 : i32
        %cond3A_133 = arith.cmpi ne, %convert_element_type3A_131, %cond3A_132 : i32
        scf.if %cond3A_133 {
          %dma_wait3A_256 = arith.constant 0 : i32
          %dma_wait3A_257 = tpu.memref_slice %arg8[%add3A_109, %dma_wait3A_256] : memref<16x80xi32, #tpu.memory_space<vmem>> -> memref<1x80xi32, #tpu.memory_space<vmem>>
          %dma_wait3A_258 = tpu.memref_squeeze %dma_wait3A_257 : memref<1x80xi32, #tpu.memory_space<vmem>> -> memref<80xi32, #tpu.memory_space<vmem>>
          %dma_wait3A_259 = arith.constant 0 : i32
          %dma_wait3A_260 = arith.constant 0 : i32
          %dma_wait3A_261 = tpu.memref_slice %arg15[%dma_wait3A_259, %dma_wait3A_260] : memref<10240x128xf32, #tpu.memory_space<vmem_shared>> -> memref<10240x128xf32, #tpu.memory_space<vmem_shared>>
          tpu.wait_indirect_dma semaphore(%arg23 : memref<!tpu.dma_semaphore, #tpu.memory_space<semaphore_mem>>) src(%arg14 : memref<80x128xf32, #tpu.memory_space<vmem>>) dst(%dma_wait3A_261 : memref<10240x128xf32, #tpu.memory_space<vmem_shared>>)
        } else {
        }
        %add3A_134 = arith.constant 2 : i32
        %add3A_135 = arith.addi %add3A_109, %add3A_134 : i32
        %lt3A_136 = arith.constant 16 : i32
        %lt3A_137 = arith.cmpi slt, %add3A_135, %lt3A_136 : i32
        %convert_element_type3A_138 = arith.extui %lt3A_137 : i1 to i32
        %cond3A_139 = arith.constant 0 : i32
        %cond3A_140 = arith.cmpi ne, %convert_element_type3A_138, %cond3A_139 : i32
        scf.if %cond3A_140 {
          %add3A_256 = arith.constant 2 : i32
          %add3A_257 = arith.addi %add3A_109, %add3A_256 : i32
          %dma_start3A_258 = arith.constant 0 : i32
          %dma_start3A_259 = tpu.memref_slice %arg7[%add3A_257, %dma_start3A_258] : memref<16x80xi32, #tpu.memory_space<vmem>> -> memref<1x80xi32, #tpu.memory_space<vmem>>
          %dma_start3A_260 = tpu.memref_squeeze %dma_start3A_259 : memref<1x80xi32, #tpu.memory_space<vmem>> -> memref<80xi32, #tpu.memory_space<vmem>>
          %dma_start3A_261 = arith.constant 0 : i32
          %dma_start3A_262 = arith.constant 0 : i32
          %dma_start3A_263 = tpu.memref_slice %arg4[%arg0, %dma_start3A_261, %dma_start3A_262] : memref<2x10240x128xf32, #tpu.memory_space<hbm>> -> memref<1x10240x128xf32, #tpu.memory_space<hbm>>
          %dma_start3A_264 = tpu.memref_squeeze %dma_start3A_263 : memref<1x10240x128xf32, #tpu.memory_space<hbm>> -> memref<10240x128xf32, #tpu.memory_space<hbm>>
          %dma_start3A_265 = arith.constant 0 : i32
          %dma_start3A_266 = arith.constant 0 : i32
          %dma_start3A_267 = tpu.memref_slice %dma_start3A_264[%dma_start3A_265, %dma_start3A_266] : memref<10240x128xf32, #tpu.memory_space<hbm>> -> memref<10240x128xf32, #tpu.memory_space<hbm>>
          tpu.enqueue_indirect_dma source(%dma_start3A_267 : memref<10240x128xf32, #tpu.memory_space<hbm>>) target(%arg14 : memref<80x128xf32, #tpu.memory_space<vmem>>) offsets(%dma_start3A_260 : memref<80xi32, #tpu.memory_space<vmem>>) semaphore(%arg19 : memref<!tpu.dma_semaphore, #tpu.memory_space<semaphore_mem>>)
        } else {
        }
        %add3A_141 = arith.constant 2 : i32
        %add3A_142 = arith.addi %add3A_109, %add3A_141 : i32
        %ge3A_143 = arith.constant 16 : i32
        %ge3A_144 = arith.cmpi sge, %add3A_142, %ge3A_143 : i32
        %add3A_145 = arith.constant 1 : i32
        %add3A_146 = arith.addi %mul3A_47, %add3A_145 : i32
        %lt3A_147 = arith.constant 16 : i32
        %lt3A_148 = arith.cmpi slt, %add3A_146, %lt3A_147 : i32
        %and3A_149 = arith.andi %ge3A_144, %lt3A_148 : i1
        %convert_element_type3A_150 = arith.extui %and3A_149 : i1 to i32
        %cond3A_151 = arith.constant 0 : i32
        %cond3A_152 = arith.cmpi ne, %convert_element_type3A_150, %cond3A_151 : i32
        scf.if %cond3A_152 {
          %eq3A_256 = arith.constant 14 : i32
          %eq3A_257 = arith.cmpi eq, %add3A_109, %eq3A_256 : i32
          %convert_element_type3A_258 = arith.extui %eq3A_257 : i1 to i32
          %cond3A_259 = arith.constant 0 : i32
          %cond3A_260 = arith.cmpi ne, %convert_element_type3A_258, %cond3A_259 : i32
          scf.if %cond3A_260 {
            %dma_wait3A_274 = arith.constant 0 : i32
            %dma_wait3A_275 = arith.constant 0 : i32
            %dma_wait3A_276 = tpu.memref_slice %arg2[%arg1, %dma_wait3A_274, %dma_wait3A_275] : memref<16x256x80xi32, #tpu.memory_space<hbm>> -> memref<1x16x80xi32, #tpu.memory_space<hbm>>
            %dma_wait3A_277 = tpu.memref_squeeze %dma_wait3A_276 : memref<1x16x80xi32, #tpu.memory_space<hbm>> -> memref<16x80xi32, #tpu.memory_space<hbm>>
            %dma_wait3A_278 = arith.constant 0 : i32
            %dma_wait3A_279 = arith.constant 0 : i32
            %dma_wait3A_280 = tpu.memref_slice %arg2[%arg1, %dma_wait3A_278, %dma_wait3A_279] : memref<16x256x80xi32, #tpu.memory_space<hbm>> -> memref<1x16x80xi32, #tpu.memory_space<hbm>>
            %dma_wait3A_281 = tpu.memref_squeeze %dma_wait3A_280 : memref<1x16x80xi32, #tpu.memory_space<hbm>> -> memref<16x80xi32, #tpu.memory_space<hbm>>
            tpu.wait_dma2 semaphore(%arg24 : memref<!tpu.dma_semaphore, #tpu.memory_space<semaphore_mem>>) src(%dma_wait3A_281 : memref<16x80xi32, #tpu.memory_space<hbm>>) dst(%arg9 : memref<16x80xi32, #tpu.memory_space<vmem>>)
            %dma_wait3A_282 = arith.constant 0 : i32
            %dma_wait3A_283 = arith.constant 0 : i32
            %dma_wait3A_284 = tpu.memref_slice %arg3[%arg1, %dma_wait3A_282, %dma_wait3A_283] : memref<16x256x80xi32, #tpu.memory_space<hbm>> -> memref<1x16x80xi32, #tpu.memory_space<hbm>>
            %dma_wait3A_285 = tpu.memref_squeeze %dma_wait3A_284 : memref<1x16x80xi32, #tpu.memory_space<hbm>> -> memref<16x80xi32, #tpu.memory_space<hbm>>
            %dma_wait3A_286 = arith.constant 0 : i32
            %dma_wait3A_287 = arith.constant 0 : i32
            %dma_wait3A_288 = tpu.memref_slice %arg3[%arg1, %dma_wait3A_286, %dma_wait3A_287] : memref<16x256x80xi32, #tpu.memory_space<hbm>> -> memref<1x16x80xi32, #tpu.memory_space<hbm>>
            %dma_wait3A_289 = tpu.memref_squeeze %dma_wait3A_288 : memref<1x16x80xi32, #tpu.memory_space<hbm>> -> memref<16x80xi32, #tpu.memory_space<hbm>>
            tpu.wait_dma2 semaphore(%arg24 : memref<!tpu.dma_semaphore, #tpu.memory_space<semaphore_mem>>) src(%dma_wait3A_289 : memref<16x80xi32, #tpu.memory_space<hbm>>) dst(%arg10 : memref<16x80xi32, #tpu.memory_space<vmem>>)
          } else {
          }
          %add3A_261 = arith.constant 2 : i32
          %add3A_262 = arith.addi %add3A_109, %add3A_261 : i32
          %sub3A = arith.constant 16 : i32
          %sub3A_263 = arith.subi %add3A_262, %sub3A : i32
          %dma_start3A_264 = arith.constant 0 : i32
          %dma_start3A_265 = tpu.memref_slice %arg9[%sub3A_263, %dma_start3A_264] : memref<16x80xi32, #tpu.memory_space<vmem>> -> memref<1x80xi32, #tpu.memory_space<vmem>>
          %dma_start3A_266 = tpu.memref_squeeze %dma_start3A_265 : memref<1x80xi32, #tpu.memory_space<vmem>> -> memref<80xi32, #tpu.memory_space<vmem>>
          %dma_start3A_267 = arith.constant 0 : i32
          %dma_start3A_268 = arith.constant 0 : i32
          %dma_start3A_269 = tpu.memref_slice %arg4[%arg0, %dma_start3A_267, %dma_start3A_268] : memref<2x10240x128xf32, #tpu.memory_space<hbm>> -> memref<1x10240x128xf32, #tpu.memory_space<hbm>>
          %dma_start3A_270 = tpu.memref_squeeze %dma_start3A_269 : memref<1x10240x128xf32, #tpu.memory_space<hbm>> -> memref<10240x128xf32, #tpu.memory_space<hbm>>
          %dma_start3A_271 = arith.constant 0 : i32
          %dma_start3A_272 = arith.constant 0 : i32
          %dma_start3A_273 = tpu.memref_slice %dma_start3A_270[%dma_start3A_271, %dma_start3A_272] : memref<10240x128xf32, #tpu.memory_space<hbm>> -> memref<10240x128xf32, #tpu.memory_space<hbm>>
          tpu.enqueue_indirect_dma source(%dma_start3A_273 : memref<10240x128xf32, #tpu.memory_space<hbm>>) target(%arg14 : memref<80x128xf32, #tpu.memory_space<vmem>>) offsets(%dma_start3A_266 : memref<80xi32, #tpu.memory_space<vmem>>) semaphore(%arg19 : memref<!tpu.dma_semaphore, #tpu.memory_space<semaphore_mem>>)
        } else {
        }
        %mul3A_153 = arith.constant 4 : i32
        %mul3A_154 = arith.muli %mul3A_153, %scan3A_63 : i32
        %add3A_155 = arith.constant 2 : i32
        %add3A_156 = arith.addi %mul3A_154, %add3A_155 : i32
        %mul3A_157 = arith.constant 16 : i32
        %mul3A_158 = arith.muli %mul3A_47, %mul3A_157 : i32
        %add3A_159 = arith.addi %mul3A_158, %add3A_156 : i32
        %dma_wait3A_160 = arith.constant 0 : i32
        %dma_wait3A_161 = tpu.memref_slice %arg7[%add3A_156, %dma_wait3A_160] : memref<16x80xi32, #tpu.memory_space<vmem>> -> memref<1x80xi32, #tpu.memory_space<vmem>>
        %dma_wait3A_162 = tpu.memref_squeeze %dma_wait3A_161 : memref<1x80xi32, #tpu.memory_space<vmem>> -> memref<80xi32, #tpu.memory_space<vmem>>
        %dma_wait3A_163 = arith.constant 0 : i32
        %dma_wait3A_164 = arith.constant 0 : i32
        %dma_wait3A_165 = tpu.memref_slice %arg4[%arg0, %dma_wait3A_163, %dma_wait3A_164] : memref<2x10240x128xf32, #tpu.memory_space<hbm>> -> memref<1x10240x128xf32, #tpu.memory_space<hbm>>
        %dma_wait3A_166 = tpu.memref_squeeze %dma_wait3A_165 : memref<1x10240x128xf32, #tpu.memory_space<hbm>> -> memref<10240x128xf32, #tpu.memory_space<hbm>>
        %dma_wait3A_167 = arith.constant 0 : i32
        %dma_wait3A_168 = arith.constant 0 : i32
        %dma_wait3A_169 = tpu.memref_slice %dma_wait3A_166[%dma_wait3A_167, %dma_wait3A_168] : memref<10240x128xf32, #tpu.memory_space<hbm>> -> memref<10240x128xf32, #tpu.memory_space<hbm>>
        tpu.wait_indirect_dma semaphore(%arg18 : memref<!tpu.dma_semaphore, #tpu.memory_space<semaphore_mem>>) src(%dma_wait3A_169 : memref<10240x128xf32, #tpu.memory_space<hbm>>) dst(%arg13 : memref<80x128xf32, #tpu.memory_space<vmem>>)
        %dma_start3A_170 = arith.constant 0 : i32
        %dma_start3A_171 = tpu.memref_slice %arg8[%add3A_156, %dma_start3A_170] : memref<16x80xi32, #tpu.memory_space<vmem>> -> memref<1x80xi32, #tpu.memory_space<vmem>>
        %dma_start3A_172 = tpu.memref_squeeze %dma_start3A_171 : memref<1x80xi32, #tpu.memory_space<vmem>> -> memref<80xi32, #tpu.memory_space<vmem>>
        %dma_start3A_173 = arith.constant 0 : i32
        %dma_start3A_174 = arith.constant 0 : i32
        %dma_start3A_175 = tpu.memref_slice %arg15[%dma_start3A_173, %dma_start3A_174] : memref<10240x128xf32, #tpu.memory_space<vmem_shared>> -> memref<10240x128xf32, #tpu.memory_space<vmem_shared>>
        tpu.enqueue_indirect_dma source(%arg13 : memref<80x128xf32, #tpu.memory_space<vmem>>) target(%dma_start3A_175 : memref<10240x128xf32, #tpu.memory_space<vmem_shared>>) offsets(%dma_start3A_172 : memref<80xi32, #tpu.memory_space<vmem>>) semaphore(%arg22 : memref<!tpu.dma_semaphore, #tpu.memory_space<semaphore_mem>>) {add = true}
        %eq3A = arith.constant 2 : i32
        %eq3A_176 = arith.cmpi eq, %add3A_156, %eq3A : i32
        %add3A_177 = arith.constant 1 : i32
        %add3A_178 = arith.addi %mul3A_47, %add3A_177 : i32
        %lt3A_179 = arith.constant 16 : i32
        %lt3A_180 = arith.cmpi slt, %add3A_178, %lt3A_179 : i32
        %and3A_181 = arith.andi %eq3A_176, %lt3A_180 : i1
        %convert_element_type3A_182 = arith.extui %and3A_181 : i1 to i32
        %cond3A_183 = arith.constant 0 : i32
        %cond3A_184 = arith.cmpi ne, %convert_element_type3A_182, %cond3A_183 : i32
        scf.if %cond3A_184 {
          %add3A_256 = arith.constant 1 : i32
          %add3A_257 = arith.addi %mul3A_47, %add3A_256 : i32
          %mul3A_258 = arith.constant 16 : i32
          %mul3A_259 = arith.muli %add3A_257, %mul3A_258 : i32
          %dma_start3A_260 = arith.constant 0 : i32
          %dma_start3A_261 = tpu.memref_slice %arg2[%arg1, %mul3A_259, %dma_start3A_260] : memref<16x256x80xi32, #tpu.memory_space<hbm>> -> memref<1x16x80xi32, #tpu.memory_space<hbm>>
          %dma_start3A_262 = tpu.memref_squeeze %dma_start3A_261 : memref<1x16x80xi32, #tpu.memory_space<hbm>> -> memref<16x80xi32, #tpu.memory_space<hbm>>
          %dma_start3A_263 = arith.constant 0 : i32
          %dma_start3A_264 = tpu.memref_slice %arg2[%arg1, %mul3A_259, %dma_start3A_263] : memref<16x256x80xi32, #tpu.memory_space<hbm>> -> memref<1x16x80xi32, #tpu.memory_space<hbm>>
          %dma_start3A_265 = tpu.memref_squeeze %dma_start3A_264 : memref<1x16x80xi32, #tpu.memory_space<hbm>> -> memref<16x80xi32, #tpu.memory_space<hbm>>
          tpu.enqueue_dma source(%dma_start3A_265 : memref<16x80xi32, #tpu.memory_space<hbm>>) target(%arg9 : memref<16x80xi32, #tpu.memory_space<vmem>>) target_semaphore(%arg24 : memref<!tpu.dma_semaphore, #tpu.memory_space<semaphore_mem>>)
          %add3A_266 = arith.constant 1 : i32
          %add3A_267 = arith.addi %mul3A_47, %add3A_266 : i32
          %mul3A_268 = arith.constant 16 : i32
          %mul3A_269 = arith.muli %add3A_267, %mul3A_268 : i32
          %dma_start3A_270 = arith.constant 0 : i32
          %dma_start3A_271 = tpu.memref_slice %arg3[%arg1, %mul3A_269, %dma_start3A_270] : memref<16x256x80xi32, #tpu.memory_space<hbm>> -> memref<1x16x80xi32, #tpu.memory_space<hbm>>
          %dma_start3A_272 = tpu.memref_squeeze %dma_start3A_271 : memref<1x16x80xi32, #tpu.memory_space<hbm>> -> memref<16x80xi32, #tpu.memory_space<hbm>>
          %dma_start3A_273 = arith.constant 0 : i32
          %dma_start3A_274 = tpu.memref_slice %arg3[%arg1, %mul3A_269, %dma_start3A_273] : memref<16x256x80xi32, #tpu.memory_space<hbm>> -> memref<1x16x80xi32, #tpu.memory_space<hbm>>
          %dma_start3A_275 = tpu.memref_squeeze %dma_start3A_274 : memref<1x16x80xi32, #tpu.memory_space<hbm>> -> memref<16x80xi32, #tpu.memory_space<hbm>>
          tpu.enqueue_dma source(%dma_start3A_275 : memref<16x80xi32, #tpu.memory_space<hbm>>) target(%arg10 : memref<16x80xi32, #tpu.memory_space<vmem>>) target_semaphore(%arg24 : memref<!tpu.dma_semaphore, #tpu.memory_space<semaphore_mem>>)
        } else {
        }
        %ge3A_185 = arith.constant 2 : i32
        %ge3A_186 = arith.cmpi sge, %add3A_159, %ge3A_185 : i32
        %convert_element_type3A_187 = arith.extui %ge3A_186 : i1 to i32
        %cond3A_188 = arith.constant 0 : i32
        %cond3A_189 = arith.cmpi ne, %convert_element_type3A_187, %cond3A_188 : i32
        scf.if %cond3A_189 {
          %dma_wait3A_256 = arith.constant 0 : i32
          %dma_wait3A_257 = tpu.memref_slice %arg8[%add3A_156, %dma_wait3A_256] : memref<16x80xi32, #tpu.memory_space<vmem>> -> memref<1x80xi32, #tpu.memory_space<vmem>>
          %dma_wait3A_258 = tpu.memref_squeeze %dma_wait3A_257 : memref<1x80xi32, #tpu.memory_space<vmem>> -> memref<80xi32, #tpu.memory_space<vmem>>
          %dma_wait3A_259 = arith.constant 0 : i32
          %dma_wait3A_260 = arith.constant 0 : i32
          %dma_wait3A_261 = tpu.memref_slice %arg15[%dma_wait3A_259, %dma_wait3A_260] : memref<10240x128xf32, #tpu.memory_space<vmem_shared>> -> memref<10240x128xf32, #tpu.memory_space<vmem_shared>>
          tpu.wait_indirect_dma semaphore(%arg20 : memref<!tpu.dma_semaphore, #tpu.memory_space<semaphore_mem>>) src(%arg11 : memref<80x128xf32, #tpu.memory_space<vmem>>) dst(%dma_wait3A_261 : memref<10240x128xf32, #tpu.memory_space<vmem_shared>>)
        } else {
        }
        %add3A_190 = arith.constant 2 : i32
        %add3A_191 = arith.addi %add3A_156, %add3A_190 : i32
        %lt3A_192 = arith.constant 16 : i32
        %lt3A_193 = arith.cmpi slt, %add3A_191, %lt3A_192 : i32
        %convert_element_type3A_194 = arith.extui %lt3A_193 : i1 to i32
        %cond3A_195 = arith.constant 0 : i32
        %cond3A_196 = arith.cmpi ne, %convert_element_type3A_194, %cond3A_195 : i32
        scf.if %cond3A_196 {
          %add3A_256 = arith.constant 2 : i32
          %add3A_257 = arith.addi %add3A_156, %add3A_256 : i32
          %dma_start3A_258 = arith.constant 0 : i32
          %dma_start3A_259 = tpu.memref_slice %arg7[%add3A_257, %dma_start3A_258] : memref<16x80xi32, #tpu.memory_space<vmem>> -> memref<1x80xi32, #tpu.memory_space<vmem>>
          %dma_start3A_260 = tpu.memref_squeeze %dma_start3A_259 : memref<1x80xi32, #tpu.memory_space<vmem>> -> memref<80xi32, #tpu.memory_space<vmem>>
          %dma_start3A_261 = arith.constant 0 : i32
          %dma_start3A_262 = arith.constant 0 : i32
          %dma_start3A_263 = tpu.memref_slice %arg4[%arg0, %dma_start3A_261, %dma_start3A_262] : memref<2x10240x128xf32, #tpu.memory_space<hbm>> -> memref<1x10240x128xf32, #tpu.memory_space<hbm>>
          %dma_start3A_264 = tpu.memref_squeeze %dma_start3A_263 : memref<1x10240x128xf32, #tpu.memory_space<hbm>> -> memref<10240x128xf32, #tpu.memory_space<hbm>>
          %dma_start3A_265 = arith.constant 0 : i32
          %dma_start3A_266 = arith.constant 0 : i32
          %dma_start3A_267 = tpu.memref_slice %dma_start3A_264[%dma_start3A_265, %dma_start3A_266] : memref<10240x128xf32, #tpu.memory_space<hbm>> -> memref<10240x128xf32, #tpu.memory_space<hbm>>
          tpu.enqueue_indirect_dma source(%dma_start3A_267 : memref<10240x128xf32, #tpu.memory_space<hbm>>) target(%arg11 : memref<80x128xf32, #tpu.memory_space<vmem>>) offsets(%dma_start3A_260 : memref<80xi32, #tpu.memory_space<vmem>>) semaphore(%arg16 : memref<!tpu.dma_semaphore, #tpu.memory_space<semaphore_mem>>)
        } else {
        }
        %add3A_197 = arith.constant 2 : i32
        %add3A_198 = arith.addi %add3A_156, %add3A_197 : i32
        %ge3A_199 = arith.constant 16 : i32
        %ge3A_200 = arith.cmpi sge, %add3A_198, %ge3A_199 : i32
        %add3A_201 = arith.constant 1 : i32
        %add3A_202 = arith.addi %mul3A_47, %add3A_201 : i32
        %lt3A_203 = arith.constant 16 : i32
        %lt3A_204 = arith.cmpi slt, %add3A_202, %lt3A_203 : i32
        %and3A_205 = arith.andi %ge3A_200, %lt3A_204 : i1
        %convert_element_type3A_206 = arith.extui %and3A_205 : i1 to i32
        %cond3A_207 = arith.constant 0 : i32
        %cond3A_208 = arith.cmpi ne, %convert_element_type3A_206, %cond3A_207 : i32
        scf.if %cond3A_208 {
          %eq3A_256 = arith.constant 14 : i32
          %eq3A_257 = arith.cmpi eq, %add3A_156, %eq3A_256 : i32
          %convert_element_type3A_258 = arith.extui %eq3A_257 : i1 to i32
          %cond3A_259 = arith.constant 0 : i32
          %cond3A_260 = arith.cmpi ne, %convert_element_type3A_258, %cond3A_259 : i32
          scf.if %cond3A_260 {
            %dma_wait3A_274 = arith.constant 0 : i32
            %dma_wait3A_275 = arith.constant 0 : i32
            %dma_wait3A_276 = tpu.memref_slice %arg2[%arg1, %dma_wait3A_274, %dma_wait3A_275] : memref<16x256x80xi32, #tpu.memory_space<hbm>> -> memref<1x16x80xi32, #tpu.memory_space<hbm>>
            %dma_wait3A_277 = tpu.memref_squeeze %dma_wait3A_276 : memref<1x16x80xi32, #tpu.memory_space<hbm>> -> memref<16x80xi32, #tpu.memory_space<hbm>>
            %dma_wait3A_278 = arith.constant 0 : i32
            %dma_wait3A_279 = arith.constant 0 : i32
            %dma_wait3A_280 = tpu.memref_slice %arg2[%arg1, %dma_wait3A_278, %dma_wait3A_279] : memref<16x256x80xi32, #tpu.memory_space<hbm>> -> memref<1x16x80xi32, #tpu.memory_space<hbm>>
            %dma_wait3A_281 = tpu.memref_squeeze %dma_wait3A_280 : memref<1x16x80xi32, #tpu.memory_space<hbm>> -> memref<16x80xi32, #tpu.memory_space<hbm>>
            tpu.wait_dma2 semaphore(%arg24 : memref<!tpu.dma_semaphore, #tpu.memory_space<semaphore_mem>>) src(%dma_wait3A_281 : memref<16x80xi32, #tpu.memory_space<hbm>>) dst(%arg9 : memref<16x80xi32, #tpu.memory_space<vmem>>)
            %dma_wait3A_282 = arith.constant 0 : i32
            %dma_wait3A_283 = arith.constant 0 : i32
            %dma_wait3A_284 = tpu.memref_slice %arg3[%arg1, %dma_wait3A_282, %dma_wait3A_283] : memref<16x256x80xi32, #tpu.memory_space<hbm>> -> memref<1x16x80xi32, #tpu.memory_space<hbm>>
            %dma_wait3A_285 = tpu.memref_squeeze %dma_wait3A_284 : memref<1x16x80xi32, #tpu.memory_space<hbm>> -> memref<16x80xi32, #tpu.memory_space<hbm>>
            %dma_wait3A_286 = arith.constant 0 : i32
            %dma_wait3A_287 = arith.constant 0 : i32
            %dma_wait3A_288 = tpu.memref_slice %arg3[%arg1, %dma_wait3A_286, %dma_wait3A_287] : memref<16x256x80xi32, #tpu.memory_space<hbm>> -> memref<1x16x80xi32, #tpu.memory_space<hbm>>
            %dma_wait3A_289 = tpu.memref_squeeze %dma_wait3A_288 : memref<1x16x80xi32, #tpu.memory_space<hbm>> -> memref<16x80xi32, #tpu.memory_space<hbm>>
            tpu.wait_dma2 semaphore(%arg24 : memref<!tpu.dma_semaphore, #tpu.memory_space<semaphore_mem>>) src(%dma_wait3A_289 : memref<16x80xi32, #tpu.memory_space<hbm>>) dst(%arg10 : memref<16x80xi32, #tpu.memory_space<vmem>>)
          } else {
          }
          %add3A_261 = arith.constant 2 : i32
          %add3A_262 = arith.addi %add3A_156, %add3A_261 : i32
          %sub3A = arith.constant 16 : i32
          %sub3A_263 = arith.subi %add3A_262, %sub3A : i32
          %dma_start3A_264 = arith.constant 0 : i32
          %dma_start3A_265 = tpu.memref_slice %arg9[%sub3A_263, %dma_start3A_264] : memref<16x80xi32, #tpu.memory_space<vmem>> -> memref<1x80xi32, #tpu.memory_space<vmem>>
          %dma_start3A_266 = tpu.memref_squeeze %dma_start3A_265 : memref<1x80xi32, #tpu.memory_space<vmem>> -> memref<80xi32, #tpu.memory_space<vmem>>
          %dma_start3A_267 = arith.constant 0 : i32
          %dma_start3A_268 = arith.constant 0 : i32
          %dma_start3A_269 = tpu.memref_slice %arg4[%arg0, %dma_start3A_267, %dma_start3A_268] : memref<2x10240x128xf32, #tpu.memory_space<hbm>> -> memref<1x10240x128xf32, #tpu.memory_space<hbm>>
          %dma_start3A_270 = tpu.memref_squeeze %dma_start3A_269 : memref<1x10240x128xf32, #tpu.memory_space<hbm>> -> memref<10240x128xf32, #tpu.memory_space<hbm>>
          %dma_start3A_271 = arith.constant 0 : i32
          %dma_start3A_272 = arith.constant 0 : i32
          %dma_start3A_273 = tpu.memref_slice %dma_start3A_270[%dma_start3A_271, %dma_start3A_272] : memref<10240x128xf32, #tpu.memory_space<hbm>> -> memref<10240x128xf32, #tpu.memory_space<hbm>>
          tpu.enqueue_indirect_dma source(%dma_start3A_273 : memref<10240x128xf32, #tpu.memory_space<hbm>>) target(%arg11 : memref<80x128xf32, #tpu.memory_space<vmem>>) offsets(%dma_start3A_266 : memref<80xi32, #tpu.memory_space<vmem>>) semaphore(%arg16 : memref<!tpu.dma_semaphore, #tpu.memory_space<semaphore_mem>>)
        } else {
        }
        %mul3A_209 = arith.constant 4 : i32
        %mul3A_210 = arith.muli %mul3A_209, %scan3A_63 : i32
        %add3A_211 = arith.constant 3 : i32
        %add3A_212 = arith.addi %mul3A_210, %add3A_211 : i32
        %mul3A_213 = arith.constant 16 : i32
        %mul3A_214 = arith.muli %mul3A_47, %mul3A_213 : i32
        %add3A_215 = arith.addi %mul3A_214, %add3A_212 : i32
        %dma_wait3A_216 = arith.constant 0 : i32
        %dma_wait3A_217 = tpu.memref_slice %arg7[%add3A_212, %dma_wait3A_216] : memref<16x80xi32, #tpu.memory_space<vmem>> -> memref<1x80xi32, #tpu.memory_space<vmem>>
        %dma_wait3A_218 = tpu.memref_squeeze %dma_wait3A_217 : memref<1x80xi32, #tpu.memory_space<vmem>> -> memref<80xi32, #tpu.memory_space<vmem>>
        %dma_wait3A_219 = arith.constant 0 : i32
        %dma_wait3A_220 = arith.constant 0 : i32
        %dma_wait3A_221 = tpu.memref_slice %arg4[%arg0, %dma_wait3A_219, %dma_wait3A_220] : memref<2x10240x128xf32, #tpu.memory_space<hbm>> -> memref<1x10240x128xf32, #tpu.memory_space<hbm>>
        %dma_wait3A_222 = tpu.memref_squeeze %dma_wait3A_221 : memref<1x10240x128xf32, #tpu.memory_space<hbm>> -> memref<10240x128xf32, #tpu.memory_space<hbm>>
        %dma_wait3A_223 = arith.constant 0 : i32
        %dma_wait3A_224 = arith.constant 0 : i32
        %dma_wait3A_225 = tpu.memref_slice %dma_wait3A_222[%dma_wait3A_223, %dma_wait3A_224] : memref<10240x128xf32, #tpu.memory_space<hbm>> -> memref<10240x128xf32, #tpu.memory_space<hbm>>
        tpu.wait_indirect_dma semaphore(%arg19 : memref<!tpu.dma_semaphore, #tpu.memory_space<semaphore_mem>>) src(%dma_wait3A_225 : memref<10240x128xf32, #tpu.memory_space<hbm>>) dst(%arg14 : memref<80x128xf32, #tpu.memory_space<vmem>>)
        %dma_start3A_226 = arith.constant 0 : i32
        %dma_start3A_227 = tpu.memref_slice %arg8[%add3A_212, %dma_start3A_226] : memref<16x80xi32, #tpu.memory_space<vmem>> -> memref<1x80xi32, #tpu.memory_space<vmem>>
        %dma_start3A_228 = tpu.memref_squeeze %dma_start3A_227 : memref<1x80xi32, #tpu.memory_space<vmem>> -> memref<80xi32, #tpu.memory_space<vmem>>
        %dma_start3A_229 = arith.constant 0 : i32
        %dma_start3A_230 = arith.constant 0 : i32
        %dma_start3A_231 = tpu.memref_slice %arg15[%dma_start3A_229, %dma_start3A_230] : memref<10240x128xf32, #tpu.memory_space<vmem_shared>> -> memref<10240x128xf32, #tpu.memory_space<vmem_shared>>
        tpu.enqueue_indirect_dma source(%arg14 : memref<80x128xf32, #tpu.memory_space<vmem>>) target(%dma_start3A_231 : memref<10240x128xf32, #tpu.memory_space<vmem_shared>>) offsets(%dma_start3A_228 : memref<80xi32, #tpu.memory_space<vmem>>) semaphore(%arg23 : memref<!tpu.dma_semaphore, #tpu.memory_space<semaphore_mem>>) {add = true}
        %ge3A_232 = arith.constant 2 : i32
        %ge3A_233 = arith.cmpi sge, %add3A_215, %ge3A_232 : i32
        %convert_element_type3A_234 = arith.extui %ge3A_233 : i1 to i32
        %cond3A_235 = arith.constant 0 : i32
        %cond3A_236 = arith.cmpi ne, %convert_element_type3A_234, %cond3A_235 : i32
        scf.if %cond3A_236 {
          %dma_wait3A_256 = arith.constant 0 : i32
          %dma_wait3A_257 = tpu.memref_slice %arg8[%add3A_212, %dma_wait3A_256] : memref<16x80xi32, #tpu.memory_space<vmem>> -> memref<1x80xi32, #tpu.memory_space<vmem>>
          %dma_wait3A_258 = tpu.memref_squeeze %dma_wait3A_257 : memref<1x80xi32, #tpu.memory_space<vmem>> -> memref<80xi32, #tpu.memory_space<vmem>>
          %dma_wait3A_259 = arith.constant 0 : i32
          %dma_wait3A_260 = arith.constant 0 : i32
          %dma_wait3A_261 = tpu.memref_slice %arg15[%dma_wait3A_259, %dma_wait3A_260] : memref<10240x128xf32, #tpu.memory_space<vmem_shared>> -> memref<10240x128xf32, #tpu.memory_space<vmem_shared>>
          tpu.wait_indirect_dma semaphore(%arg21 : memref<!tpu.dma_semaphore, #tpu.memory_space<semaphore_mem>>) src(%arg12 : memref<80x128xf32, #tpu.memory_space<vmem>>) dst(%dma_wait3A_261 : memref<10240x128xf32, #tpu.memory_space<vmem_shared>>)
        } else {
        }
        %add3A_237 = arith.constant 2 : i32
        %add3A_238 = arith.addi %add3A_212, %add3A_237 : i32
        %lt3A_239 = arith.constant 16 : i32
        %lt3A_240 = arith.cmpi slt, %add3A_238, %lt3A_239 : i32
        %convert_element_type3A_241 = arith.extui %lt3A_240 : i1 to i32
        %cond3A_242 = arith.constant 0 : i32
        %cond3A_243 = arith.cmpi ne, %convert_element_type3A_241, %cond3A_242 : i32
        scf.if %cond3A_243 {
          %add3A_256 = arith.constant 2 : i32
          %add3A_257 = arith.addi %add3A_212, %add3A_256 : i32
          %dma_start3A_258 = arith.constant 0 : i32
          %dma_start3A_259 = tpu.memref_slice %arg7[%add3A_257, %dma_start3A_258] : memref<16x80xi32, #tpu.memory_space<vmem>> -> memref<1x80xi32, #tpu.memory_space<vmem>>
          %dma_start3A_260 = tpu.memref_squeeze %dma_start3A_259 : memref<1x80xi32, #tpu.memory_space<vmem>> -> memref<80xi32, #tpu.memory_space<vmem>>
          %dma_start3A_261 = arith.constant 0 : i32
          %dma_start3A_262 = arith.constant 0 : i32
          %dma_start3A_263 = tpu.memref_slice %arg4[%arg0, %dma_start3A_261, %dma_start3A_262] : memref<2x10240x128xf32, #tpu.memory_space<hbm>> -> memref<1x10240x128xf32, #tpu.memory_space<hbm>>
          %dma_start3A_264 = tpu.memref_squeeze %dma_start3A_263 : memref<1x10240x128xf32, #tpu.memory_space<hbm>> -> memref<10240x128xf32, #tpu.memory_space<hbm>>
          %dma_start3A_265 = arith.constant 0 : i32
          %dma_start3A_266 = arith.constant 0 : i32
          %dma_start3A_267 = tpu.memref_slice %dma_start3A_264[%dma_start3A_265, %dma_start3A_266] : memref<10240x128xf32, #tpu.memory_space<hbm>> -> memref<10240x128xf32, #tpu.memory_space<hbm>>
          tpu.enqueue_indirect_dma source(%dma_start3A_267 : memref<10240x128xf32, #tpu.memory_space<hbm>>) target(%arg12 : memref<80x128xf32, #tpu.memory_space<vmem>>) offsets(%dma_start3A_260 : memref<80xi32, #tpu.memory_space<vmem>>) semaphore(%arg17 : memref<!tpu.dma_semaphore, #tpu.memory_space<semaphore_mem>>)
        } else {
        }
        %add3A_244 = arith.constant 2 : i32
        %add3A_245 = arith.addi %add3A_212, %add3A_244 : i32
        %ge3A_246 = arith.constant 16 : i32
        %ge3A_247 = arith.cmpi sge, %add3A_245, %ge3A_246 : i32
        %add3A_248 = arith.constant 1 : i32
        %add3A_249 = arith.addi %mul3A_47, %add3A_248 : i32
        %lt3A_250 = arith.constant 16 : i32
        %lt3A_251 = arith.cmpi slt, %add3A_249, %lt3A_250 : i32
        %and3A_252 = arith.andi %ge3A_247, %lt3A_251 : i1
        %convert_element_type3A_253 = arith.extui %and3A_252 : i1 to i32
        %cond3A_254 = arith.constant 0 : i32
        %cond3A_255 = arith.cmpi ne, %convert_element_type3A_253, %cond3A_254 : i32
        scf.if %cond3A_255 {
          %eq3A_256 = arith.constant 14 : i32
          %eq3A_257 = arith.cmpi eq, %add3A_212, %eq3A_256 : i32
          %convert_element_type3A_258 = arith.extui %eq3A_257 : i1 to i32
          %cond3A_259 = arith.constant 0 : i32
          %cond3A_260 = arith.cmpi ne, %convert_element_type3A_258, %cond3A_259 : i32
          scf.if %cond3A_260 {
            %dma_wait3A_274 = arith.constant 0 : i32
            %dma_wait3A_275 = arith.constant 0 : i32
            %dma_wait3A_276 = tpu.memref_slice %arg2[%arg1, %dma_wait3A_274, %dma_wait3A_275] : memref<16x256x80xi32, #tpu.memory_space<hbm>> -> memref<1x16x80xi32, #tpu.memory_space<hbm>>
            %dma_wait3A_277 = tpu.memref_squeeze %dma_wait3A_276 : memref<1x16x80xi32, #tpu.memory_space<hbm>> -> memref<16x80xi32, #tpu.memory_space<hbm>>
            %dma_wait3A_278 = arith.constant 0 : i32
            %dma_wait3A_279 = arith.constant 0 : i32
            %dma_wait3A_280 = tpu.memref_slice %arg2[%arg1, %dma_wait3A_278, %dma_wait3A_279] : memref<16x256x80xi32, #tpu.memory_space<hbm>> -> memref<1x16x80xi32, #tpu.memory_space<hbm>>
            %dma_wait3A_281 = tpu.memref_squeeze %dma_wait3A_280 : memref<1x16x80xi32, #tpu.memory_space<hbm>> -> memref<16x80xi32, #tpu.memory_space<hbm>>
            tpu.wait_dma2 semaphore(%arg24 : memref<!tpu.dma_semaphore, #tpu.memory_space<semaphore_mem>>) src(%dma_wait3A_281 : memref<16x80xi32, #tpu.memory_space<hbm>>) dst(%arg9 : memref<16x80xi32, #tpu.memory_space<vmem>>)
            %dma_wait3A_282 = arith.constant 0 : i32
            %dma_wait3A_283 = arith.constant 0 : i32
            %dma_wait3A_284 = tpu.memref_slice %arg3[%arg1, %dma_wait3A_282, %dma_wait3A_283] : memref<16x256x80xi32, #tpu.memory_space<hbm>> -> memref<1x16x80xi32, #tpu.memory_space<hbm>>
            %dma_wait3A_285 = tpu.memref_squeeze %dma_wait3A_284 : memref<1x16x80xi32, #tpu.memory_space<hbm>> -> memref<16x80xi32, #tpu.memory_space<hbm>>
            %dma_wait3A_286 = arith.constant 0 : i32
            %dma_wait3A_287 = arith.constant 0 : i32
            %dma_wait3A_288 = tpu.memref_slice %arg3[%arg1, %dma_wait3A_286, %dma_wait3A_287] : memref<16x256x80xi32, #tpu.memory_space<hbm>> -> memref<1x16x80xi32, #tpu.memory_space<hbm>>
            %dma_wait3A_289 = tpu.memref_squeeze %dma_wait3A_288 : memref<1x16x80xi32, #tpu.memory_space<hbm>> -> memref<16x80xi32, #tpu.memory_space<hbm>>
            tpu.wait_dma2 semaphore(%arg24 : memref<!tpu.dma_semaphore, #tpu.memory_space<semaphore_mem>>) src(%dma_wait3A_289 : memref<16x80xi32, #tpu.memory_space<hbm>>) dst(%arg10 : memref<16x80xi32, #tpu.memory_space<vmem>>)
          } else {
          }
          %add3A_261 = arith.constant 2 : i32
          %add3A_262 = arith.addi %add3A_212, %add3A_261 : i32
          %sub3A = arith.constant 16 : i32
          %sub3A_263 = arith.subi %add3A_262, %sub3A : i32
          %dma_start3A_264 = arith.constant 0 : i32
          %dma_start3A_265 = tpu.memref_slice %arg9[%sub3A_263, %dma_start3A_264] : memref<16x80xi32, #tpu.memory_space<vmem>> -> memref<1x80xi32, #tpu.memory_space<vmem>>
          %dma_start3A_266 = tpu.memref_squeeze %dma_start3A_265 : memref<1x80xi32, #tpu.memory_space<vmem>> -> memref<80xi32, #tpu.memory_space<vmem>>
          %dma_start3A_267 = arith.constant 0 : i32
          %dma_start3A_268 = arith.constant 0 : i32
          %dma_start3A_269 = tpu.memref_slice %arg4[%arg0, %dma_start3A_267, %dma_start3A_268] : memref<2x10240x128xf32, #tpu.memory_space<hbm>> -> memref<1x10240x128xf32, #tpu.memory_space<hbm>>
          %dma_start3A_270 = tpu.memref_squeeze %dma_start3A_269 : memref<1x10240x128xf32, #tpu.memory_space<hbm>> -> memref<10240x128xf32, #tpu.memory_space<hbm>>
          %dma_start3A_271 = arith.constant 0 : i32
          %dma_start3A_272 = arith.constant 0 : i32
          %dma_start3A_273 = tpu.memref_slice %dma_start3A_270[%dma_start3A_271, %dma_start3A_272] : memref<10240x128xf32, #tpu.memory_space<hbm>> -> memref<10240x128xf32, #tpu.memory_space<hbm>>
          tpu.enqueue_indirect_dma source(%dma_start3A_273 : memref<10240x128xf32, #tpu.memory_space<hbm>>) target(%arg12 : memref<80x128xf32, #tpu.memory_space<vmem>>) offsets(%dma_start3A_266 : memref<80xi32, #tpu.memory_space<vmem>>) semaphore(%arg17 : memref<!tpu.dma_semaphore, #tpu.memory_space<semaphore_mem>>)
        } else {
        }
      }
      %scan3A_53 = arith.constant 4 : i32
      %mul3A_54 = arith.constant 2 : i32
      %mul3A_55 = arith.muli %mul3A_54, %scan3A_45 : i32
      %add3A = arith.constant 1 : i32
      %add3A_56 = arith.addi %mul3A_55, %add3A : i32
      %scan3A_57 = arith.constant 0 : i32
      %scan3A_58 = arith.constant 0 : i32
      %scan3A_59 = arith.constant 4 : i32
      %scan3A_60 = arith.addi %scan3A_58, %scan3A_59 : i32
      %scan3A_61 = arith.constant 1 : i32
      scf.for %scan3A_63 = %scan3A_58 to %scan3A_60 step %scan3A_61  : i32 {
        %mul3A_64 = arith.constant 4 : i32
        %mul3A_65 = arith.muli %mul3A_64, %scan3A_63 : i32
        %add3A_66 = arith.constant 0 : i32
        %add3A_67 = arith.addi %mul3A_65, %add3A_66 : i32
        %mul3A_68 = arith.constant 16 : i32
        %mul3A_69 = arith.muli %add3A_56, %mul3A_68 : i32
        %add3A_70 = arith.addi %mul3A_69, %add3A_67 : i32
        %dma_wait3A_71 = arith.constant 0 : i32
        %dma_wait3A_72 = tpu.memref_slice %arg9[%add3A_67, %dma_wait3A_71] : memref<16x80xi32, #tpu.memory_space<vmem>> -> memref<1x80xi32, #tpu.memory_space<vmem>>
        %dma_wait3A_73 = tpu.memref_squeeze %dma_wait3A_72 : memref<1x80xi32, #tpu.memory_space<vmem>> -> memref<80xi32, #tpu.memory_space<vmem>>
        %dma_wait3A_74 = arith.constant 0 : i32
        %dma_wait3A_75 = arith.constant 0 : i32
        %dma_wait3A_76 = tpu.memref_slice %arg4[%arg0, %dma_wait3A_74, %dma_wait3A_75] : memref<2x10240x128xf32, #tpu.memory_space<hbm>> -> memref<1x10240x128xf32, #tpu.memory_space<hbm>>
        %dma_wait3A_77 = tpu.memref_squeeze %dma_wait3A_76 : memref<1x10240x128xf32, #tpu.memory_space<hbm>> -> memref<10240x128xf32, #tpu.memory_space<hbm>>
        %dma_wait3A_78 = arith.constant 0 : i32
        %dma_wait3A_79 = arith.constant 0 : i32
        %dma_wait3A_80 = tpu.memref_slice %dma_wait3A_77[%dma_wait3A_78, %dma_wait3A_79] : memref<10240x128xf32, #tpu.memory_space<hbm>> -> memref<10240x128xf32, #tpu.memory_space<hbm>>
        tpu.wait_indirect_dma semaphore(%arg16 : memref<!tpu.dma_semaphore, #tpu.memory_space<semaphore_mem>>) src(%dma_wait3A_80 : memref<10240x128xf32, #tpu.memory_space<hbm>>) dst(%arg11 : memref<80x128xf32, #tpu.memory_space<vmem>>)
        %dma_start3A_81 = arith.constant 0 : i32
        %dma_start3A_82 = tpu.memref_slice %arg10[%add3A_67, %dma_start3A_81] : memref<16x80xi32, #tpu.memory_space<vmem>> -> memref<1x80xi32, #tpu.memory_space<vmem>>
        %dma_start3A_83 = tpu.memref_squeeze %dma_start3A_82 : memref<1x80xi32, #tpu.memory_space<vmem>> -> memref<80xi32, #tpu.memory_space<vmem>>
        %dma_start3A_84 = arith.constant 0 : i32
        %dma_start3A_85 = arith.constant 0 : i32
        %dma_start3A_86 = tpu.memref_slice %arg15[%dma_start3A_84, %dma_start3A_85] : memref<10240x128xf32, #tpu.memory_space<vmem_shared>> -> memref<10240x128xf32, #tpu.memory_space<vmem_shared>>
        tpu.enqueue_indirect_dma source(%arg11 : memref<80x128xf32, #tpu.memory_space<vmem>>) target(%dma_start3A_86 : memref<10240x128xf32, #tpu.memory_space<vmem_shared>>) offsets(%dma_start3A_83 : memref<80xi32, #tpu.memory_space<vmem>>) semaphore(%arg20 : memref<!tpu.dma_semaphore, #tpu.memory_space<semaphore_mem>>) {add = true}
        %ge3A = arith.constant 2 : i32
        %ge3A_87 = arith.cmpi sge, %add3A_70, %ge3A : i32
        %convert_element_type3A = arith.extui %ge3A_87 : i1 to i32
        %cond3A = arith.constant 0 : i32
        %cond3A_88 = arith.cmpi ne, %convert_element_type3A, %cond3A : i32
        scf.if %cond3A_88 {
          %dma_wait3A_256 = arith.constant 0 : i32
          %dma_wait3A_257 = tpu.memref_slice %arg10[%add3A_67, %dma_wait3A_256] : memref<16x80xi32, #tpu.memory_space<vmem>> -> memref<1x80xi32, #tpu.memory_space<vmem>>
          %dma_wait3A_258 = tpu.memref_squeeze %dma_wait3A_257 : memref<1x80xi32, #tpu.memory_space<vmem>> -> memref<80xi32, #tpu.memory_space<vmem>>
          %dma_wait3A_259 = arith.constant 0 : i32
          %dma_wait3A_260 = arith.constant 0 : i32
          %dma_wait3A_261 = tpu.memref_slice %arg15[%dma_wait3A_259, %dma_wait3A_260] : memref<10240x128xf32, #tpu.memory_space<vmem_shared>> -> memref<10240x128xf32, #tpu.memory_space<vmem_shared>>
          tpu.wait_indirect_dma semaphore(%arg22 : memref<!tpu.dma_semaphore, #tpu.memory_space<semaphore_mem>>) src(%arg13 : memref<80x128xf32, #tpu.memory_space<vmem>>) dst(%dma_wait3A_261 : memref<10240x128xf32, #tpu.memory_space<vmem_shared>>)
        } else {
        }
        %add3A_89 = arith.constant 2 : i32
        %add3A_90 = arith.addi %add3A_67, %add3A_89 : i32
        %lt3A = arith.constant 16 : i32
        %lt3A_91 = arith.cmpi slt, %add3A_90, %lt3A : i32
        %convert_element_type3A_92 = arith.extui %lt3A_91 : i1 to i32
        %cond3A_93 = arith.constant 0 : i32
        %cond3A_94 = arith.cmpi ne, %convert_element_type3A_92, %cond3A_93 : i32
        scf.if %cond3A_94 {
          %add3A_256 = arith.constant 2 : i32
          %add3A_257 = arith.addi %add3A_67, %add3A_256 : i32
          %dma_start3A_258 = arith.constant 0 : i32
          %dma_start3A_259 = tpu.memref_slice %arg9[%add3A_257, %dma_start3A_258] : memref<16x80xi32, #tpu.memory_space<vmem>> -> memref<1x80xi32, #tpu.memory_space<vmem>>
          %dma_start3A_260 = tpu.memref_squeeze %dma_start3A_259 : memref<1x80xi32, #tpu.memory_space<vmem>> -> memref<80xi32, #tpu.memory_space<vmem>>
          %dma_start3A_261 = arith.constant 0 : i32
          %dma_start3A_262 = arith.constant 0 : i32
          %dma_start3A_263 = tpu.memref_slice %arg4[%arg0, %dma_start3A_261, %dma_start3A_262] : memref<2x10240x128xf32, #tpu.memory_space<hbm>> -> memref<1x10240x128xf32, #tpu.memory_space<hbm>>
          %dma_start3A_264 = tpu.memref_squeeze %dma_start3A_263 : memref<1x10240x128xf32, #tpu.memory_space<hbm>> -> memref<10240x128xf32, #tpu.memory_space<hbm>>
          %dma_start3A_265 = arith.constant 0 : i32
          %dma_start3A_266 = arith.constant 0 : i32
          %dma_start3A_267 = tpu.memref_slice %dma_start3A_264[%dma_start3A_265, %dma_start3A_266] : memref<10240x128xf32, #tpu.memory_space<hbm>> -> memref<10240x128xf32, #tpu.memory_space<hbm>>
          tpu.enqueue_indirect_dma source(%dma_start3A_267 : memref<10240x128xf32, #tpu.memory_space<hbm>>) target(%arg13 : memref<80x128xf32, #tpu.memory_space<vmem>>) offsets(%dma_start3A_260 : memref<80xi32, #tpu.memory_space<vmem>>) semaphore(%arg18 : memref<!tpu.dma_semaphore, #tpu.memory_space<semaphore_mem>>)
        } else {
        }
        %add3A_95 = arith.constant 2 : i32
        %add3A_96 = arith.addi %add3A_67, %add3A_95 : i32
        %ge3A_97 = arith.constant 16 : i32
        %ge3A_98 = arith.cmpi sge, %add3A_96, %ge3A_97 : i32
        %add3A_99 = arith.constant 1 : i32
        %add3A_100 = arith.addi %add3A_56, %add3A_99 : i32
        %lt3A_101 = arith.constant 16 : i32
        %lt3A_102 = arith.cmpi slt, %add3A_100, %lt3A_101 : i32
        %and3A = arith.andi %ge3A_98, %lt3A_102 : i1
        %convert_element_type3A_103 = arith.extui %and3A : i1 to i32
        %cond3A_104 = arith.constant 0 : i32
        %cond3A_105 = arith.cmpi ne, %convert_element_type3A_103, %cond3A_104 : i32
        scf.if %cond3A_105 {
          %eq3A_256 = arith.constant 14 : i32
          %eq3A_257 = arith.cmpi eq, %add3A_67, %eq3A_256 : i32
          %convert_element_type3A_258 = arith.extui %eq3A_257 : i1 to i32
          %cond3A_259 = arith.constant 0 : i32
          %cond3A_260 = arith.cmpi ne, %convert_element_type3A_258, %cond3A_259 : i32
          scf.if %cond3A_260 {
            %dma_wait3A_274 = arith.constant 0 : i32
            %dma_wait3A_275 = arith.constant 0 : i32
            %dma_wait3A_276 = tpu.memref_slice %arg2[%arg1, %dma_wait3A_274, %dma_wait3A_275] : memref<16x256x80xi32, #tpu.memory_space<hbm>> -> memref<1x16x80xi32, #tpu.memory_space<hbm>>
            %dma_wait3A_277 = tpu.memref_squeeze %dma_wait3A_276 : memref<1x16x80xi32, #tpu.memory_space<hbm>> -> memref<16x80xi32, #tpu.memory_space<hbm>>
            %dma_wait3A_278 = arith.constant 0 : i32
            %dma_wait3A_279 = arith.constant 0 : i32
            %dma_wait3A_280 = tpu.memref_slice %arg2[%arg1, %dma_wait3A_278, %dma_wait3A_279] : memref<16x256x80xi32, #tpu.memory_space<hbm>> -> memref<1x16x80xi32, #tpu.memory_space<hbm>>
            %dma_wait3A_281 = tpu.memref_squeeze %dma_wait3A_280 : memref<1x16x80xi32, #tpu.memory_space<hbm>> -> memref<16x80xi32, #tpu.memory_space<hbm>>
            tpu.wait_dma2 semaphore(%arg24 : memref<!tpu.dma_semaphore, #tpu.memory_space<semaphore_mem>>) src(%dma_wait3A_281 : memref<16x80xi32, #tpu.memory_space<hbm>>) dst(%arg7 : memref<16x80xi32, #tpu.memory_space<vmem>>)
            %dma_wait3A_282 = arith.constant 0 : i32
            %dma_wait3A_283 = arith.constant 0 : i32
            %dma_wait3A_284 = tpu.memref_slice %arg3[%arg1, %dma_wait3A_282, %dma_wait3A_283] : memref<16x256x80xi32, #tpu.memory_space<hbm>> -> memref<1x16x80xi32, #tpu.memory_space<hbm>>
            %dma_wait3A_285 = tpu.memref_squeeze %dma_wait3A_284 : memref<1x16x80xi32, #tpu.memory_space<hbm>> -> memref<16x80xi32, #tpu.memory_space<hbm>>
            %dma_wait3A_286 = arith.constant 0 : i32
            %dma_wait3A_287 = arith.constant 0 : i32
            %dma_wait3A_288 = tpu.memref_slice %arg3[%arg1, %dma_wait3A_286, %dma_wait3A_287] : memref<16x256x80xi32, #tpu.memory_space<hbm>> -> memref<1x16x80xi32, #tpu.memory_space<hbm>>
            %dma_wait3A_289 = tpu.memref_squeeze %dma_wait3A_288 : memref<1x16x80xi32, #tpu.memory_space<hbm>> -> memref<16x80xi32, #tpu.memory_space<hbm>>
            tpu.wait_dma2 semaphore(%arg24 : memref<!tpu.dma_semaphore, #tpu.memory_space<semaphore_mem>>) src(%dma_wait3A_289 : memref<16x80xi32, #tpu.memory_space<hbm>>) dst(%arg8 : memref<16x80xi32, #tpu.memory_space<vmem>>)
          } else {
          }
          %add3A_261 = arith.constant 2 : i32
          %add3A_262 = arith.addi %add3A_67, %add3A_261 : i32
          %sub3A = arith.constant 16 : i32
          %sub3A_263 = arith.subi %add3A_262, %sub3A : i32
          %dma_start3A_264 = arith.constant 0 : i32
          %dma_start3A_265 = tpu.memref_slice %arg7[%sub3A_263, %dma_start3A_264] : memref<16x80xi32, #tpu.memory_space<vmem>> -> memref<1x80xi32, #tpu.memory_space<vmem>>
          %dma_start3A_266 = tpu.memref_squeeze %dma_start3A_265 : memref<1x80xi32, #tpu.memory_space<vmem>> -> memref<80xi32, #tpu.memory_space<vmem>>
          %dma_start3A_267 = arith.constant 0 : i32
          %dma_start3A_268 = arith.constant 0 : i32
          %dma_start3A_269 = tpu.memref_slice %arg4[%arg0, %dma_start3A_267, %dma_start3A_268] : memref<2x10240x128xf32, #tpu.memory_space<hbm>> -> memref<1x10240x128xf32, #tpu.memory_space<hbm>>
          %dma_start3A_270 = tpu.memref_squeeze %dma_start3A_269 : memref<1x10240x128xf32, #tpu.memory_space<hbm>> -> memref<10240x128xf32, #tpu.memory_space<hbm>>
          %dma_start3A_271 = arith.constant 0 : i32
          %dma_start3A_272 = arith.constant 0 : i32
          %dma_start3A_273 = tpu.memref_slice %dma_start3A_270[%dma_start3A_271, %dma_start3A_272] : memref<10240x128xf32, #tpu.memory_space<hbm>> -> memref<10240x128xf32, #tpu.memory_space<hbm>>
          tpu.enqueue_indirect_dma source(%dma_start3A_273 : memref<10240x128xf32, #tpu.memory_space<hbm>>) target(%arg13 : memref<80x128xf32, #tpu.memory_space<vmem>>) offsets(%dma_start3A_266 : memref<80xi32, #tpu.memory_space<vmem>>) semaphore(%arg18 : memref<!tpu.dma_semaphore, #tpu.memory_space<semaphore_mem>>)
        } else {
        }
        %mul3A_106 = arith.constant 4 : i32
        %mul3A_107 = arith.muli %mul3A_106, %scan3A_63 : i32
        %add3A_108 = arith.constant 1 : i32
        %add3A_109 = arith.addi %mul3A_107, %add3A_108 : i32
        %mul3A_110 = arith.constant 16 : i32
        %mul3A_111 = arith.muli %add3A_56, %mul3A_110 : i32
        %add3A_112 = arith.addi %mul3A_111, %add3A_109 : i32
        %dma_wait3A_113 = arith.constant 0 : i32
        %dma_wait3A_114 = tpu.memref_slice %arg9[%add3A_109, %dma_wait3A_113] : memref<16x80xi32, #tpu.memory_space<vmem>> -> memref<1x80xi32, #tpu.memory_space<vmem>>
        %dma_wait3A_115 = tpu.memref_squeeze %dma_wait3A_114 : memref<1x80xi32, #tpu.memory_space<vmem>> -> memref<80xi32, #tpu.memory_space<vmem>>
        %dma_wait3A_116 = arith.constant 0 : i32
        %dma_wait3A_117 = arith.constant 0 : i32
        %dma_wait3A_118 = tpu.memref_slice %arg4[%arg0, %dma_wait3A_116, %dma_wait3A_117] : memref<2x10240x128xf32, #tpu.memory_space<hbm>> -> memref<1x10240x128xf32, #tpu.memory_space<hbm>>
        %dma_wait3A_119 = tpu.memref_squeeze %dma_wait3A_118 : memref<1x10240x128xf32, #tpu.memory_space<hbm>> -> memref<10240x128xf32, #tpu.memory_space<hbm>>
        %dma_wait3A_120 = arith.constant 0 : i32
        %dma_wait3A_121 = arith.constant 0 : i32
        %dma_wait3A_122 = tpu.memref_slice %dma_wait3A_119[%dma_wait3A_120, %dma_wait3A_121] : memref<10240x128xf32, #tpu.memory_space<hbm>> -> memref<10240x128xf32, #tpu.memory_space<hbm>>
        tpu.wait_indirect_dma semaphore(%arg17 : memref<!tpu.dma_semaphore, #tpu.memory_space<semaphore_mem>>) src(%dma_wait3A_122 : memref<10240x128xf32, #tpu.memory_space<hbm>>) dst(%arg12 : memref<80x128xf32, #tpu.memory_space<vmem>>)
        %dma_start3A_123 = arith.constant 0 : i32
        %dma_start3A_124 = tpu.memref_slice %arg10[%add3A_109, %dma_start3A_123] : memref<16x80xi32, #tpu.memory_space<vmem>> -> memref<1x80xi32, #tpu.memory_space<vmem>>
        %dma_start3A_125 = tpu.memref_squeeze %dma_start3A_124 : memref<1x80xi32, #tpu.memory_space<vmem>> -> memref<80xi32, #tpu.memory_space<vmem>>
        %dma_start3A_126 = arith.constant 0 : i32
        %dma_start3A_127 = arith.constant 0 : i32
        %dma_start3A_128 = tpu.memref_slice %arg15[%dma_start3A_126, %dma_start3A_127] : memref<10240x128xf32, #tpu.memory_space<vmem_shared>> -> memref<10240x128xf32, #tpu.memory_space<vmem_shared>>
        tpu.enqueue_indirect_dma source(%arg12 : memref<80x128xf32, #tpu.memory_space<vmem>>) target(%dma_start3A_128 : memref<10240x128xf32, #tpu.memory_space<vmem_shared>>) offsets(%dma_start3A_125 : memref<80xi32, #tpu.memory_space<vmem>>) semaphore(%arg21 : memref<!tpu.dma_semaphore, #tpu.memory_space<semaphore_mem>>) {add = true}
        %ge3A_129 = arith.constant 2 : i32
        %ge3A_130 = arith.cmpi sge, %add3A_112, %ge3A_129 : i32
        %convert_element_type3A_131 = arith.extui %ge3A_130 : i1 to i32
        %cond3A_132 = arith.constant 0 : i32
        %cond3A_133 = arith.cmpi ne, %convert_element_type3A_131, %cond3A_132 : i32
        scf.if %cond3A_133 {
          %dma_wait3A_256 = arith.constant 0 : i32
          %dma_wait3A_257 = tpu.memref_slice %arg10[%add3A_109, %dma_wait3A_256] : memref<16x80xi32, #tpu.memory_space<vmem>> -> memref<1x80xi32, #tpu.memory_space<vmem>>
          %dma_wait3A_258 = tpu.memref_squeeze %dma_wait3A_257 : memref<1x80xi32, #tpu.memory_space<vmem>> -> memref<80xi32, #tpu.memory_space<vmem>>
          %dma_wait3A_259 = arith.constant 0 : i32
          %dma_wait3A_260 = arith.constant 0 : i32
          %dma_wait3A_261 = tpu.memref_slice %arg15[%dma_wait3A_259, %dma_wait3A_260] : memref<10240x128xf32, #tpu.memory_space<vmem_shared>> -> memref<10240x128xf32, #tpu.memory_space<vmem_shared>>
          tpu.wait_indirect_dma semaphore(%arg23 : memref<!tpu.dma_semaphore, #tpu.memory_space<semaphore_mem>>) src(%arg14 : memref<80x128xf32, #tpu.memory_space<vmem>>) dst(%dma_wait3A_261 : memref<10240x128xf32, #tpu.memory_space<vmem_shared>>)
        } else {
        }
        %add3A_134 = arith.constant 2 : i32
        %add3A_135 = arith.addi %add3A_109, %add3A_134 : i32
        %lt3A_136 = arith.constant 16 : i32
        %lt3A_137 = arith.cmpi slt, %add3A_135, %lt3A_136 : i32
        %convert_element_type3A_138 = arith.extui %lt3A_137 : i1 to i32
        %cond3A_139 = arith.constant 0 : i32
        %cond3A_140 = arith.cmpi ne, %convert_element_type3A_138, %cond3A_139 : i32
        scf.if %cond3A_140 {
          %add3A_256 = arith.constant 2 : i32
          %add3A_257 = arith.addi %add3A_109, %add3A_256 : i32
          %dma_start3A_258 = arith.constant 0 : i32
          %dma_start3A_259 = tpu.memref_slice %arg9[%add3A_257, %dma_start3A_258] : memref<16x80xi32, #tpu.memory_space<vmem>> -> memref<1x80xi32, #tpu.memory_space<vmem>>
          %dma_start3A_260 = tpu.memref_squeeze %dma_start3A_259 : memref<1x80xi32, #tpu.memory_space<vmem>> -> memref<80xi32, #tpu.memory_space<vmem>>
          %dma_start3A_261 = arith.constant 0 : i32
          %dma_start3A_262 = arith.constant 0 : i32
          %dma_start3A_263 = tpu.memref_slice %arg4[%arg0, %dma_start3A_261, %dma_start3A_262] : memref<2x10240x128xf32, #tpu.memory_space<hbm>> -> memref<1x10240x128xf32, #tpu.memory_space<hbm>>
          %dma_start3A_264 = tpu.memref_squeeze %dma_start3A_263 : memref<1x10240x128xf32, #tpu.memory_space<hbm>> -> memref<10240x128xf32, #tpu.memory_space<hbm>>
          %dma_start3A_265 = arith.constant 0 : i32
          %dma_start3A_266 = arith.constant 0 : i32
          %dma_start3A_267 = tpu.memref_slice %dma_start3A_264[%dma_start3A_265, %dma_start3A_266] : memref<10240x128xf32, #tpu.memory_space<hbm>> -> memref<10240x128xf32, #tpu.memory_space<hbm>>
          tpu.enqueue_indirect_dma source(%dma_start3A_267 : memref<10240x128xf32, #tpu.memory_space<hbm>>) target(%arg14 : memref<80x128xf32, #tpu.memory_space<vmem>>) offsets(%dma_start3A_260 : memref<80xi32, #tpu.memory_space<vmem>>) semaphore(%arg19 : memref<!tpu.dma_semaphore, #tpu.memory_space<semaphore_mem>>)
        } else {
        }
        %add3A_141 = arith.constant 2 : i32
        %add3A_142 = arith.addi %add3A_109, %add3A_141 : i32
        %ge3A_143 = arith.constant 16 : i32
        %ge3A_144 = arith.cmpi sge, %add3A_142, %ge3A_143 : i32
        %add3A_145 = arith.constant 1 : i32
        %add3A_146 = arith.addi %add3A_56, %add3A_145 : i32
        %lt3A_147 = arith.constant 16 : i32
        %lt3A_148 = arith.cmpi slt, %add3A_146, %lt3A_147 : i32
        %and3A_149 = arith.andi %ge3A_144, %lt3A_148 : i1
        %convert_element_type3A_150 = arith.extui %and3A_149 : i1 to i32
        %cond3A_151 = arith.constant 0 : i32
        %cond3A_152 = arith.cmpi ne, %convert_element_type3A_150, %cond3A_151 : i32
        scf.if %cond3A_152 {
          %eq3A_256 = arith.constant 14 : i32
          %eq3A_257 = arith.cmpi eq, %add3A_109, %eq3A_256 : i32
          %convert_element_type3A_258 = arith.extui %eq3A_257 : i1 to i32
          %cond3A_259 = arith.constant 0 : i32
          %cond3A_260 = arith.cmpi ne, %convert_element_type3A_258, %cond3A_259 : i32
          scf.if %cond3A_260 {
            %dma_wait3A_274 = arith.constant 0 : i32
            %dma_wait3A_275 = arith.constant 0 : i32
            %dma_wait3A_276 = tpu.memref_slice %arg2[%arg1, %dma_wait3A_274, %dma_wait3A_275] : memref<16x256x80xi32, #tpu.memory_space<hbm>> -> memref<1x16x80xi32, #tpu.memory_space<hbm>>
            %dma_wait3A_277 = tpu.memref_squeeze %dma_wait3A_276 : memref<1x16x80xi32, #tpu.memory_space<hbm>> -> memref<16x80xi32, #tpu.memory_space<hbm>>
            %dma_wait3A_278 = arith.constant 0 : i32
            %dma_wait3A_279 = arith.constant 0 : i32
            %dma_wait3A_280 = tpu.memref_slice %arg2[%arg1, %dma_wait3A_278, %dma_wait3A_279] : memref<16x256x80xi32, #tpu.memory_space<hbm>> -> memref<1x16x80xi32, #tpu.memory_space<hbm>>
            %dma_wait3A_281 = tpu.memref_squeeze %dma_wait3A_280 : memref<1x16x80xi32, #tpu.memory_space<hbm>> -> memref<16x80xi32, #tpu.memory_space<hbm>>
            tpu.wait_dma2 semaphore(%arg24 : memref<!tpu.dma_semaphore, #tpu.memory_space<semaphore_mem>>) src(%dma_wait3A_281 : memref<16x80xi32, #tpu.memory_space<hbm>>) dst(%arg7 : memref<16x80xi32, #tpu.memory_space<vmem>>)
            %dma_wait3A_282 = arith.constant 0 : i32
            %dma_wait3A_283 = arith.constant 0 : i32
            %dma_wait3A_284 = tpu.memref_slice %arg3[%arg1, %dma_wait3A_282, %dma_wait3A_283] : memref<16x256x80xi32, #tpu.memory_space<hbm>> -> memref<1x16x80xi32, #tpu.memory_space<hbm>>
            %dma_wait3A_285 = tpu.memref_squeeze %dma_wait3A_284 : memref<1x16x80xi32, #tpu.memory_space<hbm>> -> memref<16x80xi32, #tpu.memory_space<hbm>>
            %dma_wait3A_286 = arith.constant 0 : i32
            %dma_wait3A_287 = arith.constant 0 : i32
            %dma_wait3A_288 = tpu.memref_slice %arg3[%arg1, %dma_wait3A_286, %dma_wait3A_287] : memref<16x256x80xi32, #tpu.memory_space<hbm>> -> memref<1x16x80xi32, #tpu.memory_space<hbm>>
            %dma_wait3A_289 = tpu.memref_squeeze %dma_wait3A_288 : memref<1x16x80xi32, #tpu.memory_space<hbm>> -> memref<16x80xi32, #tpu.memory_space<hbm>>
            tpu.wait_dma2 semaphore(%arg24 : memref<!tpu.dma_semaphore, #tpu.memory_space<semaphore_mem>>) src(%dma_wait3A_289 : memref<16x80xi32, #tpu.memory_space<hbm>>) dst(%arg8 : memref<16x80xi32, #tpu.memory_space<vmem>>)
          } else {
          }
          %add3A_261 = arith.constant 2 : i32
          %add3A_262 = arith.addi %add3A_109, %add3A_261 : i32
          %sub3A = arith.constant 16 : i32
          %sub3A_263 = arith.subi %add3A_262, %sub3A : i32
          %dma_start3A_264 = arith.constant 0 : i32
          %dma_start3A_265 = tpu.memref_slice %arg7[%sub3A_263, %dma_start3A_264] : memref<16x80xi32, #tpu.memory_space<vmem>> -> memref<1x80xi32, #tpu.memory_space<vmem>>
          %dma_start3A_266 = tpu.memref_squeeze %dma_start3A_265 : memref<1x80xi32, #tpu.memory_space<vmem>> -> memref<80xi32, #tpu.memory_space<vmem>>
          %dma_start3A_267 = arith.constant 0 : i32
          %dma_start3A_268 = arith.constant 0 : i32
          %dma_start3A_269 = tpu.memref_slice %arg4[%arg0, %dma_start3A_267, %dma_start3A_268] : memref<2x10240x128xf32, #tpu.memory_space<hbm>> -> memref<1x10240x128xf32, #tpu.memory_space<hbm>>
          %dma_start3A_270 = tpu.memref_squeeze %dma_start3A_269 : memref<1x10240x128xf32, #tpu.memory_space<hbm>> -> memref<10240x128xf32, #tpu.memory_space<hbm>>
          %dma_start3A_271 = arith.constant 0 : i32
          %dma_start3A_272 = arith.constant 0 : i32
          %dma_start3A_273 = tpu.memref_slice %dma_start3A_270[%dma_start3A_271, %dma_start3A_272] : memref<10240x128xf32, #tpu.memory_space<hbm>> -> memref<10240x128xf32, #tpu.memory_space<hbm>>
          tpu.enqueue_indirect_dma source(%dma_start3A_273 : memref<10240x128xf32, #tpu.memory_space<hbm>>) target(%arg14 : memref<80x128xf32, #tpu.memory_space<vmem>>) offsets(%dma_start3A_266 : memref<80xi32, #tpu.memory_space<vmem>>) semaphore(%arg19 : memref<!tpu.dma_semaphore, #tpu.memory_space<semaphore_mem>>)
        } else {
        }
        %mul3A_153 = arith.constant 4 : i32
        %mul3A_154 = arith.muli %mul3A_153, %scan3A_63 : i32
        %add3A_155 = arith.constant 2 : i32
        %add3A_156 = arith.addi %mul3A_154, %add3A_155 : i32
        %mul3A_157 = arith.constant 16 : i32
        %mul3A_158 = arith.muli %add3A_56, %mul3A_157 : i32
        %add3A_159 = arith.addi %mul3A_158, %add3A_156 : i32
        %dma_wait3A_160 = arith.constant 0 : i32
        %dma_wait3A_161 = tpu.memref_slice %arg9[%add3A_156, %dma_wait3A_160] : memref<16x80xi32, #tpu.memory_space<vmem>> -> memref<1x80xi32, #tpu.memory_space<vmem>>
        %dma_wait3A_162 = tpu.memref_squeeze %dma_wait3A_161 : memref<1x80xi32, #tpu.memory_space<vmem>> -> memref<80xi32, #tpu.memory_space<vmem>>
        %dma_wait3A_163 = arith.constant 0 : i32
        %dma_wait3A_164 = arith.constant 0 : i32
        %dma_wait3A_165 = tpu.memref_slice %arg4[%arg0, %dma_wait3A_163, %dma_wait3A_164] : memref<2x10240x128xf32, #tpu.memory_space<hbm>> -> memref<1x10240x128xf32, #tpu.memory_space<hbm>>
        %dma_wait3A_166 = tpu.memref_squeeze %dma_wait3A_165 : memref<1x10240x128xf32, #tpu.memory_space<hbm>> -> memref<10240x128xf32, #tpu.memory_space<hbm>>
        %dma_wait3A_167 = arith.constant 0 : i32
        %dma_wait3A_168 = arith.constant 0 : i32
        %dma_wait3A_169 = tpu.memref_slice %dma_wait3A_166[%dma_wait3A_167, %dma_wait3A_168] : memref<10240x128xf32, #tpu.memory_space<hbm>> -> memref<10240x128xf32, #tpu.memory_space<hbm>>
        tpu.wait_indirect_dma semaphore(%arg18 : memref<!tpu.dma_semaphore, #tpu.memory_space<semaphore_mem>>) src(%dma_wait3A_169 : memref<10240x128xf32, #tpu.memory_space<hbm>>) dst(%arg13 : memref<80x128xf32, #tpu.memory_space<vmem>>)
        %dma_start3A_170 = arith.constant 0 : i32
        %dma_start3A_171 = tpu.memref_slice %arg10[%add3A_156, %dma_start3A_170] : memref<16x80xi32, #tpu.memory_space<vmem>> -> memref<1x80xi32, #tpu.memory_space<vmem>>
        %dma_start3A_172 = tpu.memref_squeeze %dma_start3A_171 : memref<1x80xi32, #tpu.memory_space<vmem>> -> memref<80xi32, #tpu.memory_space<vmem>>
        %dma_start3A_173 = arith.constant 0 : i32
        %dma_start3A_174 = arith.constant 0 : i32
        %dma_start3A_175 = tpu.memref_slice %arg15[%dma_start3A_173, %dma_start3A_174] : memref<10240x128xf32, #tpu.memory_space<vmem_shared>> -> memref<10240x128xf32, #tpu.memory_space<vmem_shared>>
        tpu.enqueue_indirect_dma source(%arg13 : memref<80x128xf32, #tpu.memory_space<vmem>>) target(%dma_start3A_175 : memref<10240x128xf32, #tpu.memory_space<vmem_shared>>) offsets(%dma_start3A_172 : memref<80xi32, #tpu.memory_space<vmem>>) semaphore(%arg22 : memref<!tpu.dma_semaphore, #tpu.memory_space<semaphore_mem>>) {add = true}
        %eq3A = arith.constant 2 : i32
        %eq3A_176 = arith.cmpi eq, %add3A_156, %eq3A : i32
        %add3A_177 = arith.constant 1 : i32
        %add3A_178 = arith.addi %add3A_56, %add3A_177 : i32
        %lt3A_179 = arith.constant 16 : i32
        %lt3A_180 = arith.cmpi slt, %add3A_178, %lt3A_179 : i32
        %and3A_181 = arith.andi %eq3A_176, %lt3A_180 : i1
        %convert_element_type3A_182 = arith.extui %and3A_181 : i1 to i32
        %cond3A_183 = arith.constant 0 : i32
        %cond3A_184 = arith.cmpi ne, %convert_element_type3A_182, %cond3A_183 : i32
        scf.if %cond3A_184 {
          %add3A_256 = arith.constant 1 : i32
          %add3A_257 = arith.addi %add3A_56, %add3A_256 : i32
          %mul3A_258 = arith.constant 16 : i32
          %mul3A_259 = arith.muli %add3A_257, %mul3A_258 : i32
          %dma_start3A_260 = arith.constant 0 : i32
          %dma_start3A_261 = tpu.memref_slice %arg2[%arg1, %mul3A_259, %dma_start3A_260] : memref<16x256x80xi32, #tpu.memory_space<hbm>> -> memref<1x16x80xi32, #tpu.memory_space<hbm>>
          %dma_start3A_262 = tpu.memref_squeeze %dma_start3A_261 : memref<1x16x80xi32, #tpu.memory_space<hbm>> -> memref<16x80xi32, #tpu.memory_space<hbm>>
          %dma_start3A_263 = arith.constant 0 : i32
          %dma_start3A_264 = tpu.memref_slice %arg2[%arg1, %mul3A_259, %dma_start3A_263] : memref<16x256x80xi32, #tpu.memory_space<hbm>> -> memref<1x16x80xi32, #tpu.memory_space<hbm>>
          %dma_start3A_265 = tpu.memref_squeeze %dma_start3A_264 : memref<1x16x80xi32, #tpu.memory_space<hbm>> -> memref<16x80xi32, #tpu.memory_space<hbm>>
          tpu.enqueue_dma source(%dma_start3A_265 : memref<16x80xi32, #tpu.memory_space<hbm>>) target(%arg7 : memref<16x80xi32, #tpu.memory_space<vmem>>) target_semaphore(%arg24 : memref<!tpu.dma_semaphore, #tpu.memory_space<semaphore_mem>>)
          %add3A_266 = arith.constant 1 : i32
          %add3A_267 = arith.addi %add3A_56, %add3A_266 : i32
          %mul3A_268 = arith.constant 16 : i32
          %mul3A_269 = arith.muli %add3A_267, %mul3A_268 : i32
          %dma_start3A_270 = arith.constant 0 : i32
          %dma_start3A_271 = tpu.memref_slice %arg3[%arg1, %mul3A_269, %dma_start3A_270] : memref<16x256x80xi32, #tpu.memory_space<hbm>> -> memref<1x16x80xi32, #tpu.memory_space<hbm>>
          %dma_start3A_272 = tpu.memref_squeeze %dma_start3A_271 : memref<1x16x80xi32, #tpu.memory_space<hbm>> -> memref<16x80xi32, #tpu.memory_space<hbm>>
          %dma_start3A_273 = arith.constant 0 : i32
          %dma_start3A_274 = tpu.memref_slice %arg3[%arg1, %mul3A_269, %dma_start3A_273] : memref<16x256x80xi32, #tpu.memory_space<hbm>> -> memref<1x16x80xi32, #tpu.memory_space<hbm>>
          %dma_start3A_275 = tpu.memref_squeeze %dma_start3A_274 : memref<1x16x80xi32, #tpu.memory_space<hbm>> -> memref<16x80xi32, #tpu.memory_space<hbm>>
          tpu.enqueue_dma source(%dma_start3A_275 : memref<16x80xi32, #tpu.memory_space<hbm>>) target(%arg8 : memref<16x80xi32, #tpu.memory_space<vmem>>) target_semaphore(%arg24 : memref<!tpu.dma_semaphore, #tpu.memory_space<semaphore_mem>>)
        } else {
        }
        %ge3A_185 = arith.constant 2 : i32
        %ge3A_186 = arith.cmpi sge, %add3A_159, %ge3A_185 : i32
        %convert_element_type3A_187 = arith.extui %ge3A_186 : i1 to i32
        %cond3A_188 = arith.constant 0 : i32
        %cond3A_189 = arith.cmpi ne, %convert_element_type3A_187, %cond3A_188 : i32
        scf.if %cond3A_189 {
          %dma_wait3A_256 = arith.constant 0 : i32
          %dma_wait3A_257 = tpu.memref_slice %arg10[%add3A_156, %dma_wait3A_256] : memref<16x80xi32, #tpu.memory_space<vmem>> -> memref<1x80xi32, #tpu.memory_space<vmem>>
          %dma_wait3A_258 = tpu.memref_squeeze %dma_wait3A_257 : memref<1x80xi32, #tpu.memory_space<vmem>> -> memref<80xi32, #tpu.memory_space<vmem>>
          %dma_wait3A_259 = arith.constant 0 : i32
          %dma_wait3A_260 = arith.constant 0 : i32
          %dma_wait3A_261 = tpu.memref_slice %arg15[%dma_wait3A_259, %dma_wait3A_260] : memref<10240x128xf32, #tpu.memory_space<vmem_shared>> -> memref<10240x128xf32, #tpu.memory_space<vmem_shared>>
          tpu.wait_indirect_dma semaphore(%arg20 : memref<!tpu.dma_semaphore, #tpu.memory_space<semaphore_mem>>) src(%arg11 : memref<80x128xf32, #tpu.memory_space<vmem>>) dst(%dma_wait3A_261 : memref<10240x128xf32, #tpu.memory_space<vmem_shared>>)
        } else {
        }
        %add3A_190 = arith.constant 2 : i32
        %add3A_191 = arith.addi %add3A_156, %add3A_190 : i32
        %lt3A_192 = arith.constant 16 : i32
        %lt3A_193 = arith.cmpi slt, %add3A_191, %lt3A_192 : i32
        %convert_element_type3A_194 = arith.extui %lt3A_193 : i1 to i32
        %cond3A_195 = arith.constant 0 : i32
        %cond3A_196 = arith.cmpi ne, %convert_element_type3A_194, %cond3A_195 : i32
        scf.if %cond3A_196 {
          %add3A_256 = arith.constant 2 : i32
          %add3A_257 = arith.addi %add3A_156, %add3A_256 : i32
          %dma_start3A_258 = arith.constant 0 : i32
          %dma_start3A_259 = tpu.memref_slice %arg9[%add3A_257, %dma_start3A_258] : memref<16x80xi32, #tpu.memory_space<vmem>> -> memref<1x80xi32, #tpu.memory_space<vmem>>
          %dma_start3A_260 = tpu.memref_squeeze %dma_start3A_259 : memref<1x80xi32, #tpu.memory_space<vmem>> -> memref<80xi32, #tpu.memory_space<vmem>>
          %dma_start3A_261 = arith.constant 0 : i32
          %dma_start3A_262 = arith.constant 0 : i32
          %dma_start3A_263 = tpu.memref_slice %arg4[%arg0, %dma_start3A_261, %dma_start3A_262] : memref<2x10240x128xf32, #tpu.memory_space<hbm>> -> memref<1x10240x128xf32, #tpu.memory_space<hbm>>
          %dma_start3A_264 = tpu.memref_squeeze %dma_start3A_263 : memref<1x10240x128xf32, #tpu.memory_space<hbm>> -> memref<10240x128xf32, #tpu.memory_space<hbm>>
          %dma_start3A_265 = arith.constant 0 : i32
          %dma_start3A_266 = arith.constant 0 : i32
          %dma_start3A_267 = tpu.memref_slice %dma_start3A_264[%dma_start3A_265, %dma_start3A_266] : memref<10240x128xf32, #tpu.memory_space<hbm>> -> memref<10240x128xf32, #tpu.memory_space<hbm>>
          tpu.enqueue_indirect_dma source(%dma_start3A_267 : memref<10240x128xf32, #tpu.memory_space<hbm>>) target(%arg11 : memref<80x128xf32, #tpu.memory_space<vmem>>) offsets(%dma_start3A_260 : memref<80xi32, #tpu.memory_space<vmem>>) semaphore(%arg16 : memref<!tpu.dma_semaphore, #tpu.memory_space<semaphore_mem>>)
        } else {
        }
        %add3A_197 = arith.constant 2 : i32
        %add3A_198 = arith.addi %add3A_156, %add3A_197 : i32
        %ge3A_199 = arith.constant 16 : i32
        %ge3A_200 = arith.cmpi sge, %add3A_198, %ge3A_199 : i32
        %add3A_201 = arith.constant 1 : i32
        %add3A_202 = arith.addi %add3A_56, %add3A_201 : i32
        %lt3A_203 = arith.constant 16 : i32
        %lt3A_204 = arith.cmpi slt, %add3A_202, %lt3A_203 : i32
        %and3A_205 = arith.andi %ge3A_200, %lt3A_204 : i1
        %convert_element_type3A_206 = arith.extui %and3A_205 : i1 to i32
        %cond3A_207 = arith.constant 0 : i32
        %cond3A_208 = arith.cmpi ne, %convert_element_type3A_206, %cond3A_207 : i32
        scf.if %cond3A_208 {
          %eq3A_256 = arith.constant 14 : i32
          %eq3A_257 = arith.cmpi eq, %add3A_156, %eq3A_256 : i32
          %convert_element_type3A_258 = arith.extui %eq3A_257 : i1 to i32
          %cond3A_259 = arith.constant 0 : i32
          %cond3A_260 = arith.cmpi ne, %convert_element_type3A_258, %cond3A_259 : i32
          scf.if %cond3A_260 {
            %dma_wait3A_274 = arith.constant 0 : i32
            %dma_wait3A_275 = arith.constant 0 : i32
            %dma_wait3A_276 = tpu.memref_slice %arg2[%arg1, %dma_wait3A_274, %dma_wait3A_275] : memref<16x256x80xi32, #tpu.memory_space<hbm>> -> memref<1x16x80xi32, #tpu.memory_space<hbm>>
            %dma_wait3A_277 = tpu.memref_squeeze %dma_wait3A_276 : memref<1x16x80xi32, #tpu.memory_space<hbm>> -> memref<16x80xi32, #tpu.memory_space<hbm>>
            %dma_wait3A_278 = arith.constant 0 : i32
            %dma_wait3A_279 = arith.constant 0 : i32
            %dma_wait3A_280 = tpu.memref_slice %arg2[%arg1, %dma_wait3A_278, %dma_wait3A_279] : memref<16x256x80xi32, #tpu.memory_space<hbm>> -> memref<1x16x80xi32, #tpu.memory_space<hbm>>
            %dma_wait3A_281 = tpu.memref_squeeze %dma_wait3A_280 : memref<1x16x80xi32, #tpu.memory_space<hbm>> -> memref<16x80xi32, #tpu.memory_space<hbm>>
            tpu.wait_dma2 semaphore(%arg24 : memref<!tpu.dma_semaphore, #tpu.memory_space<semaphore_mem>>) src(%dma_wait3A_281 : memref<16x80xi32, #tpu.memory_space<hbm>>) dst(%arg7 : memref<16x80xi32, #tpu.memory_space<vmem>>)
            %dma_wait3A_282 = arith.constant 0 : i32
            %dma_wait3A_283 = arith.constant 0 : i32
            %dma_wait3A_284 = tpu.memref_slice %arg3[%arg1, %dma_wait3A_282, %dma_wait3A_283] : memref<16x256x80xi32, #tpu.memory_space<hbm>> -> memref<1x16x80xi32, #tpu.memory_space<hbm>>
            %dma_wait3A_285 = tpu.memref_squeeze %dma_wait3A_284 : memref<1x16x80xi32, #tpu.memory_space<hbm>> -> memref<16x80xi32, #tpu.memory_space<hbm>>
            %dma_wait3A_286 = arith.constant 0 : i32
            %dma_wait3A_287 = arith.constant 0 : i32
            %dma_wait3A_288 = tpu.memref_slice %arg3[%arg1, %dma_wait3A_286, %dma_wait3A_287] : memref<16x256x80xi32, #tpu.memory_space<hbm>> -> memref<1x16x80xi32, #tpu.memory_space<hbm>>
            %dma_wait3A_289 = tpu.memref_squeeze %dma_wait3A_288 : memref<1x16x80xi32, #tpu.memory_space<hbm>> -> memref<16x80xi32, #tpu.memory_space<hbm>>
            tpu.wait_dma2 semaphore(%arg24 : memref<!tpu.dma_semaphore, #tpu.memory_space<semaphore_mem>>) src(%dma_wait3A_289 : memref<16x80xi32, #tpu.memory_space<hbm>>) dst(%arg8 : memref<16x80xi32, #tpu.memory_space<vmem>>)
          } else {
          }
          %add3A_261 = arith.constant 2 : i32
          %add3A_262 = arith.addi %add3A_156, %add3A_261 : i32
          %sub3A = arith.constant 16 : i32
          %sub3A_263 = arith.subi %add3A_262, %sub3A : i32
          %dma_start3A_264 = arith.constant 0 : i32
          %dma_start3A_265 = tpu.memref_slice %arg7[%sub3A_263, %dma_start3A_264] : memref<16x80xi32, #tpu.memory_space<vmem>> -> memref<1x80xi32, #tpu.memory_space<vmem>>
          %dma_start3A_266 = tpu.memref_squeeze %dma_start3A_265 : memref<1x80xi32, #tpu.memory_space<vmem>> -> memref<80xi32, #tpu.memory_space<vmem>>
          %dma_start3A_267 = arith.constant 0 : i32
          %dma_start3A_268 = arith.constant 0 : i32
          %dma_start3A_269 = tpu.memref_slice %arg4[%arg0, %dma_start3A_267, %dma_start3A_268] : memref<2x10240x128xf32, #tpu.memory_space<hbm>> -> memref<1x10240x128xf32, #tpu.memory_space<hbm>>
          %dma_start3A_270 = tpu.memref_squeeze %dma_start3A_269 : memref<1x10240x128xf32, #tpu.memory_space<hbm>> -> memref<10240x128xf32, #tpu.memory_space<hbm>>
          %dma_start3A_271 = arith.constant 0 : i32
          %dma_start3A_272 = arith.constant 0 : i32
          %dma_start3A_273 = tpu.memref_slice %dma_start3A_270[%dma_start3A_271, %dma_start3A_272] : memref<10240x128xf32, #tpu.memory_space<hbm>> -> memref<10240x128xf32, #tpu.memory_space<hbm>>
          tpu.enqueue_indirect_dma source(%dma_start3A_273 : memref<10240x128xf32, #tpu.memory_space<hbm>>) target(%arg11 : memref<80x128xf32, #tpu.memory_space<vmem>>) offsets(%dma_start3A_266 : memref<80xi32, #tpu.memory_space<vmem>>) semaphore(%arg16 : memref<!tpu.dma_semaphore, #tpu.memory_space<semaphore_mem>>)
        } else {
        }
        %mul3A_209 = arith.constant 4 : i32
        %mul3A_210 = arith.muli %mul3A_209, %scan3A_63 : i32
        %add3A_211 = arith.constant 3 : i32
        %add3A_212 = arith.addi %mul3A_210, %add3A_211 : i32
        %mul3A_213 = arith.constant 16 : i32
        %mul3A_214 = arith.muli %add3A_56, %mul3A_213 : i32
        %add3A_215 = arith.addi %mul3A_214, %add3A_212 : i32
        %dma_wait3A_216 = arith.constant 0 : i32
        %dma_wait3A_217 = tpu.memref_slice %arg9[%add3A_212, %dma_wait3A_216] : memref<16x80xi32, #tpu.memory_space<vmem>> -> memref<1x80xi32, #tpu.memory_space<vmem>>
        %dma_wait3A_218 = tpu.memref_squeeze %dma_wait3A_217 : memref<1x80xi32, #tpu.memory_space<vmem>> -> memref<80xi32, #tpu.memory_space<vmem>>
        %dma_wait3A_219 = arith.constant 0 : i32
        %dma_wait3A_220 = arith.constant 0 : i32
        %dma_wait3A_221 = tpu.memref_slice %arg4[%arg0, %dma_wait3A_219, %dma_wait3A_220] : memref<2x10240x128xf32, #tpu.memory_space<hbm>> -> memref<1x10240x128xf32, #tpu.memory_space<hbm>>
        %dma_wait3A_222 = tpu.memref_squeeze %dma_wait3A_221 : memref<1x10240x128xf32, #tpu.memory_space<hbm>> -> memref<10240x128xf32, #tpu.memory_space<hbm>>
        %dma_wait3A_223 = arith.constant 0 : i32
        %dma_wait3A_224 = arith.constant 0 : i32
        %dma_wait3A_225 = tpu.memref_slice %dma_wait3A_222[%dma_wait3A_223, %dma_wait3A_224] : memref<10240x128xf32, #tpu.memory_space<hbm>> -> memref<10240x128xf32, #tpu.memory_space<hbm>>
        tpu.wait_indirect_dma semaphore(%arg19 : memref<!tpu.dma_semaphore, #tpu.memory_space<semaphore_mem>>) src(%dma_wait3A_225 : memref<10240x128xf32, #tpu.memory_space<hbm>>) dst(%arg14 : memref<80x128xf32, #tpu.memory_space<vmem>>)
        %dma_start3A_226 = arith.constant 0 : i32
        %dma_start3A_227 = tpu.memref_slice %arg10[%add3A_212, %dma_start3A_226] : memref<16x80xi32, #tpu.memory_space<vmem>> -> memref<1x80xi32, #tpu.memory_space<vmem>>
        %dma_start3A_228 = tpu.memref_squeeze %dma_start3A_227 : memref<1x80xi32, #tpu.memory_space<vmem>> -> memref<80xi32, #tpu.memory_space<vmem>>
        %dma_start3A_229 = arith.constant 0 : i32
        %dma_start3A_230 = arith.constant 0 : i32
        %dma_start3A_231 = tpu.memref_slice %arg15[%dma_start3A_229, %dma_start3A_230] : memref<10240x128xf32, #tpu.memory_space<vmem_shared>> -> memref<10240x128xf32, #tpu.memory_space<vmem_shared>>
        tpu.enqueue_indirect_dma source(%arg14 : memref<80x128xf32, #tpu.memory_space<vmem>>) target(%dma_start3A_231 : memref<10240x128xf32, #tpu.memory_space<vmem_shared>>) offsets(%dma_start3A_228 : memref<80xi32, #tpu.memory_space<vmem>>) semaphore(%arg23 : memref<!tpu.dma_semaphore, #tpu.memory_space<semaphore_mem>>) {add = true}
        %ge3A_232 = arith.constant 2 : i32
        %ge3A_233 = arith.cmpi sge, %add3A_215, %ge3A_232 : i32
        %convert_element_type3A_234 = arith.extui %ge3A_233 : i1 to i32
        %cond3A_235 = arith.constant 0 : i32
        %cond3A_236 = arith.cmpi ne, %convert_element_type3A_234, %cond3A_235 : i32
        scf.if %cond3A_236 {
          %dma_wait3A_256 = arith.constant 0 : i32
          %dma_wait3A_257 = tpu.memref_slice %arg10[%add3A_212, %dma_wait3A_256] : memref<16x80xi32, #tpu.memory_space<vmem>> -> memref<1x80xi32, #tpu.memory_space<vmem>>
          %dma_wait3A_258 = tpu.memref_squeeze %dma_wait3A_257 : memref<1x80xi32, #tpu.memory_space<vmem>> -> memref<80xi32, #tpu.memory_space<vmem>>
          %dma_wait3A_259 = arith.constant 0 : i32
          %dma_wait3A_260 = arith.constant 0 : i32
          %dma_wait3A_261 = tpu.memref_slice %arg15[%dma_wait3A_259, %dma_wait3A_260] : memref<10240x128xf32, #tpu.memory_space<vmem_shared>> -> memref<10240x128xf32, #tpu.memory_space<vmem_shared>>
          tpu.wait_indirect_dma semaphore(%arg21 : memref<!tpu.dma_semaphore, #tpu.memory_space<semaphore_mem>>) src(%arg12 : memref<80x128xf32, #tpu.memory_space<vmem>>) dst(%dma_wait3A_261 : memref<10240x128xf32, #tpu.memory_space<vmem_shared>>)
        } else {
        }
        %add3A_237 = arith.constant 2 : i32
        %add3A_238 = arith.addi %add3A_212, %add3A_237 : i32
        %lt3A_239 = arith.constant 16 : i32
        %lt3A_240 = arith.cmpi slt, %add3A_238, %lt3A_239 : i32
        %convert_element_type3A_241 = arith.extui %lt3A_240 : i1 to i32
        %cond3A_242 = arith.constant 0 : i32
        %cond3A_243 = arith.cmpi ne, %convert_element_type3A_241, %cond3A_242 : i32
        scf.if %cond3A_243 {
          %add3A_256 = arith.constant 2 : i32
          %add3A_257 = arith.addi %add3A_212, %add3A_256 : i32
          %dma_start3A_258 = arith.constant 0 : i32
          %dma_start3A_259 = tpu.memref_slice %arg9[%add3A_257, %dma_start3A_258] : memref<16x80xi32, #tpu.memory_space<vmem>> -> memref<1x80xi32, #tpu.memory_space<vmem>>
          %dma_start3A_260 = tpu.memref_squeeze %dma_start3A_259 : memref<1x80xi32, #tpu.memory_space<vmem>> -> memref<80xi32, #tpu.memory_space<vmem>>
          %dma_start3A_261 = arith.constant 0 : i32
          %dma_start3A_262 = arith.constant 0 : i32
          %dma_start3A_263 = tpu.memref_slice %arg4[%arg0, %dma_start3A_261, %dma_start3A_262] : memref<2x10240x128xf32, #tpu.memory_space<hbm>> -> memref<1x10240x128xf32, #tpu.memory_space<hbm>>
          %dma_start3A_264 = tpu.memref_squeeze %dma_start3A_263 : memref<1x10240x128xf32, #tpu.memory_space<hbm>> -> memref<10240x128xf32, #tpu.memory_space<hbm>>
          %dma_start3A_265 = arith.constant 0 : i32
          %dma_start3A_266 = arith.constant 0 : i32
          %dma_start3A_267 = tpu.memref_slice %dma_start3A_264[%dma_start3A_265, %dma_start3A_266] : memref<10240x128xf32, #tpu.memory_space<hbm>> -> memref<10240x128xf32, #tpu.memory_space<hbm>>
          tpu.enqueue_indirect_dma source(%dma_start3A_267 : memref<10240x128xf32, #tpu.memory_space<hbm>>) target(%arg12 : memref<80x128xf32, #tpu.memory_space<vmem>>) offsets(%dma_start3A_260 : memref<80xi32, #tpu.memory_space<vmem>>) semaphore(%arg17 : memref<!tpu.dma_semaphore, #tpu.memory_space<semaphore_mem>>)
        } else {
        }
        %add3A_244 = arith.constant 2 : i32
        %add3A_245 = arith.addi %add3A_212, %add3A_244 : i32
        %ge3A_246 = arith.constant 16 : i32
        %ge3A_247 = arith.cmpi sge, %add3A_245, %ge3A_246 : i32
        %add3A_248 = arith.constant 1 : i32
        %add3A_249 = arith.addi %add3A_56, %add3A_248 : i32
        %lt3A_250 = arith.constant 16 : i32
        %lt3A_251 = arith.cmpi slt, %add3A_249, %lt3A_250 : i32
        %and3A_252 = arith.andi %ge3A_247, %lt3A_251 : i1
        %convert_element_type3A_253 = arith.extui %and3A_252 : i1 to i32
        %cond3A_254 = arith.constant 0 : i32
        %cond3A_255 = arith.cmpi ne, %convert_element_type3A_253, %cond3A_254 : i32
        scf.if %cond3A_255 {
          %eq3A_256 = arith.constant 14 : i32
          %eq3A_257 = arith.cmpi eq, %add3A_212, %eq3A_256 : i32
          %convert_element_type3A_258 = arith.extui %eq3A_257 : i1 to i32
          %cond3A_259 = arith.constant 0 : i32
          %cond3A_260 = arith.cmpi ne, %convert_element_type3A_258, %cond3A_259 : i32
          scf.if %cond3A_260 {
            %dma_wait3A_274 = arith.constant 0 : i32
            %dma_wait3A_275 = arith.constant 0 : i32
            %dma_wait3A_276 = tpu.memref_slice %arg2[%arg1, %dma_wait3A_274, %dma_wait3A_275] : memref<16x256x80xi32, #tpu.memory_space<hbm>> -> memref<1x16x80xi32, #tpu.memory_space<hbm>>
            %dma_wait3A_277 = tpu.memref_squeeze %dma_wait3A_276 : memref<1x16x80xi32, #tpu.memory_space<hbm>> -> memref<16x80xi32, #tpu.memory_space<hbm>>
            %dma_wait3A_278 = arith.constant 0 : i32
            %dma_wait3A_279 = arith.constant 0 : i32
            %dma_wait3A_280 = tpu.memref_slice %arg2[%arg1, %dma_wait3A_278, %dma_wait3A_279] : memref<16x256x80xi32, #tpu.memory_space<hbm>> -> memref<1x16x80xi32, #tpu.memory_space<hbm>>
            %dma_wait3A_281 = tpu.memref_squeeze %dma_wait3A_280 : memref<1x16x80xi32, #tpu.memory_space<hbm>> -> memref<16x80xi32, #tpu.memory_space<hbm>>
            tpu.wait_dma2 semaphore(%arg24 : memref<!tpu.dma_semaphore, #tpu.memory_space<semaphore_mem>>) src(%dma_wait3A_281 : memref<16x80xi32, #tpu.memory_space<hbm>>) dst(%arg7 : memref<16x80xi32, #tpu.memory_space<vmem>>)
            %dma_wait3A_282 = arith.constant 0 : i32
            %dma_wait3A_283 = arith.constant 0 : i32
            %dma_wait3A_284 = tpu.memref_slice %arg3[%arg1, %dma_wait3A_282, %dma_wait3A_283] : memref<16x256x80xi32, #tpu.memory_space<hbm>> -> memref<1x16x80xi32, #tpu.memory_space<hbm>>
            %dma_wait3A_285 = tpu.memref_squeeze %dma_wait3A_284 : memref<1x16x80xi32, #tpu.memory_space<hbm>> -> memref<16x80xi32, #tpu.memory_space<hbm>>
            %dma_wait3A_286 = arith.constant 0 : i32
            %dma_wait3A_287 = arith.constant 0 : i32
            %dma_wait3A_288 = tpu.memref_slice %arg3[%arg1, %dma_wait3A_286, %dma_wait3A_287] : memref<16x256x80xi32, #tpu.memory_space<hbm>> -> memref<1x16x80xi32, #tpu.memory_space<hbm>>
            %dma_wait3A_289 = tpu.memref_squeeze %dma_wait3A_288 : memref<1x16x80xi32, #tpu.memory_space<hbm>> -> memref<16x80xi32, #tpu.memory_space<hbm>>
            tpu.wait_dma2 semaphore(%arg24 : memref<!tpu.dma_semaphore, #tpu.memory_space<semaphore_mem>>) src(%dma_wait3A_289 : memref<16x80xi32, #tpu.memory_space<hbm>>) dst(%arg8 : memref<16x80xi32, #tpu.memory_space<vmem>>)
          } else {
          }
          %add3A_261 = arith.constant 2 : i32
          %add3A_262 = arith.addi %add3A_212, %add3A_261 : i32
          %sub3A = arith.constant 16 : i32
          %sub3A_263 = arith.subi %add3A_262, %sub3A : i32
          %dma_start3A_264 = arith.constant 0 : i32
          %dma_start3A_265 = tpu.memref_slice %arg7[%sub3A_263, %dma_start3A_264] : memref<16x80xi32, #tpu.memory_space<vmem>> -> memref<1x80xi32, #tpu.memory_space<vmem>>
          %dma_start3A_266 = tpu.memref_squeeze %dma_start3A_265 : memref<1x80xi32, #tpu.memory_space<vmem>> -> memref<80xi32, #tpu.memory_space<vmem>>
          %dma_start3A_267 = arith.constant 0 : i32
          %dma_start3A_268 = arith.constant 0 : i32
          %dma_start3A_269 = tpu.memref_slice %arg4[%arg0, %dma_start3A_267, %dma_start3A_268] : memref<2x10240x128xf32, #tpu.memory_space<hbm>> -> memref<1x10240x128xf32, #tpu.memory_space<hbm>>
          %dma_start3A_270 = tpu.memref_squeeze %dma_start3A_269 : memref<1x10240x128xf32, #tpu.memory_space<hbm>> -> memref<10240x128xf32, #tpu.memory_space<hbm>>
          %dma_start3A_271 = arith.constant 0 : i32
          %dma_start3A_272 = arith.constant 0 : i32
          %dma_start3A_273 = tpu.memref_slice %dma_start3A_270[%dma_start3A_271, %dma_start3A_272] : memref<10240x128xf32, #tpu.memory_space<hbm>> -> memref<10240x128xf32, #tpu.memory_space<hbm>>
          tpu.enqueue_indirect_dma source(%dma_start3A_273 : memref<10240x128xf32, #tpu.memory_space<hbm>>) target(%arg12 : memref<80x128xf32, #tpu.memory_space<vmem>>) offsets(%dma_start3A_266 : memref<80xi32, #tpu.memory_space<vmem>>) semaphore(%arg17 : memref<!tpu.dma_semaphore, #tpu.memory_space<semaphore_mem>>)
        } else {
        }
      }
      %scan3A_62 = arith.constant 4 : i32
    }
    %scan3A_26 = arith.constant 8 : i32
    %dma_wait3A = arith.constant 0 : i32
    %dma_wait3A_27 = arith.constant 0 : i32
    %dma_wait3A_28 = tpu.memref_slice %arg8[%dma_wait3A, %dma_wait3A_27] : memref<16x80xi32, #tpu.memory_space<vmem>> -> memref<1x80xi32, #tpu.memory_space<vmem>>
    %dma_wait3A_29 = tpu.memref_squeeze %dma_wait3A_28 : memref<1x80xi32, #tpu.memory_space<vmem>> -> memref<80xi32, #tpu.memory_space<vmem>>
    %dma_wait3A_30 = arith.constant 0 : i32
    %dma_wait3A_31 = arith.constant 0 : i32
    %dma_wait3A_32 = tpu.memref_slice %arg15[%dma_wait3A_30, %dma_wait3A_31] : memref<10240x128xf32, #tpu.memory_space<vmem_shared>> -> memref<10240x128xf32, #tpu.memory_space<vmem_shared>>
    tpu.wait_indirect_dma semaphore(%arg22 : memref<!tpu.dma_semaphore, #tpu.memory_space<semaphore_mem>>) src(%arg13 : memref<80x128xf32, #tpu.memory_space<vmem>>) dst(%dma_wait3A_32 : memref<10240x128xf32, #tpu.memory_space<vmem_shared>>)
    %dma_wait3A_33 = arith.constant 0 : i32
    %dma_wait3A_34 = arith.constant 0 : i32
    %dma_wait3A_35 = tpu.memref_slice %arg8[%dma_wait3A_33, %dma_wait3A_34] : memref<16x80xi32, #tpu.memory_space<vmem>> -> memref<1x80xi32, #tpu.memory_space<vmem>>
    %dma_wait3A_36 = tpu.memref_squeeze %dma_wait3A_35 : memref<1x80xi32, #tpu.memory_space<vmem>> -> memref<80xi32, #tpu.memory_space<vmem>>
    %dma_wait3A_37 = arith.constant 0 : i32
    %dma_wait3A_38 = arith.constant 0 : i32
    %dma_wait3A_39 = tpu.memref_slice %arg15[%dma_wait3A_37, %dma_wait3A_38] : memref<10240x128xf32, #tpu.memory_space<vmem_shared>> -> memref<10240x128xf32, #tpu.memory_space<vmem_shared>>
    tpu.wait_indirect_dma semaphore(%arg23 : memref<!tpu.dma_semaphore, #tpu.memory_space<semaphore_mem>>) src(%arg14 : memref<80x128xf32, #tpu.memory_space<vmem>>) dst(%dma_wait3A_39 : memref<10240x128xf32, #tpu.memory_space<vmem_shared>>)
    %barrier3A_40 = arith.constant 0 : index
    tpu.barrier barrier_id(%barrier3A_40)
    %mul3A_41 = arith.constant 640 : i32
    %mul3A_42 = arith.muli %arg1, %mul3A_41 : i32
    %mul3A_43 = arith.constant 640 : i32
    %mul3A_44 = arith.muli %arg1, %mul3A_43 : i32
    "tpu.region"() ({
      %run_scoped3A = tpu.sem_alloc : memref<!tpu.dma_semaphore, #tpu.memory_space<semaphore_mem>>
      %dma_start3A_45 = arith.constant 0 : i32
      %dma_start3A_46 = tpu.memref_slice %arg6[%arg0, %mul3A_44, %dma_start3A_45] : memref<2x10240x128xf32, #tpu.memory_space<hbm>> -> memref<1x640x128xf32, #tpu.memory_space<hbm>>
      %dma_start3A_47 = tpu.memref_squeeze %dma_start3A_46 : memref<1x640x128xf32, #tpu.memory_space<hbm>> -> memref<640x128xf32, #tpu.memory_space<hbm>>
      %dma_start3A_48 = arith.constant 0 : i32
      %dma_start3A_49 = tpu.memref_slice %arg15[%mul3A_42, %dma_start3A_48] : memref<10240x128xf32, #tpu.memory_space<vmem_shared>> -> memref<640x128xf32, #tpu.memory_space<vmem_shared>>
      tpu.enqueue_dma source(%dma_start3A_49 : memref<640x128xf32, #tpu.memory_space<vmem_shared>>) target(%dma_start3A_47 : memref<640x128xf32, #tpu.memory_space<hbm>>) target_semaphore(%run_scoped3A : memref<!tpu.dma_semaphore, #tpu.memory_space<semaphore_mem>>)
      %dma_wait3A_50 = arith.constant 0 : i32
      %dma_wait3A_51 = tpu.memref_slice %arg6[%arg0, %mul3A_44, %dma_wait3A_50] : memref<2x10240x128xf32, #tpu.memory_space<hbm>> -> memref<1x640x128xf32, #tpu.memory_space<hbm>>
      %dma_wait3A_52 = tpu.memref_squeeze %dma_wait3A_51 : memref<1x640x128xf32, #tpu.memory_space<hbm>> -> memref<640x128xf32, #tpu.memory_space<hbm>>
      %dma_wait3A_53 = arith.constant 0 : i32
      %dma_wait3A_54 = tpu.memref_slice %arg15[%mul3A_42, %dma_wait3A_53] : memref<10240x128xf32, #tpu.memory_space<vmem_shared>> -> memref<640x128xf32, #tpu.memory_space<vmem_shared>>
      tpu.wait_dma2 semaphore(%run_scoped3A : memref<!tpu.dma_semaphore, #tpu.memory_space<semaphore_mem>>) src(%dma_wait3A_54 : memref<640x128xf32, #tpu.memory_space<vmem_shared>>) dst(%dma_wait3A_52 : memref<640x128xf32, #tpu.memory_space<hbm>>)
      tpu.yield
    }) : () -> ()
    return
  }
}

#map = affine_map<(d0, d1) -> (0, 0, 0)>
#map1 = affine_map<(d0, d1) -> (0, 0)>
module attributes {stable_mosaic.version = 14 : i64} {
  func.func @_seg_body(%arg0: i32, %arg1: i32, %arg2: memref<16x256x80xi32, #tpu.memory_space<hbm>>, %arg3: memref<16x256x80xi32, #tpu.memory_space<hbm>>, %arg4: memref<2x10240x128xf32, #tpu.memory_space<hbm>>, %arg5: memref<640x128xf32, #tpu.memory_space<hbm>>, %arg6: memref<2x10240x128xf32, #tpu.memory_space<hbm>>, %arg7: memref<16x80xi32, #tpu.memory_space<vmem>>, %arg8: memref<16x80xi32, #tpu.memory_space<vmem>>, %arg9: memref<16x80xi32, #tpu.memory_space<vmem>>, %arg10: memref<16x80xi32, #tpu.memory_space<vmem>>, %arg11: memref<80x128xf32, #tpu.memory_space<vmem>>, %arg12: memref<80x128xf32, #tpu.memory_space<vmem>>, %arg13: memref<80x128xf32, #tpu.memory_space<vmem>>, %arg14: memref<80x128xf32, #tpu.memory_space<vmem>>, %arg15: memref<10240x128xf32, #tpu.memory_space<vmem_shared>>, %arg16: memref<!tpu.dma_semaphore, #tpu.memory_space<semaphore_mem>>, %arg17: memref<!tpu.dma_semaphore, #tpu.memory_space<semaphore_mem>>, %arg18: memref<!tpu.dma_semaphore, #tpu.memory_space<semaphore_mem>>, %arg19: memref<!tpu.dma_semaphore, #tpu.memory_space<semaphore_mem>>, %arg20: memref<!tpu.dma_semaphore, #tpu.memory_space<semaphore_mem>>, %arg21: memref<!tpu.dma_semaphore, #tpu.memory_space<semaphore_mem>>, %arg22: memref<!tpu.dma_semaphore, #tpu.memory_space<semaphore_mem>>, %arg23: memref<!tpu.dma_semaphore, #tpu.memory_space<semaphore_mem>>, %arg24: memref<!tpu.dma_semaphore, #tpu.memory_space<semaphore_mem>>) attributes {dimension_semantics = [#tpu.dimension_semantics<core_parallel>, #tpu.dimension_semantics<subcore_parallel>], iteration_bounds = array<i64: 2, 16>, scalar_prefetch = 0 : i64, scratch_operands = 18 : i64, tpu.core_type = #tpu.core_type<sc_vector_subcore>, window_params = [{transform_indices = #map}, {transform_indices = #map}, {transform_indices = #map}, {transform_indices = #map1}, {transform_indices = #map}]} {
    "tpu.region"() ({
      %run_scoped3A = tpu.sem_alloc : memref<!tpu.dma_semaphore, #tpu.memory_space<semaphore_mem>>
      %dma_start3A_45 = arith.constant 0 : i32
      %dma_start3A_46 = arith.constant 0 : i32
      %dma_start3A_47 = tpu.memref_slice %arg2[%arg1, %dma_start3A_45, %dma_start3A_46] : memref<16x256x80xi32, #tpu.memory_space<hbm>> -> memref<1x16x80xi32, #tpu.memory_space<hbm>>
      %dma_start3A_48 = tpu.memref_squeeze %dma_start3A_47 : memref<1x16x80xi32, #tpu.memory_space<hbm>> -> memref<16x80xi32, #tpu.memory_space<hbm>>
      %dma_start3A_49 = arith.constant 0 : i32
      %dma_start3A_50 = arith.constant 0 : i32
      %dma_start3A_51 = tpu.memref_slice %arg2[%arg1, %dma_start3A_49, %dma_start3A_50] : memref<16x256x80xi32, #tpu.memory_space<hbm>> -> memref<1x16x80xi32, #tpu.memory_space<hbm>>
      %dma_start3A_52 = tpu.memref_squeeze %dma_start3A_51 : memref<1x16x80xi32, #tpu.memory_space<hbm>> -> memref<16x80xi32, #tpu.memory_space<hbm>>
      tpu.enqueue_dma source(%dma_start3A_52 : memref<16x80xi32, #tpu.memory_space<hbm>>) target(%arg7 : memref<16x80xi32, #tpu.memory_space<vmem>>) target_semaphore(%run_scoped3A : memref<!tpu.dma_semaphore, #tpu.memory_space<semaphore_mem>>)
      %dma_wait3A_53 = arith.constant 0 : i32
      %dma_wait3A_54 = arith.constant 0 : i32
      %dma_wait3A_55 = tpu.memref_slice %arg2[%arg1, %dma_wait3A_53, %dma_wait3A_54] : memref<16x256x80xi32, #tpu.memory_space<hbm>> -> memref<1x16x80xi32, #tpu.memory_space<hbm>>
      %dma_wait3A_56 = tpu.memref_squeeze %dma_wait3A_55 : memref<1x16x80xi32, #tpu.memory_space<hbm>> -> memref<16x80xi32, #tpu.memory_space<hbm>>
      %dma_wait3A_57 = arith.constant 0 : i32
      %dma_wait3A_58 = arith.constant 0 : i32
      %dma_wait3A_59 = tpu.memref_slice %arg2[%arg1, %dma_wait3A_57, %dma_wait3A_58] : memref<16x256x80xi32, #tpu.memory_space<hbm>> -> memref<1x16x80xi32, #tpu.memory_space<hbm>>
      %dma_wait3A_60 = tpu.memref_squeeze %dma_wait3A_59 : memref<1x16x80xi32, #tpu.memory_space<hbm>> -> memref<16x80xi32, #tpu.memory_space<hbm>>
      tpu.wait_dma2 semaphore(%run_scoped3A : memref<!tpu.dma_semaphore, #tpu.memory_space<semaphore_mem>>) src(%dma_wait3A_60 : memref<16x80xi32, #tpu.memory_space<hbm>>) dst(%arg7 : memref<16x80xi32, #tpu.memory_space<vmem>>)
      tpu.yield
    }) : () -> ()
    "tpu.region"() ({
      %run_scoped3A = tpu.sem_alloc : memref<!tpu.dma_semaphore, #tpu.memory_space<semaphore_mem>>
      %dma_start3A_45 = arith.constant 0 : i32
      %dma_start3A_46 = arith.constant 0 : i32
      %dma_start3A_47 = tpu.memref_slice %arg3[%arg1, %dma_start3A_45, %dma_start3A_46] : memref<16x256x80xi32, #tpu.memory_space<hbm>> -> memref<1x16x80xi32, #tpu.memory_space<hbm>>
      %dma_start3A_48 = tpu.memref_squeeze %dma_start3A_47 : memref<1x16x80xi32, #tpu.memory_space<hbm>> -> memref<16x80xi32, #tpu.memory_space<hbm>>
      %dma_start3A_49 = arith.constant 0 : i32
      %dma_start3A_50 = arith.constant 0 : i32
      %dma_start3A_51 = tpu.memref_slice %arg3[%arg1, %dma_start3A_49, %dma_start3A_50] : memref<16x256x80xi32, #tpu.memory_space<hbm>> -> memref<1x16x80xi32, #tpu.memory_space<hbm>>
      %dma_start3A_52 = tpu.memref_squeeze %dma_start3A_51 : memref<1x16x80xi32, #tpu.memory_space<hbm>> -> memref<16x80xi32, #tpu.memory_space<hbm>>
      tpu.enqueue_dma source(%dma_start3A_52 : memref<16x80xi32, #tpu.memory_space<hbm>>) target(%arg8 : memref<16x80xi32, #tpu.memory_space<vmem>>) target_semaphore(%run_scoped3A : memref<!tpu.dma_semaphore, #tpu.memory_space<semaphore_mem>>)
      %dma_wait3A_53 = arith.constant 0 : i32
      %dma_wait3A_54 = arith.constant 0 : i32
      %dma_wait3A_55 = tpu.memref_slice %arg3[%arg1, %dma_wait3A_53, %dma_wait3A_54] : memref<16x256x80xi32, #tpu.memory_space<hbm>> -> memref<1x16x80xi32, #tpu.memory_space<hbm>>
      %dma_wait3A_56 = tpu.memref_squeeze %dma_wait3A_55 : memref<1x16x80xi32, #tpu.memory_space<hbm>> -> memref<16x80xi32, #tpu.memory_space<hbm>>
      %dma_wait3A_57 = arith.constant 0 : i32
      %dma_wait3A_58 = arith.constant 0 : i32
      %dma_wait3A_59 = tpu.memref_slice %arg3[%arg1, %dma_wait3A_57, %dma_wait3A_58] : memref<16x256x80xi32, #tpu.memory_space<hbm>> -> memref<1x16x80xi32, #tpu.memory_space<hbm>>
      %dma_wait3A_60 = tpu.memref_squeeze %dma_wait3A_59 : memref<1x16x80xi32, #tpu.memory_space<hbm>> -> memref<16x80xi32, #tpu.memory_space<hbm>>
      tpu.wait_dma2 semaphore(%run_scoped3A : memref<!tpu.dma_semaphore, #tpu.memory_space<semaphore_mem>>) src(%dma_wait3A_60 : memref<16x80xi32, #tpu.memory_space<hbm>>) dst(%arg8 : memref<16x80xi32, #tpu.memory_space<vmem>>)
      tpu.yield
    }) : () -> ()
    %dma_start3A = arith.constant 0 : i32
    %dma_start3A_0 = arith.constant 0 : i32
    %dma_start3A_1 = tpu.memref_slice %arg7[%dma_start3A, %dma_start3A_0] : memref<16x80xi32, #tpu.memory_space<vmem>> -> memref<1x80xi32, #tpu.memory_space<vmem>>
    %dma_start3A_2 = tpu.memref_squeeze %dma_start3A_1 : memref<1x80xi32, #tpu.memory_space<vmem>> -> memref<80xi32, #tpu.memory_space<vmem>>
    %dma_start3A_3 = arith.constant 0 : i32
    %dma_start3A_4 = arith.constant 0 : i32
    %dma_start3A_5 = tpu.memref_slice %arg4[%arg0, %dma_start3A_3, %dma_start3A_4] : memref<2x10240x128xf32, #tpu.memory_space<hbm>> -> memref<1x10240x128xf32, #tpu.memory_space<hbm>>
    %dma_start3A_6 = tpu.memref_squeeze %dma_start3A_5 : memref<1x10240x128xf32, #tpu.memory_space<hbm>> -> memref<10240x128xf32, #tpu.memory_space<hbm>>
    %dma_start3A_7 = arith.constant 0 : i32
    %dma_start3A_8 = arith.constant 0 : i32
    %dma_start3A_9 = tpu.memref_slice %dma_start3A_6[%dma_start3A_7, %dma_start3A_8] : memref<10240x128xf32, #tpu.memory_space<hbm>> -> memref<10240x128xf32, #tpu.memory_space<hbm>>
    tpu.enqueue_indirect_dma source(%dma_start3A_9 : memref<10240x128xf32, #tpu.memory_space<hbm>>) target(%arg11 : memref<80x128xf32, #tpu.memory_space<vmem>>) offsets(%dma_start3A_2 : memref<80xi32, #tpu.memory_space<vmem>>) semaphore(%arg16 : memref<!tpu.dma_semaphore, #tpu.memory_space<semaphore_mem>>)
    %dma_start3A_10 = arith.constant 1 : i32
    %dma_start3A_11 = arith.constant 0 : i32
    %dma_start3A_12 = tpu.memref_slice %arg7[%dma_start3A_10, %dma_start3A_11] : memref<16x80xi32, #tpu.memory_space<vmem>> -> memref<1x80xi32, #tpu.memory_space<vmem>>
    %dma_start3A_13 = tpu.memref_squeeze %dma_start3A_12 : memref<1x80xi32, #tpu.memory_space<vmem>> -> memref<80xi32, #tpu.memory_space<vmem>>
    %dma_start3A_14 = arith.constant 0 : i32
    %dma_start3A_15 = arith.constant 0 : i32
    %dma_start3A_16 = tpu.memref_slice %arg4[%arg0, %dma_start3A_14, %dma_start3A_15] : memref<2x10240x128xf32, #tpu.memory_space<hbm>> -> memref<1x10240x128xf32, #tpu.memory_space<hbm>>
    %dma_start3A_17 = tpu.memref_squeeze %dma_start3A_16 : memref<1x10240x128xf32, #tpu.memory_space<hbm>> -> memref<10240x128xf32, #tpu.memory_space<hbm>>
    %dma_start3A_18 = arith.constant 0 : i32
    %dma_start3A_19 = arith.constant 0 : i32
    %dma_start3A_20 = tpu.memref_slice %dma_start3A_17[%dma_start3A_18, %dma_start3A_19] : memref<10240x128xf32, #tpu.memory_space<hbm>> -> memref<10240x128xf32, #tpu.memory_space<hbm>>
    tpu.enqueue_indirect_dma source(%dma_start3A_20 : memref<10240x128xf32, #tpu.memory_space<hbm>>) target(%arg12 : memref<80x128xf32, #tpu.memory_space<vmem>>) offsets(%dma_start3A_13 : memref<80xi32, #tpu.memory_space<vmem>>) semaphore(%arg17 : memref<!tpu.dma_semaphore, #tpu.memory_space<semaphore_mem>>)
    %mul3A = arith.constant 640 : i32
    %mul3A_21 = arith.muli %arg1, %mul3A : i32
    "tpu.region"() ({
      %run_scoped3A = tpu.sem_alloc : memref<!tpu.dma_semaphore, #tpu.memory_space<semaphore_mem>>
      %dma_start3A_45 = arith.constant 0 : i32
      %dma_start3A_46 = tpu.memref_slice %arg15[%mul3A_21, %dma_start3A_45] : memref<10240x128xf32, #tpu.memory_space<vmem_shared>> -> memref<640x128xf32, #tpu.memory_space<vmem_shared>>
      tpu.enqueue_dma source(%arg5 : memref<640x128xf32, #tpu.memory_space<hbm>>) target(%dma_start3A_46 : memref<640x128xf32, #tpu.memory_space<vmem_shared>>) target_semaphore(%run_scoped3A : memref<!tpu.dma_semaphore, #tpu.memory_space<semaphore_mem>>)
      %dma_wait3A_47 = arith.constant 0 : i32
      %dma_wait3A_48 = tpu.memref_slice %arg15[%mul3A_21, %dma_wait3A_47] : memref<10240x128xf32, #tpu.memory_space<vmem_shared>> -> memref<640x128xf32, #tpu.memory_space<vmem_shared>>
      tpu.wait_dma2 semaphore(%run_scoped3A : memref<!tpu.dma_semaphore, #tpu.memory_space<semaphore_mem>>) src(%arg5 : memref<640x128xf32, #tpu.memory_space<hbm>>) dst(%dma_wait3A_48 : memref<640x128xf32, #tpu.memory_space<vmem_shared>>)
      tpu.yield
    }) : () -> ()
    %barrier3A = arith.constant 0 : index
    tpu.barrier barrier_id(%barrier3A)
    %scan3A = arith.constant 0 : i32
    %scan3A_22 = arith.constant 0 : i32
    %scan3A_23 = arith.constant 8 : i32
    %scan3A_24 = arith.addi %scan3A_22, %scan3A_23 : i32
    %scan3A_25 = arith.constant 1 : i32
    scf.for %scan3A_45 = %scan3A_22 to %scan3A_24 step %scan3A_25  : i32 {
      %mul3A_46 = arith.constant 2 : i32
      %mul3A_47 = arith.muli %mul3A_46, %scan3A_45 : i32
      %scan3A_48 = arith.constant 0 : i32
      %scan3A_49 = arith.constant 0 : i32
      %scan3A_50 = arith.constant 4 : i32
      %scan3A_51 = arith.addi %scan3A_49, %scan3A_50 : i32
      %scan3A_52 = arith.constant 1 : i32
      scf.for %scan3A_63 = %scan3A_49 to %scan3A_51 step %scan3A_52  : i32 {
        %mul3A_64 = arith.constant 4 : i32
        %mul3A_65 = arith.muli %mul3A_64, %scan3A_63 : i32
        %add3A_66 = arith.constant 0 : i32
        %add3A_67 = arith.addi %mul3A_65, %add3A_66 : i32
        %mul3A_68 = arith.constant 16 : i32
        %mul3A_69 = arith.muli %mul3A_47, %mul3A_68 : i32
        %add3A_70 = arith.addi %mul3A_69, %add3A_67 : i32
        %dma_wait3A_71 = arith.constant 0 : i32
        %dma_wait3A_72 = tpu.memref_slice %arg7[%add3A_67, %dma_wait3A_71] : memref<16x80xi32, #tpu.memory_space<vmem>> -> memref<1x80xi32, #tpu.memory_space<vmem>>
        %dma_wait3A_73 = tpu.memref_squeeze %dma_wait3A_72 : memref<1x80xi32, #tpu.memory_space<vmem>> -> memref<80xi32, #tpu.memory_space<vmem>>
        %dma_wait3A_74 = arith.constant 0 : i32
        %dma_wait3A_75 = arith.constant 0 : i32
        %dma_wait3A_76 = tpu.memref_slice %arg4[%arg0, %dma_wait3A_74, %dma_wait3A_75] : memref<2x10240x128xf32, #tpu.memory_space<hbm>> -> memref<1x10240x128xf32, #tpu.memory_space<hbm>>
        %dma_wait3A_77 = tpu.memref_squeeze %dma_wait3A_76 : memref<1x10240x128xf32, #tpu.memory_space<hbm>> -> memref<10240x128xf32, #tpu.memory_space<hbm>>
        %dma_wait3A_78 = arith.constant 0 : i32
        %dma_wait3A_79 = arith.constant 0 : i32
        %dma_wait3A_80 = tpu.memref_slice %dma_wait3A_77[%dma_wait3A_78, %dma_wait3A_79] : memref<10240x128xf32, #tpu.memory_space<hbm>> -> memref<10240x128xf32, #tpu.memory_space<hbm>>
        tpu.wait_indirect_dma semaphore(%arg16 : memref<!tpu.dma_semaphore, #tpu.memory_space<semaphore_mem>>) src(%dma_wait3A_80 : memref<10240x128xf32, #tpu.memory_space<hbm>>) dst(%arg11 : memref<80x128xf32, #tpu.memory_space<vmem>>)
        %dma_start3A_81 = arith.constant 0 : i32
        %dma_start3A_82 = tpu.memref_slice %arg8[%add3A_67, %dma_start3A_81] : memref<16x80xi32, #tpu.memory_space<vmem>> -> memref<1x80xi32, #tpu.memory_space<vmem>>
        %dma_start3A_83 = tpu.memref_squeeze %dma_start3A_82 : memref<1x80xi32, #tpu.memory_space<vmem>> -> memref<80xi32, #tpu.memory_space<vmem>>
        %dma_start3A_84 = arith.constant 0 : i32
        %dma_start3A_85 = arith.constant 0 : i32
        %dma_start3A_86 = tpu.memref_slice %arg15[%dma_start3A_84, %dma_start3A_85] : memref<10240x128xf32, #tpu.memory_space<vmem_shared>> -> memref<10240x128xf32, #tpu.memory_space<vmem_shared>>
        tpu.enqueue_indirect_dma source(%arg11 : memref<80x128xf32, #tpu.memory_space<vmem>>) target(%dma_start3A_86 : memref<10240x128xf32, #tpu.memory_space<vmem_shared>>) offsets(%dma_start3A_83 : memref<80xi32, #tpu.memory_space<vmem>>) semaphore(%arg20 : memref<!tpu.dma_semaphore, #tpu.memory_space<semaphore_mem>>) {add = true}
        %ge3A = arith.constant 2 : i32
        %ge3A_87 = arith.cmpi sge, %add3A_70, %ge3A : i32
        %convert_element_type3A = arith.extui %ge3A_87 : i1 to i32
        %cond3A = arith.constant 0 : i32
        %cond3A_88 = arith.cmpi ne, %convert_element_type3A, %cond3A : i32
        scf.if %cond3A_88 {
          %dma_wait3A_256 = arith.constant 0 : i32
          %dma_wait3A_257 = tpu.memref_slice %arg8[%add3A_67, %dma_wait3A_256] : memref<16x80xi32, #tpu.memory_space<vmem>> -> memref<1x80xi32, #tpu.memory_space<vmem>>
          %dma_wait3A_258 = tpu.memref_squeeze %dma_wait3A_257 : memref<1x80xi32, #tpu.memory_space<vmem>> -> memref<80xi32, #tpu.memory_space<vmem>>
          %dma_wait3A_259 = arith.constant 0 : i32
          %dma_wait3A_260 = arith.constant 0 : i32
          %dma_wait3A_261 = tpu.memref_slice %arg15[%dma_wait3A_259, %dma_wait3A_260] : memref<10240x128xf32, #tpu.memory_space<vmem_shared>> -> memref<10240x128xf32, #tpu.memory_space<vmem_shared>>
          tpu.wait_indirect_dma semaphore(%arg22 : memref<!tpu.dma_semaphore, #tpu.memory_space<semaphore_mem>>) src(%arg13 : memref<80x128xf32, #tpu.memory_space<vmem>>) dst(%dma_wait3A_261 : memref<10240x128xf32, #tpu.memory_space<vmem_shared>>)
        } else {
        }
        %add3A_89 = arith.constant 2 : i32
        %add3A_90 = arith.addi %add3A_67, %add3A_89 : i32
        %lt3A = arith.constant 16 : i32
        %lt3A_91 = arith.cmpi slt, %add3A_90, %lt3A : i32
        %convert_element_type3A_92 = arith.extui %lt3A_91 : i1 to i32
        %cond3A_93 = arith.constant 0 : i32
        %cond3A_94 = arith.cmpi ne, %convert_element_type3A_92, %cond3A_93 : i32
        scf.if %cond3A_94 {
          %add3A_256 = arith.constant 2 : i32
          %add3A_257 = arith.addi %add3A_67, %add3A_256 : i32
          %dma_start3A_258 = arith.constant 0 : i32
          %dma_start3A_259 = tpu.memref_slice %arg7[%add3A_257, %dma_start3A_258] : memref<16x80xi32, #tpu.memory_space<vmem>> -> memref<1x80xi32, #tpu.memory_space<vmem>>
          %dma_start3A_260 = tpu.memref_squeeze %dma_start3A_259 : memref<1x80xi32, #tpu.memory_space<vmem>> -> memref<80xi32, #tpu.memory_space<vmem>>
          %dma_start3A_261 = arith.constant 0 : i32
          %dma_start3A_262 = arith.constant 0 : i32
          %dma_start3A_263 = tpu.memref_slice %arg4[%arg0, %dma_start3A_261, %dma_start3A_262] : memref<2x10240x128xf32, #tpu.memory_space<hbm>> -> memref<1x10240x128xf32, #tpu.memory_space<hbm>>
          %dma_start3A_264 = tpu.memref_squeeze %dma_start3A_263 : memref<1x10240x128xf32, #tpu.memory_space<hbm>> -> memref<10240x128xf32, #tpu.memory_space<hbm>>
          %dma_start3A_265 = arith.constant 0 : i32
          %dma_start3A_266 = arith.constant 0 : i32
          %dma_start3A_267 = tpu.memref_slice %dma_start3A_264[%dma_start3A_265, %dma_start3A_266] : memref<10240x128xf32, #tpu.memory_space<hbm>> -> memref<10240x128xf32, #tpu.memory_space<hbm>>
          tpu.enqueue_indirect_dma source(%dma_start3A_267 : memref<10240x128xf32, #tpu.memory_space<hbm>>) target(%arg13 : memref<80x128xf32, #tpu.memory_space<vmem>>) offsets(%dma_start3A_260 : memref<80xi32, #tpu.memory_space<vmem>>) semaphore(%arg18 : memref<!tpu.dma_semaphore, #tpu.memory_space<semaphore_mem>>)
        } else {
        }
        %add3A_95 = arith.constant 2 : i32
        %add3A_96 = arith.addi %add3A_67, %add3A_95 : i32
        %ge3A_97 = arith.constant 16 : i32
        %ge3A_98 = arith.cmpi sge, %add3A_96, %ge3A_97 : i32
        %add3A_99 = arith.constant 1 : i32
        %add3A_100 = arith.addi %mul3A_47, %add3A_99 : i32
        %lt3A_101 = arith.constant 16 : i32
        %lt3A_102 = arith.cmpi slt, %add3A_100, %lt3A_101 : i32
        %and3A = arith.andi %ge3A_98, %lt3A_102 : i1
        %convert_element_type3A_103 = arith.extui %and3A : i1 to i32
        %cond3A_104 = arith.constant 0 : i32
        %cond3A_105 = arith.cmpi ne, %convert_element_type3A_103, %cond3A_104 : i32
        scf.if %cond3A_105 {
          %eq3A_256 = arith.constant 14 : i32
          %eq3A_257 = arith.cmpi eq, %add3A_67, %eq3A_256 : i32
          %convert_element_type3A_258 = arith.extui %eq3A_257 : i1 to i32
          %cond3A_259 = arith.constant 0 : i32
          %cond3A_260 = arith.cmpi ne, %convert_element_type3A_258, %cond3A_259 : i32
          scf.if %cond3A_260 {
            %dma_wait3A_274 = arith.constant 0 : i32
            %dma_wait3A_275 = arith.constant 0 : i32
            %dma_wait3A_276 = tpu.memref_slice %arg2[%arg1, %dma_wait3A_274, %dma_wait3A_275] : memref<16x256x80xi32, #tpu.memory_space<hbm>> -> memref<1x16x80xi32, #tpu.memory_space<hbm>>
            %dma_wait3A_277 = tpu.memref_squeeze %dma_wait3A_276 : memref<1x16x80xi32, #tpu.memory_space<hbm>> -> memref<16x80xi32, #tpu.memory_space<hbm>>
            %dma_wait3A_278 = arith.constant 0 : i32
            %dma_wait3A_279 = arith.constant 0 : i32
            %dma_wait3A_280 = tpu.memref_slice %arg2[%arg1, %dma_wait3A_278, %dma_wait3A_279] : memref<16x256x80xi32, #tpu.memory_space<hbm>> -> memref<1x16x80xi32, #tpu.memory_space<hbm>>
            %dma_wait3A_281 = tpu.memref_squeeze %dma_wait3A_280 : memref<1x16x80xi32, #tpu.memory_space<hbm>> -> memref<16x80xi32, #tpu.memory_space<hbm>>
            tpu.wait_dma2 semaphore(%arg24 : memref<!tpu.dma_semaphore, #tpu.memory_space<semaphore_mem>>) src(%dma_wait3A_281 : memref<16x80xi32, #tpu.memory_space<hbm>>) dst(%arg9 : memref<16x80xi32, #tpu.memory_space<vmem>>)
            %dma_wait3A_282 = arith.constant 0 : i32
            %dma_wait3A_283 = arith.constant 0 : i32
            %dma_wait3A_284 = tpu.memref_slice %arg3[%arg1, %dma_wait3A_282, %dma_wait3A_283] : memref<16x256x80xi32, #tpu.memory_space<hbm>> -> memref<1x16x80xi32, #tpu.memory_space<hbm>>
            %dma_wait3A_285 = tpu.memref_squeeze %dma_wait3A_284 : memref<1x16x80xi32, #tpu.memory_space<hbm>> -> memref<16x80xi32, #tpu.memory_space<hbm>>
            %dma_wait3A_286 = arith.constant 0 : i32
            %dma_wait3A_287 = arith.constant 0 : i32
            %dma_wait3A_288 = tpu.memref_slice %arg3[%arg1, %dma_wait3A_286, %dma_wait3A_287] : memref<16x256x80xi32, #tpu.memory_space<hbm>> -> memref<1x16x80xi32, #tpu.memory_space<hbm>>
            %dma_wait3A_289 = tpu.memref_squeeze %dma_wait3A_288 : memref<1x16x80xi32, #tpu.memory_space<hbm>> -> memref<16x80xi32, #tpu.memory_space<hbm>>
            tpu.wait_dma2 semaphore(%arg24 : memref<!tpu.dma_semaphore, #tpu.memory_space<semaphore_mem>>) src(%dma_wait3A_289 : memref<16x80xi32, #tpu.memory_space<hbm>>) dst(%arg10 : memref<16x80xi32, #tpu.memory_space<vmem>>)
          } else {
          }
          %add3A_261 = arith.constant 2 : i32
          %add3A_262 = arith.addi %add3A_67, %add3A_261 : i32
          %sub3A = arith.constant 16 : i32
          %sub3A_263 = arith.subi %add3A_262, %sub3A : i32
          %dma_start3A_264 = arith.constant 0 : i32
          %dma_start3A_265 = tpu.memref_slice %arg9[%sub3A_263, %dma_start3A_264] : memref<16x80xi32, #tpu.memory_space<vmem>> -> memref<1x80xi32, #tpu.memory_space<vmem>>
          %dma_start3A_266 = tpu.memref_squeeze %dma_start3A_265 : memref<1x80xi32, #tpu.memory_space<vmem>> -> memref<80xi32, #tpu.memory_space<vmem>>
          %dma_start3A_267 = arith.constant 0 : i32
          %dma_start3A_268 = arith.constant 0 : i32
          %dma_start3A_269 = tpu.memref_slice %arg4[%arg0, %dma_start3A_267, %dma_start3A_268] : memref<2x10240x128xf32, #tpu.memory_space<hbm>> -> memref<1x10240x128xf32, #tpu.memory_space<hbm>>
          %dma_start3A_270 = tpu.memref_squeeze %dma_start3A_269 : memref<1x10240x128xf32, #tpu.memory_space<hbm>> -> memref<10240x128xf32, #tpu.memory_space<hbm>>
          %dma_start3A_271 = arith.constant 0 : i32
          %dma_start3A_272 = arith.constant 0 : i32
          %dma_start3A_273 = tpu.memref_slice %dma_start3A_270[%dma_start3A_271, %dma_start3A_272] : memref<10240x128xf32, #tpu.memory_space<hbm>> -> memref<10240x128xf32, #tpu.memory_space<hbm>>
          tpu.enqueue_indirect_dma source(%dma_start3A_273 : memref<10240x128xf32, #tpu.memory_space<hbm>>) target(%arg13 : memref<80x128xf32, #tpu.memory_space<vmem>>) offsets(%dma_start3A_266 : memref<80xi32, #tpu.memory_space<vmem>>) semaphore(%arg18 : memref<!tpu.dma_semaphore, #tpu.memory_space<semaphore_mem>>)
        } else {
        }
        %mul3A_106 = arith.constant 4 : i32
        %mul3A_107 = arith.muli %mul3A_106, %scan3A_63 : i32
        %add3A_108 = arith.constant 1 : i32
        %add3A_109 = arith.addi %mul3A_107, %add3A_108 : i32
        %mul3A_110 = arith.constant 16 : i32
        %mul3A_111 = arith.muli %mul3A_47, %mul3A_110 : i32
        %add3A_112 = arith.addi %mul3A_111, %add3A_109 : i32
        %dma_wait3A_113 = arith.constant 0 : i32
        %dma_wait3A_114 = tpu.memref_slice %arg7[%add3A_109, %dma_wait3A_113] : memref<16x80xi32, #tpu.memory_space<vmem>> -> memref<1x80xi32, #tpu.memory_space<vmem>>
        %dma_wait3A_115 = tpu.memref_squeeze %dma_wait3A_114 : memref<1x80xi32, #tpu.memory_space<vmem>> -> memref<80xi32, #tpu.memory_space<vmem>>
        %dma_wait3A_116 = arith.constant 0 : i32
        %dma_wait3A_117 = arith.constant 0 : i32
        %dma_wait3A_118 = tpu.memref_slice %arg4[%arg0, %dma_wait3A_116, %dma_wait3A_117] : memref<2x10240x128xf32, #tpu.memory_space<hbm>> -> memref<1x10240x128xf32, #tpu.memory_space<hbm>>
        %dma_wait3A_119 = tpu.memref_squeeze %dma_wait3A_118 : memref<1x10240x128xf32, #tpu.memory_space<hbm>> -> memref<10240x128xf32, #tpu.memory_space<hbm>>
        %dma_wait3A_120 = arith.constant 0 : i32
        %dma_wait3A_121 = arith.constant 0 : i32
        %dma_wait3A_122 = tpu.memref_slice %dma_wait3A_119[%dma_wait3A_120, %dma_wait3A_121] : memref<10240x128xf32, #tpu.memory_space<hbm>> -> memref<10240x128xf32, #tpu.memory_space<hbm>>
        tpu.wait_indirect_dma semaphore(%arg17 : memref<!tpu.dma_semaphore, #tpu.memory_space<semaphore_mem>>) src(%dma_wait3A_122 : memref<10240x128xf32, #tpu.memory_space<hbm>>) dst(%arg12 : memref<80x128xf32, #tpu.memory_space<vmem>>)
        %dma_start3A_123 = arith.constant 0 : i32
        %dma_start3A_124 = tpu.memref_slice %arg8[%add3A_109, %dma_start3A_123] : memref<16x80xi32, #tpu.memory_space<vmem>> -> memref<1x80xi32, #tpu.memory_space<vmem>>
        %dma_start3A_125 = tpu.memref_squeeze %dma_start3A_124 : memref<1x80xi32, #tpu.memory_space<vmem>> -> memref<80xi32, #tpu.memory_space<vmem>>
        %dma_start3A_126 = arith.constant 0 : i32
        %dma_start3A_127 = arith.constant 0 : i32
        %dma_start3A_128 = tpu.memref_slice %arg15[%dma_start3A_126, %dma_start3A_127] : memref<10240x128xf32, #tpu.memory_space<vmem_shared>> -> memref<10240x128xf32, #tpu.memory_space<vmem_shared>>
        tpu.enqueue_indirect_dma source(%arg12 : memref<80x128xf32, #tpu.memory_space<vmem>>) target(%dma_start3A_128 : memref<10240x128xf32, #tpu.memory_space<vmem_shared>>) offsets(%dma_start3A_125 : memref<80xi32, #tpu.memory_space<vmem>>) semaphore(%arg21 : memref<!tpu.dma_semaphore, #tpu.memory_space<semaphore_mem>>) {add = true}
        %ge3A_129 = arith.constant 2 : i32
        %ge3A_130 = arith.cmpi sge, %add3A_112, %ge3A_129 : i32
        %convert_element_type3A_131 = arith.extui %ge3A_130 : i1 to i32
        %cond3A_132 = arith.constant 0 : i32
        %cond3A_133 = arith.cmpi ne, %convert_element_type3A_131, %cond3A_132 : i32
        scf.if %cond3A_133 {
          %dma_wait3A_256 = arith.constant 0 : i32
          %dma_wait3A_257 = tpu.memref_slice %arg8[%add3A_109, %dma_wait3A_256] : memref<16x80xi32, #tpu.memory_space<vmem>> -> memref<1x80xi32, #tpu.memory_space<vmem>>
          %dma_wait3A_258 = tpu.memref_squeeze %dma_wait3A_257 : memref<1x80xi32, #tpu.memory_space<vmem>> -> memref<80xi32, #tpu.memory_space<vmem>>
          %dma_wait3A_259 = arith.constant 0 : i32
          %dma_wait3A_260 = arith.constant 0 : i32
          %dma_wait3A_261 = tpu.memref_slice %arg15[%dma_wait3A_259, %dma_wait3A_260] : memref<10240x128xf32, #tpu.memory_space<vmem_shared>> -> memref<10240x128xf32, #tpu.memory_space<vmem_shared>>
          tpu.wait_indirect_dma semaphore(%arg23 : memref<!tpu.dma_semaphore, #tpu.memory_space<semaphore_mem>>) src(%arg14 : memref<80x128xf32, #tpu.memory_space<vmem>>) dst(%dma_wait3A_261 : memref<10240x128xf32, #tpu.memory_space<vmem_shared>>)
        } else {
        }
        %add3A_134 = arith.constant 2 : i32
        %add3A_135 = arith.addi %add3A_109, %add3A_134 : i32
        %lt3A_136 = arith.constant 16 : i32
        %lt3A_137 = arith.cmpi slt, %add3A_135, %lt3A_136 : i32
        %convert_element_type3A_138 = arith.extui %lt3A_137 : i1 to i32
        %cond3A_139 = arith.constant 0 : i32
        %cond3A_140 = arith.cmpi ne, %convert_element_type3A_138, %cond3A_139 : i32
        scf.if %cond3A_140 {
          %add3A_256 = arith.constant 2 : i32
          %add3A_257 = arith.addi %add3A_109, %add3A_256 : i32
          %dma_start3A_258 = arith.constant 0 : i32
          %dma_start3A_259 = tpu.memref_slice %arg7[%add3A_257, %dma_start3A_258] : memref<16x80xi32, #tpu.memory_space<vmem>> -> memref<1x80xi32, #tpu.memory_space<vmem>>
          %dma_start3A_260 = tpu.memref_squeeze %dma_start3A_259 : memref<1x80xi32, #tpu.memory_space<vmem>> -> memref<80xi32, #tpu.memory_space<vmem>>
          %dma_start3A_261 = arith.constant 0 : i32
          %dma_start3A_262 = arith.constant 0 : i32
          %dma_start3A_263 = tpu.memref_slice %arg4[%arg0, %dma_start3A_261, %dma_start3A_262] : memref<2x10240x128xf32, #tpu.memory_space<hbm>> -> memref<1x10240x128xf32, #tpu.memory_space<hbm>>
          %dma_start3A_264 = tpu.memref_squeeze %dma_start3A_263 : memref<1x10240x128xf32, #tpu.memory_space<hbm>> -> memref<10240x128xf32, #tpu.memory_space<hbm>>
          %dma_start3A_265 = arith.constant 0 : i32
          %dma_start3A_266 = arith.constant 0 : i32
          %dma_start3A_267 = tpu.memref_slice %dma_start3A_264[%dma_start3A_265, %dma_start3A_266] : memref<10240x128xf32, #tpu.memory_space<hbm>> -> memref<10240x128xf32, #tpu.memory_space<hbm>>
          tpu.enqueue_indirect_dma source(%dma_start3A_267 : memref<10240x128xf32, #tpu.memory_space<hbm>>) target(%arg14 : memref<80x128xf32, #tpu.memory_space<vmem>>) offsets(%dma_start3A_260 : memref<80xi32, #tpu.memory_space<vmem>>) semaphore(%arg19 : memref<!tpu.dma_semaphore, #tpu.memory_space<semaphore_mem>>)
        } else {
        }
        %add3A_141 = arith.constant 2 : i32
        %add3A_142 = arith.addi %add3A_109, %add3A_141 : i32
        %ge3A_143 = arith.constant 16 : i32
        %ge3A_144 = arith.cmpi sge, %add3A_142, %ge3A_143 : i32
        %add3A_145 = arith.constant 1 : i32
        %add3A_146 = arith.addi %mul3A_47, %add3A_145 : i32
        %lt3A_147 = arith.constant 16 : i32
        %lt3A_148 = arith.cmpi slt, %add3A_146, %lt3A_147 : i32
        %and3A_149 = arith.andi %ge3A_144, %lt3A_148 : i1
        %convert_element_type3A_150 = arith.extui %and3A_149 : i1 to i32
        %cond3A_151 = arith.constant 0 : i32
        %cond3A_152 = arith.cmpi ne, %convert_element_type3A_150, %cond3A_151 : i32
        scf.if %cond3A_152 {
          %eq3A_256 = arith.constant 14 : i32
          %eq3A_257 = arith.cmpi eq, %add3A_109, %eq3A_256 : i32
          %convert_element_type3A_258 = arith.extui %eq3A_257 : i1 to i32
          %cond3A_259 = arith.constant 0 : i32
          %cond3A_260 = arith.cmpi ne, %convert_element_type3A_258, %cond3A_259 : i32
          scf.if %cond3A_260 {
            %dma_wait3A_274 = arith.constant 0 : i32
            %dma_wait3A_275 = arith.constant 0 : i32
            %dma_wait3A_276 = tpu.memref_slice %arg2[%arg1, %dma_wait3A_274, %dma_wait3A_275] : memref<16x256x80xi32, #tpu.memory_space<hbm>> -> memref<1x16x80xi32, #tpu.memory_space<hbm>>
            %dma_wait3A_277 = tpu.memref_squeeze %dma_wait3A_276 : memref<1x16x80xi32, #tpu.memory_space<hbm>> -> memref<16x80xi32, #tpu.memory_space<hbm>>
            %dma_wait3A_278 = arith.constant 0 : i32
            %dma_wait3A_279 = arith.constant 0 : i32
            %dma_wait3A_280 = tpu.memref_slice %arg2[%arg1, %dma_wait3A_278, %dma_wait3A_279] : memref<16x256x80xi32, #tpu.memory_space<hbm>> -> memref<1x16x80xi32, #tpu.memory_space<hbm>>
            %dma_wait3A_281 = tpu.memref_squeeze %dma_wait3A_280 : memref<1x16x80xi32, #tpu.memory_space<hbm>> -> memref<16x80xi32, #tpu.memory_space<hbm>>
            tpu.wait_dma2 semaphore(%arg24 : memref<!tpu.dma_semaphore, #tpu.memory_space<semaphore_mem>>) src(%dma_wait3A_281 : memref<16x80xi32, #tpu.memory_space<hbm>>) dst(%arg9 : memref<16x80xi32, #tpu.memory_space<vmem>>)
            %dma_wait3A_282 = arith.constant 0 : i32
            %dma_wait3A_283 = arith.constant 0 : i32
            %dma_wait3A_284 = tpu.memref_slice %arg3[%arg1, %dma_wait3A_282, %dma_wait3A_283] : memref<16x256x80xi32, #tpu.memory_space<hbm>> -> memref<1x16x80xi32, #tpu.memory_space<hbm>>
            %dma_wait3A_285 = tpu.memref_squeeze %dma_wait3A_284 : memref<1x16x80xi32, #tpu.memory_space<hbm>> -> memref<16x80xi32, #tpu.memory_space<hbm>>
            %dma_wait3A_286 = arith.constant 0 : i32
            %dma_wait3A_287 = arith.constant 0 : i32
            %dma_wait3A_288 = tpu.memref_slice %arg3[%arg1, %dma_wait3A_286, %dma_wait3A_287] : memref<16x256x80xi32, #tpu.memory_space<hbm>> -> memref<1x16x80xi32, #tpu.memory_space<hbm>>
            %dma_wait3A_289 = tpu.memref_squeeze %dma_wait3A_288 : memref<1x16x80xi32, #tpu.memory_space<hbm>> -> memref<16x80xi32, #tpu.memory_space<hbm>>
            tpu.wait_dma2 semaphore(%arg24 : memref<!tpu.dma_semaphore, #tpu.memory_space<semaphore_mem>>) src(%dma_wait3A_289 : memref<16x80xi32, #tpu.memory_space<hbm>>) dst(%arg10 : memref<16x80xi32, #tpu.memory_space<vmem>>)
          } else {
          }
          %add3A_261 = arith.constant 2 : i32
          %add3A_262 = arith.addi %add3A_109, %add3A_261 : i32
          %sub3A = arith.constant 16 : i32
          %sub3A_263 = arith.subi %add3A_262, %sub3A : i32
          %dma_start3A_264 = arith.constant 0 : i32
          %dma_start3A_265 = tpu.memref_slice %arg9[%sub3A_263, %dma_start3A_264] : memref<16x80xi32, #tpu.memory_space<vmem>> -> memref<1x80xi32, #tpu.memory_space<vmem>>
          %dma_start3A_266 = tpu.memref_squeeze %dma_start3A_265 : memref<1x80xi32, #tpu.memory_space<vmem>> -> memref<80xi32, #tpu.memory_space<vmem>>
          %dma_start3A_267 = arith.constant 0 : i32
          %dma_start3A_268 = arith.constant 0 : i32
          %dma_start3A_269 = tpu.memref_slice %arg4[%arg0, %dma_start3A_267, %dma_start3A_268] : memref<2x10240x128xf32, #tpu.memory_space<hbm>> -> memref<1x10240x128xf32, #tpu.memory_space<hbm>>
          %dma_start3A_270 = tpu.memref_squeeze %dma_start3A_269 : memref<1x10240x128xf32, #tpu.memory_space<hbm>> -> memref<10240x128xf32, #tpu.memory_space<hbm>>
          %dma_start3A_271 = arith.constant 0 : i32
          %dma_start3A_272 = arith.constant 0 : i32
          %dma_start3A_273 = tpu.memref_slice %dma_start3A_270[%dma_start3A_271, %dma_start3A_272] : memref<10240x128xf32, #tpu.memory_space<hbm>> -> memref<10240x128xf32, #tpu.memory_space<hbm>>
          tpu.enqueue_indirect_dma source(%dma_start3A_273 : memref<10240x128xf32, #tpu.memory_space<hbm>>) target(%arg14 : memref<80x128xf32, #tpu.memory_space<vmem>>) offsets(%dma_start3A_266 : memref<80xi32, #tpu.memory_space<vmem>>) semaphore(%arg19 : memref<!tpu.dma_semaphore, #tpu.memory_space<semaphore_mem>>)
        } else {
        }
        %mul3A_153 = arith.constant 4 : i32
        %mul3A_154 = arith.muli %mul3A_153, %scan3A_63 : i32
        %add3A_155 = arith.constant 2 : i32
        %add3A_156 = arith.addi %mul3A_154, %add3A_155 : i32
        %mul3A_157 = arith.constant 16 : i32
        %mul3A_158 = arith.muli %mul3A_47, %mul3A_157 : i32
        %add3A_159 = arith.addi %mul3A_158, %add3A_156 : i32
        %dma_wait3A_160 = arith.constant 0 : i32
        %dma_wait3A_161 = tpu.memref_slice %arg7[%add3A_156, %dma_wait3A_160] : memref<16x80xi32, #tpu.memory_space<vmem>> -> memref<1x80xi32, #tpu.memory_space<vmem>>
        %dma_wait3A_162 = tpu.memref_squeeze %dma_wait3A_161 : memref<1x80xi32, #tpu.memory_space<vmem>> -> memref<80xi32, #tpu.memory_space<vmem>>
        %dma_wait3A_163 = arith.constant 0 : i32
        %dma_wait3A_164 = arith.constant 0 : i32
        %dma_wait3A_165 = tpu.memref_slice %arg4[%arg0, %dma_wait3A_163, %dma_wait3A_164] : memref<2x10240x128xf32, #tpu.memory_space<hbm>> -> memref<1x10240x128xf32, #tpu.memory_space<hbm>>
        %dma_wait3A_166 = tpu.memref_squeeze %dma_wait3A_165 : memref<1x10240x128xf32, #tpu.memory_space<hbm>> -> memref<10240x128xf32, #tpu.memory_space<hbm>>
        %dma_wait3A_167 = arith.constant 0 : i32
        %dma_wait3A_168 = arith.constant 0 : i32
        %dma_wait3A_169 = tpu.memref_slice %dma_wait3A_166[%dma_wait3A_167, %dma_wait3A_168] : memref<10240x128xf32, #tpu.memory_space<hbm>> -> memref<10240x128xf32, #tpu.memory_space<hbm>>
        tpu.wait_indirect_dma semaphore(%arg18 : memref<!tpu.dma_semaphore, #tpu.memory_space<semaphore_mem>>) src(%dma_wait3A_169 : memref<10240x128xf32, #tpu.memory_space<hbm>>) dst(%arg13 : memref<80x128xf32, #tpu.memory_space<vmem>>)
        %dma_start3A_170 = arith.constant 0 : i32
        %dma_start3A_171 = tpu.memref_slice %arg8[%add3A_156, %dma_start3A_170] : memref<16x80xi32, #tpu.memory_space<vmem>> -> memref<1x80xi32, #tpu.memory_space<vmem>>
        %dma_start3A_172 = tpu.memref_squeeze %dma_start3A_171 : memref<1x80xi32, #tpu.memory_space<vmem>> -> memref<80xi32, #tpu.memory_space<vmem>>
        %dma_start3A_173 = arith.constant 0 : i32
        %dma_start3A_174 = arith.constant 0 : i32
        %dma_start3A_175 = tpu.memref_slice %arg15[%dma_start3A_173, %dma_start3A_174] : memref<10240x128xf32, #tpu.memory_space<vmem_shared>> -> memref<10240x128xf32, #tpu.memory_space<vmem_shared>>
        tpu.enqueue_indirect_dma source(%arg13 : memref<80x128xf32, #tpu.memory_space<vmem>>) target(%dma_start3A_175 : memref<10240x128xf32, #tpu.memory_space<vmem_shared>>) offsets(%dma_start3A_172 : memref<80xi32, #tpu.memory_space<vmem>>) semaphore(%arg22 : memref<!tpu.dma_semaphore, #tpu.memory_space<semaphore_mem>>) {add = true}
        %eq3A = arith.constant 2 : i32
        %eq3A_176 = arith.cmpi eq, %add3A_156, %eq3A : i32
        %add3A_177 = arith.constant 1 : i32
        %add3A_178 = arith.addi %mul3A_47, %add3A_177 : i32
        %lt3A_179 = arith.constant 16 : i32
        %lt3A_180 = arith.cmpi slt, %add3A_178, %lt3A_179 : i32
        %and3A_181 = arith.andi %eq3A_176, %lt3A_180 : i1
        %convert_element_type3A_182 = arith.extui %and3A_181 : i1 to i32
        %cond3A_183 = arith.constant 0 : i32
        %cond3A_184 = arith.cmpi ne, %convert_element_type3A_182, %cond3A_183 : i32
        scf.if %cond3A_184 {
          %add3A_256 = arith.constant 1 : i32
          %add3A_257 = arith.addi %mul3A_47, %add3A_256 : i32
          %mul3A_258 = arith.constant 16 : i32
          %mul3A_259 = arith.muli %add3A_257, %mul3A_258 : i32
          %dma_start3A_260 = arith.constant 0 : i32
          %dma_start3A_261 = tpu.memref_slice %arg2[%arg1, %mul3A_259, %dma_start3A_260] : memref<16x256x80xi32, #tpu.memory_space<hbm>> -> memref<1x16x80xi32, #tpu.memory_space<hbm>>
          %dma_start3A_262 = tpu.memref_squeeze %dma_start3A_261 : memref<1x16x80xi32, #tpu.memory_space<hbm>> -> memref<16x80xi32, #tpu.memory_space<hbm>>
          %dma_start3A_263 = arith.constant 0 : i32
          %dma_start3A_264 = tpu.memref_slice %arg2[%arg1, %mul3A_259, %dma_start3A_263] : memref<16x256x80xi32, #tpu.memory_space<hbm>> -> memref<1x16x80xi32, #tpu.memory_space<hbm>>
          %dma_start3A_265 = tpu.memref_squeeze %dma_start3A_264 : memref<1x16x80xi32, #tpu.memory_space<hbm>> -> memref<16x80xi32, #tpu.memory_space<hbm>>
          tpu.enqueue_dma source(%dma_start3A_265 : memref<16x80xi32, #tpu.memory_space<hbm>>) target(%arg9 : memref<16x80xi32, #tpu.memory_space<vmem>>) target_semaphore(%arg24 : memref<!tpu.dma_semaphore, #tpu.memory_space<semaphore_mem>>)
          %add3A_266 = arith.constant 1 : i32
          %add3A_267 = arith.addi %mul3A_47, %add3A_266 : i32
          %mul3A_268 = arith.constant 16 : i32
          %mul3A_269 = arith.muli %add3A_267, %mul3A_268 : i32
          %dma_start3A_270 = arith.constant 0 : i32
          %dma_start3A_271 = tpu.memref_slice %arg3[%arg1, %mul3A_269, %dma_start3A_270] : memref<16x256x80xi32, #tpu.memory_space<hbm>> -> memref<1x16x80xi32, #tpu.memory_space<hbm>>
          %dma_start3A_272 = tpu.memref_squeeze %dma_start3A_271 : memref<1x16x80xi32, #tpu.memory_space<hbm>> -> memref<16x80xi32, #tpu.memory_space<hbm>>
          %dma_start3A_273 = arith.constant 0 : i32
          %dma_start3A_274 = tpu.memref_slice %arg3[%arg1, %mul3A_269, %dma_start3A_273] : memref<16x256x80xi32, #tpu.memory_space<hbm>> -> memref<1x16x80xi32, #tpu.memory_space<hbm>>
          %dma_start3A_275 = tpu.memref_squeeze %dma_start3A_274 : memref<1x16x80xi32, #tpu.memory_space<hbm>> -> memref<16x80xi32, #tpu.memory_space<hbm>>
          tpu.enqueue_dma source(%dma_start3A_275 : memref<16x80xi32, #tpu.memory_space<hbm>>) target(%arg10 : memref<16x80xi32, #tpu.memory_space<vmem>>) target_semaphore(%arg24 : memref<!tpu.dma_semaphore, #tpu.memory_space<semaphore_mem>>)
        } else {
        }
        %ge3A_185 = arith.constant 2 : i32
        %ge3A_186 = arith.cmpi sge, %add3A_159, %ge3A_185 : i32
        %convert_element_type3A_187 = arith.extui %ge3A_186 : i1 to i32
        %cond3A_188 = arith.constant 0 : i32
        %cond3A_189 = arith.cmpi ne, %convert_element_type3A_187, %cond3A_188 : i32
        scf.if %cond3A_189 {
          %dma_wait3A_256 = arith.constant 0 : i32
          %dma_wait3A_257 = tpu.memref_slice %arg8[%add3A_156, %dma_wait3A_256] : memref<16x80xi32, #tpu.memory_space<vmem>> -> memref<1x80xi32, #tpu.memory_space<vmem>>
          %dma_wait3A_258 = tpu.memref_squeeze %dma_wait3A_257 : memref<1x80xi32, #tpu.memory_space<vmem>> -> memref<80xi32, #tpu.memory_space<vmem>>
          %dma_wait3A_259 = arith.constant 0 : i32
          %dma_wait3A_260 = arith.constant 0 : i32
          %dma_wait3A_261 = tpu.memref_slice %arg15[%dma_wait3A_259, %dma_wait3A_260] : memref<10240x128xf32, #tpu.memory_space<vmem_shared>> -> memref<10240x128xf32, #tpu.memory_space<vmem_shared>>
          tpu.wait_indirect_dma semaphore(%arg20 : memref<!tpu.dma_semaphore, #tpu.memory_space<semaphore_mem>>) src(%arg11 : memref<80x128xf32, #tpu.memory_space<vmem>>) dst(%dma_wait3A_261 : memref<10240x128xf32, #tpu.memory_space<vmem_shared>>)
        } else {
        }
        %add3A_190 = arith.constant 2 : i32
        %add3A_191 = arith.addi %add3A_156, %add3A_190 : i32
        %lt3A_192 = arith.constant 16 : i32
        %lt3A_193 = arith.cmpi slt, %add3A_191, %lt3A_192 : i32
        %convert_element_type3A_194 = arith.extui %lt3A_193 : i1 to i32
        %cond3A_195 = arith.constant 0 : i32
        %cond3A_196 = arith.cmpi ne, %convert_element_type3A_194, %cond3A_195 : i32
        scf.if %cond3A_196 {
          %add3A_256 = arith.constant 2 : i32
          %add3A_257 = arith.addi %add3A_156, %add3A_256 : i32
          %dma_start3A_258 = arith.constant 0 : i32
          %dma_start3A_259 = tpu.memref_slice %arg7[%add3A_257, %dma_start3A_258] : memref<16x80xi32, #tpu.memory_space<vmem>> -> memref<1x80xi32, #tpu.memory_space<vmem>>
          %dma_start3A_260 = tpu.memref_squeeze %dma_start3A_259 : memref<1x80xi32, #tpu.memory_space<vmem>> -> memref<80xi32, #tpu.memory_space<vmem>>
          %dma_start3A_261 = arith.constant 0 : i32
          %dma_start3A_262 = arith.constant 0 : i32
          %dma_start3A_263 = tpu.memref_slice %arg4[%arg0, %dma_start3A_261, %dma_start3A_262] : memref<2x10240x128xf32, #tpu.memory_space<hbm>> -> memref<1x10240x128xf32, #tpu.memory_space<hbm>>
          %dma_start3A_264 = tpu.memref_squeeze %dma_start3A_263 : memref<1x10240x128xf32, #tpu.memory_space<hbm>> -> memref<10240x128xf32, #tpu.memory_space<hbm>>
          %dma_start3A_265 = arith.constant 0 : i32
          %dma_start3A_266 = arith.constant 0 : i32
          %dma_start3A_267 = tpu.memref_slice %dma_start3A_264[%dma_start3A_265, %dma_start3A_266] : memref<10240x128xf32, #tpu.memory_space<hbm>> -> memref<10240x128xf32, #tpu.memory_space<hbm>>
          tpu.enqueue_indirect_dma source(%dma_start3A_267 : memref<10240x128xf32, #tpu.memory_space<hbm>>) target(%arg11 : memref<80x128xf32, #tpu.memory_space<vmem>>) offsets(%dma_start3A_260 : memref<80xi32, #tpu.memory_space<vmem>>) semaphore(%arg16 : memref<!tpu.dma_semaphore, #tpu.memory_space<semaphore_mem>>)
        } else {
        }
        %add3A_197 = arith.constant 2 : i32
        %add3A_198 = arith.addi %add3A_156, %add3A_197 : i32
        %ge3A_199 = arith.constant 16 : i32
        %ge3A_200 = arith.cmpi sge, %add3A_198, %ge3A_199 : i32
        %add3A_201 = arith.constant 1 : i32
        %add3A_202 = arith.addi %mul3A_47, %add3A_201 : i32
        %lt3A_203 = arith.constant 16 : i32
        %lt3A_204 = arith.cmpi slt, %add3A_202, %lt3A_203 : i32
        %and3A_205 = arith.andi %ge3A_200, %lt3A_204 : i1
        %convert_element_type3A_206 = arith.extui %and3A_205 : i1 to i32
        %cond3A_207 = arith.constant 0 : i32
        %cond3A_208 = arith.cmpi ne, %convert_element_type3A_206, %cond3A_207 : i32
        scf.if %cond3A_208 {
          %eq3A_256 = arith.constant 14 : i32
          %eq3A_257 = arith.cmpi eq, %add3A_156, %eq3A_256 : i32
          %convert_element_type3A_258 = arith.extui %eq3A_257 : i1 to i32
          %cond3A_259 = arith.constant 0 : i32
          %cond3A_260 = arith.cmpi ne, %convert_element_type3A_258, %cond3A_259 : i32
          scf.if %cond3A_260 {
            %dma_wait3A_274 = arith.constant 0 : i32
            %dma_wait3A_275 = arith.constant 0 : i32
            %dma_wait3A_276 = tpu.memref_slice %arg2[%arg1, %dma_wait3A_274, %dma_wait3A_275] : memref<16x256x80xi32, #tpu.memory_space<hbm>> -> memref<1x16x80xi32, #tpu.memory_space<hbm>>
            %dma_wait3A_277 = tpu.memref_squeeze %dma_wait3A_276 : memref<1x16x80xi32, #tpu.memory_space<hbm>> -> memref<16x80xi32, #tpu.memory_space<hbm>>
            %dma_wait3A_278 = arith.constant 0 : i32
            %dma_wait3A_279 = arith.constant 0 : i32
            %dma_wait3A_280 = tpu.memref_slice %arg2[%arg1, %dma_wait3A_278, %dma_wait3A_279] : memref<16x256x80xi32, #tpu.memory_space<hbm>> -> memref<1x16x80xi32, #tpu.memory_space<hbm>>
            %dma_wait3A_281 = tpu.memref_squeeze %dma_wait3A_280 : memref<1x16x80xi32, #tpu.memory_space<hbm>> -> memref<16x80xi32, #tpu.memory_space<hbm>>
            tpu.wait_dma2 semaphore(%arg24 : memref<!tpu.dma_semaphore, #tpu.memory_space<semaphore_mem>>) src(%dma_wait3A_281 : memref<16x80xi32, #tpu.memory_space<hbm>>) dst(%arg9 : memref<16x80xi32, #tpu.memory_space<vmem>>)
            %dma_wait3A_282 = arith.constant 0 : i32
            %dma_wait3A_283 = arith.constant 0 : i32
            %dma_wait3A_284 = tpu.memref_slice %arg3[%arg1, %dma_wait3A_282, %dma_wait3A_283] : memref<16x256x80xi32, #tpu.memory_space<hbm>> -> memref<1x16x80xi32, #tpu.memory_space<hbm>>
            %dma_wait3A_285 = tpu.memref_squeeze %dma_wait3A_284 : memref<1x16x80xi32, #tpu.memory_space<hbm>> -> memref<16x80xi32, #tpu.memory_space<hbm>>
            %dma_wait3A_286 = arith.constant 0 : i32
            %dma_wait3A_287 = arith.constant 0 : i32
            %dma_wait3A_288 = tpu.memref_slice %arg3[%arg1, %dma_wait3A_286, %dma_wait3A_287] : memref<16x256x80xi32, #tpu.memory_space<hbm>> -> memref<1x16x80xi32, #tpu.memory_space<hbm>>
            %dma_wait3A_289 = tpu.memref_squeeze %dma_wait3A_288 : memref<1x16x80xi32, #tpu.memory_space<hbm>> -> memref<16x80xi32, #tpu.memory_space<hbm>>
            tpu.wait_dma2 semaphore(%arg24 : memref<!tpu.dma_semaphore, #tpu.memory_space<semaphore_mem>>) src(%dma_wait3A_289 : memref<16x80xi32, #tpu.memory_space<hbm>>) dst(%arg10 : memref<16x80xi32, #tpu.memory_space<vmem>>)
          } else {
          }
          %add3A_261 = arith.constant 2 : i32
          %add3A_262 = arith.addi %add3A_156, %add3A_261 : i32
          %sub3A = arith.constant 16 : i32
          %sub3A_263 = arith.subi %add3A_262, %sub3A : i32
          %dma_start3A_264 = arith.constant 0 : i32
          %dma_start3A_265 = tpu.memref_slice %arg9[%sub3A_263, %dma_start3A_264] : memref<16x80xi32, #tpu.memory_space<vmem>> -> memref<1x80xi32, #tpu.memory_space<vmem>>
          %dma_start3A_266 = tpu.memref_squeeze %dma_start3A_265 : memref<1x80xi32, #tpu.memory_space<vmem>> -> memref<80xi32, #tpu.memory_space<vmem>>
          %dma_start3A_267 = arith.constant 0 : i32
          %dma_start3A_268 = arith.constant 0 : i32
          %dma_start3A_269 = tpu.memref_slice %arg4[%arg0, %dma_start3A_267, %dma_start3A_268] : memref<2x10240x128xf32, #tpu.memory_space<hbm>> -> memref<1x10240x128xf32, #tpu.memory_space<hbm>>
          %dma_start3A_270 = tpu.memref_squeeze %dma_start3A_269 : memref<1x10240x128xf32, #tpu.memory_space<hbm>> -> memref<10240x128xf32, #tpu.memory_space<hbm>>
          %dma_start3A_271 = arith.constant 0 : i32
          %dma_start3A_272 = arith.constant 0 : i32
          %dma_start3A_273 = tpu.memref_slice %dma_start3A_270[%dma_start3A_271, %dma_start3A_272] : memref<10240x128xf32, #tpu.memory_space<hbm>> -> memref<10240x128xf32, #tpu.memory_space<hbm>>
          tpu.enqueue_indirect_dma source(%dma_start3A_273 : memref<10240x128xf32, #tpu.memory_space<hbm>>) target(%arg11 : memref<80x128xf32, #tpu.memory_space<vmem>>) offsets(%dma_start3A_266 : memref<80xi32, #tpu.memory_space<vmem>>) semaphore(%arg16 : memref<!tpu.dma_semaphore, #tpu.memory_space<semaphore_mem>>)
        } else {
        }
        %mul3A_209 = arith.constant 4 : i32
        %mul3A_210 = arith.muli %mul3A_209, %scan3A_63 : i32
        %add3A_211 = arith.constant 3 : i32
        %add3A_212 = arith.addi %mul3A_210, %add3A_211 : i32
        %mul3A_213 = arith.constant 16 : i32
        %mul3A_214 = arith.muli %mul3A_47, %mul3A_213 : i32
        %add3A_215 = arith.addi %mul3A_214, %add3A_212 : i32
        %dma_wait3A_216 = arith.constant 0 : i32
        %dma_wait3A_217 = tpu.memref_slice %arg7[%add3A_212, %dma_wait3A_216] : memref<16x80xi32, #tpu.memory_space<vmem>> -> memref<1x80xi32, #tpu.memory_space<vmem>>
        %dma_wait3A_218 = tpu.memref_squeeze %dma_wait3A_217 : memref<1x80xi32, #tpu.memory_space<vmem>> -> memref<80xi32, #tpu.memory_space<vmem>>
        %dma_wait3A_219 = arith.constant 0 : i32
        %dma_wait3A_220 = arith.constant 0 : i32
        %dma_wait3A_221 = tpu.memref_slice %arg4[%arg0, %dma_wait3A_219, %dma_wait3A_220] : memref<2x10240x128xf32, #tpu.memory_space<hbm>> -> memref<1x10240x128xf32, #tpu.memory_space<hbm>>
        %dma_wait3A_222 = tpu.memref_squeeze %dma_wait3A_221 : memref<1x10240x128xf32, #tpu.memory_space<hbm>> -> memref<10240x128xf32, #tpu.memory_space<hbm>>
        %dma_wait3A_223 = arith.constant 0 : i32
        %dma_wait3A_224 = arith.constant 0 : i32
        %dma_wait3A_225 = tpu.memref_slice %dma_wait3A_222[%dma_wait3A_223, %dma_wait3A_224] : memref<10240x128xf32, #tpu.memory_space<hbm>> -> memref<10240x128xf32, #tpu.memory_space<hbm>>
        tpu.wait_indirect_dma semaphore(%arg19 : memref<!tpu.dma_semaphore, #tpu.memory_space<semaphore_mem>>) src(%dma_wait3A_225 : memref<10240x128xf32, #tpu.memory_space<hbm>>) dst(%arg14 : memref<80x128xf32, #tpu.memory_space<vmem>>)
        %dma_start3A_226 = arith.constant 0 : i32
        %dma_start3A_227 = tpu.memref_slice %arg8[%add3A_212, %dma_start3A_226] : memref<16x80xi32, #tpu.memory_space<vmem>> -> memref<1x80xi32, #tpu.memory_space<vmem>>
        %dma_start3A_228 = tpu.memref_squeeze %dma_start3A_227 : memref<1x80xi32, #tpu.memory_space<vmem>> -> memref<80xi32, #tpu.memory_space<vmem>>
        %dma_start3A_229 = arith.constant 0 : i32
        %dma_start3A_230 = arith.constant 0 : i32
        %dma_start3A_231 = tpu.memref_slice %arg15[%dma_start3A_229, %dma_start3A_230] : memref<10240x128xf32, #tpu.memory_space<vmem_shared>> -> memref<10240x128xf32, #tpu.memory_space<vmem_shared>>
        tpu.enqueue_indirect_dma source(%arg14 : memref<80x128xf32, #tpu.memory_space<vmem>>) target(%dma_start3A_231 : memref<10240x128xf32, #tpu.memory_space<vmem_shared>>) offsets(%dma_start3A_228 : memref<80xi32, #tpu.memory_space<vmem>>) semaphore(%arg23 : memref<!tpu.dma_semaphore, #tpu.memory_space<semaphore_mem>>) {add = true}
        %ge3A_232 = arith.constant 2 : i32
        %ge3A_233 = arith.cmpi sge, %add3A_215, %ge3A_232 : i32
        %convert_element_type3A_234 = arith.extui %ge3A_233 : i1 to i32
        %cond3A_235 = arith.constant 0 : i32
        %cond3A_236 = arith.cmpi ne, %convert_element_type3A_234, %cond3A_235 : i32
        scf.if %cond3A_236 {
          %dma_wait3A_256 = arith.constant 0 : i32
          %dma_wait3A_257 = tpu.memref_slice %arg8[%add3A_212, %dma_wait3A_256] : memref<16x80xi32, #tpu.memory_space<vmem>> -> memref<1x80xi32, #tpu.memory_space<vmem>>
          %dma_wait3A_258 = tpu.memref_squeeze %dma_wait3A_257 : memref<1x80xi32, #tpu.memory_space<vmem>> -> memref<80xi32, #tpu.memory_space<vmem>>
          %dma_wait3A_259 = arith.constant 0 : i32
          %dma_wait3A_260 = arith.constant 0 : i32
          %dma_wait3A_261 = tpu.memref_slice %arg15[%dma_wait3A_259, %dma_wait3A_260] : memref<10240x128xf32, #tpu.memory_space<vmem_shared>> -> memref<10240x128xf32, #tpu.memory_space<vmem_shared>>
          tpu.wait_indirect_dma semaphore(%arg21 : memref<!tpu.dma_semaphore, #tpu.memory_space<semaphore_mem>>) src(%arg12 : memref<80x128xf32, #tpu.memory_space<vmem>>) dst(%dma_wait3A_261 : memref<10240x128xf32, #tpu.memory_space<vmem_shared>>)
        } else {
        }
        %add3A_237 = arith.constant 2 : i32
        %add3A_238 = arith.addi %add3A_212, %add3A_237 : i32
        %lt3A_239 = arith.constant 16 : i32
        %lt3A_240 = arith.cmpi slt, %add3A_238, %lt3A_239 : i32
        %convert_element_type3A_241 = arith.extui %lt3A_240 : i1 to i32
        %cond3A_242 = arith.constant 0 : i32
        %cond3A_243 = arith.cmpi ne, %convert_element_type3A_241, %cond3A_242 : i32
        scf.if %cond3A_243 {
          %add3A_256 = arith.constant 2 : i32
          %add3A_257 = arith.addi %add3A_212, %add3A_256 : i32
          %dma_start3A_258 = arith.constant 0 : i32
          %dma_start3A_259 = tpu.memref_slice %arg7[%add3A_257, %dma_start3A_258] : memref<16x80xi32, #tpu.memory_space<vmem>> -> memref<1x80xi32, #tpu.memory_space<vmem>>
          %dma_start3A_260 = tpu.memref_squeeze %dma_start3A_259 : memref<1x80xi32, #tpu.memory_space<vmem>> -> memref<80xi32, #tpu.memory_space<vmem>>
          %dma_start3A_261 = arith.constant 0 : i32
          %dma_start3A_262 = arith.constant 0 : i32
          %dma_start3A_263 = tpu.memref_slice %arg4[%arg0, %dma_start3A_261, %dma_start3A_262] : memref<2x10240x128xf32, #tpu.memory_space<hbm>> -> memref<1x10240x128xf32, #tpu.memory_space<hbm>>
          %dma_start3A_264 = tpu.memref_squeeze %dma_start3A_263 : memref<1x10240x128xf32, #tpu.memory_space<hbm>> -> memref<10240x128xf32, #tpu.memory_space<hbm>>
          %dma_start3A_265 = arith.constant 0 : i32
          %dma_start3A_266 = arith.constant 0 : i32
          %dma_start3A_267 = tpu.memref_slice %dma_start3A_264[%dma_start3A_265, %dma_start3A_266] : memref<10240x128xf32, #tpu.memory_space<hbm>> -> memref<10240x128xf32, #tpu.memory_space<hbm>>
          tpu.enqueue_indirect_dma source(%dma_start3A_267 : memref<10240x128xf32, #tpu.memory_space<hbm>>) target(%arg12 : memref<80x128xf32, #tpu.memory_space<vmem>>) offsets(%dma_start3A_260 : memref<80xi32, #tpu.memory_space<vmem>>) semaphore(%arg17 : memref<!tpu.dma_semaphore, #tpu.memory_space<semaphore_mem>>)
        } else {
        }
        %add3A_244 = arith.constant 2 : i32
        %add3A_245 = arith.addi %add3A_212, %add3A_244 : i32
        %ge3A_246 = arith.constant 16 : i32
        %ge3A_247 = arith.cmpi sge, %add3A_245, %ge3A_246 : i32
        %add3A_248 = arith.constant 1 : i32
        %add3A_249 = arith.addi %mul3A_47, %add3A_248 : i32
        %lt3A_250 = arith.constant 16 : i32
        %lt3A_251 = arith.cmpi slt, %add3A_249, %lt3A_250 : i32
        %and3A_252 = arith.andi %ge3A_247, %lt3A_251 : i1
        %convert_element_type3A_253 = arith.extui %and3A_252 : i1 to i32
        %cond3A_254 = arith.constant 0 : i32
        %cond3A_255 = arith.cmpi ne, %convert_element_type3A_253, %cond3A_254 : i32
        scf.if %cond3A_255 {
          %eq3A_256 = arith.constant 14 : i32
          %eq3A_257 = arith.cmpi eq, %add3A_212, %eq3A_256 : i32
          %convert_element_type3A_258 = arith.extui %eq3A_257 : i1 to i32
          %cond3A_259 = arith.constant 0 : i32
          %cond3A_260 = arith.cmpi ne, %convert_element_type3A_258, %cond3A_259 : i32
          scf.if %cond3A_260 {
            %dma_wait3A_274 = arith.constant 0 : i32
            %dma_wait3A_275 = arith.constant 0 : i32
            %dma_wait3A_276 = tpu.memref_slice %arg2[%arg1, %dma_wait3A_274, %dma_wait3A_275] : memref<16x256x80xi32, #tpu.memory_space<hbm>> -> memref<1x16x80xi32, #tpu.memory_space<hbm>>
            %dma_wait3A_277 = tpu.memref_squeeze %dma_wait3A_276 : memref<1x16x80xi32, #tpu.memory_space<hbm>> -> memref<16x80xi32, #tpu.memory_space<hbm>>
            %dma_wait3A_278 = arith.constant 0 : i32
            %dma_wait3A_279 = arith.constant 0 : i32
            %dma_wait3A_280 = tpu.memref_slice %arg2[%arg1, %dma_wait3A_278, %dma_wait3A_279] : memref<16x256x80xi32, #tpu.memory_space<hbm>> -> memref<1x16x80xi32, #tpu.memory_space<hbm>>
            %dma_wait3A_281 = tpu.memref_squeeze %dma_wait3A_280 : memref<1x16x80xi32, #tpu.memory_space<hbm>> -> memref<16x80xi32, #tpu.memory_space<hbm>>
            tpu.wait_dma2 semaphore(%arg24 : memref<!tpu.dma_semaphore, #tpu.memory_space<semaphore_mem>>) src(%dma_wait3A_281 : memref<16x80xi32, #tpu.memory_space<hbm>>) dst(%arg9 : memref<16x80xi32, #tpu.memory_space<vmem>>)
            %dma_wait3A_282 = arith.constant 0 : i32
            %dma_wait3A_283 = arith.constant 0 : i32
            %dma_wait3A_284 = tpu.memref_slice %arg3[%arg1, %dma_wait3A_282, %dma_wait3A_283] : memref<16x256x80xi32, #tpu.memory_space<hbm>> -> memref<1x16x80xi32, #tpu.memory_space<hbm>>
            %dma_wait3A_285 = tpu.memref_squeeze %dma_wait3A_284 : memref<1x16x80xi32, #tpu.memory_space<hbm>> -> memref<16x80xi32, #tpu.memory_space<hbm>>
            %dma_wait3A_286 = arith.constant 0 : i32
            %dma_wait3A_287 = arith.constant 0 : i32
            %dma_wait3A_288 = tpu.memref_slice %arg3[%arg1, %dma_wait3A_286, %dma_wait3A_287] : memref<16x256x80xi32, #tpu.memory_space<hbm>> -> memref<1x16x80xi32, #tpu.memory_space<hbm>>
            %dma_wait3A_289 = tpu.memref_squeeze %dma_wait3A_288 : memref<1x16x80xi32, #tpu.memory_space<hbm>> -> memref<16x80xi32, #tpu.memory_space<hbm>>
            tpu.wait_dma2 semaphore(%arg24 : memref<!tpu.dma_semaphore, #tpu.memory_space<semaphore_mem>>) src(%dma_wait3A_289 : memref<16x80xi32, #tpu.memory_space<hbm>>) dst(%arg10 : memref<16x80xi32, #tpu.memory_space<vmem>>)
          } else {
          }
          %add3A_261 = arith.constant 2 : i32
          %add3A_262 = arith.addi %add3A_212, %add3A_261 : i32
          %sub3A = arith.constant 16 : i32
          %sub3A_263 = arith.subi %add3A_262, %sub3A : i32
          %dma_start3A_264 = arith.constant 0 : i32
          %dma_start3A_265 = tpu.memref_slice %arg9[%sub3A_263, %dma_start3A_264] : memref<16x80xi32, #tpu.memory_space<vmem>> -> memref<1x80xi32, #tpu.memory_space<vmem>>
          %dma_start3A_266 = tpu.memref_squeeze %dma_start3A_265 : memref<1x80xi32, #tpu.memory_space<vmem>> -> memref<80xi32, #tpu.memory_space<vmem>>
          %dma_start3A_267 = arith.constant 0 : i32
          %dma_start3A_268 = arith.constant 0 : i32
          %dma_start3A_269 = tpu.memref_slice %arg4[%arg0, %dma_start3A_267, %dma_start3A_268] : memref<2x10240x128xf32, #tpu.memory_space<hbm>> -> memref<1x10240x128xf32, #tpu.memory_space<hbm>>
          %dma_start3A_270 = tpu.memref_squeeze %dma_start3A_269 : memref<1x10240x128xf32, #tpu.memory_space<hbm>> -> memref<10240x128xf32, #tpu.memory_space<hbm>>
          %dma_start3A_271 = arith.constant 0 : i32
          %dma_start3A_272 = arith.constant 0 : i32
          %dma_start3A_273 = tpu.memref_slice %dma_start3A_270[%dma_start3A_271, %dma_start3A_272] : memref<10240x128xf32, #tpu.memory_space<hbm>> -> memref<10240x128xf32, #tpu.memory_space<hbm>>
          tpu.enqueue_indirect_dma source(%dma_start3A_273 : memref<10240x128xf32, #tpu.memory_space<hbm>>) target(%arg12 : memref<80x128xf32, #tpu.memory_space<vmem>>) offsets(%dma_start3A_266 : memref<80xi32, #tpu.memory_space<vmem>>) semaphore(%arg17 : memref<!tpu.dma_semaphore, #tpu.memory_space<semaphore_mem>>)
        } else {
        }
      }
      %scan3A_53 = arith.constant 4 : i32
      %mul3A_54 = arith.constant 2 : i32
      %mul3A_55 = arith.muli %mul3A_54, %scan3A_45 : i32
      %add3A = arith.constant 1 : i32
      %add3A_56 = arith.addi %mul3A_55, %add3A : i32
      %scan3A_57 = arith.constant 0 : i32
      %scan3A_58 = arith.constant 0 : i32
      %scan3A_59 = arith.constant 4 : i32
      %scan3A_60 = arith.addi %scan3A_58, %scan3A_59 : i32
      %scan3A_61 = arith.constant 1 : i32
      scf.for %scan3A_63 = %scan3A_58 to %scan3A_60 step %scan3A_61  : i32 {
        %mul3A_64 = arith.constant 4 : i32
        %mul3A_65 = arith.muli %mul3A_64, %scan3A_63 : i32
        %add3A_66 = arith.constant 0 : i32
        %add3A_67 = arith.addi %mul3A_65, %add3A_66 : i32
        %mul3A_68 = arith.constant 16 : i32
        %mul3A_69 = arith.muli %add3A_56, %mul3A_68 : i32
        %add3A_70 = arith.addi %mul3A_69, %add3A_67 : i32
        %dma_wait3A_71 = arith.constant 0 : i32
        %dma_wait3A_72 = tpu.memref_slice %arg9[%add3A_67, %dma_wait3A_71] : memref<16x80xi32, #tpu.memory_space<vmem>> -> memref<1x80xi32, #tpu.memory_space<vmem>>
        %dma_wait3A_73 = tpu.memref_squeeze %dma_wait3A_72 : memref<1x80xi32, #tpu.memory_space<vmem>> -> memref<80xi32, #tpu.memory_space<vmem>>
        %dma_wait3A_74 = arith.constant 0 : i32
        %dma_wait3A_75 = arith.constant 0 : i32
        %dma_wait3A_76 = tpu.memref_slice %arg4[%arg0, %dma_wait3A_74, %dma_wait3A_75] : memref<2x10240x128xf32, #tpu.memory_space<hbm>> -> memref<1x10240x128xf32, #tpu.memory_space<hbm>>
        %dma_wait3A_77 = tpu.memref_squeeze %dma_wait3A_76 : memref<1x10240x128xf32, #tpu.memory_space<hbm>> -> memref<10240x128xf32, #tpu.memory_space<hbm>>
        %dma_wait3A_78 = arith.constant 0 : i32
        %dma_wait3A_79 = arith.constant 0 : i32
        %dma_wait3A_80 = tpu.memref_slice %dma_wait3A_77[%dma_wait3A_78, %dma_wait3A_79] : memref<10240x128xf32, #tpu.memory_space<hbm>> -> memref<10240x128xf32, #tpu.memory_space<hbm>>
        tpu.wait_indirect_dma semaphore(%arg16 : memref<!tpu.dma_semaphore, #tpu.memory_space<semaphore_mem>>) src(%dma_wait3A_80 : memref<10240x128xf32, #tpu.memory_space<hbm>>) dst(%arg11 : memref<80x128xf32, #tpu.memory_space<vmem>>)
        %dma_start3A_81 = arith.constant 0 : i32
        %dma_start3A_82 = tpu.memref_slice %arg10[%add3A_67, %dma_start3A_81] : memref<16x80xi32, #tpu.memory_space<vmem>> -> memref<1x80xi32, #tpu.memory_space<vmem>>
        %dma_start3A_83 = tpu.memref_squeeze %dma_start3A_82 : memref<1x80xi32, #tpu.memory_space<vmem>> -> memref<80xi32, #tpu.memory_space<vmem>>
        %dma_start3A_84 = arith.constant 0 : i32
        %dma_start3A_85 = arith.constant 0 : i32
        %dma_start3A_86 = tpu.memref_slice %arg15[%dma_start3A_84, %dma_start3A_85] : memref<10240x128xf32, #tpu.memory_space<vmem_shared>> -> memref<10240x128xf32, #tpu.memory_space<vmem_shared>>
        tpu.enqueue_indirect_dma source(%arg11 : memref<80x128xf32, #tpu.memory_space<vmem>>) target(%dma_start3A_86 : memref<10240x128xf32, #tpu.memory_space<vmem_shared>>) offsets(%dma_start3A_83 : memref<80xi32, #tpu.memory_space<vmem>>) semaphore(%arg20 : memref<!tpu.dma_semaphore, #tpu.memory_space<semaphore_mem>>) {add = true}
        %ge3A = arith.constant 2 : i32
        %ge3A_87 = arith.cmpi sge, %add3A_70, %ge3A : i32
        %convert_element_type3A = arith.extui %ge3A_87 : i1 to i32
        %cond3A = arith.constant 0 : i32
        %cond3A_88 = arith.cmpi ne, %convert_element_type3A, %cond3A : i32
        scf.if %cond3A_88 {
          %dma_wait3A_256 = arith.constant 0 : i32
          %dma_wait3A_257 = tpu.memref_slice %arg10[%add3A_67, %dma_wait3A_256] : memref<16x80xi32, #tpu.memory_space<vmem>> -> memref<1x80xi32, #tpu.memory_space<vmem>>
          %dma_wait3A_258 = tpu.memref_squeeze %dma_wait3A_257 : memref<1x80xi32, #tpu.memory_space<vmem>> -> memref<80xi32, #tpu.memory_space<vmem>>
          %dma_wait3A_259 = arith.constant 0 : i32
          %dma_wait3A_260 = arith.constant 0 : i32
          %dma_wait3A_261 = tpu.memref_slice %arg15[%dma_wait3A_259, %dma_wait3A_260] : memref<10240x128xf32, #tpu.memory_space<vmem_shared>> -> memref<10240x128xf32, #tpu.memory_space<vmem_shared>>
          tpu.wait_indirect_dma semaphore(%arg22 : memref<!tpu.dma_semaphore, #tpu.memory_space<semaphore_mem>>) src(%arg13 : memref<80x128xf32, #tpu.memory_space<vmem>>) dst(%dma_wait3A_261 : memref<10240x128xf32, #tpu.memory_space<vmem_shared>>)
        } else {
        }
        %add3A_89 = arith.constant 2 : i32
        %add3A_90 = arith.addi %add3A_67, %add3A_89 : i32
        %lt3A = arith.constant 16 : i32
        %lt3A_91 = arith.cmpi slt, %add3A_90, %lt3A : i32
        %convert_element_type3A_92 = arith.extui %lt3A_91 : i1 to i32
        %cond3A_93 = arith.constant 0 : i32
        %cond3A_94 = arith.cmpi ne, %convert_element_type3A_92, %cond3A_93 : i32
        scf.if %cond3A_94 {
          %add3A_256 = arith.constant 2 : i32
          %add3A_257 = arith.addi %add3A_67, %add3A_256 : i32
          %dma_start3A_258 = arith.constant 0 : i32
          %dma_start3A_259 = tpu.memref_slice %arg9[%add3A_257, %dma_start3A_258] : memref<16x80xi32, #tpu.memory_space<vmem>> -> memref<1x80xi32, #tpu.memory_space<vmem>>
          %dma_start3A_260 = tpu.memref_squeeze %dma_start3A_259 : memref<1x80xi32, #tpu.memory_space<vmem>> -> memref<80xi32, #tpu.memory_space<vmem>>
          %dma_start3A_261 = arith.constant 0 : i32
          %dma_start3A_262 = arith.constant 0 : i32
          %dma_start3A_263 = tpu.memref_slice %arg4[%arg0, %dma_start3A_261, %dma_start3A_262] : memref<2x10240x128xf32, #tpu.memory_space<hbm>> -> memref<1x10240x128xf32, #tpu.memory_space<hbm>>
          %dma_start3A_264 = tpu.memref_squeeze %dma_start3A_263 : memref<1x10240x128xf32, #tpu.memory_space<hbm>> -> memref<10240x128xf32, #tpu.memory_space<hbm>>
          %dma_start3A_265 = arith.constant 0 : i32
          %dma_start3A_266 = arith.constant 0 : i32
          %dma_start3A_267 = tpu.memref_slice %dma_start3A_264[%dma_start3A_265, %dma_start3A_266] : memref<10240x128xf32, #tpu.memory_space<hbm>> -> memref<10240x128xf32, #tpu.memory_space<hbm>>
          tpu.enqueue_indirect_dma source(%dma_start3A_267 : memref<10240x128xf32, #tpu.memory_space<hbm>>) target(%arg13 : memref<80x128xf32, #tpu.memory_space<vmem>>) offsets(%dma_start3A_260 : memref<80xi32, #tpu.memory_space<vmem>>) semaphore(%arg18 : memref<!tpu.dma_semaphore, #tpu.memory_space<semaphore_mem>>)
        } else {
        }
        %add3A_95 = arith.constant 2 : i32
        %add3A_96 = arith.addi %add3A_67, %add3A_95 : i32
        %ge3A_97 = arith.constant 16 : i32
        %ge3A_98 = arith.cmpi sge, %add3A_96, %ge3A_97 : i32
        %add3A_99 = arith.constant 1 : i32
        %add3A_100 = arith.addi %add3A_56, %add3A_99 : i32
        %lt3A_101 = arith.constant 16 : i32
        %lt3A_102 = arith.cmpi slt, %add3A_100, %lt3A_101 : i32
        %and3A = arith.andi %ge3A_98, %lt3A_102 : i1
        %convert_element_type3A_103 = arith.extui %and3A : i1 to i32
        %cond3A_104 = arith.constant 0 : i32
        %cond3A_105 = arith.cmpi ne, %convert_element_type3A_103, %cond3A_104 : i32
        scf.if %cond3A_105 {
          %eq3A_256 = arith.constant 14 : i32
          %eq3A_257 = arith.cmpi eq, %add3A_67, %eq3A_256 : i32
          %convert_element_type3A_258 = arith.extui %eq3A_257 : i1 to i32
          %cond3A_259 = arith.constant 0 : i32
          %cond3A_260 = arith.cmpi ne, %convert_element_type3A_258, %cond3A_259 : i32
          scf.if %cond3A_260 {
            %dma_wait3A_274 = arith.constant 0 : i32
            %dma_wait3A_275 = arith.constant 0 : i32
            %dma_wait3A_276 = tpu.memref_slice %arg2[%arg1, %dma_wait3A_274, %dma_wait3A_275] : memref<16x256x80xi32, #tpu.memory_space<hbm>> -> memref<1x16x80xi32, #tpu.memory_space<hbm>>
            %dma_wait3A_277 = tpu.memref_squeeze %dma_wait3A_276 : memref<1x16x80xi32, #tpu.memory_space<hbm>> -> memref<16x80xi32, #tpu.memory_space<hbm>>
            %dma_wait3A_278 = arith.constant 0 : i32
            %dma_wait3A_279 = arith.constant 0 : i32
            %dma_wait3A_280 = tpu.memref_slice %arg2[%arg1, %dma_wait3A_278, %dma_wait3A_279] : memref<16x256x80xi32, #tpu.memory_space<hbm>> -> memref<1x16x80xi32, #tpu.memory_space<hbm>>
            %dma_wait3A_281 = tpu.memref_squeeze %dma_wait3A_280 : memref<1x16x80xi32, #tpu.memory_space<hbm>> -> memref<16x80xi32, #tpu.memory_space<hbm>>
            tpu.wait_dma2 semaphore(%arg24 : memref<!tpu.dma_semaphore, #tpu.memory_space<semaphore_mem>>) src(%dma_wait3A_281 : memref<16x80xi32, #tpu.memory_space<hbm>>) dst(%arg7 : memref<16x80xi32, #tpu.memory_space<vmem>>)
            %dma_wait3A_282 = arith.constant 0 : i32
            %dma_wait3A_283 = arith.constant 0 : i32
            %dma_wait3A_284 = tpu.memref_slice %arg3[%arg1, %dma_wait3A_282, %dma_wait3A_283] : memref<16x256x80xi32, #tpu.memory_space<hbm>> -> memref<1x16x80xi32, #tpu.memory_space<hbm>>
            %dma_wait3A_285 = tpu.memref_squeeze %dma_wait3A_284 : memref<1x16x80xi32, #tpu.memory_space<hbm>> -> memref<16x80xi32, #tpu.memory_space<hbm>>
            %dma_wait3A_286 = arith.constant 0 : i32
            %dma_wait3A_287 = arith.constant 0 : i32
            %dma_wait3A_288 = tpu.memref_slice %arg3[%arg1, %dma_wait3A_286, %dma_wait3A_287] : memref<16x256x80xi32, #tpu.memory_space<hbm>> -> memref<1x16x80xi32, #tpu.memory_space<hbm>>
            %dma_wait3A_289 = tpu.memref_squeeze %dma_wait3A_288 : memref<1x16x80xi32, #tpu.memory_space<hbm>> -> memref<16x80xi32, #tpu.memory_space<hbm>>
            tpu.wait_dma2 semaphore(%arg24 : memref<!tpu.dma_semaphore, #tpu.memory_space<semaphore_mem>>) src(%dma_wait3A_289 : memref<16x80xi32, #tpu.memory_space<hbm>>) dst(%arg8 : memref<16x80xi32, #tpu.memory_space<vmem>>)
          } else {
          }
          %add3A_261 = arith.constant 2 : i32
          %add3A_262 = arith.addi %add3A_67, %add3A_261 : i32
          %sub3A = arith.constant 16 : i32
          %sub3A_263 = arith.subi %add3A_262, %sub3A : i32
          %dma_start3A_264 = arith.constant 0 : i32
          %dma_start3A_265 = tpu.memref_slice %arg7[%sub3A_263, %dma_start3A_264] : memref<16x80xi32, #tpu.memory_space<vmem>> -> memref<1x80xi32, #tpu.memory_space<vmem>>
          %dma_start3A_266 = tpu.memref_squeeze %dma_start3A_265 : memref<1x80xi32, #tpu.memory_space<vmem>> -> memref<80xi32, #tpu.memory_space<vmem>>
          %dma_start3A_267 = arith.constant 0 : i32
          %dma_start3A_268 = arith.constant 0 : i32
          %dma_start3A_269 = tpu.memref_slice %arg4[%arg0, %dma_start3A_267, %dma_start3A_268] : memref<2x10240x128xf32, #tpu.memory_space<hbm>> -> memref<1x10240x128xf32, #tpu.memory_space<hbm>>
          %dma_start3A_270 = tpu.memref_squeeze %dma_start3A_269 : memref<1x10240x128xf32, #tpu.memory_space<hbm>> -> memref<10240x128xf32, #tpu.memory_space<hbm>>
          %dma_start3A_271 = arith.constant 0 : i32
          %dma_start3A_272 = arith.constant 0 : i32
          %dma_start3A_273 = tpu.memref_slice %dma_start3A_270[%dma_start3A_271, %dma_start3A_272] : memref<10240x128xf32, #tpu.memory_space<hbm>> -> memref<10240x128xf32, #tpu.memory_space<hbm>>
          tpu.enqueue_indirect_dma source(%dma_start3A_273 : memref<10240x128xf32, #tpu.memory_space<hbm>>) target(%arg13 : memref<80x128xf32, #tpu.memory_space<vmem>>) offsets(%dma_start3A_266 : memref<80xi32, #tpu.memory_space<vmem>>) semaphore(%arg18 : memref<!tpu.dma_semaphore, #tpu.memory_space<semaphore_mem>>)
        } else {
        }
        %mul3A_106 = arith.constant 4 : i32
        %mul3A_107 = arith.muli %mul3A_106, %scan3A_63 : i32
        %add3A_108 = arith.constant 1 : i32
        %add3A_109 = arith.addi %mul3A_107, %add3A_108 : i32
        %mul3A_110 = arith.constant 16 : i32
        %mul3A_111 = arith.muli %add3A_56, %mul3A_110 : i32
        %add3A_112 = arith.addi %mul3A_111, %add3A_109 : i32
        %dma_wait3A_113 = arith.constant 0 : i32
        %dma_wait3A_114 = tpu.memref_slice %arg9[%add3A_109, %dma_wait3A_113] : memref<16x80xi32, #tpu.memory_space<vmem>> -> memref<1x80xi32, #tpu.memory_space<vmem>>
        %dma_wait3A_115 = tpu.memref_squeeze %dma_wait3A_114 : memref<1x80xi32, #tpu.memory_space<vmem>> -> memref<80xi32, #tpu.memory_space<vmem>>
        %dma_wait3A_116 = arith.constant 0 : i32
        %dma_wait3A_117 = arith.constant 0 : i32
        %dma_wait3A_118 = tpu.memref_slice %arg4[%arg0, %dma_wait3A_116, %dma_wait3A_117] : memref<2x10240x128xf32, #tpu.memory_space<hbm>> -> memref<1x10240x128xf32, #tpu.memory_space<hbm>>
        %dma_wait3A_119 = tpu.memref_squeeze %dma_wait3A_118 : memref<1x10240x128xf32, #tpu.memory_space<hbm>> -> memref<10240x128xf32, #tpu.memory_space<hbm>>
        %dma_wait3A_120 = arith.constant 0 : i32
        %dma_wait3A_121 = arith.constant 0 : i32
        %dma_wait3A_122 = tpu.memref_slice %dma_wait3A_119[%dma_wait3A_120, %dma_wait3A_121] : memref<10240x128xf32, #tpu.memory_space<hbm>> -> memref<10240x128xf32, #tpu.memory_space<hbm>>
        tpu.wait_indirect_dma semaphore(%arg17 : memref<!tpu.dma_semaphore, #tpu.memory_space<semaphore_mem>>) src(%dma_wait3A_122 : memref<10240x128xf32, #tpu.memory_space<hbm>>) dst(%arg12 : memref<80x128xf32, #tpu.memory_space<vmem>>)
        %dma_start3A_123 = arith.constant 0 : i32
        %dma_start3A_124 = tpu.memref_slice %arg10[%add3A_109, %dma_start3A_123] : memref<16x80xi32, #tpu.memory_space<vmem>> -> memref<1x80xi32, #tpu.memory_space<vmem>>
        %dma_start3A_125 = tpu.memref_squeeze %dma_start3A_124 : memref<1x80xi32, #tpu.memory_space<vmem>> -> memref<80xi32, #tpu.memory_space<vmem>>
        %dma_start3A_126 = arith.constant 0 : i32
        %dma_start3A_127 = arith.constant 0 : i32
        %dma_start3A_128 = tpu.memref_slice %arg15[%dma_start3A_126, %dma_start3A_127] : memref<10240x128xf32, #tpu.memory_space<vmem_shared>> -> memref<10240x128xf32, #tpu.memory_space<vmem_shared>>
        tpu.enqueue_indirect_dma source(%arg12 : memref<80x128xf32, #tpu.memory_space<vmem>>) target(%dma_start3A_128 : memref<10240x128xf32, #tpu.memory_space<vmem_shared>>) offsets(%dma_start3A_125 : memref<80xi32, #tpu.memory_space<vmem>>) semaphore(%arg21 : memref<!tpu.dma_semaphore, #tpu.memory_space<semaphore_mem>>) {add = true}
        %ge3A_129 = arith.constant 2 : i32
        %ge3A_130 = arith.cmpi sge, %add3A_112, %ge3A_129 : i32
        %convert_element_type3A_131 = arith.extui %ge3A_130 : i1 to i32
        %cond3A_132 = arith.constant 0 : i32
        %cond3A_133 = arith.cmpi ne, %convert_element_type3A_131, %cond3A_132 : i32
        scf.if %cond3A_133 {
          %dma_wait3A_256 = arith.constant 0 : i32
          %dma_wait3A_257 = tpu.memref_slice %arg10[%add3A_109, %dma_wait3A_256] : memref<16x80xi32, #tpu.memory_space<vmem>> -> memref<1x80xi32, #tpu.memory_space<vmem>>
          %dma_wait3A_258 = tpu.memref_squeeze %dma_wait3A_257 : memref<1x80xi32, #tpu.memory_space<vmem>> -> memref<80xi32, #tpu.memory_space<vmem>>
          %dma_wait3A_259 = arith.constant 0 : i32
          %dma_wait3A_260 = arith.constant 0 : i32
          %dma_wait3A_261 = tpu.memref_slice %arg15[%dma_wait3A_259, %dma_wait3A_260] : memref<10240x128xf32, #tpu.memory_space<vmem_shared>> -> memref<10240x128xf32, #tpu.memory_space<vmem_shared>>
          tpu.wait_indirect_dma semaphore(%arg23 : memref<!tpu.dma_semaphore, #tpu.memory_space<semaphore_mem>>) src(%arg14 : memref<80x128xf32, #tpu.memory_space<vmem>>) dst(%dma_wait3A_261 : memref<10240x128xf32, #tpu.memory_space<vmem_shared>>)
        } else {
        }
        %add3A_134 = arith.constant 2 : i32
        %add3A_135 = arith.addi %add3A_109, %add3A_134 : i32
        %lt3A_136 = arith.constant 16 : i32
        %lt3A_137 = arith.cmpi slt, %add3A_135, %lt3A_136 : i32
        %convert_element_type3A_138 = arith.extui %lt3A_137 : i1 to i32
        %cond3A_139 = arith.constant 0 : i32
        %cond3A_140 = arith.cmpi ne, %convert_element_type3A_138, %cond3A_139 : i32
        scf.if %cond3A_140 {
          %add3A_256 = arith.constant 2 : i32
          %add3A_257 = arith.addi %add3A_109, %add3A_256 : i32
          %dma_start3A_258 = arith.constant 0 : i32
          %dma_start3A_259 = tpu.memref_slice %arg9[%add3A_257, %dma_start3A_258] : memref<16x80xi32, #tpu.memory_space<vmem>> -> memref<1x80xi32, #tpu.memory_space<vmem>>
          %dma_start3A_260 = tpu.memref_squeeze %dma_start3A_259 : memref<1x80xi32, #tpu.memory_space<vmem>> -> memref<80xi32, #tpu.memory_space<vmem>>
          %dma_start3A_261 = arith.constant 0 : i32
          %dma_start3A_262 = arith.constant 0 : i32
          %dma_start3A_263 = tpu.memref_slice %arg4[%arg0, %dma_start3A_261, %dma_start3A_262] : memref<2x10240x128xf32, #tpu.memory_space<hbm>> -> memref<1x10240x128xf32, #tpu.memory_space<hbm>>
          %dma_start3A_264 = tpu.memref_squeeze %dma_start3A_263 : memref<1x10240x128xf32, #tpu.memory_space<hbm>> -> memref<10240x128xf32, #tpu.memory_space<hbm>>
          %dma_start3A_265 = arith.constant 0 : i32
          %dma_start3A_266 = arith.constant 0 : i32
          %dma_start3A_267 = tpu.memref_slice %dma_start3A_264[%dma_start3A_265, %dma_start3A_266] : memref<10240x128xf32, #tpu.memory_space<hbm>> -> memref<10240x128xf32, #tpu.memory_space<hbm>>
          tpu.enqueue_indirect_dma source(%dma_start3A_267 : memref<10240x128xf32, #tpu.memory_space<hbm>>) target(%arg14 : memref<80x128xf32, #tpu.memory_space<vmem>>) offsets(%dma_start3A_260 : memref<80xi32, #tpu.memory_space<vmem>>) semaphore(%arg19 : memref<!tpu.dma_semaphore, #tpu.memory_space<semaphore_mem>>)
        } else {
        }
        %add3A_141 = arith.constant 2 : i32
        %add3A_142 = arith.addi %add3A_109, %add3A_141 : i32
        %ge3A_143 = arith.constant 16 : i32
        %ge3A_144 = arith.cmpi sge, %add3A_142, %ge3A_143 : i32
        %add3A_145 = arith.constant 1 : i32
        %add3A_146 = arith.addi %add3A_56, %add3A_145 : i32
        %lt3A_147 = arith.constant 16 : i32
        %lt3A_148 = arith.cmpi slt, %add3A_146, %lt3A_147 : i32
        %and3A_149 = arith.andi %ge3A_144, %lt3A_148 : i1
        %convert_element_type3A_150 = arith.extui %and3A_149 : i1 to i32
        %cond3A_151 = arith.constant 0 : i32
        %cond3A_152 = arith.cmpi ne, %convert_element_type3A_150, %cond3A_151 : i32
        scf.if %cond3A_152 {
          %eq3A_256 = arith.constant 14 : i32
          %eq3A_257 = arith.cmpi eq, %add3A_109, %eq3A_256 : i32
          %convert_element_type3A_258 = arith.extui %eq3A_257 : i1 to i32
          %cond3A_259 = arith.constant 0 : i32
          %cond3A_260 = arith.cmpi ne, %convert_element_type3A_258, %cond3A_259 : i32
          scf.if %cond3A_260 {
            %dma_wait3A_274 = arith.constant 0 : i32
            %dma_wait3A_275 = arith.constant 0 : i32
            %dma_wait3A_276 = tpu.memref_slice %arg2[%arg1, %dma_wait3A_274, %dma_wait3A_275] : memref<16x256x80xi32, #tpu.memory_space<hbm>> -> memref<1x16x80xi32, #tpu.memory_space<hbm>>
            %dma_wait3A_277 = tpu.memref_squeeze %dma_wait3A_276 : memref<1x16x80xi32, #tpu.memory_space<hbm>> -> memref<16x80xi32, #tpu.memory_space<hbm>>
            %dma_wait3A_278 = arith.constant 0 : i32
            %dma_wait3A_279 = arith.constant 0 : i32
            %dma_wait3A_280 = tpu.memref_slice %arg2[%arg1, %dma_wait3A_278, %dma_wait3A_279] : memref<16x256x80xi32, #tpu.memory_space<hbm>> -> memref<1x16x80xi32, #tpu.memory_space<hbm>>
            %dma_wait3A_281 = tpu.memref_squeeze %dma_wait3A_280 : memref<1x16x80xi32, #tpu.memory_space<hbm>> -> memref<16x80xi32, #tpu.memory_space<hbm>>
            tpu.wait_dma2 semaphore(%arg24 : memref<!tpu.dma_semaphore, #tpu.memory_space<semaphore_mem>>) src(%dma_wait3A_281 : memref<16x80xi32, #tpu.memory_space<hbm>>) dst(%arg7 : memref<16x80xi32, #tpu.memory_space<vmem>>)
            %dma_wait3A_282 = arith.constant 0 : i32
            %dma_wait3A_283 = arith.constant 0 : i32
            %dma_wait3A_284 = tpu.memref_slice %arg3[%arg1, %dma_wait3A_282, %dma_wait3A_283] : memref<16x256x80xi32, #tpu.memory_space<hbm>> -> memref<1x16x80xi32, #tpu.memory_space<hbm>>
            %dma_wait3A_285 = tpu.memref_squeeze %dma_wait3A_284 : memref<1x16x80xi32, #tpu.memory_space<hbm>> -> memref<16x80xi32, #tpu.memory_space<hbm>>
            %dma_wait3A_286 = arith.constant 0 : i32
            %dma_wait3A_287 = arith.constant 0 : i32
            %dma_wait3A_288 = tpu.memref_slice %arg3[%arg1, %dma_wait3A_286, %dma_wait3A_287] : memref<16x256x80xi32, #tpu.memory_space<hbm>> -> memref<1x16x80xi32, #tpu.memory_space<hbm>>
            %dma_wait3A_289 = tpu.memref_squeeze %dma_wait3A_288 : memref<1x16x80xi32, #tpu.memory_space<hbm>> -> memref<16x80xi32, #tpu.memory_space<hbm>>
            tpu.wait_dma2 semaphore(%arg24 : memref<!tpu.dma_semaphore, #tpu.memory_space<semaphore_mem>>) src(%dma_wait3A_289 : memref<16x80xi32, #tpu.memory_space<hbm>>) dst(%arg8 : memref<16x80xi32, #tpu.memory_space<vmem>>)
          } else {
          }
          %add3A_261 = arith.constant 2 : i32
          %add3A_262 = arith.addi %add3A_109, %add3A_261 : i32
          %sub3A = arith.constant 16 : i32
          %sub3A_263 = arith.subi %add3A_262, %sub3A : i32
          %dma_start3A_264 = arith.constant 0 : i32
          %dma_start3A_265 = tpu.memref_slice %arg7[%sub3A_263, %dma_start3A_264] : memref<16x80xi32, #tpu.memory_space<vmem>> -> memref<1x80xi32, #tpu.memory_space<vmem>>
          %dma_start3A_266 = tpu.memref_squeeze %dma_start3A_265 : memref<1x80xi32, #tpu.memory_space<vmem>> -> memref<80xi32, #tpu.memory_space<vmem>>
          %dma_start3A_267 = arith.constant 0 : i32
          %dma_start3A_268 = arith.constant 0 : i32
          %dma_start3A_269 = tpu.memref_slice %arg4[%arg0, %dma_start3A_267, %dma_start3A_268] : memref<2x10240x128xf32, #tpu.memory_space<hbm>> -> memref<1x10240x128xf32, #tpu.memory_space<hbm>>
          %dma_start3A_270 = tpu.memref_squeeze %dma_start3A_269 : memref<1x10240x128xf32, #tpu.memory_space<hbm>> -> memref<10240x128xf32, #tpu.memory_space<hbm>>
          %dma_start3A_271 = arith.constant 0 : i32
          %dma_start3A_272 = arith.constant 0 : i32
          %dma_start3A_273 = tpu.memref_slice %dma_start3A_270[%dma_start3A_271, %dma_start3A_272] : memref<10240x128xf32, #tpu.memory_space<hbm>> -> memref<10240x128xf32, #tpu.memory_space<hbm>>
          tpu.enqueue_indirect_dma source(%dma_start3A_273 : memref<10240x128xf32, #tpu.memory_space<hbm>>) target(%arg14 : memref<80x128xf32, #tpu.memory_space<vmem>>) offsets(%dma_start3A_266 : memref<80xi32, #tpu.memory_space<vmem>>) semaphore(%arg19 : memref<!tpu.dma_semaphore, #tpu.memory_space<semaphore_mem>>)
        } else {
        }
        %mul3A_153 = arith.constant 4 : i32
        %mul3A_154 = arith.muli %mul3A_153, %scan3A_63 : i32
        %add3A_155 = arith.constant 2 : i32
        %add3A_156 = arith.addi %mul3A_154, %add3A_155 : i32
        %mul3A_157 = arith.constant 16 : i32
        %mul3A_158 = arith.muli %add3A_56, %mul3A_157 : i32
        %add3A_159 = arith.addi %mul3A_158, %add3A_156 : i32
        %dma_wait3A_160 = arith.constant 0 : i32
        %dma_wait3A_161 = tpu.memref_slice %arg9[%add3A_156, %dma_wait3A_160] : memref<16x80xi32, #tpu.memory_space<vmem>> -> memref<1x80xi32, #tpu.memory_space<vmem>>
        %dma_wait3A_162 = tpu.memref_squeeze %dma_wait3A_161 : memref<1x80xi32, #tpu.memory_space<vmem>> -> memref<80xi32, #tpu.memory_space<vmem>>
        %dma_wait3A_163 = arith.constant 0 : i32
        %dma_wait3A_164 = arith.constant 0 : i32
        %dma_wait3A_165 = tpu.memref_slice %arg4[%arg0, %dma_wait3A_163, %dma_wait3A_164] : memref<2x10240x128xf32, #tpu.memory_space<hbm>> -> memref<1x10240x128xf32, #tpu.memory_space<hbm>>
        %dma_wait3A_166 = tpu.memref_squeeze %dma_wait3A_165 : memref<1x10240x128xf32, #tpu.memory_space<hbm>> -> memref<10240x128xf32, #tpu.memory_space<hbm>>
        %dma_wait3A_167 = arith.constant 0 : i32
        %dma_wait3A_168 = arith.constant 0 : i32
        %dma_wait3A_169 = tpu.memref_slice %dma_wait3A_166[%dma_wait3A_167, %dma_wait3A_168] : memref<10240x128xf32, #tpu.memory_space<hbm>> -> memref<10240x128xf32, #tpu.memory_space<hbm>>
        tpu.wait_indirect_dma semaphore(%arg18 : memref<!tpu.dma_semaphore, #tpu.memory_space<semaphore_mem>>) src(%dma_wait3A_169 : memref<10240x128xf32, #tpu.memory_space<hbm>>) dst(%arg13 : memref<80x128xf32, #tpu.memory_space<vmem>>)
        %dma_start3A_170 = arith.constant 0 : i32
        %dma_start3A_171 = tpu.memref_slice %arg10[%add3A_156, %dma_start3A_170] : memref<16x80xi32, #tpu.memory_space<vmem>> -> memref<1x80xi32, #tpu.memory_space<vmem>>
        %dma_start3A_172 = tpu.memref_squeeze %dma_start3A_171 : memref<1x80xi32, #tpu.memory_space<vmem>> -> memref<80xi32, #tpu.memory_space<vmem>>
        %dma_start3A_173 = arith.constant 0 : i32
        %dma_start3A_174 = arith.constant 0 : i32
        %dma_start3A_175 = tpu.memref_slice %arg15[%dma_start3A_173, %dma_start3A_174] : memref<10240x128xf32, #tpu.memory_space<vmem_shared>> -> memref<10240x128xf32, #tpu.memory_space<vmem_shared>>
        tpu.enqueue_indirect_dma source(%arg13 : memref<80x128xf32, #tpu.memory_space<vmem>>) target(%dma_start3A_175 : memref<10240x128xf32, #tpu.memory_space<vmem_shared>>) offsets(%dma_start3A_172 : memref<80xi32, #tpu.memory_space<vmem>>) semaphore(%arg22 : memref<!tpu.dma_semaphore, #tpu.memory_space<semaphore_mem>>) {add = true}
        %eq3A = arith.constant 2 : i32
        %eq3A_176 = arith.cmpi eq, %add3A_156, %eq3A : i32
        %add3A_177 = arith.constant 1 : i32
        %add3A_178 = arith.addi %add3A_56, %add3A_177 : i32
        %lt3A_179 = arith.constant 16 : i32
        %lt3A_180 = arith.cmpi slt, %add3A_178, %lt3A_179 : i32
        %and3A_181 = arith.andi %eq3A_176, %lt3A_180 : i1
        %convert_element_type3A_182 = arith.extui %and3A_181 : i1 to i32
        %cond3A_183 = arith.constant 0 : i32
        %cond3A_184 = arith.cmpi ne, %convert_element_type3A_182, %cond3A_183 : i32
        scf.if %cond3A_184 {
          %add3A_256 = arith.constant 1 : i32
          %add3A_257 = arith.addi %add3A_56, %add3A_256 : i32
          %mul3A_258 = arith.constant 16 : i32
          %mul3A_259 = arith.muli %add3A_257, %mul3A_258 : i32
          %dma_start3A_260 = arith.constant 0 : i32
          %dma_start3A_261 = tpu.memref_slice %arg2[%arg1, %mul3A_259, %dma_start3A_260] : memref<16x256x80xi32, #tpu.memory_space<hbm>> -> memref<1x16x80xi32, #tpu.memory_space<hbm>>
          %dma_start3A_262 = tpu.memref_squeeze %dma_start3A_261 : memref<1x16x80xi32, #tpu.memory_space<hbm>> -> memref<16x80xi32, #tpu.memory_space<hbm>>
          %dma_start3A_263 = arith.constant 0 : i32
          %dma_start3A_264 = tpu.memref_slice %arg2[%arg1, %mul3A_259, %dma_start3A_263] : memref<16x256x80xi32, #tpu.memory_space<hbm>> -> memref<1x16x80xi32, #tpu.memory_space<hbm>>
          %dma_start3A_265 = tpu.memref_squeeze %dma_start3A_264 : memref<1x16x80xi32, #tpu.memory_space<hbm>> -> memref<16x80xi32, #tpu.memory_space<hbm>>
          tpu.enqueue_dma source(%dma_start3A_265 : memref<16x80xi32, #tpu.memory_space<hbm>>) target(%arg7 : memref<16x80xi32, #tpu.memory_space<vmem>>) target_semaphore(%arg24 : memref<!tpu.dma_semaphore, #tpu.memory_space<semaphore_mem>>)
          %add3A_266 = arith.constant 1 : i32
          %add3A_267 = arith.addi %add3A_56, %add3A_266 : i32
          %mul3A_268 = arith.constant 16 : i32
          %mul3A_269 = arith.muli %add3A_267, %mul3A_268 : i32
          %dma_start3A_270 = arith.constant 0 : i32
          %dma_start3A_271 = tpu.memref_slice %arg3[%arg1, %mul3A_269, %dma_start3A_270] : memref<16x256x80xi32, #tpu.memory_space<hbm>> -> memref<1x16x80xi32, #tpu.memory_space<hbm>>
          %dma_start3A_272 = tpu.memref_squeeze %dma_start3A_271 : memref<1x16x80xi32, #tpu.memory_space<hbm>> -> memref<16x80xi32, #tpu.memory_space<hbm>>
          %dma_start3A_273 = arith.constant 0 : i32
          %dma_start3A_274 = tpu.memref_slice %arg3[%arg1, %mul3A_269, %dma_start3A_273] : memref<16x256x80xi32, #tpu.memory_space<hbm>> -> memref<1x16x80xi32, #tpu.memory_space<hbm>>
          %dma_start3A_275 = tpu.memref_squeeze %dma_start3A_274 : memref<1x16x80xi32, #tpu.memory_space<hbm>> -> memref<16x80xi32, #tpu.memory_space<hbm>>
          tpu.enqueue_dma source(%dma_start3A_275 : memref<16x80xi32, #tpu.memory_space<hbm>>) target(%arg8 : memref<16x80xi32, #tpu.memory_space<vmem>>) target_semaphore(%arg24 : memref<!tpu.dma_semaphore, #tpu.memory_space<semaphore_mem>>)
        } else {
        }
        %ge3A_185 = arith.constant 2 : i32
        %ge3A_186 = arith.cmpi sge, %add3A_159, %ge3A_185 : i32
        %convert_element_type3A_187 = arith.extui %ge3A_186 : i1 to i32
        %cond3A_188 = arith.constant 0 : i32
        %cond3A_189 = arith.cmpi ne, %convert_element_type3A_187, %cond3A_188 : i32
        scf.if %cond3A_189 {
          %dma_wait3A_256 = arith.constant 0 : i32
          %dma_wait3A_257 = tpu.memref_slice %arg10[%add3A_156, %dma_wait3A_256] : memref<16x80xi32, #tpu.memory_space<vmem>> -> memref<1x80xi32, #tpu.memory_space<vmem>>
          %dma_wait3A_258 = tpu.memref_squeeze %dma_wait3A_257 : memref<1x80xi32, #tpu.memory_space<vmem>> -> memref<80xi32, #tpu.memory_space<vmem>>
          %dma_wait3A_259 = arith.constant 0 : i32
          %dma_wait3A_260 = arith.constant 0 : i32
          %dma_wait3A_261 = tpu.memref_slice %arg15[%dma_wait3A_259, %dma_wait3A_260] : memref<10240x128xf32, #tpu.memory_space<vmem_shared>> -> memref<10240x128xf32, #tpu.memory_space<vmem_shared>>
          tpu.wait_indirect_dma semaphore(%arg20 : memref<!tpu.dma_semaphore, #tpu.memory_space<semaphore_mem>>) src(%arg11 : memref<80x128xf32, #tpu.memory_space<vmem>>) dst(%dma_wait3A_261 : memref<10240x128xf32, #tpu.memory_space<vmem_shared>>)
        } else {
        }
        %add3A_190 = arith.constant 2 : i32
        %add3A_191 = arith.addi %add3A_156, %add3A_190 : i32
        %lt3A_192 = arith.constant 16 : i32
        %lt3A_193 = arith.cmpi slt, %add3A_191, %lt3A_192 : i32
        %convert_element_type3A_194 = arith.extui %lt3A_193 : i1 to i32
        %cond3A_195 = arith.constant 0 : i32
        %cond3A_196 = arith.cmpi ne, %convert_element_type3A_194, %cond3A_195 : i32
        scf.if %cond3A_196 {
          %add3A_256 = arith.constant 2 : i32
          %add3A_257 = arith.addi %add3A_156, %add3A_256 : i32
          %dma_start3A_258 = arith.constant 0 : i32
          %dma_start3A_259 = tpu.memref_slice %arg9[%add3A_257, %dma_start3A_258] : memref<16x80xi32, #tpu.memory_space<vmem>> -> memref<1x80xi32, #tpu.memory_space<vmem>>
          %dma_start3A_260 = tpu.memref_squeeze %dma_start3A_259 : memref<1x80xi32, #tpu.memory_space<vmem>> -> memref<80xi32, #tpu.memory_space<vmem>>
          %dma_start3A_261 = arith.constant 0 : i32
          %dma_start3A_262 = arith.constant 0 : i32
          %dma_start3A_263 = tpu.memref_slice %arg4[%arg0, %dma_start3A_261, %dma_start3A_262] : memref<2x10240x128xf32, #tpu.memory_space<hbm>> -> memref<1x10240x128xf32, #tpu.memory_space<hbm>>
          %dma_start3A_264 = tpu.memref_squeeze %dma_start3A_263 : memref<1x10240x128xf32, #tpu.memory_space<hbm>> -> memref<10240x128xf32, #tpu.memory_space<hbm>>
          %dma_start3A_265 = arith.constant 0 : i32
          %dma_start3A_266 = arith.constant 0 : i32
          %dma_start3A_267 = tpu.memref_slice %dma_start3A_264[%dma_start3A_265, %dma_start3A_266] : memref<10240x128xf32, #tpu.memory_space<hbm>> -> memref<10240x128xf32, #tpu.memory_space<hbm>>
          tpu.enqueue_indirect_dma source(%dma_start3A_267 : memref<10240x128xf32, #tpu.memory_space<hbm>>) target(%arg11 : memref<80x128xf32, #tpu.memory_space<vmem>>) offsets(%dma_start3A_260 : memref<80xi32, #tpu.memory_space<vmem>>) semaphore(%arg16 : memref<!tpu.dma_semaphore, #tpu.memory_space<semaphore_mem>>)
        } else {
        }
        %add3A_197 = arith.constant 2 : i32
        %add3A_198 = arith.addi %add3A_156, %add3A_197 : i32
        %ge3A_199 = arith.constant 16 : i32
        %ge3A_200 = arith.cmpi sge, %add3A_198, %ge3A_199 : i32
        %add3A_201 = arith.constant 1 : i32
        %add3A_202 = arith.addi %add3A_56, %add3A_201 : i32
        %lt3A_203 = arith.constant 16 : i32
        %lt3A_204 = arith.cmpi slt, %add3A_202, %lt3A_203 : i32
        %and3A_205 = arith.andi %ge3A_200, %lt3A_204 : i1
        %convert_element_type3A_206 = arith.extui %and3A_205 : i1 to i32
        %cond3A_207 = arith.constant 0 : i32
        %cond3A_208 = arith.cmpi ne, %convert_element_type3A_206, %cond3A_207 : i32
        scf.if %cond3A_208 {
          %eq3A_256 = arith.constant 14 : i32
          %eq3A_257 = arith.cmpi eq, %add3A_156, %eq3A_256 : i32
          %convert_element_type3A_258 = arith.extui %eq3A_257 : i1 to i32
          %cond3A_259 = arith.constant 0 : i32
          %cond3A_260 = arith.cmpi ne, %convert_element_type3A_258, %cond3A_259 : i32
          scf.if %cond3A_260 {
            %dma_wait3A_274 = arith.constant 0 : i32
            %dma_wait3A_275 = arith.constant 0 : i32
            %dma_wait3A_276 = tpu.memref_slice %arg2[%arg1, %dma_wait3A_274, %dma_wait3A_275] : memref<16x256x80xi32, #tpu.memory_space<hbm>> -> memref<1x16x80xi32, #tpu.memory_space<hbm>>
            %dma_wait3A_277 = tpu.memref_squeeze %dma_wait3A_276 : memref<1x16x80xi32, #tpu.memory_space<hbm>> -> memref<16x80xi32, #tpu.memory_space<hbm>>
            %dma_wait3A_278 = arith.constant 0 : i32
            %dma_wait3A_279 = arith.constant 0 : i32
            %dma_wait3A_280 = tpu.memref_slice %arg2[%arg1, %dma_wait3A_278, %dma_wait3A_279] : memref<16x256x80xi32, #tpu.memory_space<hbm>> -> memref<1x16x80xi32, #tpu.memory_space<hbm>>
            %dma_wait3A_281 = tpu.memref_squeeze %dma_wait3A_280 : memref<1x16x80xi32, #tpu.memory_space<hbm>> -> memref<16x80xi32, #tpu.memory_space<hbm>>
            tpu.wait_dma2 semaphore(%arg24 : memref<!tpu.dma_semaphore, #tpu.memory_space<semaphore_mem>>) src(%dma_wait3A_281 : memref<16x80xi32, #tpu.memory_space<hbm>>) dst(%arg7 : memref<16x80xi32, #tpu.memory_space<vmem>>)
            %dma_wait3A_282 = arith.constant 0 : i32
            %dma_wait3A_283 = arith.constant 0 : i32
            %dma_wait3A_284 = tpu.memref_slice %arg3[%arg1, %dma_wait3A_282, %dma_wait3A_283] : memref<16x256x80xi32, #tpu.memory_space<hbm>> -> memref<1x16x80xi32, #tpu.memory_space<hbm>>
            %dma_wait3A_285 = tpu.memref_squeeze %dma_wait3A_284 : memref<1x16x80xi32, #tpu.memory_space<hbm>> -> memref<16x80xi32, #tpu.memory_space<hbm>>
            %dma_wait3A_286 = arith.constant 0 : i32
            %dma_wait3A_287 = arith.constant 0 : i32
            %dma_wait3A_288 = tpu.memref_slice %arg3[%arg1, %dma_wait3A_286, %dma_wait3A_287] : memref<16x256x80xi32, #tpu.memory_space<hbm>> -> memref<1x16x80xi32, #tpu.memory_space<hbm>>
            %dma_wait3A_289 = tpu.memref_squeeze %dma_wait3A_288 : memref<1x16x80xi32, #tpu.memory_space<hbm>> -> memref<16x80xi32, #tpu.memory_space<hbm>>
            tpu.wait_dma2 semaphore(%arg24 : memref<!tpu.dma_semaphore, #tpu.memory_space<semaphore_mem>>) src(%dma_wait3A_289 : memref<16x80xi32, #tpu.memory_space<hbm>>) dst(%arg8 : memref<16x80xi32, #tpu.memory_space<vmem>>)
          } else {
          }
          %add3A_261 = arith.constant 2 : i32
          %add3A_262 = arith.addi %add3A_156, %add3A_261 : i32
          %sub3A = arith.constant 16 : i32
          %sub3A_263 = arith.subi %add3A_262, %sub3A : i32
          %dma_start3A_264 = arith.constant 0 : i32
          %dma_start3A_265 = tpu.memref_slice %arg7[%sub3A_263, %dma_start3A_264] : memref<16x80xi32, #tpu.memory_space<vmem>> -> memref<1x80xi32, #tpu.memory_space<vmem>>
          %dma_start3A_266 = tpu.memref_squeeze %dma_start3A_265 : memref<1x80xi32, #tpu.memory_space<vmem>> -> memref<80xi32, #tpu.memory_space<vmem>>
          %dma_start3A_267 = arith.constant 0 : i32
          %dma_start3A_268 = arith.constant 0 : i32
          %dma_start3A_269 = tpu.memref_slice %arg4[%arg0, %dma_start3A_267, %dma_start3A_268] : memref<2x10240x128xf32, #tpu.memory_space<hbm>> -> memref<1x10240x128xf32, #tpu.memory_space<hbm>>
          %dma_start3A_270 = tpu.memref_squeeze %dma_start3A_269 : memref<1x10240x128xf32, #tpu.memory_space<hbm>> -> memref<10240x128xf32, #tpu.memory_space<hbm>>
          %dma_start3A_271 = arith.constant 0 : i32
          %dma_start3A_272 = arith.constant 0 : i32
          %dma_start3A_273 = tpu.memref_slice %dma_start3A_270[%dma_start3A_271, %dma_start3A_272] : memref<10240x128xf32, #tpu.memory_space<hbm>> -> memref<10240x128xf32, #tpu.memory_space<hbm>>
          tpu.enqueue_indirect_dma source(%dma_start3A_273 : memref<10240x128xf32, #tpu.memory_space<hbm>>) target(%arg11 : memref<80x128xf32, #tpu.memory_space<vmem>>) offsets(%dma_start3A_266 : memref<80xi32, #tpu.memory_space<vmem>>) semaphore(%arg16 : memref<!tpu.dma_semaphore, #tpu.memory_space<semaphore_mem>>)
        } else {
        }
        %mul3A_209 = arith.constant 4 : i32
        %mul3A_210 = arith.muli %mul3A_209, %scan3A_63 : i32
        %add3A_211 = arith.constant 3 : i32
        %add3A_212 = arith.addi %mul3A_210, %add3A_211 : i32
        %mul3A_213 = arith.constant 16 : i32
        %mul3A_214 = arith.muli %add3A_56, %mul3A_213 : i32
        %add3A_215 = arith.addi %mul3A_214, %add3A_212 : i32
        %dma_wait3A_216 = arith.constant 0 : i32
        %dma_wait3A_217 = tpu.memref_slice %arg9[%add3A_212, %dma_wait3A_216] : memref<16x80xi32, #tpu.memory_space<vmem>> -> memref<1x80xi32, #tpu.memory_space<vmem>>
        %dma_wait3A_218 = tpu.memref_squeeze %dma_wait3A_217 : memref<1x80xi32, #tpu.memory_space<vmem>> -> memref<80xi32, #tpu.memory_space<vmem>>
        %dma_wait3A_219 = arith.constant 0 : i32
        %dma_wait3A_220 = arith.constant 0 : i32
        %dma_wait3A_221 = tpu.memref_slice %arg4[%arg0, %dma_wait3A_219, %dma_wait3A_220] : memref<2x10240x128xf32, #tpu.memory_space<hbm>> -> memref<1x10240x128xf32, #tpu.memory_space<hbm>>
        %dma_wait3A_222 = tpu.memref_squeeze %dma_wait3A_221 : memref<1x10240x128xf32, #tpu.memory_space<hbm>> -> memref<10240x128xf32, #tpu.memory_space<hbm>>
        %dma_wait3A_223 = arith.constant 0 : i32
        %dma_wait3A_224 = arith.constant 0 : i32
        %dma_wait3A_225 = tpu.memref_slice %dma_wait3A_222[%dma_wait3A_223, %dma_wait3A_224] : memref<10240x128xf32, #tpu.memory_space<hbm>> -> memref<10240x128xf32, #tpu.memory_space<hbm>>
        tpu.wait_indirect_dma semaphore(%arg19 : memref<!tpu.dma_semaphore, #tpu.memory_space<semaphore_mem>>) src(%dma_wait3A_225 : memref<10240x128xf32, #tpu.memory_space<hbm>>) dst(%arg14 : memref<80x128xf32, #tpu.memory_space<vmem>>)
        %dma_start3A_226 = arith.constant 0 : i32
        %dma_start3A_227 = tpu.memref_slice %arg10[%add3A_212, %dma_start3A_226] : memref<16x80xi32, #tpu.memory_space<vmem>> -> memref<1x80xi32, #tpu.memory_space<vmem>>
        %dma_start3A_228 = tpu.memref_squeeze %dma_start3A_227 : memref<1x80xi32, #tpu.memory_space<vmem>> -> memref<80xi32, #tpu.memory_space<vmem>>
        %dma_start3A_229 = arith.constant 0 : i32
        %dma_start3A_230 = arith.constant 0 : i32
        %dma_start3A_231 = tpu.memref_slice %arg15[%dma_start3A_229, %dma_start3A_230] : memref<10240x128xf32, #tpu.memory_space<vmem_shared>> -> memref<10240x128xf32, #tpu.memory_space<vmem_shared>>
        tpu.enqueue_indirect_dma source(%arg14 : memref<80x128xf32, #tpu.memory_space<vmem>>) target(%dma_start3A_231 : memref<10240x128xf32, #tpu.memory_space<vmem_shared>>) offsets(%dma_start3A_228 : memref<80xi32, #tpu.memory_space<vmem>>) semaphore(%arg23 : memref<!tpu.dma_semaphore, #tpu.memory_space<semaphore_mem>>) {add = true}
        %ge3A_232 = arith.constant 2 : i32
        %ge3A_233 = arith.cmpi sge, %add3A_215, %ge3A_232 : i32
        %convert_element_type3A_234 = arith.extui %ge3A_233 : i1 to i32
        %cond3A_235 = arith.constant 0 : i32
        %cond3A_236 = arith.cmpi ne, %convert_element_type3A_234, %cond3A_235 : i32
        scf.if %cond3A_236 {
          %dma_wait3A_256 = arith.constant 0 : i32
          %dma_wait3A_257 = tpu.memref_slice %arg10[%add3A_212, %dma_wait3A_256] : memref<16x80xi32, #tpu.memory_space<vmem>> -> memref<1x80xi32, #tpu.memory_space<vmem>>
          %dma_wait3A_258 = tpu.memref_squeeze %dma_wait3A_257 : memref<1x80xi32, #tpu.memory_space<vmem>> -> memref<80xi32, #tpu.memory_space<vmem>>
          %dma_wait3A_259 = arith.constant 0 : i32
          %dma_wait3A_260 = arith.constant 0 : i32
          %dma_wait3A_261 = tpu.memref_slice %arg15[%dma_wait3A_259, %dma_wait3A_260] : memref<10240x128xf32, #tpu.memory_space<vmem_shared>> -> memref<10240x128xf32, #tpu.memory_space<vmem_shared>>
          tpu.wait_indirect_dma semaphore(%arg21 : memref<!tpu.dma_semaphore, #tpu.memory_space<semaphore_mem>>) src(%arg12 : memref<80x128xf32, #tpu.memory_space<vmem>>) dst(%dma_wait3A_261 : memref<10240x128xf32, #tpu.memory_space<vmem_shared>>)
        } else {
        }
        %add3A_237 = arith.constant 2 : i32
        %add3A_238 = arith.addi %add3A_212, %add3A_237 : i32
        %lt3A_239 = arith.constant 16 : i32
        %lt3A_240 = arith.cmpi slt, %add3A_238, %lt3A_239 : i32
        %convert_element_type3A_241 = arith.extui %lt3A_240 : i1 to i32
        %cond3A_242 = arith.constant 0 : i32
        %cond3A_243 = arith.cmpi ne, %convert_element_type3A_241, %cond3A_242 : i32
        scf.if %cond3A_243 {
          %add3A_256 = arith.constant 2 : i32
          %add3A_257 = arith.addi %add3A_212, %add3A_256 : i32
          %dma_start3A_258 = arith.constant 0 : i32
          %dma_start3A_259 = tpu.memref_slice %arg9[%add3A_257, %dma_start3A_258] : memref<16x80xi32, #tpu.memory_space<vmem>> -> memref<1x80xi32, #tpu.memory_space<vmem>>
          %dma_start3A_260 = tpu.memref_squeeze %dma_start3A_259 : memref<1x80xi32, #tpu.memory_space<vmem>> -> memref<80xi32, #tpu.memory_space<vmem>>
          %dma_start3A_261 = arith.constant 0 : i32
          %dma_start3A_262 = arith.constant 0 : i32
          %dma_start3A_263 = tpu.memref_slice %arg4[%arg0, %dma_start3A_261, %dma_start3A_262] : memref<2x10240x128xf32, #tpu.memory_space<hbm>> -> memref<1x10240x128xf32, #tpu.memory_space<hbm>>
          %dma_start3A_264 = tpu.memref_squeeze %dma_start3A_263 : memref<1x10240x128xf32, #tpu.memory_space<hbm>> -> memref<10240x128xf32, #tpu.memory_space<hbm>>
          %dma_start3A_265 = arith.constant 0 : i32
          %dma_start3A_266 = arith.constant 0 : i32
          %dma_start3A_267 = tpu.memref_slice %dma_start3A_264[%dma_start3A_265, %dma_start3A_266] : memref<10240x128xf32, #tpu.memory_space<hbm>> -> memref<10240x128xf32, #tpu.memory_space<hbm>>
          tpu.enqueue_indirect_dma source(%dma_start3A_267 : memref<10240x128xf32, #tpu.memory_space<hbm>>) target(%arg12 : memref<80x128xf32, #tpu.memory_space<vmem>>) offsets(%dma_start3A_260 : memref<80xi32, #tpu.memory_space<vmem>>) semaphore(%arg17 : memref<!tpu.dma_semaphore, #tpu.memory_space<semaphore_mem>>)
        } else {
        }
        %add3A_244 = arith.constant 2 : i32
        %add3A_245 = arith.addi %add3A_212, %add3A_244 : i32
        %ge3A_246 = arith.constant 16 : i32
        %ge3A_247 = arith.cmpi sge, %add3A_245, %ge3A_246 : i32
        %add3A_248 = arith.constant 1 : i32
        %add3A_249 = arith.addi %add3A_56, %add3A_248 : i32
        %lt3A_250 = arith.constant 16 : i32
        %lt3A_251 = arith.cmpi slt, %add3A_249, %lt3A_250 : i32
        %and3A_252 = arith.andi %ge3A_247, %lt3A_251 : i1
        %convert_element_type3A_253 = arith.extui %and3A_252 : i1 to i32
        %cond3A_254 = arith.constant 0 : i32
        %cond3A_255 = arith.cmpi ne, %convert_element_type3A_253, %cond3A_254 : i32
        scf.if %cond3A_255 {
          %eq3A_256 = arith.constant 14 : i32
          %eq3A_257 = arith.cmpi eq, %add3A_212, %eq3A_256 : i32
          %convert_element_type3A_258 = arith.extui %eq3A_257 : i1 to i32
          %cond3A_259 = arith.constant 0 : i32
          %cond3A_260 = arith.cmpi ne, %convert_element_type3A_258, %cond3A_259 : i32
          scf.if %cond3A_260 {
            %dma_wait3A_274 = arith.constant 0 : i32
            %dma_wait3A_275 = arith.constant 0 : i32
            %dma_wait3A_276 = tpu.memref_slice %arg2[%arg1, %dma_wait3A_274, %dma_wait3A_275] : memref<16x256x80xi32, #tpu.memory_space<hbm>> -> memref<1x16x80xi32, #tpu.memory_space<hbm>>
            %dma_wait3A_277 = tpu.memref_squeeze %dma_wait3A_276 : memref<1x16x80xi32, #tpu.memory_space<hbm>> -> memref<16x80xi32, #tpu.memory_space<hbm>>
            %dma_wait3A_278 = arith.constant 0 : i32
            %dma_wait3A_279 = arith.constant 0 : i32
            %dma_wait3A_280 = tpu.memref_slice %arg2[%arg1, %dma_wait3A_278, %dma_wait3A_279] : memref<16x256x80xi32, #tpu.memory_space<hbm>> -> memref<1x16x80xi32, #tpu.memory_space<hbm>>
            %dma_wait3A_281 = tpu.memref_squeeze %dma_wait3A_280 : memref<1x16x80xi32, #tpu.memory_space<hbm>> -> memref<16x80xi32, #tpu.memory_space<hbm>>
            tpu.wait_dma2 semaphore(%arg24 : memref<!tpu.dma_semaphore, #tpu.memory_space<semaphore_mem>>) src(%dma_wait3A_281 : memref<16x80xi32, #tpu.memory_space<hbm>>) dst(%arg7 : memref<16x80xi32, #tpu.memory_space<vmem>>)
            %dma_wait3A_282 = arith.constant 0 : i32
            %dma_wait3A_283 = arith.constant 0 : i32
            %dma_wait3A_284 = tpu.memref_slice %arg3[%arg1, %dma_wait3A_282, %dma_wait3A_283] : memref<16x256x80xi32, #tpu.memory_space<hbm>> -> memref<1x16x80xi32, #tpu.memory_space<hbm>>
            %dma_wait3A_285 = tpu.memref_squeeze %dma_wait3A_284 : memref<1x16x80xi32, #tpu.memory_space<hbm>> -> memref<16x80xi32, #tpu.memory_space<hbm>>
            %dma_wait3A_286 = arith.constant 0 : i32
            %dma_wait3A_287 = arith.constant 0 : i32
            %dma_wait3A_288 = tpu.memref_slice %arg3[%arg1, %dma_wait3A_286, %dma_wait3A_287] : memref<16x256x80xi32, #tpu.memory_space<hbm>> -> memref<1x16x80xi32, #tpu.memory_space<hbm>>
            %dma_wait3A_289 = tpu.memref_squeeze %dma_wait3A_288 : memref<1x16x80xi32, #tpu.memory_space<hbm>> -> memref<16x80xi32, #tpu.memory_space<hbm>>
            tpu.wait_dma2 semaphore(%arg24 : memref<!tpu.dma_semaphore, #tpu.memory_space<semaphore_mem>>) src(%dma_wait3A_289 : memref<16x80xi32, #tpu.memory_space<hbm>>) dst(%arg8 : memref<16x80xi32, #tpu.memory_space<vmem>>)
          } else {
          }
          %add3A_261 = arith.constant 2 : i32
          %add3A_262 = arith.addi %add3A_212, %add3A_261 : i32
          %sub3A = arith.constant 16 : i32
          %sub3A_263 = arith.subi %add3A_262, %sub3A : i32
          %dma_start3A_264 = arith.constant 0 : i32
          %dma_start3A_265 = tpu.memref_slice %arg7[%sub3A_263, %dma_start3A_264] : memref<16x80xi32, #tpu.memory_space<vmem>> -> memref<1x80xi32, #tpu.memory_space<vmem>>
          %dma_start3A_266 = tpu.memref_squeeze %dma_start3A_265 : memref<1x80xi32, #tpu.memory_space<vmem>> -> memref<80xi32, #tpu.memory_space<vmem>>
          %dma_start3A_267 = arith.constant 0 : i32
          %dma_start3A_268 = arith.constant 0 : i32
          %dma_start3A_269 = tpu.memref_slice %arg4[%arg0, %dma_start3A_267, %dma_start3A_268] : memref<2x10240x128xf32, #tpu.memory_space<hbm>> -> memref<1x10240x128xf32, #tpu.memory_space<hbm>>
          %dma_start3A_270 = tpu.memref_squeeze %dma_start3A_269 : memref<1x10240x128xf32, #tpu.memory_space<hbm>> -> memref<10240x128xf32, #tpu.memory_space<hbm>>
          %dma_start3A_271 = arith.constant 0 : i32
          %dma_start3A_272 = arith.constant 0 : i32
          %dma_start3A_273 = tpu.memref_slice %dma_start3A_270[%dma_start3A_271, %dma_start3A_272] : memref<10240x128xf32, #tpu.memory_space<hbm>> -> memref<10240x128xf32, #tpu.memory_space<hbm>>
          tpu.enqueue_indirect_dma source(%dma_start3A_273 : memref<10240x128xf32, #tpu.memory_space<hbm>>) target(%arg12 : memref<80x128xf32, #tpu.memory_space<vmem>>) offsets(%dma_start3A_266 : memref<80xi32, #tpu.memory_space<vmem>>) semaphore(%arg17 : memref<!tpu.dma_semaphore, #tpu.memory_space<semaphore_mem>>)
        } else {
        }
      }
      %scan3A_62 = arith.constant 4 : i32
    }
    %scan3A_26 = arith.constant 8 : i32
    %dma_wait3A = arith.constant 0 : i32
    %dma_wait3A_27 = arith.constant 0 : i32
    %dma_wait3A_28 = tpu.memref_slice %arg8[%dma_wait3A, %dma_wait3A_27] : memref<16x80xi32, #tpu.memory_space<vmem>> -> memref<1x80xi32, #tpu.memory_space<vmem>>
    %dma_wait3A_29 = tpu.memref_squeeze %dma_wait3A_28 : memref<1x80xi32, #tpu.memory_space<vmem>> -> memref<80xi32, #tpu.memory_space<vmem>>
    %dma_wait3A_30 = arith.constant 0 : i32
    %dma_wait3A_31 = arith.constant 0 : i32
    %dma_wait3A_32 = tpu.memref_slice %arg15[%dma_wait3A_30, %dma_wait3A_31] : memref<10240x128xf32, #tpu.memory_space<vmem_shared>> -> memref<10240x128xf32, #tpu.memory_space<vmem_shared>>
    tpu.wait_indirect_dma semaphore(%arg22 : memref<!tpu.dma_semaphore, #tpu.memory_space<semaphore_mem>>) src(%arg13 : memref<80x128xf32, #tpu.memory_space<vmem>>) dst(%dma_wait3A_32 : memref<10240x128xf32, #tpu.memory_space<vmem_shared>>)
    %dma_wait3A_33 = arith.constant 0 : i32
    %dma_wait3A_34 = arith.constant 0 : i32
    %dma_wait3A_35 = tpu.memref_slice %arg8[%dma_wait3A_33, %dma_wait3A_34] : memref<16x80xi32, #tpu.memory_space<vmem>> -> memref<1x80xi32, #tpu.memory_space<vmem>>
    %dma_wait3A_36 = tpu.memref_squeeze %dma_wait3A_35 : memref<1x80xi32, #tpu.memory_space<vmem>> -> memref<80xi32, #tpu.memory_space<vmem>>
    %dma_wait3A_37 = arith.constant 0 : i32
    %dma_wait3A_38 = arith.constant 0 : i32
    %dma_wait3A_39 = tpu.memref_slice %arg15[%dma_wait3A_37, %dma_wait3A_38] : memref<10240x128xf32, #tpu.memory_space<vmem_shared>> -> memref<10240x128xf32, #tpu.memory_space<vmem_shared>>
    tpu.wait_indirect_dma semaphore(%arg23 : memref<!tpu.dma_semaphore, #tpu.memory_space<semaphore_mem>>) src(%arg14 : memref<80x128xf32, #tpu.memory_space<vmem>>) dst(%dma_wait3A_39 : memref<10240x128xf32, #tpu.memory_space<vmem_shared>>)
    %barrier3A_40 = arith.constant 0 : index
    tpu.barrier barrier_id(%barrier3A_40)
    %mul3A_41 = arith.constant 640 : i32
    %mul3A_42 = arith.muli %arg1, %mul3A_41 : i32
    %mul3A_43 = arith.constant 640 : i32
    %mul3A_44 = arith.muli %arg1, %mul3A_43 : i32
    "tpu.region"() ({
      %run_scoped3A = tpu.sem_alloc : memref<!tpu.dma_semaphore, #tpu.memory_space<semaphore_mem>>
      %dma_start3A_45 = arith.constant 0 : i32
      %dma_start3A_46 = tpu.memref_slice %arg6[%arg0, %mul3A_44, %dma_start3A_45] : memref<2x10240x128xf32, #tpu.memory_space<hbm>> -> memref<1x640x128xf32, #tpu.memory_space<hbm>>
      %dma_start3A_47 = tpu.memref_squeeze %dma_start3A_46 : memref<1x640x128xf32, #tpu.memory_space<hbm>> -> memref<640x128xf32, #tpu.memory_space<hbm>>
      %dma_start3A_48 = arith.constant 0 : i32
      %dma_start3A_49 = tpu.memref_slice %arg15[%mul3A_42, %dma_start3A_48] : memref<10240x128xf32, #tpu.memory_space<vmem_shared>> -> memref<640x128xf32, #tpu.memory_space<vmem_shared>>
      tpu.enqueue_dma source(%dma_start3A_49 : memref<640x128xf32, #tpu.memory_space<vmem_shared>>) target(%dma_start3A_47 : memref<640x128xf32, #tpu.memory_space<hbm>>) target_semaphore(%run_scoped3A : memref<!tpu.dma_semaphore, #tpu.memory_space<semaphore_mem>>)
      %dma_wait3A_50 = arith.constant 0 : i32
      %dma_wait3A_51 = tpu.memref_slice %arg6[%arg0, %mul3A_44, %dma_wait3A_50] : memref<2x10240x128xf32, #tpu.memory_space<hbm>> -> memref<1x640x128xf32, #tpu.memory_space<hbm>>
      %dma_wait3A_52 = tpu.memref_squeeze %dma_wait3A_51 : memref<1x640x128xf32, #tpu.memory_space<hbm>> -> memref<640x128xf32, #tpu.memory_space<hbm>>
      %dma_wait3A_53 = arith.constant 0 : i32
      %dma_wait3A_54 = tpu.memref_slice %arg15[%mul3A_42, %dma_wait3A_53] : memref<10240x128xf32, #tpu.memory_space<vmem_shared>> -> memref<640x128xf32, #tpu.memory_space<vmem_shared>>
      tpu.wait_dma2 semaphore(%run_scoped3A : memref<!tpu.dma_semaphore, #tpu.memory_space<semaphore_mem>>) src(%dma_wait3A_54 : memref<640x128xf32, #tpu.memory_space<vmem_shared>>) dst(%dma_wait3A_52 : memref<640x128xf32, #tpu.memory_space<hbm>>)
      tpu.yield
    }) : () -> ()
    return
  }
}

#map = affine_map<(d0, d1) -> (0, 0, 0)>
#map1 = affine_map<(d0, d1) -> (0)>
module attributes {stable_mosaic.version = 14 : i64} {
  func.func @_deg_body(%arg0: i32, %arg1: i32, %arg2: memref<16x256x80xi32, #tpu.memory_space<hbm>>, %arg3: memref<16x256x80xi32, #tpu.memory_space<hbm>>, %arg4: memref<80xf32, #tpu.memory_space<hbm>>, %arg5: memref<640xf32, #tpu.memory_space<hbm>>, %arg6: memref<2x2x10240xf32, #tpu.memory_space<hbm>>, %arg7: memref<128x80xi32, #tpu.memory_space<vmem>>, %arg8: memref<128x80xi32, #tpu.memory_space<vmem>>, %arg9: memref<80xf32, #tpu.memory_space<vmem>>, %arg10: memref<10240xf32, #tpu.memory_space<vmem_shared>>, %arg11: memref<10240xf32, #tpu.memory_space<vmem_shared>>, %arg12: memref<!tpu.dma_semaphore, #tpu.memory_space<semaphore_mem>>, %arg13: memref<!tpu.dma_semaphore, #tpu.memory_space<semaphore_mem>>, %arg14: memref<!tpu.dma_semaphore, #tpu.memory_space<semaphore_mem>>, %arg15: memref<!tpu.dma_semaphore, #tpu.memory_space<semaphore_mem>>, %arg16: memref<!tpu.dma_semaphore, #tpu.memory_space<semaphore_mem>>, %arg17: memref<!tpu.dma_semaphore, #tpu.memory_space<semaphore_mem>>, %arg18: memref<!tpu.dma_semaphore, #tpu.memory_space<semaphore_mem>>, %arg19: memref<!tpu.dma_semaphore, #tpu.memory_space<semaphore_mem>>) attributes {dimension_semantics = [#tpu.dimension_semantics<core_parallel>, #tpu.dimension_semantics<subcore_parallel>], iteration_bounds = array<i64: 2, 16>, scalar_prefetch = 0 : i64, scratch_operands = 13 : i64, tpu.core_type = #tpu.core_type<sc_vector_subcore>, window_params = [{transform_indices = #map}, {transform_indices = #map}, {transform_indices = #map1}, {transform_indices = #map1}, {transform_indices = #map}]} {
    %mul3A = arith.constant 640 : i32
    %mul3A_0 = arith.muli %arg1, %mul3A : i32
    "tpu.region"() ({
      %run_scoped3A_69 = tpu.sem_alloc : memref<!tpu.dma_semaphore, #tpu.memory_space<semaphore_mem>>
      %dma_start3A = tpu.memref_slice %arg10[%mul3A_0] : memref<10240xf32, #tpu.memory_space<vmem_shared>> -> memref<640xf32, #tpu.memory_space<vmem_shared>>
      tpu.enqueue_dma source(%arg5 : memref<640xf32, #tpu.memory_space<hbm>>) target(%dma_start3A : memref<640xf32, #tpu.memory_space<vmem_shared>>) target_semaphore(%run_scoped3A_69 : memref<!tpu.dma_semaphore, #tpu.memory_space<semaphore_mem>>)
      %dma_wait3A_70 = tpu.memref_slice %arg10[%mul3A_0] : memref<10240xf32, #tpu.memory_space<vmem_shared>> -> memref<640xf32, #tpu.memory_space<vmem_shared>>
      tpu.wait_dma2 semaphore(%run_scoped3A_69 : memref<!tpu.dma_semaphore, #tpu.memory_space<semaphore_mem>>) src(%arg5 : memref<640xf32, #tpu.memory_space<hbm>>) dst(%dma_wait3A_70 : memref<640xf32, #tpu.memory_space<vmem_shared>>)
      tpu.yield
    }) : () -> ()
    %mul3A_1 = arith.constant 640 : i32
    %mul3A_2 = arith.muli %arg1, %mul3A_1 : i32
    "tpu.region"() ({
      %run_scoped3A_69 = tpu.sem_alloc : memref<!tpu.dma_semaphore, #tpu.memory_space<semaphore_mem>>
      %dma_start3A = tpu.memref_slice %arg11[%mul3A_2] : memref<10240xf32, #tpu.memory_space<vmem_shared>> -> memref<640xf32, #tpu.memory_space<vmem_shared>>
      tpu.enqueue_dma source(%arg5 : memref<640xf32, #tpu.memory_space<hbm>>) target(%dma_start3A : memref<640xf32, #tpu.memory_space<vmem_shared>>) target_semaphore(%run_scoped3A_69 : memref<!tpu.dma_semaphore, #tpu.memory_space<semaphore_mem>>)
      %dma_wait3A_70 = tpu.memref_slice %arg11[%mul3A_2] : memref<10240xf32, #tpu.memory_space<vmem_shared>> -> memref<640xf32, #tpu.memory_space<vmem_shared>>
      tpu.wait_dma2 semaphore(%run_scoped3A_69 : memref<!tpu.dma_semaphore, #tpu.memory_space<semaphore_mem>>) src(%arg5 : memref<640xf32, #tpu.memory_space<hbm>>) dst(%dma_wait3A_70 : memref<640xf32, #tpu.memory_space<vmem_shared>>)
      tpu.yield
    }) : () -> ()
    "tpu.region"() ({
      %run_scoped3A_69 = tpu.sem_alloc : memref<!tpu.dma_semaphore, #tpu.memory_space<semaphore_mem>>
      tpu.enqueue_dma source(%arg4 : memref<80xf32, #tpu.memory_space<hbm>>) target(%arg9 : memref<80xf32, #tpu.memory_space<vmem>>) target_semaphore(%run_scoped3A_69 : memref<!tpu.dma_semaphore, #tpu.memory_space<semaphore_mem>>)
      tpu.wait_dma2 semaphore(%run_scoped3A_69 : memref<!tpu.dma_semaphore, #tpu.memory_space<semaphore_mem>>) src(%arg4 : memref<80xf32, #tpu.memory_space<hbm>>) dst(%arg9 : memref<80xf32, #tpu.memory_space<vmem>>)
      tpu.yield
    }) : () -> ()
    %mul3A_3 = arith.constant 128 : i32
    %mul3A_4 = arith.muli %arg0, %mul3A_3 : i32
    "tpu.region"() ({
      %run_scoped3A_69 = tpu.sem_alloc : memref<!tpu.dma_semaphore, #tpu.memory_space<semaphore_mem>>
      %dma_start3A = arith.constant 0 : i32
      %dma_start3A_70 = tpu.memref_slice %arg2[%arg1, %mul3A_4, %dma_start3A] : memref<16x256x80xi32, #tpu.memory_space<hbm>> -> memref<1x128x80xi32, #tpu.memory_space<hbm>>
      %dma_start3A_71 = tpu.memref_squeeze %dma_start3A_70 : memref<1x128x80xi32, #tpu.memory_space<hbm>> -> memref<128x80xi32, #tpu.memory_space<hbm>>
      %dma_start3A_72 = arith.constant 0 : i32
      %dma_start3A_73 = tpu.memref_slice %arg2[%arg1, %mul3A_4, %dma_start3A_72] : memref<16x256x80xi32, #tpu.memory_space<hbm>> -> memref<1x128x80xi32, #tpu.memory_space<hbm>>
      %dma_start3A_74 = tpu.memref_squeeze %dma_start3A_73 : memref<1x128x80xi32, #tpu.memory_space<hbm>> -> memref<128x80xi32, #tpu.memory_space<hbm>>
      tpu.enqueue_dma source(%dma_start3A_74 : memref<128x80xi32, #tpu.memory_space<hbm>>) target(%arg7 : memref<128x80xi32, #tpu.memory_space<vmem>>) target_semaphore(%run_scoped3A_69 : memref<!tpu.dma_semaphore, #tpu.memory_space<semaphore_mem>>)
      %dma_wait3A_75 = arith.constant 0 : i32
      %dma_wait3A_76 = tpu.memref_slice %arg2[%arg1, %mul3A_4, %dma_wait3A_75] : memref<16x256x80xi32, #tpu.memory_space<hbm>> -> memref<1x128x80xi32, #tpu.memory_space<hbm>>
      %dma_wait3A_77 = tpu.memref_squeeze %dma_wait3A_76 : memref<1x128x80xi32, #tpu.memory_space<hbm>> -> memref<128x80xi32, #tpu.memory_space<hbm>>
      %dma_wait3A_78 = arith.constant 0 : i32
      %dma_wait3A_79 = tpu.memref_slice %arg2[%arg1, %mul3A_4, %dma_wait3A_78] : memref<16x256x80xi32, #tpu.memory_space<hbm>> -> memref<1x128x80xi32, #tpu.memory_space<hbm>>
      %dma_wait3A_80 = tpu.memref_squeeze %dma_wait3A_79 : memref<1x128x80xi32, #tpu.memory_space<hbm>> -> memref<128x80xi32, #tpu.memory_space<hbm>>
      tpu.wait_dma2 semaphore(%run_scoped3A_69 : memref<!tpu.dma_semaphore, #tpu.memory_space<semaphore_mem>>) src(%dma_wait3A_80 : memref<128x80xi32, #tpu.memory_space<hbm>>) dst(%arg7 : memref<128x80xi32, #tpu.memory_space<vmem>>)
      tpu.yield
    }) : () -> ()
    %mul3A_5 = arith.constant 128 : i32
    %mul3A_6 = arith.muli %arg0, %mul3A_5 : i32
    "tpu.region"() ({
      %run_scoped3A_69 = tpu.sem_alloc : memref<!tpu.dma_semaphore, #tpu.memory_space<semaphore_mem>>
      %dma_start3A = arith.constant 0 : i32
      %dma_start3A_70 = tpu.memref_slice %arg3[%arg1, %mul3A_6, %dma_start3A] : memref<16x256x80xi32, #tpu.memory_space<hbm>> -> memref<1x128x80xi32, #tpu.memory_space<hbm>>
      %dma_start3A_71 = tpu.memref_squeeze %dma_start3A_70 : memref<1x128x80xi32, #tpu.memory_space<hbm>> -> memref<128x80xi32, #tpu.memory_space<hbm>>
      %dma_start3A_72 = arith.constant 0 : i32
      %dma_start3A_73 = tpu.memref_slice %arg3[%arg1, %mul3A_6, %dma_start3A_72] : memref<16x256x80xi32, #tpu.memory_space<hbm>> -> memref<1x128x80xi32, #tpu.memory_space<hbm>>
      %dma_start3A_74 = tpu.memref_squeeze %dma_start3A_73 : memref<1x128x80xi32, #tpu.memory_space<hbm>> -> memref<128x80xi32, #tpu.memory_space<hbm>>
      tpu.enqueue_dma source(%dma_start3A_74 : memref<128x80xi32, #tpu.memory_space<hbm>>) target(%arg8 : memref<128x80xi32, #tpu.memory_space<vmem>>) target_semaphore(%run_scoped3A_69 : memref<!tpu.dma_semaphore, #tpu.memory_space<semaphore_mem>>)
      %dma_wait3A_75 = arith.constant 0 : i32
      %dma_wait3A_76 = tpu.memref_slice %arg3[%arg1, %mul3A_6, %dma_wait3A_75] : memref<16x256x80xi32, #tpu.memory_space<hbm>> -> memref<1x128x80xi32, #tpu.memory_space<hbm>>
      %dma_wait3A_77 = tpu.memref_squeeze %dma_wait3A_76 : memref<1x128x80xi32, #tpu.memory_space<hbm>> -> memref<128x80xi32, #tpu.memory_space<hbm>>
      %dma_wait3A_78 = arith.constant 0 : i32
      %dma_wait3A_79 = tpu.memref_slice %arg3[%arg1, %mul3A_6, %dma_wait3A_78] : memref<16x256x80xi32, #tpu.memory_space<hbm>> -> memref<1x128x80xi32, #tpu.memory_space<hbm>>
      %dma_wait3A_80 = tpu.memref_squeeze %dma_wait3A_79 : memref<1x128x80xi32, #tpu.memory_space<hbm>> -> memref<128x80xi32, #tpu.memory_space<hbm>>
      tpu.wait_dma2 semaphore(%run_scoped3A_69 : memref<!tpu.dma_semaphore, #tpu.memory_space<semaphore_mem>>) src(%dma_wait3A_80 : memref<128x80xi32, #tpu.memory_space<hbm>>) dst(%arg8 : memref<128x80xi32, #tpu.memory_space<vmem>>)
      tpu.yield
    }) : () -> ()
    %barrier3A = arith.constant 0 : index
    tpu.barrier barrier_id(%barrier3A)
    %scan3A = arith.constant 0 : i32
    %scan3A_7 = arith.constant 0 : i32
    %scan3A_8 = arith.constant 32 : i32
    %scan3A_9 = arith.addi %scan3A_7, %scan3A_8 : i32
    %scan3A_10 = arith.constant 1 : i32
    scf.for %scan3A_69 = %scan3A_7 to %scan3A_9 step %scan3A_10  : i32 {
      %mul3A_70 = arith.constant 4 : i32
      %mul3A_71 = arith.muli %mul3A_70, %scan3A_69 : i32
      %add3A = arith.constant 0 : i32
      %add3A_72 = arith.addi %mul3A_71, %add3A : i32
      %ge3A = arith.constant 4 : i32
      %ge3A_73 = arith.cmpi sge, %add3A_72, %ge3A : i32
      %convert_element_type3A = arith.extui %ge3A_73 : i1 to i32
      %cond3A = arith.constant 0 : i32
      %cond3A_74 = arith.cmpi ne, %convert_element_type3A, %cond3A : i32
      scf.if %cond3A_74 {
        %dma_wait3A_141 = arith.constant 0 : i32
        %dma_wait3A_142 = tpu.memref_slice %arg7[%add3A_72, %dma_wait3A_141] : memref<128x80xi32, #tpu.memory_space<vmem>> -> memref<1x80xi32, #tpu.memory_space<vmem>>
        %dma_wait3A_143 = tpu.memref_squeeze %dma_wait3A_142 : memref<1x80xi32, #tpu.memory_space<vmem>> -> memref<80xi32, #tpu.memory_space<vmem>>
        %dma_wait3A_144 = arith.constant 0 : i32
        %dma_wait3A_145 = tpu.memref_slice %arg10[%dma_wait3A_144] : memref<10240xf32, #tpu.memory_space<vmem_shared>> -> memref<10240xf32, #tpu.memory_space<vmem_shared>>
        tpu.wait_indirect_dma semaphore(%arg12 : memref<!tpu.dma_semaphore, #tpu.memory_space<semaphore_mem>>) src(%arg9 : memref<80xf32, #tpu.memory_space<vmem>>) dst(%dma_wait3A_145 : memref<10240xf32, #tpu.memory_space<vmem_shared>>)
        %dma_wait3A_146 = arith.constant 0 : i32
        %dma_wait3A_147 = tpu.memref_slice %arg8[%add3A_72, %dma_wait3A_146] : memref<128x80xi32, #tpu.memory_space<vmem>> -> memref<1x80xi32, #tpu.memory_space<vmem>>
        %dma_wait3A_148 = tpu.memref_squeeze %dma_wait3A_147 : memref<1x80xi32, #tpu.memory_space<vmem>> -> memref<80xi32, #tpu.memory_space<vmem>>
        %dma_wait3A_149 = arith.constant 0 : i32
        %dma_wait3A_150 = tpu.memref_slice %arg11[%dma_wait3A_149] : memref<10240xf32, #tpu.memory_space<vmem_shared>> -> memref<10240xf32, #tpu.memory_space<vmem_shared>>
        tpu.wait_indirect_dma semaphore(%arg16 : memref<!tpu.dma_semaphore, #tpu.memory_space<semaphore_mem>>) src(%arg9 : memref<80xf32, #tpu.memory_space<vmem>>) dst(%dma_wait3A_150 : memref<10240xf32, #tpu.memory_space<vmem_shared>>)
      } else {
      }
      %dma_start3A = arith.constant 0 : i32
      %dma_start3A_75 = tpu.memref_slice %arg7[%add3A_72, %dma_start3A] : memref<128x80xi32, #tpu.memory_space<vmem>> -> memref<1x80xi32, #tpu.memory_space<vmem>>
      %dma_start3A_76 = tpu.memref_squeeze %dma_start3A_75 : memref<1x80xi32, #tpu.memory_space<vmem>> -> memref<80xi32, #tpu.memory_space<vmem>>
      %dma_start3A_77 = arith.constant 0 : i32
      %dma_start3A_78 = tpu.memref_slice %arg10[%dma_start3A_77] : memref<10240xf32, #tpu.memory_space<vmem_shared>> -> memref<10240xf32, #tpu.memory_space<vmem_shared>>
      tpu.enqueue_indirect_dma source(%arg9 : memref<80xf32, #tpu.memory_space<vmem>>) target(%dma_start3A_78 : memref<10240xf32, #tpu.memory_space<vmem_shared>>) offsets(%dma_start3A_76 : memref<80xi32, #tpu.memory_space<vmem>>) semaphore(%arg12 : memref<!tpu.dma_semaphore, #tpu.memory_space<semaphore_mem>>) {add = true}
      %dma_start3A_79 = arith.constant 0 : i32
      %dma_start3A_80 = tpu.memref_slice %arg8[%add3A_72, %dma_start3A_79] : memref<128x80xi32, #tpu.memory_space<vmem>> -> memref<1x80xi32, #tpu.memory_space<vmem>>
      %dma_start3A_81 = tpu.memref_squeeze %dma_start3A_80 : memref<1x80xi32, #tpu.memory_space<vmem>> -> memref<80xi32, #tpu.memory_space<vmem>>
      %dma_start3A_82 = arith.constant 0 : i32
      %dma_start3A_83 = tpu.memref_slice %arg11[%dma_start3A_82] : memref<10240xf32, #tpu.memory_space<vmem_shared>> -> memref<10240xf32, #tpu.memory_space<vmem_shared>>
      tpu.enqueue_indirect_dma source(%arg9 : memref<80xf32, #tpu.memory_space<vmem>>) target(%dma_start3A_83 : memref<10240xf32, #tpu.memory_space<vmem_shared>>) offsets(%dma_start3A_81 : memref<80xi32, #tpu.memory_space<vmem>>) semaphore(%arg16 : memref<!tpu.dma_semaphore, #tpu.memory_space<semaphore_mem>>) {add = true}
      %mul3A_84 = arith.constant 4 : i32
      %mul3A_85 = arith.muli %mul3A_84, %scan3A_69 : i32
      %add3A_86 = arith.constant 1 : i32
      %add3A_87 = arith.addi %mul3A_85, %add3A_86 : i32
      %ge3A_88 = arith.constant 4 : i32
      %ge3A_89 = arith.cmpi sge, %add3A_87, %ge3A_88 : i32
      %convert_element_type3A_90 = arith.extui %ge3A_89 : i1 to i32
      %cond3A_91 = arith.constant 0 : i32
      %cond3A_92 = arith.cmpi ne, %convert_element_type3A_90, %cond3A_91 : i32
      scf.if %cond3A_92 {
        %dma_wait3A_141 = arith.constant 0 : i32
        %dma_wait3A_142 = tpu.memref_slice %arg7[%add3A_87, %dma_wait3A_141] : memref<128x80xi32, #tpu.memory_space<vmem>> -> memref<1x80xi32, #tpu.memory_space<vmem>>
        %dma_wait3A_143 = tpu.memref_squeeze %dma_wait3A_142 : memref<1x80xi32, #tpu.memory_space<vmem>> -> memref<80xi32, #tpu.memory_space<vmem>>
        %dma_wait3A_144 = arith.constant 0 : i32
        %dma_wait3A_145 = tpu.memref_slice %arg10[%dma_wait3A_144] : memref<10240xf32, #tpu.memory_space<vmem_shared>> -> memref<10240xf32, #tpu.memory_space<vmem_shared>>
        tpu.wait_indirect_dma semaphore(%arg13 : memref<!tpu.dma_semaphore, #tpu.memory_space<semaphore_mem>>) src(%arg9 : memref<80xf32, #tpu.memory_space<vmem>>) dst(%dma_wait3A_145 : memref<10240xf32, #tpu.memory_space<vmem_shared>>)
        %dma_wait3A_146 = arith.constant 0 : i32
        %dma_wait3A_147 = tpu.memref_slice %arg8[%add3A_87, %dma_wait3A_146] : memref<128x80xi32, #tpu.memory_space<vmem>> -> memref<1x80xi32, #tpu.memory_space<vmem>>
        %dma_wait3A_148 = tpu.memref_squeeze %dma_wait3A_147 : memref<1x80xi32, #tpu.memory_space<vmem>> -> memref<80xi32, #tpu.memory_space<vmem>>
        %dma_wait3A_149 = arith.constant 0 : i32
        %dma_wait3A_150 = tpu.memref_slice %arg11[%dma_wait3A_149] : memref<10240xf32, #tpu.memory_space<vmem_shared>> -> memref<10240xf32, #tpu.memory_space<vmem_shared>>
        tpu.wait_indirect_dma semaphore(%arg17 : memref<!tpu.dma_semaphore, #tpu.memory_space<semaphore_mem>>) src(%arg9 : memref<80xf32, #tpu.memory_space<vmem>>) dst(%dma_wait3A_150 : memref<10240xf32, #tpu.memory_space<vmem_shared>>)
      } else {
      }
      %dma_start3A_93 = arith.constant 0 : i32
      %dma_start3A_94 = tpu.memref_slice %arg7[%add3A_87, %dma_start3A_93] : memref<128x80xi32, #tpu.memory_space<vmem>> -> memref<1x80xi32, #tpu.memory_space<vmem>>
      %dma_start3A_95 = tpu.memref_squeeze %dma_start3A_94 : memref<1x80xi32, #tpu.memory_space<vmem>> -> memref<80xi32, #tpu.memory_space<vmem>>
      %dma_start3A_96 = arith.constant 0 : i32
      %dma_start3A_97 = tpu.memref_slice %arg10[%dma_start3A_96] : memref<10240xf32, #tpu.memory_space<vmem_shared>> -> memref<10240xf32, #tpu.memory_space<vmem_shared>>
      tpu.enqueue_indirect_dma source(%arg9 : memref<80xf32, #tpu.memory_space<vmem>>) target(%dma_start3A_97 : memref<10240xf32, #tpu.memory_space<vmem_shared>>) offsets(%dma_start3A_95 : memref<80xi32, #tpu.memory_space<vmem>>) semaphore(%arg13 : memref<!tpu.dma_semaphore, #tpu.memory_space<semaphore_mem>>) {add = true}
      %dma_start3A_98 = arith.constant 0 : i32
      %dma_start3A_99 = tpu.memref_slice %arg8[%add3A_87, %dma_start3A_98] : memref<128x80xi32, #tpu.memory_space<vmem>> -> memref<1x80xi32, #tpu.memory_space<vmem>>
      %dma_start3A_100 = tpu.memref_squeeze %dma_start3A_99 : memref<1x80xi32, #tpu.memory_space<vmem>> -> memref<80xi32, #tpu.memory_space<vmem>>
      %dma_start3A_101 = arith.constant 0 : i32
      %dma_start3A_102 = tpu.memref_slice %arg11[%dma_start3A_101] : memref<10240xf32, #tpu.memory_space<vmem_shared>> -> memref<10240xf32, #tpu.memory_space<vmem_shared>>
      tpu.enqueue_indirect_dma source(%arg9 : memref<80xf32, #tpu.memory_space<vmem>>) target(%dma_start3A_102 : memref<10240xf32, #tpu.memory_space<vmem_shared>>) offsets(%dma_start3A_100 : memref<80xi32, #tpu.memory_space<vmem>>) semaphore(%arg17 : memref<!tpu.dma_semaphore, #tpu.memory_space<semaphore_mem>>) {add = true}
      %mul3A_103 = arith.constant 4 : i32
      %mul3A_104 = arith.muli %mul3A_103, %scan3A_69 : i32
      %add3A_105 = arith.constant 2 : i32
      %add3A_106 = arith.addi %mul3A_104, %add3A_105 : i32
      %ge3A_107 = arith.constant 4 : i32
      %ge3A_108 = arith.cmpi sge, %add3A_106, %ge3A_107 : i32
      %convert_element_type3A_109 = arith.extui %ge3A_108 : i1 to i32
      %cond3A_110 = arith.constant 0 : i32
      %cond3A_111 = arith.cmpi ne, %convert_element_type3A_109, %cond3A_110 : i32
      scf.if %cond3A_111 {
        %dma_wait3A_141 = arith.constant 0 : i32
        %dma_wait3A_142 = tpu.memref_slice %arg7[%add3A_106, %dma_wait3A_141] : memref<128x80xi32, #tpu.memory_space<vmem>> -> memref<1x80xi32, #tpu.memory_space<vmem>>
        %dma_wait3A_143 = tpu.memref_squeeze %dma_wait3A_142 : memref<1x80xi32, #tpu.memory_space<vmem>> -> memref<80xi32, #tpu.memory_space<vmem>>
        %dma_wait3A_144 = arith.constant 0 : i32
        %dma_wait3A_145 = tpu.memref_slice %arg10[%dma_wait3A_144] : memref<10240xf32, #tpu.memory_space<vmem_shared>> -> memref<10240xf32, #tpu.memory_space<vmem_shared>>
        tpu.wait_indirect_dma semaphore(%arg14 : memref<!tpu.dma_semaphore, #tpu.memory_space<semaphore_mem>>) src(%arg9 : memref<80xf32, #tpu.memory_space<vmem>>) dst(%dma_wait3A_145 : memref<10240xf32, #tpu.memory_space<vmem_shared>>)
        %dma_wait3A_146 = arith.constant 0 : i32
        %dma_wait3A_147 = tpu.memref_slice %arg8[%add3A_106, %dma_wait3A_146] : memref<128x80xi32, #tpu.memory_space<vmem>> -> memref<1x80xi32, #tpu.memory_space<vmem>>
        %dma_wait3A_148 = tpu.memref_squeeze %dma_wait3A_147 : memref<1x80xi32, #tpu.memory_space<vmem>> -> memref<80xi32, #tpu.memory_space<vmem>>
        %dma_wait3A_149 = arith.constant 0 : i32
        %dma_wait3A_150 = tpu.memref_slice %arg11[%dma_wait3A_149] : memref<10240xf32, #tpu.memory_space<vmem_shared>> -> memref<10240xf32, #tpu.memory_space<vmem_shared>>
        tpu.wait_indirect_dma semaphore(%arg18 : memref<!tpu.dma_semaphore, #tpu.memory_space<semaphore_mem>>) src(%arg9 : memref<80xf32, #tpu.memory_space<vmem>>) dst(%dma_wait3A_150 : memref<10240xf32, #tpu.memory_space<vmem_shared>>)
      } else {
      }
      %dma_start3A_112 = arith.constant 0 : i32
      %dma_start3A_113 = tpu.memref_slice %arg7[%add3A_106, %dma_start3A_112] : memref<128x80xi32, #tpu.memory_space<vmem>> -> memref<1x80xi32, #tpu.memory_space<vmem>>
      %dma_start3A_114 = tpu.memref_squeeze %dma_start3A_113 : memref<1x80xi32, #tpu.memory_space<vmem>> -> memref<80xi32, #tpu.memory_space<vmem>>
      %dma_start3A_115 = arith.constant 0 : i32
      %dma_start3A_116 = tpu.memref_slice %arg10[%dma_start3A_115] : memref<10240xf32, #tpu.memory_space<vmem_shared>> -> memref<10240xf32, #tpu.memory_space<vmem_shared>>
      tpu.enqueue_indirect_dma source(%arg9 : memref<80xf32, #tpu.memory_space<vmem>>) target(%dma_start3A_116 : memref<10240xf32, #tpu.memory_space<vmem_shared>>) offsets(%dma_start3A_114 : memref<80xi32, #tpu.memory_space<vmem>>) semaphore(%arg14 : memref<!tpu.dma_semaphore, #tpu.memory_space<semaphore_mem>>) {add = true}
      %dma_start3A_117 = arith.constant 0 : i32
      %dma_start3A_118 = tpu.memref_slice %arg8[%add3A_106, %dma_start3A_117] : memref<128x80xi32, #tpu.memory_space<vmem>> -> memref<1x80xi32, #tpu.memory_space<vmem>>
      %dma_start3A_119 = tpu.memref_squeeze %dma_start3A_118 : memref<1x80xi32, #tpu.memory_space<vmem>> -> memref<80xi32, #tpu.memory_space<vmem>>
      %dma_start3A_120 = arith.constant 0 : i32
      %dma_start3A_121 = tpu.memref_slice %arg11[%dma_start3A_120] : memref<10240xf32, #tpu.memory_space<vmem_shared>> -> memref<10240xf32, #tpu.memory_space<vmem_shared>>
      tpu.enqueue_indirect_dma source(%arg9 : memref<80xf32, #tpu.memory_space<vmem>>) target(%dma_start3A_121 : memref<10240xf32, #tpu.memory_space<vmem_shared>>) offsets(%dma_start3A_119 : memref<80xi32, #tpu.memory_space<vmem>>) semaphore(%arg18 : memref<!tpu.dma_semaphore, #tpu.memory_space<semaphore_mem>>) {add = true}
      %mul3A_122 = arith.constant 4 : i32
      %mul3A_123 = arith.muli %mul3A_122, %scan3A_69 : i32
      %add3A_124 = arith.constant 3 : i32
      %add3A_125 = arith.addi %mul3A_123, %add3A_124 : i32
      %ge3A_126 = arith.constant 4 : i32
      %ge3A_127 = arith.cmpi sge, %add3A_125, %ge3A_126 : i32
      %convert_element_type3A_128 = arith.extui %ge3A_127 : i1 to i32
      %cond3A_129 = arith.constant 0 : i32
      %cond3A_130 = arith.cmpi ne, %convert_element_type3A_128, %cond3A_129 : i32
      scf.if %cond3A_130 {
        %dma_wait3A_141 = arith.constant 0 : i32
        %dma_wait3A_142 = tpu.memref_slice %arg7[%add3A_125, %dma_wait3A_141] : memref<128x80xi32, #tpu.memory_space<vmem>> -> memref<1x80xi32, #tpu.memory_space<vmem>>
        %dma_wait3A_143 = tpu.memref_squeeze %dma_wait3A_142 : memref<1x80xi32, #tpu.memory_space<vmem>> -> memref<80xi32, #tpu.memory_space<vmem>>
        %dma_wait3A_144 = arith.constant 0 : i32
        %dma_wait3A_145 = tpu.memref_slice %arg10[%dma_wait3A_144] : memref<10240xf32, #tpu.memory_space<vmem_shared>> -> memref<10240xf32, #tpu.memory_space<vmem_shared>>
        tpu.wait_indirect_dma semaphore(%arg15 : memref<!tpu.dma_semaphore, #tpu.memory_space<semaphore_mem>>) src(%arg9 : memref<80xf32, #tpu.memory_space<vmem>>) dst(%dma_wait3A_145 : memref<10240xf32, #tpu.memory_space<vmem_shared>>)
        %dma_wait3A_146 = arith.constant 0 : i32
        %dma_wait3A_147 = tpu.memref_slice %arg8[%add3A_125, %dma_wait3A_146] : memref<128x80xi32, #tpu.memory_space<vmem>> -> memref<1x80xi32, #tpu.memory_space<vmem>>
        %dma_wait3A_148 = tpu.memref_squeeze %dma_wait3A_147 : memref<1x80xi32, #tpu.memory_space<vmem>> -> memref<80xi32, #tpu.memory_space<vmem>>
        %dma_wait3A_149 = arith.constant 0 : i32
        %dma_wait3A_150 = tpu.memref_slice %arg11[%dma_wait3A_149] : memref<10240xf32, #tpu.memory_space<vmem_shared>> -> memref<10240xf32, #tpu.memory_space<vmem_shared>>
        tpu.wait_indirect_dma semaphore(%arg19 : memref<!tpu.dma_semaphore, #tpu.memory_space<semaphore_mem>>) src(%arg9 : memref<80xf32, #tpu.memory_space<vmem>>) dst(%dma_wait3A_150 : memref<10240xf32, #tpu.memory_space<vmem_shared>>)
      } else {
      }
      %dma_start3A_131 = arith.constant 0 : i32
      %dma_start3A_132 = tpu.memref_slice %arg7[%add3A_125, %dma_start3A_131] : memref<128x80xi32, #tpu.memory_space<vmem>> -> memref<1x80xi32, #tpu.memory_space<vmem>>
      %dma_start3A_133 = tpu.memref_squeeze %dma_start3A_132 : memref<1x80xi32, #tpu.memory_space<vmem>> -> memref<80xi32, #tpu.memory_space<vmem>>
      %dma_start3A_134 = arith.constant 0 : i32
      %dma_start3A_135 = tpu.memref_slice %arg10[%dma_start3A_134] : memref<10240xf32, #tpu.memory_space<vmem_shared>> -> memref<10240xf32, #tpu.memory_space<vmem_shared>>
      tpu.enqueue_indirect_dma source(%arg9 : memref<80xf32, #tpu.memory_space<vmem>>) target(%dma_start3A_135 : memref<10240xf32, #tpu.memory_space<vmem_shared>>) offsets(%dma_start3A_133 : memref<80xi32, #tpu.memory_space<vmem>>) semaphore(%arg15 : memref<!tpu.dma_semaphore, #tpu.memory_space<semaphore_mem>>) {add = true}
      %dma_start3A_136 = arith.constant 0 : i32
      %dma_start3A_137 = tpu.memref_slice %arg8[%add3A_125, %dma_start3A_136] : memref<128x80xi32, #tpu.memory_space<vmem>> -> memref<1x80xi32, #tpu.memory_space<vmem>>
      %dma_start3A_138 = tpu.memref_squeeze %dma_start3A_137 : memref<1x80xi32, #tpu.memory_space<vmem>> -> memref<80xi32, #tpu.memory_space<vmem>>
      %dma_start3A_139 = arith.constant 0 : i32
      %dma_start3A_140 = tpu.memref_slice %arg11[%dma_start3A_139] : memref<10240xf32, #tpu.memory_space<vmem_shared>> -> memref<10240xf32, #tpu.memory_space<vmem_shared>>
      tpu.enqueue_indirect_dma source(%arg9 : memref<80xf32, #tpu.memory_space<vmem>>) target(%dma_start3A_140 : memref<10240xf32, #tpu.memory_space<vmem_shared>>) offsets(%dma_start3A_138 : memref<80xi32, #tpu.memory_space<vmem>>) semaphore(%arg19 : memref<!tpu.dma_semaphore, #tpu.memory_space<semaphore_mem>>) {add = true}
    }
    %scan3A_11 = arith.constant 32 : i32
    %dma_wait3A = arith.constant 0 : i32
    %dma_wait3A_12 = arith.constant 0 : i32
    %dma_wait3A_13 = tpu.memref_slice %arg7[%dma_wait3A, %dma_wait3A_12] : memref<128x80xi32, #tpu.memory_space<vmem>> -> memref<1x80xi32, #tpu.memory_space<vmem>>
    %dma_wait3A_14 = tpu.memref_squeeze %dma_wait3A_13 : memref<1x80xi32, #tpu.memory_space<vmem>> -> memref<80xi32, #tpu.memory_space<vmem>>
    %dma_wait3A_15 = arith.constant 0 : i32
    %dma_wait3A_16 = tpu.memref_slice %arg10[%dma_wait3A_15] : memref<10240xf32, #tpu.memory_space<vmem_shared>> -> memref<10240xf32, #tpu.memory_space<vmem_shared>>
    tpu.wait_indirect_dma semaphore(%arg12 : memref<!tpu.dma_semaphore, #tpu.memory_space<semaphore_mem>>) src(%arg9 : memref<80xf32, #tpu.memory_space<vmem>>) dst(%dma_wait3A_16 : memref<10240xf32, #tpu.memory_space<vmem_shared>>)
    %dma_wait3A_17 = arith.constant 0 : i32
    %dma_wait3A_18 = arith.constant 0 : i32
    %dma_wait3A_19 = tpu.memref_slice %arg8[%dma_wait3A_17, %dma_wait3A_18] : memref<128x80xi32, #tpu.memory_space<vmem>> -> memref<1x80xi32, #tpu.memory_space<vmem>>
    %dma_wait3A_20 = tpu.memref_squeeze %dma_wait3A_19 : memref<1x80xi32, #tpu.memory_space<vmem>> -> memref<80xi32, #tpu.memory_space<vmem>>
    %dma_wait3A_21 = arith.constant 0 : i32
    %dma_wait3A_22 = tpu.memref_slice %arg11[%dma_wait3A_21] : memref<10240xf32, #tpu.memory_space<vmem_shared>> -> memref<10240xf32, #tpu.memory_space<vmem_shared>>
    tpu.wait_indirect_dma semaphore(%arg16 : memref<!tpu.dma_semaphore, #tpu.memory_space<semaphore_mem>>) src(%arg9 : memref<80xf32, #tpu.memory_space<vmem>>) dst(%dma_wait3A_22 : memref<10240xf32, #tpu.memory_space<vmem_shared>>)
    %dma_wait3A_23 = arith.constant 0 : i32
    %dma_wait3A_24 = arith.constant 0 : i32
    %dma_wait3A_25 = tpu.memref_slice %arg7[%dma_wait3A_23, %dma_wait3A_24] : memref<128x80xi32, #tpu.memory_space<vmem>> -> memref<1x80xi32, #tpu.memory_space<vmem>>
    %dma_wait3A_26 = tpu.memref_squeeze %dma_wait3A_25 : memref<1x80xi32, #tpu.memory_space<vmem>> -> memref<80xi32, #tpu.memory_space<vmem>>
    %dma_wait3A_27 = arith.constant 0 : i32
    %dma_wait3A_28 = tpu.memref_slice %arg10[%dma_wait3A_27] : memref<10240xf32, #tpu.memory_space<vmem_shared>> -> memref<10240xf32, #tpu.memory_space<vmem_shared>>
    tpu.wait_indirect_dma semaphore(%arg13 : memref<!tpu.dma_semaphore, #tpu.memory_space<semaphore_mem>>) src(%arg9 : memref<80xf32, #tpu.memory_space<vmem>>) dst(%dma_wait3A_28 : memref<10240xf32, #tpu.memory_space<vmem_shared>>)
    %dma_wait3A_29 = arith.constant 0 : i32
    %dma_wait3A_30 = arith.constant 0 : i32
    %dma_wait3A_31 = tpu.memref_slice %arg8[%dma_wait3A_29, %dma_wait3A_30] : memref<128x80xi32, #tpu.memory_space<vmem>> -> memref<1x80xi32, #tpu.memory_space<vmem>>
    %dma_wait3A_32 = tpu.memref_squeeze %dma_wait3A_31 : memref<1x80xi32, #tpu.memory_space<vmem>> -> memref<80xi32, #tpu.memory_space<vmem>>
    %dma_wait3A_33 = arith.constant 0 : i32
    %dma_wait3A_34 = tpu.memref_slice %arg11[%dma_wait3A_33] : memref<10240xf32, #tpu.memory_space<vmem_shared>> -> memref<10240xf32, #tpu.memory_space<vmem_shared>>
    tpu.wait_indirect_dma semaphore(%arg17 : memref<!tpu.dma_semaphore, #tpu.memory_space<semaphore_mem>>) src(%arg9 : memref<80xf32, #tpu.memory_space<vmem>>) dst(%dma_wait3A_34 : memref<10240xf32, #tpu.memory_space<vmem_shared>>)
    %dma_wait3A_35 = arith.constant 0 : i32
    %dma_wait3A_36 = arith.constant 0 : i32
    %dma_wait3A_37 = tpu.memref_slice %arg7[%dma_wait3A_35, %dma_wait3A_36] : memref<128x80xi32, #tpu.memory_space<vmem>> -> memref<1x80xi32, #tpu.memory_space<vmem>>
    %dma_wait3A_38 = tpu.memref_squeeze %dma_wait3A_37 : memref<1x80xi32, #tpu.memory_space<vmem>> -> memref<80xi32, #tpu.memory_space<vmem>>
    %dma_wait3A_39 = arith.constant 0 : i32
    %dma_wait3A_40 = tpu.memref_slice %arg10[%dma_wait3A_39] : memref<10240xf32, #tpu.memory_space<vmem_shared>> -> memref<10240xf32, #tpu.memory_space<vmem_shared>>
    tpu.wait_indirect_dma semaphore(%arg14 : memref<!tpu.dma_semaphore, #tpu.memory_space<semaphore_mem>>) src(%arg9 : memref<80xf32, #tpu.memory_space<vmem>>) dst(%dma_wait3A_40 : memref<10240xf32, #tpu.memory_space<vmem_shared>>)
    %dma_wait3A_41 = arith.constant 0 : i32
    %dma_wait3A_42 = arith.constant 0 : i32
    %dma_wait3A_43 = tpu.memref_slice %arg8[%dma_wait3A_41, %dma_wait3A_42] : memref<128x80xi32, #tpu.memory_space<vmem>> -> memref<1x80xi32, #tpu.memory_space<vmem>>
    %dma_wait3A_44 = tpu.memref_squeeze %dma_wait3A_43 : memref<1x80xi32, #tpu.memory_space<vmem>> -> memref<80xi32, #tpu.memory_space<vmem>>
    %dma_wait3A_45 = arith.constant 0 : i32
    %dma_wait3A_46 = tpu.memref_slice %arg11[%dma_wait3A_45] : memref<10240xf32, #tpu.memory_space<vmem_shared>> -> memref<10240xf32, #tpu.memory_space<vmem_shared>>
    tpu.wait_indirect_dma semaphore(%arg18 : memref<!tpu.dma_semaphore, #tpu.memory_space<semaphore_mem>>) src(%arg9 : memref<80xf32, #tpu.memory_space<vmem>>) dst(%dma_wait3A_46 : memref<10240xf32, #tpu.memory_space<vmem_shared>>)
    %dma_wait3A_47 = arith.constant 0 : i32
    %dma_wait3A_48 = arith.constant 0 : i32
    %dma_wait3A_49 = tpu.memref_slice %arg7[%dma_wait3A_47, %dma_wait3A_48] : memref<128x80xi32, #tpu.memory_space<vmem>> -> memref<1x80xi32, #tpu.memory_space<vmem>>
    %dma_wait3A_50 = tpu.memref_squeeze %dma_wait3A_49 : memref<1x80xi32, #tpu.memory_space<vmem>> -> memref<80xi32, #tpu.memory_space<vmem>>
    %dma_wait3A_51 = arith.constant 0 : i32
    %dma_wait3A_52 = tpu.memref_slice %arg10[%dma_wait3A_51] : memref<10240xf32, #tpu.memory_space<vmem_shared>> -> memref<10240xf32, #tpu.memory_space<vmem_shared>>
    tpu.wait_indirect_dma semaphore(%arg15 : memref<!tpu.dma_semaphore, #tpu.memory_space<semaphore_mem>>) src(%arg9 : memref<80xf32, #tpu.memory_space<vmem>>) dst(%dma_wait3A_52 : memref<10240xf32, #tpu.memory_space<vmem_shared>>)
    %dma_wait3A_53 = arith.constant 0 : i32
    %dma_wait3A_54 = arith.constant 0 : i32
    %dma_wait3A_55 = tpu.memref_slice %arg8[%dma_wait3A_53, %dma_wait3A_54] : memref<128x80xi32, #tpu.memory_space<vmem>> -> memref<1x80xi32, #tpu.memory_space<vmem>>
    %dma_wait3A_56 = tpu.memref_squeeze %dma_wait3A_55 : memref<1x80xi32, #tpu.memory_space<vmem>> -> memref<80xi32, #tpu.memory_space<vmem>>
    %dma_wait3A_57 = arith.constant 0 : i32
    %dma_wait3A_58 = tpu.memref_slice %arg11[%dma_wait3A_57] : memref<10240xf32, #tpu.memory_space<vmem_shared>> -> memref<10240xf32, #tpu.memory_space<vmem_shared>>
    tpu.wait_indirect_dma semaphore(%arg19 : memref<!tpu.dma_semaphore, #tpu.memory_space<semaphore_mem>>) src(%arg9 : memref<80xf32, #tpu.memory_space<vmem>>) dst(%dma_wait3A_58 : memref<10240xf32, #tpu.memory_space<vmem_shared>>)
    %barrier3A_59 = arith.constant 0 : index
    tpu.barrier barrier_id(%barrier3A_59)
    %mul3A_60 = arith.constant 640 : i32
    %mul3A_61 = arith.muli %arg1, %mul3A_60 : i32
    %mul3A_62 = arith.constant 640 : i32
    %mul3A_63 = arith.muli %arg1, %mul3A_62 : i32
    %run_scoped3A = arith.constant 0 : i32
    "tpu.region"() ({
      %run_scoped3A_69 = tpu.sem_alloc : memref<!tpu.dma_semaphore, #tpu.memory_space<semaphore_mem>>
      %dma_start3A = tpu.memref_slice %arg6[%arg0, %run_scoped3A, %mul3A_63] : memref<2x2x10240xf32, #tpu.memory_space<hbm>> -> memref<1x1x640xf32, #tpu.memory_space<hbm>>
      %dma_start3A_70 = tpu.memref_squeeze %dma_start3A : memref<1x1x640xf32, #tpu.memory_space<hbm>> -> memref<640xf32, #tpu.memory_space<hbm>>
      %dma_start3A_71 = tpu.memref_slice %arg10[%mul3A_61] : memref<10240xf32, #tpu.memory_space<vmem_shared>> -> memref<640xf32, #tpu.memory_space<vmem_shared>>
      tpu.enqueue_dma source(%dma_start3A_71 : memref<640xf32, #tpu.memory_space<vmem_shared>>) target(%dma_start3A_70 : memref<640xf32, #tpu.memory_space<hbm>>) target_semaphore(%run_scoped3A_69 : memref<!tpu.dma_semaphore, #tpu.memory_space<semaphore_mem>>)
      %dma_wait3A_72 = tpu.memref_slice %arg6[%arg0, %run_scoped3A, %mul3A_63] : memref<2x2x10240xf32, #tpu.memory_space<hbm>> -> memref<1x1x640xf32, #tpu.memory_space<hbm>>
      %dma_wait3A_73 = tpu.memref_squeeze %dma_wait3A_72 : memref<1x1x640xf32, #tpu.memory_space<hbm>> -> memref<640xf32, #tpu.memory_space<hbm>>
      %dma_wait3A_74 = tpu.memref_slice %arg10[%mul3A_61] : memref<10240xf32, #tpu.memory_space<vmem_shared>> -> memref<640xf32, #tpu.memory_space<vmem_shared>>
      tpu.wait_dma2 semaphore(%run_scoped3A_69 : memref<!tpu.dma_semaphore, #tpu.memory_space<semaphore_mem>>) src(%dma_wait3A_74 : memref<640xf32, #tpu.memory_space<vmem_shared>>) dst(%dma_wait3A_73 : memref<640xf32, #tpu.memory_space<hbm>>)
      tpu.yield
    }) : () -> ()
    %mul3A_64 = arith.constant 640 : i32
    %mul3A_65 = arith.muli %arg1, %mul3A_64 : i32
    %mul3A_66 = arith.constant 640 : i32
    %mul3A_67 = arith.muli %arg1, %mul3A_66 : i32
    %run_scoped3A_68 = arith.constant 1 : i32
    "tpu.region"() ({
      %run_scoped3A_69 = tpu.sem_alloc : memref<!tpu.dma_semaphore, #tpu.memory_space<semaphore_mem>>
      %dma_start3A = tpu.memref_slice %arg6[%arg0, %run_scoped3A_68, %mul3A_67] : memref<2x2x10240xf32, #tpu.memory_space<hbm>> -> memref<1x1x640xf32, #tpu.memory_space<hbm>>
      %dma_start3A_70 = tpu.memref_squeeze %dma_start3A : memref<1x1x640xf32, #tpu.memory_space<hbm>> -> memref<640xf32, #tpu.memory_space<hbm>>
      %dma_start3A_71 = tpu.memref_slice %arg11[%mul3A_65] : memref<10240xf32, #tpu.memory_space<vmem_shared>> -> memref<640xf32, #tpu.memory_space<vmem_shared>>
      tpu.enqueue_dma source(%dma_start3A_71 : memref<640xf32, #tpu.memory_space<vmem_shared>>) target(%dma_start3A_70 : memref<640xf32, #tpu.memory_space<hbm>>) target_semaphore(%run_scoped3A_69 : memref<!tpu.dma_semaphore, #tpu.memory_space<semaphore_mem>>)
      %dma_wait3A_72 = tpu.memref_slice %arg6[%arg0, %run_scoped3A_68, %mul3A_67] : memref<2x2x10240xf32, #tpu.memory_space<hbm>> -> memref<1x1x640xf32, #tpu.memory_space<hbm>>
      %dma_wait3A_73 = tpu.memref_squeeze %dma_wait3A_72 : memref<1x1x640xf32, #tpu.memory_space<hbm>> -> memref<640xf32, #tpu.memory_space<hbm>>
      %dma_wait3A_74 = tpu.memref_slice %arg11[%mul3A_65] : memref<10240xf32, #tpu.memory_space<vmem_shared>> -> memref<640xf32, #tpu.memory_space<vmem_shared>>
      tpu.wait_dma2 semaphore(%run_scoped3A_69 : memref<!tpu.dma_semaphore, #tpu.memory_space<semaphore_mem>>) src(%dma_wait3A_74 : memref<640xf32, #tpu.memory_space<vmem_shared>>) dst(%dma_wait3A_73 : memref<640xf32, #tpu.memory_space<hbm>>)
      tpu.yield
    }) : () -> ()
    return
  }
}

module attributes {stable_mosaic.version = 14 : i64} {
  func.func @_mm1_body(%arg0: i32, %arg1: memref<1280x128xf32, #tpu.memory_space<vmem>>, %arg2: memref<2x1280xf32, #tpu.memory_space<vmem>>, %arg3: memref<128x256xf32, #tpu.memory_space<vmem>>, %arg4: memref<2x1280x128xf32, #tpu.memory_space<vmem>>) attributes {dimension_semantics = [#tpu.dimension_semantics<arbitrary>], iteration_bounds = array<i64: 8>, scalar_prefetch = 0 : i64, scratch_operands = 0 : i64, tpu.core_type = #tpu.core_type<tc>, window_params = [{transform_indices = @transform_0, window_bounds = array<i64: 1280, 128>}, {transform_indices = @transform_1, window_bounds = array<i64: 2, 1280>}, {pipeline_mode = #tpu.pipeline_mode<synchronous>, transform_indices = @transform_2, window_bounds = array<i64: 128, 256>}, {transform_indices = @transform_3, window_bounds = array<i64: 2, 1280, 128>}]} {
    %get3A = arith.constant 0 : index
    %get3A_0 = arith.constant 0 : index
    %get3A_1 = vector.load %arg2[%get3A, %get3A_0] : memref<2x1280xf32, #tpu.memory_space<vmem>>, vector<1x1280xf32>
    %get3A_2 = vector.shape_cast %get3A_1 : vector<1x1280xf32> to vector<1280xf32>
    %get3A_3 = arith.constant 1 : index
    %get3A_4 = arith.constant 0 : index
    %get3A_5 = vector.load %arg2[%get3A_3, %get3A_4] : memref<2x1280xf32, #tpu.memory_space<vmem>>, vector<1x1280xf32>
    %get3A_6 = vector.shape_cast %get3A_5 : vector<1x1280xf32> to vector<1280xf32>
    %add3A = arith.addf %get3A_2, %get3A_6 : vector<1280xf32>
    %gt3A = arith.constant 0.000000e+00 : f32
    %gt3A_7 = vector.broadcast %gt3A : f32 to vector<1280xf32>
    %gt3A_8 = arith.cmpf ogt, %add3A, %gt3A_7 : vector<1280xf32>
    %max3A = arith.constant 1.000000e+00 : f32
    %max3A_9 = vector.broadcast %max3A : f32 to vector<1280xf32>
    %max3A_10 = arith.maximumf %add3A, %max3A_9 : vector<1280xf32>
    %rsqrt3A = math.rsqrt %max3A_10 : vector<1280xf32>
    %jit3A = arith.constant 0.000000e+00 : f32
    %broadcast_in_dim3A = vector.broadcast %jit3A : f32 to vector<1280xf32>
    %select_n3A = arith.select %gt3A_8, %rsqrt3A, %broadcast_in_dim3A : vector<1280xi1>, vector<1280xf32>
    %get3A_11 = arith.constant 0 : index
    %get3A_12 = arith.constant 0 : index
    %get3A_13 = vector.load %arg1[%get3A_11, %get3A_12] : memref<1280x128xf32, #tpu.memory_space<vmem>>, vector<1280x128xf32>
    %broadcast_in_dim3A_14 = vector.shape_cast %select_n3A : vector<1280xf32> to vector<1280x1xf32>
    %mul3A = vector.broadcast %broadcast_in_dim3A_14 : vector<1280x1xf32> to vector<1280x128xf32>
    %mul3A_15 = arith.mulf %get3A_13, %mul3A : vector<1280x128xf32>
    %convert_element_type3A = arith.truncf %mul3A_15 : vector<1280x128xf32> to vector<1280x128xbf16>
    %get3A_16 = arith.constant 0 : index
    %get3A_17 = arith.constant 0 : index
    %get3A_18 = vector.load %arg3[%get3A_16, %get3A_17] : memref<128x256xf32, #tpu.memory_space<vmem>>, vector<128x256xf32>
    %convert_element_type3A_19 = arith.truncf %get3A_18 : vector<128x256xf32> to vector<128x256xbf16>
    %dot_general3A = arith.constant dense<0.000000e+00> : vector<1280x256xf32>
    %dot_general3A_20 = tpu.matmul %convert_element_type3A, %convert_element_type3A_19, %dot_general3A {dimension_numbers = #tpu.dot_dimension_numbers<[1], [0], [0], [1], [0, 0, 1, 1], [], []>, transpose_lhs_hint = false} : vector<1280x128xbf16>, vector<128x256xbf16>, vector<1280x256xf32> -> vector<1280x256xf32>
    %slice3A = vector.extract_strided_slice %dot_general3A_20 {offsets = [0, 0], sizes = [1280, 128], strides = [1, 1]} : vector<1280x256xf32> to vector<1280x128xf32>
    %swap3A = arith.constant 0 : index
    %swap3A_21 = arith.constant 0 : index
    %swap3A_22 = arith.constant 0 : index
    %swap3A_23 = vector.load %arg4[%swap3A, %swap3A_21, %swap3A_22] : memref<2x1280x128xf32, #tpu.memory_space<vmem>>, vector<1x1280x128xf32>
    %swap3A_24 = vector.shape_cast %swap3A_23 : vector<1x1280x128xf32> to vector<1280x128xf32>
    %swap3A_25 = vector.shape_cast %slice3A : vector<1280x128xf32> to vector<1x1280x128xf32>
    tpu.vector_store %arg4[%swap3A, %swap3A_21, %swap3A_22], %swap3A_25 {strides = array<i32>} : memref<2x1280x128xf32, #tpu.memory_space<vmem>>, vector<1x1280x128xf32>,
    %slice3A_26 = vector.extract_strided_slice %dot_general3A_20 {offsets = [0, 128], sizes = [1280, 128], strides = [1, 1]} : vector<1280x256xf32> to vector<1280x128xf32>
    %swap3A_27 = arith.constant 1 : index
    %swap3A_28 = arith.constant 0 : index
    %swap3A_29 = arith.constant 0 : index
    %swap3A_30 = vector.load %arg4[%swap3A_27, %swap3A_28, %swap3A_29] : memref<2x1280x128xf32, #tpu.memory_space<vmem>>, vector<1x1280x128xf32>
    %swap3A_31 = vector.shape_cast %swap3A_30 : vector<1x1280x128xf32> to vector<1280x128xf32>
    %swap3A_32 = vector.shape_cast %slice3A_26 : vector<1280x128xf32> to vector<1x1280x128xf32>
    tpu.vector_store %arg4[%swap3A_27, %swap3A_28, %swap3A_29], %swap3A_32 {strides = array<i32>} : memref<2x1280x128xf32, #tpu.memory_space<vmem>>, vector<1x1280x128xf32>,
    return
  }
  func.func @transform_0(%arg0: i32) -> (i32, i32) {
    %c0_i32 = arith.constant 0 : i32
    %c0_i32_0 = arith.constant 0 : i32
    return %arg0, %c0_i32 : i32, i32
  }
  func.func @transform_1(%arg0: i32) -> (i32, i32) {
    %c0_i32 = arith.constant 0 : i32
    %c0_i32_0 = arith.constant 0 : i32
    return %c0_i32, %arg0 : i32, i32
  }
  func.func @transform_2(%arg0: i32) -> (i32, i32) {
    %c0_i32 = arith.constant 0 : i32
    %c0_i32_0 = arith.constant 0 : i32
    %c0_i32_1 = arith.constant 0 : i32
    return %c0_i32, %c0_i32_0 : i32, i32
  }
  func.func @transform_3(%arg0: i32) -> (i32, i32, i32) {
    %c0_i32 = arith.constant 0 : i32
    %c0_i32_0 = arith.constant 0 : i32
    %c0_i32_1 = arith.constant 0 : i32
    return %c0_i32, %arg0, %c0_i32_0 : i32, i32, i32
  }
}

module attributes {stable_mosaic.version = 14 : i64} {
  func.func @_mm2_body(%arg0: i32, %arg1: memref<2x1280x128xf32, #tpu.memory_space<vmem>>, %arg2: memref<2x1280xf32, #tpu.memory_space<vmem>>, %arg3: memref<2x1280xf32, #tpu.memory_space<vmem>>, %arg4: memref<1x256xf32, #tpu.memory_space<vmem>>, %arg5: memref<256x256xf32, #tpu.memory_space<vmem>>, %arg6: memref<2x1280x128xf32, #tpu.memory_space<vmem>>) attributes {dimension_semantics = [#tpu.dimension_semantics<arbitrary>], iteration_bounds = array<i64: 8>, scalar_prefetch = 0 : i64, scratch_operands = 0 : i64, tpu.core_type = #tpu.core_type<tc>, window_params = [{transform_indices = @transform_0, window_bounds = array<i64: 2, 1280, 128>}, {transform_indices = @transform_1, window_bounds = array<i64: 2, 1280>}, {transform_indices = @transform_2, window_bounds = array<i64: 2, 1280>}, {pipeline_mode = #tpu.pipeline_mode<synchronous>, transform_indices = @transform_3, window_bounds = array<i64: 1, 256>}, {pipeline_mode = #tpu.pipeline_mode<synchronous>, transform_indices = @transform_4, window_bounds = array<i64: 256, 256>}, {transform_indices = @transform_5, window_bounds = array<i64: 2, 1280, 128>}]} {
    %get3A = arith.constant 0 : index
    %get3A_0 = arith.constant 0 : index
    %get3A_1 = vector.load %arg2[%get3A, %get3A_0] : memref<2x1280xf32, #tpu.memory_space<vmem>>, vector<1x1280xf32>
    %get3A_2 = vector.shape_cast %get3A_1 : vector<1x1280xf32> to vector<1280xf32>
    %get3A_3 = arith.constant 1 : index
    %get3A_4 = arith.constant 0 : index
    %get3A_5 = vector.load %arg2[%get3A_3, %get3A_4] : memref<2x1280xf32, #tpu.memory_space<vmem>>, vector<1x1280xf32>
    %get3A_6 = vector.shape_cast %get3A_5 : vector<1x1280xf32> to vector<1280xf32>
    %add3A = arith.addf %get3A_2, %get3A_6 : vector<1280xf32>
    %get3A_7 = arith.constant 0 : index
    %get3A_8 = arith.constant 0 : index
    %get3A_9 = vector.load %arg3[%get3A_7, %get3A_8] : memref<2x1280xf32, #tpu.memory_space<vmem>>, vector<1x1280xf32>
    %get3A_10 = vector.shape_cast %get3A_9 : vector<1x1280xf32> to vector<1280xf32>
    %get3A_11 = arith.constant 1 : index
    %get3A_12 = arith.constant 0 : index
    %get3A_13 = vector.load %arg3[%get3A_11, %get3A_12] : memref<2x1280xf32, #tpu.memory_space<vmem>>, vector<1x1280xf32>
    %get3A_14 = vector.shape_cast %get3A_13 : vector<1x1280xf32> to vector<1280xf32>
    %add3A_15 = arith.addf %get3A_10, %get3A_14 : vector<1280xf32>
    %gt3A = arith.constant 0.000000e+00 : f32
    %gt3A_16 = vector.broadcast %gt3A : f32 to vector<1280xf32>
    %gt3A_17 = arith.cmpf ogt, %add3A, %gt3A_16 : vector<1280xf32>
    %max3A = arith.constant 1.000000e+00 : f32
    %max3A_18 = vector.broadcast %max3A : f32 to vector<1280xf32>
    %max3A_19 = arith.maximumf %add3A, %max3A_18 : vector<1280xf32>
    %rsqrt3A = math.rsqrt %max3A_19 : vector<1280xf32>
    %jit3A = arith.constant 0.000000e+00 : f32
    %broadcast_in_dim3A = vector.broadcast %jit3A : f32 to vector<1280xf32>
    %select_n3A = arith.select %gt3A_17, %rsqrt3A, %broadcast_in_dim3A : vector<1280xi1>, vector<1280xf32>
    %gt3A_20 = arith.constant 0.000000e+00 : f32
    %gt3A_21 = vector.broadcast %gt3A_20 : f32 to vector<1280xf32>
    %gt3A_22 = arith.cmpf ogt, %add3A_15, %gt3A_21 : vector<1280xf32>
    %max3A_23 = arith.constant 1.000000e+00 : f32
    %max3A_24 = vector.broadcast %max3A_23 : f32 to vector<1280xf32>
    %max3A_25 = arith.maximumf %add3A_15, %max3A_24 : vector<1280xf32>
    %rsqrt3A_26 = math.rsqrt %max3A_25 : vector<1280xf32>
    %jit3A_27 = arith.constant 0.000000e+00 : f32
    %broadcast_in_dim3A_28 = vector.broadcast %jit3A_27 : f32 to vector<1280xf32>
    %select_n3A_29 = arith.select %gt3A_22, %rsqrt3A_26, %broadcast_in_dim3A_28 : vector<1280xi1>, vector<1280xf32>
    %get3A_30 = arith.constant 0 : index
    %get3A_31 = arith.constant 0 : index
    %get3A_32 = arith.constant 0 : index
    %get3A_33 = vector.load %arg1[%get3A_30, %get3A_31, %get3A_32] : memref<2x1280x128xf32, #tpu.memory_space<vmem>>, vector<1x1280x128xf32>
    %get3A_34 = vector.shape_cast %get3A_33 : vector<1x1280x128xf32> to vector<1280x128xf32>
    %get3A_35 = arith.constant 1 : index
    %get3A_36 = arith.constant 0 : index
    %get3A_37 = arith.constant 0 : index
    %get3A_38 = vector.load %arg1[%get3A_35, %get3A_36, %get3A_37] : memref<2x1280x128xf32, #tpu.memory_space<vmem>>, vector<1x1280x128xf32>
    %get3A_39 = vector.shape_cast %get3A_38 : vector<1x1280x128xf32> to vector<1280x128xf32>
    %concatenate3A = tpu.concatenate %get3A_34, %get3A_39 in 1 : vector<1280x128xf32>, vector<1280x128xf32> -> vector<1280x256xf32>
    %broadcast_in_dim3A_40 = vector.shape_cast %select_n3A_29 : vector<1280xf32> to vector<1280x1xf32>
    %mul3A = vector.broadcast %broadcast_in_dim3A_40 : vector<1280x1xf32> to vector<1280x256xf32>
    %mul3A_41 = arith.mulf %concatenate3A, %mul3A : vector<1280x256xf32>
    %get3A_42 = arith.constant 0 : index
    %get3A_43 = arith.constant 0 : index
    %get3A_44 = vector.load %arg4[%get3A_42, %get3A_43] : memref<1x256xf32, #tpu.memory_space<vmem>>, vector<1x256xf32>
    %add3A_45 = vector.broadcast %get3A_44 : vector<1x256xf32> to vector<1280x256xf32>
    %add3A_46 = arith.addf %mul3A_41, %add3A_45 : vector<1280x256xf32>
    %max3A_47 = arith.constant 0.000000e+00 : f32
    %max3A_48 = vector.broadcast %max3A_47 : f32 to vector<1280x256xf32>
    %max3A_49 = arith.maximumf %add3A_46, %max3A_48 : vector<1280x256xf32>
    %broadcast_in_dim3A_50 = vector.shape_cast %select_n3A : vector<1280xf32> to vector<1280x1xf32>
    %mul3A_51 = vector.broadcast %broadcast_in_dim3A_50 : vector<1280x1xf32> to vector<1280x256xf32>
    %mul3A_52 = arith.mulf %max3A_49, %mul3A_51 : vector<1280x256xf32>
    %convert_element_type3A = arith.truncf %mul3A_52 : vector<1280x256xf32> to vector<1280x256xbf16>
    %get3A_53 = arith.constant 0 : index
    %get3A_54 = arith.constant 0 : index
    %get3A_55 = vector.load %arg5[%get3A_53, %get3A_54] : memref<256x256xf32, #tpu.memory_space<vmem>>, vector<256x256xf32>
    %convert_element_type3A_56 = arith.truncf %get3A_55 : vector<256x256xf32> to vector<256x256xbf16>
    %dot_general3A = arith.constant dense<0.000000e+00> : vector<1280x256xf32>
    %dot_general3A_57 = tpu.matmul %convert_element_type3A, %convert_element_type3A_56, %dot_general3A {dimension_numbers = #tpu.dot_dimension_numbers<[1], [0], [0], [1], [0, 0, 1, 1], [], []>, transpose_lhs_hint = false} : vector<1280x256xbf16>, vector<256x256xbf16>, vector<1280x256xf32> -> vector<1280x256xf32>
    %slice3A = vector.extract_strided_slice %dot_general3A_57 {offsets = [0, 0], sizes = [1280, 128], strides = [1, 1]} : vector<1280x256xf32> to vector<1280x128xf32>
    %swap3A = arith.constant 0 : index
    %swap3A_58 = arith.constant 0 : index
    %swap3A_59 = arith.constant 0 : index
    %swap3A_60 = vector.load %arg6[%swap3A, %swap3A_58, %swap3A_59] : memref<2x1280x128xf32, #tpu.memory_space<vmem>>, vector<1x1280x128xf32>
    %swap3A_61 = vector.shape_cast %swap3A_60 : vector<1x1280x128xf32> to vector<1280x128xf32>
    %swap3A_62 = vector.shape_cast %slice3A : vector<1280x128xf32> to vector<1x1280x128xf32>
    tpu.vector_store %arg6[%swap3A, %swap3A_58, %swap3A_59], %swap3A_62 {strides = array<i32>} : memref<2x1280x128xf32, #tpu.memory_space<vmem>>, vector<1x1280x128xf32>,
    %slice3A_63 = vector.extract_strided_slice %dot_general3A_57 {offsets = [0, 128], sizes = [1280, 128], strides = [1, 1]} : vector<1280x256xf32> to vector<1280x128xf32>
    %swap3A_64 = arith.constant 1 : index
    %swap3A_65 = arith.constant 0 : index
    %swap3A_66 = arith.constant 0 : index
    %swap3A_67 = vector.load %arg6[%swap3A_64, %swap3A_65, %swap3A_66] : memref<2x1280x128xf32, #tpu.memory_space<vmem>>, vector<1x1280x128xf32>
    %swap3A_68 = vector.shape_cast %swap3A_67 : vector<1x1280x128xf32> to vector<1280x128xf32>
    %swap3A_69 = vector.shape_cast %slice3A_63 : vector<1280x128xf32> to vector<1x1280x128xf32>
    tpu.vector_store %arg6[%swap3A_64, %swap3A_65, %swap3A_66], %swap3A_69 {strides = array<i32>} : memref<2x1280x128xf32, #tpu.memory_space<vmem>>, vector<1x1280x128xf32>,
    return
  }
  func.func @transform_0(%arg0: i32) -> (i32, i32, i32) {
    %c0_i32 = arith.constant 0 : i32
    %c0_i32_0 = arith.constant 0 : i32
    %c0_i32_1 = arith.constant 0 : i32
    return %c0_i32, %arg0, %c0_i32_0 : i32, i32, i32
  }
  func.func @transform_1(%arg0: i32) -> (i32, i32) {
    %c0_i32 = arith.constant 0 : i32
    %c0_i32_0 = arith.constant 0 : i32
    return %c0_i32, %arg0 : i32, i32
  }
  func.func @transform_2(%arg0: i32) -> (i32, i32) {
    %c0_i32 = arith.constant 0 : i32
    %c0_i32_0 = arith.constant 0 : i32
    return %c0_i32, %arg0 : i32, i32
  }
  func.func @transform_3(%arg0: i32) -> (i32, i32) {
    %c0_i32 = arith.constant 0 : i32
    %c0_i32_0 = arith.constant 0 : i32
    %c0_i32_1 = arith.constant 0 : i32
    return %c0_i32, %c0_i32_0 : i32, i32
  }
  func.func @transform_4(%arg0: i32) -> (i32, i32) {
    %c0_i32 = arith.constant 0 : i32
    %c0_i32_0 = arith.constant 0 : i32
    %c0_i32_1 = arith.constant 0 : i32
    return %c0_i32, %c0_i32_0 : i32, i32
  }
  func.func @transform_5(%arg0: i32) -> (i32, i32, i32) {
    %c0_i32 = arith.constant 0 : i32
    %c0_i32_0 = arith.constant 0 : i32
    %c0_i32_1 = arith.constant 0 : i32
    return %c0_i32, %arg0, %c0_i32_0 : i32, i32, i32
  }
}

module attributes {stable_mosaic.version = 14 : i64} {
  func.func @_fin_body(%arg0: i32, %arg1: memref<2x1280x128xf32, #tpu.memory_space<vmem>>, %arg2: memref<2x1280xf32, #tpu.memory_space<vmem>>, %arg3: memref<1x256xf32, #tpu.memory_space<vmem>>, %arg4: memref<1x256xf32, #tpu.memory_space<vmem>>, %arg5: memref<1x1xf32, #tpu.memory_space<smem>>) attributes {dimension_semantics = [#tpu.dimension_semantics<arbitrary>], iteration_bounds = array<i64: 8>, scalar_prefetch = 0 : i64, scratch_operands = 0 : i64, tpu.core_type = #tpu.core_type<tc>, window_params = [{transform_indices = @transform_0, window_bounds = array<i64: 2, 1280, 128>}, {transform_indices = @transform_1, window_bounds = array<i64: 2, 1280>}, {pipeline_mode = #tpu.pipeline_mode<synchronous>, transform_indices = @transform_2, window_bounds = array<i64: 1, 256>}, {pipeline_mode = #tpu.pipeline_mode<synchronous>, transform_indices = @transform_3, window_bounds = array<i64: 1, 256>}, {transform_indices = @transform_4, window_bounds = array<i64: 1, 1>}]} {
    %get3A = arith.constant 0 : index
    %get3A_0 = arith.constant 0 : index
    %get3A_1 = vector.load %arg2[%get3A, %get3A_0] : memref<2x1280xf32, #tpu.memory_space<vmem>>, vector<1x1280xf32>
    %get3A_2 = vector.shape_cast %get3A_1 : vector<1x1280xf32> to vector<1280xf32>
    %get3A_3 = arith.constant 1 : index
    %get3A_4 = arith.constant 0 : index
    %get3A_5 = vector.load %arg2[%get3A_3, %get3A_4] : memref<2x1280xf32, #tpu.memory_space<vmem>>, vector<1x1280xf32>
    %get3A_6 = vector.shape_cast %get3A_5 : vector<1x1280xf32> to vector<1280xf32>
    %add3A = arith.addf %get3A_2, %get3A_6 : vector<1280xf32>
    %gt3A = arith.constant 0.000000e+00 : f32
    %gt3A_7 = vector.broadcast %gt3A : f32 to vector<1280xf32>
    %gt3A_8 = arith.cmpf ogt, %add3A, %gt3A_7 : vector<1280xf32>
    %max3A = arith.constant 1.000000e+00 : f32
    %max3A_9 = vector.broadcast %max3A : f32 to vector<1280xf32>
    %max3A_10 = arith.maximumf %add3A, %max3A_9 : vector<1280xf32>
    %rsqrt3A = math.rsqrt %max3A_10 : vector<1280xf32>
    %jit3A = arith.constant 0.000000e+00 : f32
    %broadcast_in_dim3A = vector.broadcast %jit3A : f32 to vector<1280xf32>
    %select_n3A = arith.select %gt3A_8, %rsqrt3A, %broadcast_in_dim3A : vector<1280xi1>, vector<1280xf32>
    %get3A_11 = arith.constant 0 : index
    %get3A_12 = arith.constant 0 : index
    %get3A_13 = arith.constant 0 : index
    %get3A_14 = vector.load %arg1[%get3A_11, %get3A_12, %get3A_13] : memref<2x1280x128xf32, #tpu.memory_space<vmem>>, vector<1x1280x128xf32>
    %get3A_15 = vector.shape_cast %get3A_14 : vector<1x1280x128xf32> to vector<1280x128xf32>
    %get3A_16 = arith.constant 1 : index
    %get3A_17 = arith.constant 0 : index
    %get3A_18 = arith.constant 0 : index
    %get3A_19 = vector.load %arg1[%get3A_16, %get3A_17, %get3A_18] : memref<2x1280x128xf32, #tpu.memory_space<vmem>>, vector<1x1280x128xf32>
    %get3A_20 = vector.shape_cast %get3A_19 : vector<1x1280x128xf32> to vector<1280x128xf32>
    %concatenate3A = tpu.concatenate %get3A_15, %get3A_20 in 1 : vector<1280x128xf32>, vector<1280x128xf32> -> vector<1280x256xf32>
    %broadcast_in_dim3A_21 = vector.shape_cast %select_n3A : vector<1280xf32> to vector<1280x1xf32>
    %mul3A = vector.broadcast %broadcast_in_dim3A_21 : vector<1280x1xf32> to vector<1280x256xf32>
    %mul3A_22 = arith.mulf %concatenate3A, %mul3A : vector<1280x256xf32>
    %get3A_23 = arith.constant 0 : index
    %get3A_24 = arith.constant 0 : index
    %get3A_25 = vector.load %arg3[%get3A_23, %get3A_24] : memref<1x256xf32, #tpu.memory_space<vmem>>, vector<1x256xf32>
    %add3A_26 = vector.broadcast %get3A_25 : vector<1x256xf32> to vector<1280x256xf32>
    %add3A_27 = arith.addf %mul3A_22, %add3A_26 : vector<1280x256xf32>
    %max3A_28 = arith.constant 0.000000e+00 : f32
    %max3A_29 = vector.broadcast %max3A_28 : f32 to vector<1280x256xf32>
    %max3A_30 = arith.maximumf %add3A_27, %max3A_29 : vector<1280x256xf32>
    %mul3A_31 = arith.constant 1280 : i32
    %mul3A_32 = arith.muli %arg0, %mul3A_31 : i32
    %iota3A = tpu.iota {dimensions = array<i32: 0>} : vector<1280x1xi32>
    %add3A_33 = vector.broadcast %mul3A_32 : i32 to vector<1280x1xi32>
    %add3A_34 = arith.addi %add3A_33, %iota3A : vector<1280x1xi32>
    %lt3A = arith.constant 10000 : i32
    %lt3A_35 = vector.broadcast %lt3A : i32 to vector<1280x1xi32>
    %lt3A_36 = arith.cmpi slt, %add3A_34, %lt3A_35 : vector<1280x1xi32>
    %jit3A_37 = arith.constant 0.000000e+00 : f32
    %broadcast_in_dim3A_38 = vector.shape_cast %lt3A_36 : vector<1280x1xi1> to vector<1280x1xi1>
    %broadcast_in_dim3A_39 = vector.broadcast %broadcast_in_dim3A_38 : vector<1280x1xi1> to vector<1280x256xi1>
    %broadcast_in_dim3A_40 = vector.broadcast %jit3A_37 : f32 to vector<1280x256xf32>
    %select_n3A_41 = arith.select %broadcast_in_dim3A_39, %max3A_30, %broadcast_in_dim3A_40 : vector<1280x256xi1>, vector<1280x256xf32>
    %get3A_42 = arith.constant 0 : index
    %get3A_43 = arith.constant 0 : index
    %get3A_44 = vector.load %arg4[%get3A_42, %get3A_43] : memref<1x256xf32, #tpu.memory_space<vmem>>, vector<1x256xf32>
    %mul3A_45 = vector.broadcast %get3A_44 : vector<1x256xf32> to vector<1280x256xf32>
    %mul3A_46 = arith.mulf %select_n3A_41, %mul3A_45 : vector<1280x256xf32>
    %reduce_sum3A = vector.shape_cast %mul3A_46 : vector<1280x256xf32> to vector<1x1280x256xf32>
    %reduce_sum3A_47 = arith.constant dense<0.000000e+00> : vector<1xf32>
    %reduce_sum3A_48 = vector.multi_reduction <add>, %reduce_sum3A, %reduce_sum3A_47 [1, 2] : vector<1x1280x256xf32> to vector<1xf32>
    %reduce_sum3A_49 = vector.shape_cast %reduce_sum3A_48 : vector<1xf32> to vector<1x1x1xf32>
    %reduce_sum3A_50 = vector.extract %reduce_sum3A_49[0, 0, 0] : f32 from vector<1x1x1xf32>
    %div3A = arith.constant 1.000000e+04 : f32
    %div3A_51 = arith.divf %reduce_sum3A_50, %div3A : f32
    %eq3A = arith.constant 0 : i32
    %eq3A_52 = arith.cmpi eq, %arg0, %eq3A : i32
    %convert_element_type3A = arith.extui %eq3A_52 : i1 to i32
    %cond3A = arith.constant 0 : i32
    %cond3A_53 = arith.cmpi ne, %convert_element_type3A, %cond3A : i32
    scf.if %cond3A_53 {
      %swap3A_60 = arith.constant 0.000000e+00 : f32
      %swap3A_61 = arith.constant 0 : index
      %swap3A_62 = arith.constant 0 : index
      %swap3A_63 = memref.load %arg5[%swap3A_61, %swap3A_62] : memref<1x1xf32, #tpu.memory_space<smem>>
      memref.store %swap3A_60, %arg5[%swap3A_61, %swap3A_62] : memref<1x1xf32, #tpu.memory_space<smem>>
    } else {
    }
    %get3A_54 = arith.constant 0 : index
    %get3A_55 = arith.constant 0 : index
    %get3A_56 = memref.load %arg5[%get3A_54, %get3A_55] : memref<1x1xf32, #tpu.memory_space<smem>>
    %add3A_57 = arith.addf %get3A_56, %div3A_51 : f32
    %swap3A = arith.constant 0 : index
    %swap3A_58 = arith.constant 0 : index
    %swap3A_59 = memref.load %arg5[%swap3A, %swap3A_58] : memref<1x1xf32, #tpu.memory_space<smem>>
    memref.store %add3A_57, %arg5[%swap3A, %swap3A_58] : memref<1x1xf32, #tpu.memory_space<smem>>
    return
  }
  func.func @transform_0(%arg0: i32) -> (i32, i32, i32) {
    %c0_i32 = arith.constant 0 : i32
    %c0_i32_0 = arith.constant 0 : i32
    %c0_i32_1 = arith.constant 0 : i32
    return %c0_i32, %arg0, %c0_i32_0 : i32, i32, i32
  }
  func.func @transform_1(%arg0: i32) -> (i32, i32) {
    %c0_i32 = arith.constant 0 : i32
    %c0_i32_0 = arith.constant 0 : i32
    return %c0_i32, %arg0 : i32, i32
  }
  func.func @transform_2(%arg0: i32) -> (i32, i32) {
    %c0_i32 = arith.constant 0 : i32
    %c0_i32_0 = arith.constant 0 : i32
    %c0_i32_1 = arith.constant 0 : i32
    return %c0_i32, %c0_i32_0 : i32, i32
  }
  func.func @transform_3(%arg0: i32) -> (i32, i32) {
    %c0_i32 = arith.constant 0 : i32
    %c0_i32_0 = arith.constant 0 : i32
    %c0_i32_1 = arith.constant 0 : i32
    return %c0_i32, %c0_i32_0 : i32, i32
  }
  func.func @transform_4(%arg0: i32) -> (i32, i32) {
    %c0_i32 = arith.constant 0 : i32
    %c0_i32_0 = arith.constant 0 : i32
    %c0_i32_1 = arith.constant 0 : i32
    return %c0_i32, %c0_i32_0 : i32, i32
  }
}

</mosaic_0001>

<sc_bundles>
// kernel: kernel.11.cloned.1.call-start
scs
__scs_entry_jumppad:
0x0: {  	(pc) =	sbr.rel $0x88, $3  }
0x1: {  	(tag) =	ssettag $0x0;
	lr =	simm.s32 $0x1  }
0x2: {  	[smem:$0x3F99] =	sst lr;
	_ =	strace $0xD0000000  }
0x3: {  	_ = 	snop  }
0x4: {  	_ = 	snop  }
0x5: {  	_ = 	snop  }
0x6: {  	_ = 	snop  }
0x7: {  	_ = 	snop  }
__scs_overlays_trampoline_lowered:
0x8: {  	[smem:$0x3FA8] =	sst s0  }
0x9: {  	[smem:$0x3FA9] =	sst s1  }
0xa: {  	[smem:$0x3FAA] =	sst s2  }
0xb: {  	[smem:$0x3FAB] =	sst s3  }
0xc: {  	[smem:$0x3FAC] =	sst s4  }
0xd: {  	[smem:$0x3FAD] =	sst s5  }
0xe: {  	[smem:$0x3FAE] =	sst s6  }
0xf: {  	[smem:$0x3FAF] =	sst s7  }
0x10: {  	[smem:$0x3FB0] =	sst s8  }
0x11: {  	[smem:$0x3FB1] =	sst s9;
	s0 =	simm.s32 @!p0 $0x0  }
0x12: {  	s1 =	sld [smem:$0x3F97];
	s0 =	simm.s32 @p0 $0x1  }
0x13: {  	[smem:$0x3FB2] =	sst s0;
	s0 =	simm.s32 @!p1 $0x0  }
0x14: {  	s2 =	sld [smem:$0x3F96];
	s0 =	simm.s32 @p1 $0x1  }
0x15: {  	[smem:$0x3FB3] =	sst s0;
	s0 =	simm.s32 @!p2 $0x0  }
0x16: {  	s3 =	sld [smem:$0x3FDB];
	s0 =	simm.s32 @p2 $0x1  }
0x17: {  	s4 =	simm.s32 $0x1BF5;
	[smem:$0x3FB5] =	sst s0  }
0x18: {  	s0 =	sld [smem:$0x3F98];
	_ =	swait.ge [sflag:s4], $0x0  }
0x19: {  	s7 =	sld [smem:$0x3F99]  }
0x1a: {  	s8 =	sadd.s32 $0xFFFFE003, lr  }
0x1b: {  	s9 =	sadd.s32 $0xFFFFFEF7, lr;
	s5 =	simm.s32 $0xFFFFFFFF;
	p2 =	slt.u32 s8, $0xFFFFF086  }
0x1c: {  	p1 =	slt.u32 s9, $0xF7A;
	s5 =	simm.s32 @!p2 $0x0  }
0x1d: {  	s5 =	simm.s32 @p1 $0x1;
	p0 =	seq.s32 s7, s2  }
0x1e: {  	s7 =	smul.u32 @!p0 $0xF7A, s2;
	p2 =	seq.s32 @!p0 s5, $0x0  }
0x1f: {  	s9 =	smul.u32 $0xF7A, s1;
	s8 =	simm.s32 @!p0 $0x1BF5;
	p2 =	por !p2, p0  }
0x20: {  	[sflag:s8] =	ssyncset.s32 @!p0 $0xFFFFF086;
	s6 =	sadd.s32 @!p0 s3, s7;
	s7 =	simm.s32 @!p0 $0x108  }
0x21: {  	s3 =	sadd.s32 s3, s9;
	s6 =	sadd.s32 @!p0 $0x88, s6;
	s7 =	simm.s32 @p2 $0x1082  }
0x22: {  	[simem:s7], [sflag:s8] =	dma.local @!p0 [hbm:s6], $0xF7A  }
0x23: {  	s9 =	sor.u32 $0xD0000000, s2;
	s6 =	simm.s32 $0x108;
	_ =	swait.ge @!p0 [sflag:s8], $0x0  }
0x24: {  	s3 =	sadd.s32 $0x88, s3;
	s6 =	simm.s32 @!p1 $0x1082;
	[sflag:s4] =	ssyncset.s32 $0xFFFFF086  }
0x25: {  	[simem:s6], [sflag:s4] =	dma.local [hbm:s3], $0xF7A  }
0x26: {  	[smem:$0x3F99] =	sst s1;
	(tag) =	ssettag s2;
	_ =	strace s9  }
0x27: {  	s1 =	sld [smem:$0x3FA9]  }
0x28: {  	s2 =	sld [smem:$0x3FAA]  }
0x29: {  	s4 =	sld [smem:$0x3FAC]  }
0x2a: {  	p0 =	seq.s32 s5, $0x0;
	s5 =	sld [smem:$0x3FAD]  }
0x2b: {  	s6 =	sld [smem:$0x3FAE]  }
0x2c: {  	s7 =	sld [smem:$0x3FAF]  }
0x2d: {  	s3 =	simm.s32 $0x108;
	s8 =	sld [smem:$0x3FB0]  }
0x2e: {  	s3 =	simm.s32 @!p0 $0x1082;
	s9 =	sld [smem:$0x3FB1]  }
0x2f: {  	lr =	sadd.s32 s0, s3;
	s0 =	sld [smem:$0x3FA8]  }
0x30: {  	s3 =	sld [smem:$0x3FAB]  }
0x31: {  	[smem:$0x3FB4] =	sst s10  }
0x32: {  	s10 =	sld [smem:$0x3FB2];
	_ =	sdelay $0x3  }
0x33: {  	p0 =	seq.s32 s10, $0x1;
	s10 =	sld [smem:$0x3FB4];
	_ =	sdelay $0x3  }
0x34: {  	[smem:$0x3FB4] =	sst s10  }
0x35: {  	s10 =	sld [smem:$0x3FB3];
	_ =	sdelay $0x3  }
0x36: {  	p1 =	seq.s32 s10, $0x1;
	s10 =	sld [smem:$0x3FB4];
	_ =	sdelay $0x3  }
0x37: {  	[smem:$0x3FB4] =	sst s10  }
0x38: {  	s10 =	sld [smem:$0x3FB5]  }
0x39: {  	_ = 	snop;
	(pc) =	sbr.ind lr, $3  }
0x3a: {  	_ = 	snop  }
0x3b: {  	_ = 	snop  }
0x3c: {  	p2 =	seq.s32 s10, $0x1;
	s10 =	sld [smem:$0x3FB4]  }
0x3d: {  	_ =	shalt  }
0x3e: {  	_ =	shalt  }
0x3f: {  	_ =	shalt  }
0x40: {  	_ =	shalt  }
0x41: {  	_ =	shalt  }
0x42: {  	_ =	shalt  }
0x43: {  	_ =	shalt  }
0x44: {  	_ =	shalt  }
0x45: {  	_ =	shalt  }
0x46: {  	_ =	shalt  }
0x47: {  	_ =	shalt  }
0x48: {  	_ =	shalt  }
0x49: {  	_ =	shalt  }
0x4a: {  	_ =	shalt  }
0x4b: {  	_ =	shalt  }
0x4c: {  	_ =	shalt  }
0x4d: {  	_ =	shalt  }
0x4e: {  	_ =	shalt  }
0x4f: {  	_ =	shalt  }
0x50: {  	_ =	shalt  }
0x51: {  	_ =	shalt  }
0x52: {  	_ =	shalt  }
0x53: {  	_ =	shalt  }
0x54: {  	_ =	shalt  }
0x55: {  	_ =	shalt  }
0x56: {  	_ =	shalt  }
0x57: {  	_ =	shalt  }
0x58: {  	_ =	shalt  }
0x59: {  	_ =	shalt  }
0x5a: {  	_ =	shalt  }
0x5b: {  	_ =	shalt  }
0x5c: {  	_ =	shalt  }
0x5d: {  	_ =	shalt  }
0x5e: {  	_ =	shalt  }
0x5f: {  	_ =	shalt  }
0x60: {  	_ =	shalt  }
0x61: {  	_ =	shalt  }
0x62: {  	_ =	shalt  }
0x63: {  	_ =	shalt  }
0x64: {  	_ =	shalt  }
0x65: {  	_ =	shalt  }
0x66: {  	_ =	shalt  }
0x67: {  	_ =	shalt  }
0x68: {  	_ =	shalt  }
0x69: {  	_ =	shalt  }
0x6a: {  	_ =	shalt  }
0x6b: {  	_ =	shalt  }
0x6c: {  	_ =	shalt  }
0x6d: {  	_ =	shalt  }
0x6e: {  	_ =	shalt  }
0x6f: {  	_ =	shalt  }
0x70: {  	_ =	shalt  }
0x71: {  	_ =	shalt  }
0x72: {  	_ =	shalt  }
0x73: {  	_ =	shalt  }
0x74: {  	_ =	shalt  }
0x75: {  	_ =	shalt  }
0x76: {  	_ =	shalt  }
0x77: {  	_ =	shalt  }
0x78: {  	_ =	shalt  }
0x79: {  	_ =	shalt  }
0x7a: {  	_ =	shalt  }
0x7b: {  	_ =	shalt  }
0x7c: {  	_ =	shalt  }
0x7d: {  	_ =	shalt  }
0x7e: {  	_ =	shalt  }
0x7f: {  	_ =	shalt  }
0x80: {  	_ =	shalt  }
0x81: {  	_ =	shalt  }
0x82: {  	_ =	shalt  }
0x83: {  	_ =	shalt  }
0x84: {  	_ =	shalt  }
0x85: {  	_ =	shalt  }
0x86: {  	_ =	shalt  }
0x87: {  	_ =	shalt  }
.Lfunc_end0:
.L_simem_size_0:
called_computation.1_lowered:
.L_overlay_start_0:
0x88: {  	s2 =	sld [smem:$0x3FD9]  }
0x89: {  	s3 =	sld [smem:$0x3FFE];
	_ =	sdelay $0x1  }
0x8a: {  	s1 =	srdreg.scid  }
0x8b: {  	s0 =	sand.u32 $0x1, s1  }
0x8c: {  	s16 =	sshll.u32 s0, $0xA;
	s2 =	sadd.s32 s3, s2  }
0x8d: {  	s2 =	sadd.s32 s2, s16  }
0x8e: {  	[smem:$0x3FC0] =	sst s2  }
0x8f: {  	_ = 	snop  }
0x90: {  	(tm) =	ssettm $0x1  }
0x91: {  	s17 =	sld [smem:$0x3FFB];
	_ =	sdelay $0x3  }
0x92: {  	_ =	strace s17  }
0x93: {  	s2 =	sld [smem:$0x3FFC];
	_ =	sdelay $0x3  }
0x94: {  	_ =	strace s2  }
0x95: {  	s2 =	sld [smem:$0x3FFD];
	_ =	sdelay $0x3  }
0x96: {  	_ =	strace s2  }
0x97: {  	_ =	strace $0x8FFFFFFF  }
0x98: {  	s18 =	sld [smem:$0x3FDB];
	_ =	sdelay $0x1  }
0x99: {  	s19 =	simm.s32 $_scs_section_size  }
0x9a: {  	s4 =	simm.s32 $_size__tile_overlayer_lowered;
	s5 =	simm.s32 $_tile_overlayer_lowered  }
0x9b: {  	s22 =	simm.s32 $0x1BFF;
	s21 =	sshll.u32 s5, $0x1;
	s2 =	sadd.s32 s19, s18  }
0x9c: {  	s6 =	simm.s32 $0x0;
	s20 =	sshll.u32 s4, $0x1;
	s4 =	sadd.s32 s21, s2  }
0x9d: {  	[timem:s6], [sflag:s22] =	dma.local [hbm:s4], s20  }
0x9e: {  	_ =	swait.ge [sflag:s22], s20  }
0x9f: {  	s3 =	ssub.s32 $0x0, s20;
	[sflag:s22] =	ssyncset.done $0x0  }
0xa0: {  	[sflag:s22] =	ssyncadd.s32 s3;
	_ =	sdelay $0x1  }
0xa1: {  	s23 =	simm.s32 $0x1B8B  }
0xa2: {  	_ =	swait.ge [sflag:s23], $0x1  }
0xa3: {  	[sflag:s23] =	ssyncset.done $0x0  }
0xa4: {  	s25 =	simm.s32 $0x1B8E;
	s24 =	sld [smem:$0x3FFE];
	[sflag:s23] =	ssyncadd.s32 $0xFFFFFFFF  }
0xa5: {  	s26 =	simm.s32 $execute0_lowered;
	[smem:$0x3FD2] =	sst s25  }
0xa6: {  	s4 =	sshll.u32 s26, $0x1;
	_ =	strace $0x80000049;
	[dreg:$0x1] =	wrdreg $0xFFFFFFFF  }
0xa7: {  	s28 =	simm.s32 $_size_execute0_lowered;
	s2 =	sadd.s32 s2, s4;
	[dreg:$0x0] =	wrdreg $0x0  }
0xa8: {  	s4 =	sshll.u32 s28, $0x1;
	[dreg:$0x2] =	wrdreg s2  }
0xa9: {  	[dreg:$0x3] =	wrdreg s4  }
0xaa: {  	[dreg:$0x4] =	wrdreg $0xC0  }
0xab: {  	_ =	task [dreg:s6], $0x5FFFF  }
0xac: {  	[dreg:$0x1] =	wrdreg $0xFFFFFFFF  }
0xad: {  	[dreg:$0x0] =	wrdreg $0x60  }
0xae: {  	[dreg:$0x2] =	wrdreg s24  }
0xaf: {  	[dreg:$0x3] =	wrdreg $0xC0000  }
0xb0: {  	[dreg:$0x4] =	wrdreg $0x9  }
0xb1: {  	_ =	task.clear_ibuf [dreg:s6], $0x5FFFF;
	_ =	strace $0x90000049  }
0xb2: {  	s29 =	simm.s32 $0x9;
	_ =	strace $0x8000004B  }
0xb3: {  	_ =	swait.ge [sflag:s29], $0x1  }
0xb4: {  	[sflag:s29] =	ssyncadd.s32 $0xFFFFFFFF  }
0xb5: {  	_ =	strace $0x9000004B  }
0xb6: {  	_ =	sfence  }
0xb7: {  	s30 =	sld [smem:$0x0];
	_ =	sdelay $0x2  }
0xb8: {  	s31 =	sshll.u32 s1, $0xD;
	s1 =	sshrl.u32 s1, $0x2  }
0xb9: {  	s3 =	sand.u32 $0x4000, s31;
	s1 =	sadd.s32 s1, s30  }
0xba: {  	s0 =	sor.u32 s3, s0;
	s1 =	sshll.u32 s1, $0x11  }
0xbb: {  	s0 =	sor.u32 s1, s0  }
0xbc: {  	s0 =	sadd.s32 $0x8F2B, s0  }
0xbd: {  	[sflag:s0] =	ssyncadd.remote.s32 $0x1  }
0xbe: {  	_ =	sfence.sel $0xFFFF  }
0xbf: {  	[dreg:$0x0] =	wrdreg $0xFFFFFFFF;
	(pc) =	sbr.abs _section_cstart, $3  }
0xc0: {  	[dreg:$0x1] =	wrdreg $0xFFFFFFFF  }
0xc1: {  	_ =	task.clear_ibuf [dreg:s6], $0x2FFFF;
	_ =	strace $0x9FFFFFFF  }
0xc2: {  	(tm) =	ssettm $0x7FFFFFFF  }
0xc3: {  	_ =	shalt  }
tec
execute0_lowered:
.L_overlay_start_1:
0x0: {  	(tag) =	ssettag $0x1  }
0x1: {  	s0 =	rddreg [dreg:$0x0]  }
0x2: {  	s1 =	rddreg [dreg:$0x1];
	s2 =	srdreg.scid  }
0x3: {  	s3 =	simm.s32 $0x0;
	s9 =	stileid.u32;
	s17 =	simm.s32 $0xA  }
0x4: {  	s12 =	simm.s32 $0x50;
	s13 =	simm.s32 $0x2000;
	s15 =	simm.s32 $0x4800  }
0x5: {  	s18 =	simm.s32 $0x1;
	s20 =	simm.s32 $0x7000;
	s21 =	simm.s32 $0x2  }
0x6: {  	s28 =	simm.s32 $0x1000;
	s29 =	simm.s32 $0x1800;
	s30 =	simm.s32 $0x5  }
0x7: {  	s16 =	simm.s32 $0x7;
	s14 =	simm.s32 $0x8;
	s11 =	simm.s32 $0x1700  }
0x8: {  	s31 =	simm.s32 $0x1780;
	s10 =	simm.s32 $0x0;
	s2 =	sand.u32 $0x1, s2  }
0x9: {  	[smem:$0x7FF] =	sst s3;
	s5 =	smul.u32 $0x14000, s9;
	s6 =	sshll.u32 s9, $0xC  }
0xa: {  	s8 =	smul.u32 $0x50000, s9;
	s22 =	sadd.s32 $0x72400, s0;
	s26 =	sshll.u32 s9, $0x6  }
0xb: {  	s9 =	simm.s32 $0x1F80;
	s4 =	smul.u32 $0x140000, s2;
	_ =	strace $0x8000004A  }
0xc: {  	s6 =	sadd.s32 s6, s0;
	s2 =	ssub.s32 $0x2, s2;
	[dreg:$0x3] =	wrdreg s22  }
0xd: {  	s19 =	sor.u32 $0x1C0A, s26;
	s26 =	simm.s32 $0x1E80;
	[dreg:$0x8] =	wrdreg s10  }
0xe: {  	s23 =	sshrl.u32 s2, $0x1;
	s24 =	sshrl.u32 s8, $0x2;
	s8 =	simm.s32 $0x9  }
0xf: {  	[dreg:$0x6] =	wrdreg s19;
	s7 =	sshrl.u32 s4, $0x3;
	s4 =	sadd.s32 s5, s4  }
0x10: {  	s2 =	ssub.s32 s2, s23;
	s5 =	sadd.s32 $0x2400, s6;
	s6 =	sadd.s32 $0x12400, s6  }
0x11: {  	s23 =	simm.s32 $0x1E00;
	s7 =	sadd.s32 s7, s0;
	s4 =	sshrl.u32 s4, $0x3  }
.Ltmp0:
0x12: {  	s25 =	smax.u32 s2, $0x1;
	s2 =	simm.s32 $0x1F00;
	(pc) =	sbr.rel .LBB2_1-.Ltmp0, $4  }
0x13: {  	s0 =	sadd.s32 s4, s0;
	s7 =	sadd.s32 $0x22400, s7;
	s4 =	sadd.s32 s24, s1  }
0x14: {  	[dreg:$0x5] =	wrdreg s25;
	s24 =	simm.s32 $0x9800;
	s0 =	sadd.s32 $0x74C00, s0  }
0x15: {  	s25 =	simm.s32 $0x3;
	s22 =	sshrl.u32 s4, $0x3;
	[dreg:$0x4] =	wrdreg s0  }
0x16: {  	s4 =	simm.s32 $0x6;
	s0 =	simm.s32 $0x4;
	[dreg:$0x7] =	wrdreg s22  }
.LBB2_4:
0x17: {  	_ =	swait.ge [sflag:s0], $0x2800  }
0x18: {  	[sflag:s0] =	ssyncset.done $0x0  }
0x19: {  	[sflag:s0] =	ssyncadd.s32 $0xFFFFD800  }
0x1a: {  	[spmem:s1] =	stream.indirect.scatter.add.f32 [tilespmem:s24], [sflag:$0x8], $0x80, s9, s12, $0xb8;
	v63 =	vld [tilespmem:$0x0]  }
0x1b: {  	_ =	swait.ge [sflag:s4], $0x2800  }
0x1c: {  	[sflag:s4] =	ssyncset.done $0x0  }
0x1d: {  	[sflag:s4] =	ssyncadd.s32 $0xFFFFD800  }
0x1e: {  	_ =	swait.ge [sflag:s16], $0x2800  }
0x1f: {  	[sflag:s16] =	ssyncset.done $0x0  }
0x20: {  	[sflag:s16] =	ssyncadd.s32 $0xFFFFD800  }
0x21: {  	_ =	swait.ge [sflag:s14], $0x2800  }
0x22: {  	[sflag:s14] =	ssyncset.done $0x0  }
0x23: {  	[sflag:s14] =	ssyncadd.s32 $0xFFFFD800  }
0x24: {  	[bflag:$0x0] =	sbarrier.arrive $0xFFFF  }
0x25: {  	s10 =	rddreg [dreg:$0x4]  }
0x26: {  	s19 =	rddreg [dreg:$0x6]  }
0x27: {  	s17 =	simm.s32 $0xA;
	s22 =	rddreg [dreg:$0x7]  }
0x28: {  	[hbm:s10], [sflag:s19] =	dma.local [spmem:s22], $0x2800  }
0x29: {  	_ =	swait.ge [sflag:s17], $0x2800  }
0x2a: {  	s23 =	rddreg [dreg:$0x8]  }
0x2b: {  	s10 =	rddreg [dreg:$0x5];
	s23 =	sadd.s32 $0x1, s23  }
0x2c: {  	p0 =	sne.s32 s23, s10  }
.Ltmp1:
0x2d: {  	_ = 	snop;
	(pc) =	sbr.rel @!p0 .LBB2_5-.Ltmp1, $3  }
0x2e: {  	_ =	sdelay $0x1  }
0x2f: {  	[sflag:s17] =	ssyncset.done $0x0  }
0x30: {  	[sflag:s17] =	ssyncadd.s32 $0xFFFFD800;
	[dreg:$0x8] =	wrdreg s23;
	s23 =	simm.s32 $0x1E00  }
.LBB2_1:
0x31: {  	[tilespmem:s3], [sflag:$0xA] =	stream.linear.gather [hbm4b:s5+s3], $0x800, $0x38;
	v63 =	vld [tilespmem:$0x0]  }
0x32: {  	_ =	swait.ge [sflag:s17], $0x800  }
0x33: {  	[sflag:s17] =	ssyncset.done $0x0  }
0x34: {  	s10 =	simm.s32 $0x800;
	[sflag:s17] =	ssyncadd.s32 $0xFFFFF800  }
0x35: {  	[tilespmem:s10], [sflag:$0xA] =	stream.linear.gather [hbm4b:s6+s3], $0x800, $0x38;
	v63 =	vld [tilespmem:$0x0]  }
0x36: {  	_ =	swait.ge [sflag:s17], $0x800  }
0x37: {  	[sflag:s17] =	ssyncset.done $0x0  }
0x38: {  	[sflag:s17] =	ssyncadd.s32 $0xFFFFF800  }
0x39: {  	[tilespmem:s13], [sflag:$0x1] =	stream.indirect.gather [hbm4b:s7+s12], $0x80, s3, s12, $0xb8;
	v63 =	vld [tilespmem:$0x0]  }
0x3a: {  	s10 =	simm.s32 $0x80  }
0x3b: {  	[tilespmem:s15], [sflag:$0x2] =	stream.indirect.gather [hbm4b:s7+s12], $0x80, s10, s12, $0xb8;
	v63 =	vld [tilespmem:$0x0]  }
0x3c: {  	s10 =	rddreg [dreg:$0x3]  }
0x3d: {  	[spmem:s22], [sflag:s19] =	dma.local [hbm:s10], $0x2800  }
0x3e: {  	_ =	swait.ge [sflag:s17], $0x2800  }
0x3f: {  	[sflag:s17] =	ssyncset.done $0x0  }
0x40: {  	[sflag:s17] =	ssyncadd.s32 $0xFFFFD800  }
0x41: {  	s17 =	simm.s32 $0x0;
	[bflag:$0x0] =	sbarrier.arrive $0xFFFF  }
.LBB2_2:
0x42: {  	_ =	swait.ge [sflag:s18], $0x2800  }
0x43: {  	[sflag:s18] =	ssyncset.done $0x0  }
0x44: {  	s10 =	simm.s32 $0x800;
	p0 =	seq.s32 s17, $0x0;
	[sflag:s18] =	ssyncadd.s32 $0xFFFFD800  }
0x45: {  	[spmem:s1] =	stream.indirect.scatter.add.f32 [tilespmem:s13], [sflag:$0x5], $0x80, s10, s12, $0xb8;
	v63 =	vld [tilespmem:$0x0]  }
0x46: {  	s10 =	simm.s32 @!p0 $0x7  }
0x47: {  	_ =	swait.ge @!p0 [sflag:s10], $0x2800  }
0x48: {  	[sflag:s10] =	ssyncset.done @!p0 $0x0  }
0x49: {  	s19 =	simm.s32 $0x100;
	[sflag:s10] =	ssyncadd.s32 @!p0 $0xFFFFD800  }
0x4a: {  	[tilespmem:s20], [sflag:$0x3] =	stream.indirect.gather [hbm4b:s7+s12], $0x80, s19, s12, $0xb8;
	v63 =	vld [tilespmem:$0x0]  }
0x4b: {  	_ =	swait.ge [sflag:s21], $0x2800  }
0x4c: {  	[sflag:s21] =	ssyncset.done $0x0  }
0x4d: {  	s22 =	simm.s32 $0x880;
	s10 =	simm.s32 @!p0 $0x8;
	[sflag:s21] =	ssyncadd.s32 $0xFFFFD800  }
0x4e: {  	[spmem:s1] =	stream.indirect.scatter.add.f32 [tilespmem:s15], [sflag:$0x6], $0x80, s22, s12, $0xb8;
	v63 =	vld [tilespmem:$0x0]  }
0x4f: {  	_ =	swait.ge @!p0 [sflag:s10], $0x2800  }
0x50: {  	[sflag:s10] =	ssyncset.done @!p0 $0x0  }
0x51: {  	s19 =	simm.s32 $0x180;
	[sflag:s10] =	ssyncadd.s32 @!p0 $0xFFFFD800  }
0x52: {  	[tilespmem:s24], [sflag:$0x4] =	stream.indirect.gather [hbm4b:s7+s12], $0x80, s19, s12, $0xb8;
	v63 =	vld [tilespmem:$0x0]  }
0x53: {  	_ =	swait.ge [sflag:s25], $0x2800  }
0x54: {  	[sflag:s25] =	ssyncset.done $0x0  }
0x55: {  	s22 =	sadd.s32 s17, s5;
	s19 =	simm.s32 $0x900;
	[sflag:s25] =	ssyncadd.s32 $0xFFFFD800  }
0x56: {  	[spmem:s1] =	stream.indirect.scatter.add.f32 [tilespmem:s20], [sflag:$0x7], $0x80, s19, s12, $0xb8;
	v63 =	vld [tilespmem:$0x0]  }
0x57: {  	s10 =	sadd.s32 $0x100, s22;
	s22 =	sadd.s32 s17, s6  }
0x58: {  	[tilespmem:s28], [sflag:$0x9] =	stream.linear.gather [hbm4b:s10+s3], $0x800, $0x38;
	v63 =	vld [tilespmem:$0x0]  }
0x59: {  	s19 =	sadd.s32 $0x100, s22  }
0x5a: {  	[tilespmem:s29], [sflag:$0x9] =	stream.linear.gather [hbm4b:s19+s3], $0x800, $0x38;
	v63 =	vld [tilespmem:$0x0]  }
0x5b: {  	_ =	swait.ge [sflag:s30], $0x2800  }
0x5c: {  	[sflag:s30] =	ssyncset.done $0x0  }
0x5d: {  	s22 =	simm.s32 $0x200;
	[sflag:s30] =	ssyncadd.s32 $0xFFFFD800  }
0x5e: {  	[tilespmem:s13], [sflag:$0x1] =	stream.indirect.gather [hbm4b:s7+s12], $0x80, s22, s12, $0xb8;
	v63 =	vld [tilespmem:$0x0]  }
0x5f: {  	_ =	swait.ge [sflag:s0], $0x2800  }
0x60: {  	[sflag:s0] =	ssyncset.done $0x0  }
0x61: {  	s19 =	simm.s32 $0x980;
	[sflag:s0] =	ssyncadd.s32 $0xFFFFD800  }
0x62: {  	[spmem:s1] =	stream.indirect.scatter.add.f32 [tilespmem:s24], [sflag:$0x8], $0x80, s19, s12, $0xb8;
	v63 =	vld [tilespmem:$0x0]  }
0x63: {  	_ =	swait.ge [sflag:s4], $0x2800  }
0x64: {  	[sflag:s4] =	ssyncset.done $0x0  }
0x65: {  	s22 =	simm.s32 $0x280;
	[sflag:s4] =	ssyncadd.s32 $0xFFFFD800  }
0x66: {  	[tilespmem:s15], [sflag:$0x2] =	stream.indirect.gather [hbm4b:s7+s12], $0x80, s22, s12, $0xb8;
	v63 =	vld [tilespmem:$0x0]  }
0x67: {  	_ =	swait.ge [sflag:s18], $0x2800  }
0x68: {  	[sflag:s18] =	ssyncset.done $0x0  }
0x69: {  	s19 =	simm.s32 $0xA00;
	[sflag:s18] =	ssyncadd.s32 $0xFFFFD800  }
0x6a: {  	[spmem:s1] =	stream.indirect.scatter.add.f32 [tilespmem:s13], [sflag:$0x5], $0x80, s19, s12, $0xb8;
	v63 =	vld [tilespmem:$0x0]  }
0x6b: {  	_ =	swait.ge [sflag:s16], $0x2800  }
0x6c: {  	[sflag:s16] =	ssyncset.done $0x0  }
0x6d: {  	s22 =	simm.s32 $0x300;
	[sflag:s16] =	ssyncadd.s32 $0xFFFFD800  }
0x6e: {  	[tilespmem:s20], [sflag:$0x3] =	stream.indirect.gather [hbm4b:s7+s12], $0x80, s22, s12, $0xb8;
	v63 =	vld [tilespmem:$0x0]  }
0x6f: {  	_ =	swait.ge [sflag:s21], $0x2800  }
0x70: {  	[sflag:s21] =	ssyncset.done $0x0  }
0x71: {  	s19 =	simm.s32 $0xA80;
	[sflag:s21] =	ssyncadd.s32 $0xFFFFD800  }
0x72: {  	[spmem:s1] =	stream.indirect.scatter.add.f32 [tilespmem:s15], [sflag:$0x6], $0x80, s19, s12, $0xb8;
	v63 =	vld [tilespmem:$0x0]  }
0x73: {  	_ =	swait.ge [sflag:s14], $0x2800  }
0x74: {  	[sflag:s14] =	ssyncset.done $0x0  }
0x75: {  	s22 =	simm.s32 $0x380;
	[sflag:s14] =	ssyncadd.s32 $0xFFFFD800  }
0x76: {  	[tilespmem:s24], [sflag:$0x4] =	stream.indirect.gather [hbm4b:s7+s12], $0x80, s22, s12, $0xb8;
	v63 =	vld [tilespmem:$0x0]  }
0x77: {  	_ =	swait.ge [sflag:s25], $0x2800  }
0x78: {  	[sflag:s25] =	ssyncset.done $0x0  }
0x79: {  	s19 =	simm.s32 $0xB00;
	[sflag:s25] =	ssyncadd.s32 $0xFFFFD800  }
0x7a: {  	[spmem:s1] =	stream.indirect.scatter.add.f32 [tilespmem:s20], [sflag:$0x7], $0x80, s19, s12, $0xb8;
	v63 =	vld [tilespmem:$0x0]  }
0x7b: {  	_ =	swait.ge [sflag:s30], $0x2800  }
0x7c: {  	[sflag:s30] =	ssyncset.done $0x0  }
0x7d: {  	s22 =	simm.s32 $0x400;
	[sflag:s30] =	ssyncadd.s32 $0xFFFFD800  }
0x7e: {  	[tilespmem:s13], [sflag:$0x1] =	stream.indirect.gather [hbm4b:s7+s12], $0x80, s22, s12, $0xb8;
	v63 =	vld [tilespmem:$0x0]  }
0x7f: {  	_ =	swait.ge [sflag:s0], $0x2800  }
0x80: {  	[sflag:s0] =	ssyncset.done $0x0  }
0x81: {  	s19 =	simm.s32 $0xB80;
	[sflag:s0] =	ssyncadd.s32 $0xFFFFD800  }
0x82: {  	[spmem:s1] =	stream.indirect.scatter.add.f32 [tilespmem:s24], [sflag:$0x8], $0x80, s19, s12, $0xb8;
	v63 =	vld [tilespmem:$0x0]  }
0x83: {  	_ =	swait.ge [sflag:s4], $0x2800  }
0x84: {  	[sflag:s4] =	ssyncset.done $0x0  }
0x85: {  	s22 =	simm.s32 $0x480;
	[sflag:s4] =	ssyncadd.s32 $0xFFFFD800  }
0x86: {  	[tilespmem:s15], [sflag:$0x2] =	stream.indirect.gather [hbm4b:s7+s12], $0x80, s22, s12, $0xb8;
	v63 =	vld [tilespmem:$0x0]  }
0x87: {  	_ =	swait.ge [sflag:s18], $0x2800  }
0x88: {  	[sflag:s18] =	ssyncset.done $0x0  }
0x89: {  	s19 =	simm.s32 $0xC00;
	[sflag:s18] =	ssyncadd.s32 $0xFFFFD800  }
0x8a: {  	[spmem:s1] =	stream.indirect.scatter.add.f32 [tilespmem:s13], [sflag:$0x5], $0x80, s19, s12, $0xb8;
	v63 =	vld [tilespmem:$0x0]  }
0x8b: {  	_ =	swait.ge [sflag:s16], $0x2800  }
0x8c: {  	[sflag:s16] =	ssyncset.done $0x0  }
0x8d: {  	s22 =	simm.s32 $0x500;
	[sflag:s16] =	ssyncadd.s32 $0xFFFFD800  }
0x8e: {  	[tilespmem:s20], [sflag:$0x3] =	stream.indirect.gather [hbm4b:s7+s12], $0x80, s22, s12, $0xb8;
	v63 =	vld [tilespmem:$0x0]  }
0x8f: {  	_ =	swait.ge [sflag:s21], $0x2800  }
0x90: {  	[sflag:s21] =	ssyncset.done $0x0  }
0x91: {  	s19 =	simm.s32 $0xC80;
	[sflag:s21] =	ssyncadd.s32 $0xFFFFD800  }
0x92: {  	[spmem:s1] =	stream.indirect.scatter.add.f32 [tilespmem:s15], [sflag:$0x6], $0x80, s19, s12, $0xb8;
	v63 =	vld [tilespmem:$0x0]  }
0x93: {  	_ =	swait.ge [sflag:s14], $0x2800  }
0x94: {  	[sflag:s14] =	ssyncset.done $0x0  }
0x95: {  	s22 =	simm.s32 $0x580;
	[sflag:s14] =	ssyncadd.s32 $0xFFFFD800  }
0x96: {  	[tilespmem:s24], [sflag:$0x4] =	stream.indirect.gather [hbm4b:s7+s12], $0x80, s22, s12, $0xb8;
	v63 =	vld [tilespmem:$0x0]  }
0x97: {  	_ =	swait.ge [sflag:s25], $0x2800  }
0x98: {  	[sflag:s25] =	ssyncset.done $0x0  }
0x99: {  	s19 =	simm.s32 $0xD00;
	[sflag:s25] =	ssyncadd.s32 $0xFFFFD800  }
0x9a: {  	[spmem:s1] =	stream.indirect.scatter.add.f32 [tilespmem:s20], [sflag:$0x7], $0x80, s19, s12, $0xb8;
	v63 =	vld [tilespmem:$0x0]  }
0x9b: {  	_ =	swait.ge [sflag:s30], $0x2800  }
0x9c: {  	[sflag:s30] =	ssyncset.done $0x0  }
0x9d: {  	s22 =	simm.s32 $0x600;
	[sflag:s30] =	ssyncadd.s32 $0xFFFFD800  }
0x9e: {  	[tilespmem:s13], [sflag:$0x1] =	stream.indirect.gather [hbm4b:s7+s12], $0x80, s22, s12, $0xb8;
	v63 =	vld [tilespmem:$0x0]  }
0x9f: {  	_ =	swait.ge [sflag:s0], $0x2800  }
0xa0: {  	[sflag:s0] =	ssyncset.done $0x0  }
0xa1: {  	s19 =	simm.s32 $0xD80;
	[sflag:s0] =	ssyncadd.s32 $0xFFFFD800  }
0xa2: {  	[spmem:s1] =	stream.indirect.scatter.add.f32 [tilespmem:s24], [sflag:$0x8], $0x80, s19, s12, $0xb8;
	v63 =	vld [tilespmem:$0x0]  }
0xa3: {  	_ =	swait.ge [sflag:s4], $0x2800  }
0xa4: {  	[sflag:s4] =	ssyncset.done $0x0  }
0xa5: {  	s22 =	simm.s32 $0x680;
	[sflag:s4] =	ssyncadd.s32 $0xFFFFD800  }
0xa6: {  	[tilespmem:s15], [sflag:$0x2] =	stream.indirect.gather [hbm4b:s7+s12], $0x80, s22, s12, $0xb8;
	v63 =	vld [tilespmem:$0x0]  }
0xa7: {  	_ =	swait.ge [sflag:s18], $0x2800  }
0xa8: {  	[sflag:s18] =	ssyncset.done $0x0  }
0xa9: {  	s19 =	simm.s32 $0xE00;
	[sflag:s18] =	ssyncadd.s32 $0xFFFFD800  }
0xaa: {  	[spmem:s1] =	stream.indirect.scatter.add.f32 [tilespmem:s13], [sflag:$0x5], $0x80, s19, s12, $0xb8;
	v63 =	vld [tilespmem:$0x0]  }
0xab: {  	_ =	swait.ge [sflag:s16], $0x2800  }
0xac: {  	[sflag:s16] =	ssyncset.done $0x0  }
0xad: {  	s22 =	simm.s32 $0x700;
	[sflag:s16] =	ssyncadd.s32 $0xFFFFD800  }
0xae: {  	[tilespmem:s20], [sflag:$0x3] =	stream.indirect.gather [hbm4b:s7+s12], $0x80, s22, s12, $0xb8;
	v63 =	vld [tilespmem:$0x0]  }
0xaf: {  	_ =	swait.ge [sflag:s21], $0x2800  }
0xb0: {  	[sflag:s21] =	ssyncset.done $0x0  }
0xb1: {  	s19 =	simm.s32 $0xE80;
	[sflag:s21] =	ssyncadd.s32 $0xFFFFD800  }
0xb2: {  	[spmem:s1] =	stream.indirect.scatter.add.f32 [tilespmem:s15], [sflag:$0x6], $0x80, s19, s12, $0xb8;
	v63 =	vld [tilespmem:$0x0]  }
0xb3: {  	_ =	swait.ge [sflag:s14], $0x2800  }
0xb4: {  	[sflag:s14] =	ssyncset.done $0x0  }
0xb5: {  	s22 =	simm.s32 $0x780;
	[sflag:s14] =	ssyncadd.s32 $0xFFFFD800  }
0xb6: {  	[tilespmem:s24], [sflag:$0x4] =	stream.indirect.gather [hbm4b:s7+s12], $0x80, s22, s12, $0xb8;
	v63 =	vld [tilespmem:$0x0]  }
0xb7: {  	_ =	swait.ge [sflag:s25], $0x2800  }
0xb8: {  	[sflag:s25] =	ssyncset.done $0x0  }
0xb9: {  	s19 =	simm.s32 $0xF00;
	[sflag:s25] =	ssyncadd.s32 $0xFFFFD800  }
0xba: {  	[spmem:s1] =	stream.indirect.scatter.add.f32 [tilespmem:s20], [sflag:$0x7], $0x80, s19, s12, $0xb8;
	v63 =	vld [tilespmem:$0x0]  }
0xbb: {  	_ =	swait.ge [sflag:s30], $0x2800  }
0xbc: {  	[sflag:s30] =	ssyncset.done $0x0  }
0xbd: {  	[sflag:s30] =	ssyncadd.s32 $0xFFFFD800  }
0xbe: {  	_ =	swait.ge [sflag:s8], $0x800  }
0xbf: {  	[sflag:s8] =	ssyncset.done $0x0  }
0xc0: {  	[sflag:s8] =	ssyncadd.s32 $0xFFFFF800  }
0xc1: {  	_ =	swait.ge [sflag:s8], $0x800  }
0xc2: {  	[sflag:s8] =	ssyncset.done $0x0  }
0xc3: {  	[sflag:s8] =	ssyncadd.s32 $0xFFFFF800  }
0xc4: {  	[tilespmem:s13], [sflag:$0x1] =	stream.indirect.gather [hbm4b:s7+s12], $0x80, s28, s12, $0xb8;
	v63 =	vld [tilespmem:$0x0]  }
0xc5: {  	_ =	swait.ge [sflag:s0], $0x2800  }
0xc6: {  	[sflag:s0] =	ssyncset.done $0x0  }
0xc7: {  	s22 =	simm.s32 $0xF80;
	[sflag:s0] =	ssyncadd.s32 $0xFFFFD800  }
0xc8: {  	[spmem:s1] =	stream.indirect.scatter.add.f32 [tilespmem:s24], [sflag:$0x8], $0x80, s22, s12, $0xb8;
	v63 =	vld [tilespmem:$0x0]  }
0xc9: {  	_ =	swait.ge [sflag:s4], $0x2800  }
0xca: {  	[sflag:s4] =	ssyncset.done $0x0  }
0xcb: {  	s19 =	simm.s32 $0x1080;
	[sflag:s4] =	ssyncadd.s32 $0xFFFFD800  }
0xcc: {  	[tilespmem:s15], [sflag:$0x2] =	stream.indirect.gather [hbm4b:s7+s12], $0x80, s19, s12, $0xb8;
	v63 =	vld [tilespmem:$0x0]  }
0xcd: {  	_ =	swait.ge [sflag:s18], $0x2800  }
0xce: {  	[sflag:s18] =	ssyncset.done $0x0  }
0xcf: {  	[sflag:s18] =	ssyncadd.s32 $0xFFFFD800  }
0xd0: {  	[spmem:s1] =	stream.indirect.scatter.add.f32 [tilespmem:s13], [sflag:$0x5], $0x80, s29, s12, $0xb8;
	v63 =	vld [tilespmem:$0x0]  }
0xd1: {  	_ =	swait.ge [sflag:s16], $0x2800  }
0xd2: {  	[sflag:s16] =	ssyncset.done $0x0  }
0xd3: {  	s22 =	simm.s32 $0x1100;
	[sflag:s16] =	ssyncadd.s32 $0xFFFFD800  }
0xd4: {  	[tilespmem:s20], [sflag:$0x3] =	stream.indirect.gather [hbm4b:s7+s12], $0x80, s22, s12, $0xb8;
	v63 =	vld [tilespmem:$0x0]  }
0xd5: {  	_ =	swait.ge [sflag:s21], $0x2800  }
0xd6: {  	[sflag:s21] =	ssyncset.done $0x0  }
0xd7: {  	s19 =	simm.s32 $0x1880;
	[sflag:s21] =	ssyncadd.s32 $0xFFFFD800  }
0xd8: {  	[spmem:s1] =	stream.indirect.scatter.add.f32 [tilespmem:s15], [sflag:$0x6], $0x80, s19, s12, $0xb8;
	v63 =	vld [tilespmem:$0x0]  }
0xd9: {  	_ =	swait.ge [sflag:s14], $0x2800  }
0xda: {  	[sflag:s14] =	ssyncset.done $0x0  }
0xdb: {  	s22 =	simm.s32 $0x1180;
	[sflag:s14] =	ssyncadd.s32 $0xFFFFD800  }
0xdc: {  	[tilespmem:s24], [sflag:$0x4] =	stream.indirect.gather [hbm4b:s7+s12], $0x80, s22, s12, $0xb8;
	v63 =	vld [tilespmem:$0x0]  }
0xdd: {  	_ =	swait.ge [sflag:s25], $0x2800  }
0xde: {  	p0 =	seq.s32 s17, $0xE00;
	[sflag:s25] =	ssyncset.done $0x0  }
0xdf: {  	s10 =	sadd.s32 @!p0 s17, s5;
	s19 =	simm.s32 $0x1900;
	[sflag:s25] =	ssyncadd.s32 $0xFFFFD800  }
0xe0: {  	[spmem:s1] =	stream.indirect.scatter.add.f32 [tilespmem:s20], [sflag:$0x7], $0x80, s19, s12, $0xb8;
	v63 =	vld [tilespmem:$0x0]  }
0xe1: {  	s10 =	sadd.s32 @!p0 $0x200, s10;
	s22 =	simm.s32 @!p0 $0x0;
	s19 =	sadd.s32 @!p0 s17, s6  }
0xe2: {  	[tilespmem:s22], [sflag:$0x9] =	stream.linear.gather @!p0 [hbm4b:s10+s22], $0x800, $0x38;
	v63 =	vld [tilespmem:$0x0]  }
0xe3: {  	s10 =	sadd.s32 @!p0 $0x200, s19;
	s19 =	simm.s32 @!p0 $0x800  }
0xe4: {  	[tilespmem:s19], [sflag:$0x9] =	stream.linear.gather @!p0 [hbm4b:s10+s22], $0x800, $0x38;
	v63 =	vld [tilespmem:$0x0]  }
0xe5: {  	_ =	swait.ge [sflag:s30], $0x2800  }
0xe6: {  	[sflag:s30] =	ssyncset.done $0x0  }
0xe7: {  	s22 =	simm.s32 $0x1200;
	[sflag:s30] =	ssyncadd.s32 $0xFFFFD800  }
0xe8: {  	[tilespmem:s13], [sflag:$0x1] =	stream.indirect.gather [hbm4b:s7+s12], $0x80, s22, s12, $0xb8;
	v63 =	vld [tilespmem:$0x0]  }
0xe9: {  	_ =	swait.ge [sflag:s0], $0x2800  }
0xea: {  	[sflag:s0] =	ssyncset.done $0x0  }
0xeb: {  	s19 =	simm.s32 $0x1980;
	[sflag:s0] =	ssyncadd.s32 $0xFFFFD800  }
0xec: {  	[spmem:s1] =	stream.indirect.scatter.add.f32 [tilespmem:s24], [sflag:$0x8], $0x80, s19, s12, $0xb8;
	v63 =	vld [tilespmem:$0x0]  }
0xed: {  	_ =	swait.ge [sflag:s4], $0x2800  }
0xee: {  	[sflag:s4] =	ssyncset.done $0x0  }
0xef: {  	s22 =	simm.s32 $0x1280;
	[sflag:s4] =	ssyncadd.s32 $0xFFFFD800  }
0xf0: {  	[tilespmem:s15], [sflag:$0x2] =	stream.indirect.gather [hbm4b:s7+s12], $0x80, s22, s12, $0xb8;
	v63 =	vld [tilespmem:$0x0]  }
0xf1: {  	_ =	swait.ge [sflag:s18], $0x2800  }
0xf2: {  	[sflag:s18] =	ssyncset.done $0x0  }
0xf3: {  	s19 =	simm.s32 $0x1A00;
	[sflag:s18] =	ssyncadd.s32 $0xFFFFD800  }
0xf4: {  	[spmem:s1] =	stream.indirect.scatter.add.f32 [tilespmem:s13], [sflag:$0x5], $0x80, s19, s12, $0xb8;
	v63 =	vld [tilespmem:$0x0]  }
0xf5: {  	_ =	swait.ge [sflag:s16], $0x2800  }
0xf6: {  	[sflag:s16] =	ssyncset.done $0x0  }
0xf7: {  	s22 =	simm.s32 $0x1300;
	[sflag:s16] =	ssyncadd.s32 $0xFFFFD800  }
0xf8: {  	[tilespmem:s20], [sflag:$0x3] =	stream.indirect.gather [hbm4b:s7+s12], $0x80, s22, s12, $0xb8;
	v63 =	vld [tilespmem:$0x0]  }
0xf9: {  	_ =	swait.ge [sflag:s21], $0x2800  }
0xfa: {  	[sflag:s21] =	ssyncset.done $0x0  }
0xfb: {  	s19 =	simm.s32 $0x1A80;
	[sflag:s21] =	ssyncadd.s32 $0xFFFFD800  }
0xfc: {  	[spmem:s1] =	stream.indirect.scatter.add.f32 [tilespmem:s15], [sflag:$0x6], $0x80, s19, s12, $0xb8;
	v63 =	vld [tilespmem:$0x0]  }
0xfd: {  	_ =	swait.ge [sflag:s14], $0x2800  }
0xfe: {  	[sflag:s14] =	ssyncset.done $0x0  }
0xff: {  	s22 =	simm.s32 $0x1380;
	[sflag:s14] =	ssyncadd.s32 $0xFFFFD800  }
0x100: {  	[tilespmem:s24], [sflag:$0x4] =	stream.indirect.gather [hbm4b:s7+s12], $0x80, s22, s12, $0xb8;
	v63 =	vld [tilespmem:$0x0]  }
0x101: {  	_ =	swait.ge [sflag:s25], $0x2800  }
0x102: {  	[sflag:s25] =	ssyncset.done $0x0  }
0x103: {  	s19 =	simm.s32 $0x1B00;
	[sflag:s25] =	ssyncadd.s32 $0xFFFFD800  }
0x104: {  	[spmem:s1] =	stream.indirect.scatter.add.f32 [tilespmem:s20], [sflag:$0x7], $0x80, s19, s12, $0xb8;
	v63 =	vld [tilespmem:$0x0]  }
0x105: {  	_ =	swait.ge [sflag:s30], $0x2800  }
0x106: {  	[sflag:s30] =	ssyncset.done $0x0  }
0x107: {  	s22 =	simm.s32 $0x1400;
	[sflag:s30] =	ssyncadd.s32 $0xFFFFD800  }
0x108: {  	[tilespmem:s13], [sflag:$0x1] =	stream.indirect.gather [hbm4b:s7+s12], $0x80, s22, s12, $0xb8;
	v63 =	vld [tilespmem:$0x0]  }
0x109: {  	_ =	swait.ge [sflag:s0], $0x2800  }
0x10a: {  	[sflag:s0] =	ssyncset.done $0x0  }
0x10b: {  	s19 =	simm.s32 $0x1B80;
	[sflag:s0] =	ssyncadd.s32 $0xFFFFD800  }
0x10c: {  	[spmem:s1] =	stream.indirect.scatter.add.f32 [tilespmem:s24], [sflag:$0x8], $0x80, s19, s12, $0xb8;
	v63 =	vld [tilespmem:$0x0]  }
0x10d: {  	_ =	swait.ge [sflag:s4], $0x2800  }
0x10e: {  	[sflag:s4] =	ssyncset.done $0x0  }
0x10f: {  	s22 =	simm.s32 $0x1480;
	[sflag:s4] =	ssyncadd.s32 $0xFFFFD800  }
0x110: {  	[tilespmem:s15], [sflag:$0x2] =	stream.indirect.gather [hbm4b:s7+s12], $0x80, s22, s12, $0xb8;
	v63 =	vld [tilespmem:$0x0]  }
0x111: {  	_ =	swait.ge [sflag:s18], $0x2800  }
0x112: {  	[sflag:s18] =	ssyncset.done $0x0  }
0x113: {  	s19 =	simm.s32 $0x1C00;
	[sflag:s18] =	ssyncadd.s32 $0xFFFFD800  }
0x114: {  	[spmem:s1] =	stream.indirect.scatter.add.f32 [tilespmem:s13], [sflag:$0x5], $0x80, s19, s12, $0xb8;
	v63 =	vld [tilespmem:$0x0]  }
0x115: {  	_ =	swait.ge [sflag:s16], $0x2800  }
0x116: {  	[sflag:s16] =	ssyncset.done $0x0  }
0x117: {  	s22 =	simm.s32 $0x1500;
	[sflag:s16] =	ssyncadd.s32 $0xFFFFD800  }
0x118: {  	[tilespmem:s20], [sflag:$0x3] =	stream.indirect.gather [hbm4b:s7+s12], $0x80, s22, s12, $0xb8;
	v63 =	vld [tilespmem:$0x0]  }
0x119: {  	_ =	swait.ge [sflag:s21], $0x2800  }
0x11a: {  	[sflag:s21] =	ssyncset.done $0x0  }
0x11b: {  	s19 =	simm.s32 $0x1C80;
	[sflag:s21] =	ssyncadd.s32 $0xFFFFD800  }
0x11c: {  	[spmem:s1] =	stream.indirect.scatter.add.f32 [tilespmem:s15], [sflag:$0x6], $0x80, s19, s12, $0xb8;
	v63 =	vld [tilespmem:$0x0]  }
0x11d: {  	_ =	swait.ge [sflag:s14], $0x2800  }
0x11e: {  	[sflag:s14] =	ssyncset.done $0x0  }
0x11f: {  	s22 =	simm.s32 $0x1580;
	[sflag:s14] =	ssyncadd.s32 $0xFFFFD800  }
0x120: {  	[tilespmem:s24], [sflag:$0x4] =	stream.indirect.gather [hbm4b:s7+s12], $0x80, s22, s12, $0xb8;
	v63 =	vld [tilespmem:$0x0]  }
0x121: {  	_ =	swait.ge [sflag:s25], $0x2800  }
0x122: {  	[sflag:s25] =	ssyncset.done $0x0  }
0x123: {  	s19 =	simm.s32 $0x1D00;
	[sflag:s25] =	ssyncadd.s32 $0xFFFFD800  }
0x124: {  	[spmem:s1] =	stream.indirect.scatter.add.f32 [tilespmem:s20], [sflag:$0x7], $0x80, s19, s12, $0xb8;
	v63 =	vld [tilespmem:$0x0]  }
0x125: {  	_ =	swait.ge [sflag:s30], $0x2800  }
0x126: {  	[sflag:s30] =	ssyncset.done $0x0  }
0x127: {  	s22 =	simm.s32 $0x1600;
	[sflag:s30] =	ssyncadd.s32 $0xFFFFD800  }
0x128: {  	[tilespmem:s13], [sflag:$0x1] =	stream.indirect.gather [hbm4b:s7+s12], $0x80, s22, s12, $0xb8;
	v63 =	vld [tilespmem:$0x0]  }
0x129: {  	_ =	swait.ge [sflag:s0], $0x2800  }
0x12a: {  	[sflag:s0] =	ssyncset.done $0x0  }
0x12b: {  	s19 =	simm.s32 $0x1D80;
	[sflag:s0] =	ssyncadd.s32 $0xFFFFD800  }
0x12c: {  	[spmem:s1] =	stream.indirect.scatter.add.f32 [tilespmem:s24], [sflag:$0x8], $0x80, s19, s12, $0xb8;
	v63 =	vld [tilespmem:$0x0]  }
0x12d: {  	_ =	swait.ge [sflag:s4], $0x2800  }
0x12e: {  	[sflag:s4] =	ssyncset.done $0x0  }
0x12f: {  	s22 =	simm.s32 $0x1680;
	[sflag:s4] =	ssyncadd.s32 $0xFFFFD800  }
0x130: {  	[tilespmem:s15], [sflag:$0x2] =	stream.indirect.gather [hbm4b:s7+s12], $0x80, s22, s12, $0xb8;
	v63 =	vld [tilespmem:$0x0]  }
0x131: {  	_ =	swait.ge [sflag:s18], $0x2800  }
0x132: {  	[sflag:s18] =	ssyncset.done $0x0  }
0x133: {  	[sflag:s18] =	ssyncadd.s32 $0xFFFFD800  }
0x134: {  	[spmem:s1] =	stream.indirect.scatter.add.f32 [tilespmem:s13], [sflag:$0x5], $0x80, s23, s12, $0xb8;
	v63 =	vld [tilespmem:$0x0]  }
0x135: {  	_ =	swait.ge [sflag:s16], $0x2800  }
0x136: {  	[sflag:s16] =	ssyncset.done $0x0  }
0x137: {  	[sflag:s16] =	ssyncadd.s32 $0xFFFFD800  }
0x138: {  	[tilespmem:s20], [sflag:$0x3] =	stream.indirect.gather [hbm4b:s7+s12], $0x80, s11, s12, $0xb8;
	v63 =	vld [tilespmem:$0x0]  }
0x139: {  	_ =	swait.ge [sflag:s21], $0x2800  }
0x13a: {  	[sflag:s21] =	ssyncset.done $0x0  }
0x13b: {  	[sflag:s21] =	ssyncadd.s32 $0xFFFFD800  }
0x13c: {  	[spmem:s1] =	stream.indirect.scatter.add.f32 [tilespmem:s15], [sflag:$0x6], $0x80, s26, s12, $0xb8;
	v63 =	vld [tilespmem:$0x0]  }
0x13d: {  	_ =	swait.ge [sflag:s14], $0x2800  }
0x13e: {  	[sflag:s14] =	ssyncset.done $0x0  }
0x13f: {  	[sflag:s14] =	ssyncadd.s32 $0xFFFFD800  }
0x140: {  	[tilespmem:s24], [sflag:$0x4] =	stream.indirect.gather [hbm4b:s7+s12], $0x80, s31, s12, $0xb8;
	v63 =	vld [tilespmem:$0x0]  }
0x141: {  	_ =	swait.ge [sflag:s25], $0x2800  }
0x142: {  	[sflag:s25] =	ssyncset.done $0x0  }
.Ltmp2:
0x143: {  	[sflag:s25] =	ssyncadd.s32 $0xFFFFD800;
	(pc) =	sbr.rel @p0 .LBB2_4-.Ltmp2, $4  }
0x144: {  	[spmem:s1] =	stream.indirect.scatter.add.f32 [tilespmem:s20], [sflag:$0x7], $0x80, s2, s12, $0xb8;
	v63 =	vld [tilespmem:$0x0]  }
0x145: {  	_ =	swait.ge [sflag:s30], $0x2800  }
0x146: {  	[sflag:s30] =	ssyncset.done $0x0  }
0x147: {  	[sflag:s30] =	ssyncadd.s32 $0xFFFFD800  }
0x148: {  	_ =	swait.ge [sflag:s8], $0x800  }
0x149: {  	[sflag:s8] =	ssyncset.done $0x0  }
0x14a: {  	[sflag:s8] =	ssyncadd.s32 $0xFFFFF800  }
0x14b: {  	_ =	swait.ge [sflag:s8], $0x800  }
0x14c: {  	[sflag:s8] =	ssyncset.done $0x0  }
0x14d: {  	[sflag:s8] =	ssyncadd.s32 $0xFFFFF800  }
0x14e: {  	[tilespmem:s13], [sflag:$0x1] =	stream.indirect.gather [hbm4b:s7+s12], $0x80, s3, s12, $0xb8;
	v63 =	vld [tilespmem:$0x0]  }
0x14f: {  	_ =	swait.ge [sflag:s0], $0x2800  }
0x150: {  	[sflag:s0] =	ssyncset.done $0x0  }
0x151: {  	[sflag:s0] =	ssyncadd.s32 $0xFFFFD800  }
0x152: {  	[spmem:s1] =	stream.indirect.scatter.add.f32 [tilespmem:s24], [sflag:$0x8], $0x80, s9, s12, $0xb8;
	v63 =	vld [tilespmem:$0x0]  }
.Ltmp3:
0x153: {  	_ = 	snop;
	(pc) =	sbr.rel .LBB2_2-.Ltmp3, $4  }
0x154: {  	_ =	swait.ge [sflag:s4], $0x2800  }
0x155: {  	[sflag:s4] =	ssyncset.done $0x0  }
0x156: {  	s10 =	simm.s32 $0x80;
	s17 =	sadd.s32 $0x200, s17;
	[sflag:s4] =	ssyncadd.s32 $0xFFFFD800  }
0x157: {  	[tilespmem:s15], [sflag:$0x2] =	stream.indirect.gather [hbm4b:s7+s12], $0x80, s10, s12, $0xb8;
	v63 =	vld [tilespmem:$0x0]  }
.LBB2_5:
0x158: {  	_ =	sfence.sel $0x180000  }
0x159: {  	[bflag:$0x0] =	sbarrier.arrive $0xFFFF  }
0x15a: {  	_ =	strace $0x9000004A  }
0x15b: {  	s0 =	stileid.u32;
	[bflag:$0x2] =	sbarrier.arrive $0xFFFF  }
0x15c: {  	p0 =	sne.s32 s0, $0x0;
	s0 =	rddreg [dreg:$0x2]  }
0x15d: {  	s0 =	sadd.s32 @!p0 $0x100000, s0  }
0x15e: {  	[sflag:s0] =	ssyncadd.tile.s32 @!p0 $0x1;
	_ =	shalt  }
.Lfunc_end2:
_tile_overlayer_lowered:
.L_overlay_start_2:
0x15f: {  	(tag) =	ssettag $0x2  }
0x160: {  	s0 =	rddreg [dreg:$0x0];
	s2 =	stileid.u32  }
0x161: {  	s1 =	rddreg [dreg:$0x1];
	p0 =	sne.s32 s2, $0x0  }
0x162: {  	s3 =	rddreg [dreg:$0x2];
	[bflag:$0x3] =	sbarrier.arrive $0xFFFF;
	s2 =	simm.s32 @!p0 $0x1C0A  }
0x163: {  	[timem:s3], [sflag:s2] =	dma.local @!p0 [hbm:s0], s1  }
0x164: {  	s0 =	simm.s32 @!p0 $0xA  }
0x165: {  	_ =	swait.ge @!p0 [sflag:s0], s1  }
0x166: {  	s1 =	ssub.s32 @!p0 $0x0, s1;
	[sflag:s0] =	ssyncset.done @!p0 $0x0  }
0x167: {  	[sflag:s0] =	ssyncadd.s32 @!p0 s1  }
0x168: {  	[bflag:$0x3] =	sbarrier.arrive $0xFFFF  }
0x169: {  	_ =	shalt  }

// kernel: kernel.14.cloned.1.call-start
scs
__scs_entry_jumppad:
0x0: {  	(pc) =	sbr.rel $0x88, $3  }
0x1: {  	(tag) =	ssettag $0x0;
	lr =	simm.s32 $0x1  }
0x2: {  	[smem:$0x3F99] =	sst lr;
	_ =	strace $0xD0000000  }
0x3: {  	_ = 	snop  }
0x4: {  	_ = 	snop  }
0x5: {  	_ = 	snop  }
0x6: {  	_ = 	snop  }
0x7: {  	_ = 	snop  }
__scs_overlays_trampoline_lowered:
0x8: {  	[smem:$0x3FA8] =	sst s0  }
0x9: {  	[smem:$0x3FA9] =	sst s1  }
0xa: {  	[smem:$0x3FAA] =	sst s2  }
0xb: {  	[smem:$0x3FAB] =	sst s3  }
0xc: {  	[smem:$0x3FAC] =	sst s4  }
0xd: {  	[smem:$0x3FAD] =	sst s5  }
0xe: {  	[smem:$0x3FAE] =	sst s6  }
0xf: {  	[smem:$0x3FAF] =	sst s7  }
0x10: {  	[smem:$0x3FB0] =	sst s8  }
0x11: {  	[smem:$0x3FB1] =	sst s9;
	s0 =	simm.s32 @!p0 $0x0  }
0x12: {  	s1 =	sld [smem:$0x3F97];
	s0 =	simm.s32 @p0 $0x1  }
0x13: {  	[smem:$0x3FB2] =	sst s0;
	s0 =	simm.s32 @!p1 $0x0  }
0x14: {  	s2 =	sld [smem:$0x3F96];
	s0 =	simm.s32 @p1 $0x1  }
0x15: {  	[smem:$0x3FB3] =	sst s0;
	s0 =	simm.s32 @!p2 $0x0  }
0x16: {  	s3 =	sld [smem:$0x3FDB];
	s0 =	simm.s32 @p2 $0x1  }
0x17: {  	s4 =	simm.s32 $0x1BF5;
	[smem:$0x3FB5] =	sst s0  }
0x18: {  	s0 =	sld [smem:$0x3F98];
	_ =	swait.ge [sflag:s4], $0x0  }
0x19: {  	s7 =	sld [smem:$0x3F99]  }
0x1a: {  	s8 =	sadd.s32 $0xFFFFE003, lr  }
0x1b: {  	s9 =	sadd.s32 $0xFFFFFEF7, lr;
	s5 =	simm.s32 $0xFFFFFFFF;
	p2 =	slt.u32 s8, $0xFFFFF086  }
0x1c: {  	p1 =	slt.u32 s9, $0xF7A;
	s5 =	simm.s32 @!p2 $0x0  }
0x1d: {  	s5 =	simm.s32 @p1 $0x1;
	p0 =	seq.s32 s7, s2  }
0x1e: {  	s7 =	smul.u32 @!p0 $0xF7A, s2;
	p2 =	seq.s32 @!p0 s5, $0x0  }
0x1f: {  	s9 =	smul.u32 $0xF7A, s1;
	s8 =	simm.s32 @!p0 $0x1BF5;
	p2 =	por !p2, p0  }
0x20: {  	[sflag:s8] =	ssyncset.s32 @!p0 $0xFFFFF086;
	s6 =	sadd.s32 @!p0 s3, s7;
	s7 =	simm.s32 @!p0 $0x108  }
0x21: {  	s3 =	sadd.s32 s3, s9;
	s6 =	sadd.s32 @!p0 $0x88, s6;
	s7 =	simm.s32 @p2 $0x1082  }
0x22: {  	[simem:s7], [sflag:s8] =	dma.local @!p0 [hbm:s6], $0xF7A  }
0x23: {  	s9 =	sor.u32 $0xD0000000, s2;
	s6 =	simm.s32 $0x108;
	_ =	swait.ge @!p0 [sflag:s8], $0x0  }
0x24: {  	s3 =	sadd.s32 $0x88, s3;
	s6 =	simm.s32 @!p1 $0x1082;
	[sflag:s4] =	ssyncset.s32 $0xFFFFF086  }
0x25: {  	[simem:s6], [sflag:s4] =	dma.local [hbm:s3], $0xF7A  }
0x26: {  	[smem:$0x3F99] =	sst s1;
	(tag) =	ssettag s2;
	_ =	strace s9  }
0x27: {  	s1 =	sld [smem:$0x3FA9]  }
0x28: {  	s2 =	sld [smem:$0x3FAA]  }
0x29: {  	s4 =	sld [smem:$0x3FAC]  }
0x2a: {  	p0 =	seq.s32 s5, $0x0;
	s5 =	sld [smem:$0x3FAD]  }
0x2b: {  	s6 =	sld [smem:$0x3FAE]  }
0x2c: {  	s7 =	sld [smem:$0x3FAF]  }
0x2d: {  	s3 =	simm.s32 $0x108;
	s8 =	sld [smem:$0x3FB0]  }
0x2e: {  	s3 =	simm.s32 @!p0 $0x1082;
	s9 =	sld [smem:$0x3FB1]  }
0x2f: {  	lr =	sadd.s32 s0, s3;
	s0 =	sld [smem:$0x3FA8]  }
0x30: {  	s3 =	sld [smem:$0x3FAB]  }
0x31: {  	[smem:$0x3FB4] =	sst s10  }
0x32: {  	s10 =	sld [smem:$0x3FB2];
	_ =	sdelay $0x3  }
0x33: {  	p0 =	seq.s32 s10, $0x1;
	s10 =	sld [smem:$0x3FB4];
	_ =	sdelay $0x3  }
0x34: {  	[smem:$0x3FB4] =	sst s10  }
0x35: {  	s10 =	sld [smem:$0x3FB3];
	_ =	sdelay $0x3  }
0x36: {  	p1 =	seq.s32 s10, $0x1;
	s10 =	sld [smem:$0x3FB4];
	_ =	sdelay $0x3  }
0x37: {  	[smem:$0x3FB4] =	sst s10  }
0x38: {  	s10 =	sld [smem:$0x3FB5]  }
0x39: {  	_ = 	snop;
	(pc) =	sbr.ind lr, $3  }
0x3a: {  	_ = 	snop  }
0x3b: {  	_ = 	snop  }
0x3c: {  	p2 =	seq.s32 s10, $0x1;
	s10 =	sld [smem:$0x3FB4]  }
0x3d: {  	_ =	shalt  }
0x3e: {  	_ =	shalt  }
0x3f: {  	_ =	shalt  }
0x40: {  	_ =	shalt  }
0x41: {  	_ =	shalt  }
0x42: {  	_ =	shalt  }
0x43: {  	_ =	shalt  }
0x44: {  	_ =	shalt  }
0x45: {  	_ =	shalt  }
0x46: {  	_ =	shalt  }
0x47: {  	_ =	shalt  }
0x48: {  	_ =	shalt  }
0x49: {  	_ =	shalt  }
0x4a: {  	_ =	shalt  }
0x4b: {  	_ =	shalt  }
0x4c: {  	_ =	shalt  }
0x4d: {  	_ =	shalt  }
0x4e: {  	_ =	shalt  }
0x4f: {  	_ =	shalt  }
0x50: {  	_ =	shalt  }
0x51: {  	_ =	shalt  }
0x52: {  	_ =	shalt  }
0x53: {  	_ =	shalt  }
0x54: {  	_ =	shalt  }
0x55: {  	_ =	shalt  }
0x56: {  	_ =	shalt  }
0x57: {  	_ =	shalt  }
0x58: {  	_ =	shalt  }
0x59: {  	_ =	shalt  }
0x5a: {  	_ =	shalt  }
0x5b: {  	_ =	shalt  }
0x5c: {  	_ =	shalt  }
0x5d: {  	_ =	shalt  }
0x5e: {  	_ =	shalt  }
0x5f: {  	_ =	shalt  }
0x60: {  	_ =	shalt  }
0x61: {  	_ =	shalt  }
0x62: {  	_ =	shalt  }
0x63: {  	_ =	shalt  }
0x64: {  	_ =	shalt  }
0x65: {  	_ =	shalt  }
0x66: {  	_ =	shalt  }
0x67: {  	_ =	shalt  }
0x68: {  	_ =	shalt  }
0x69: {  	_ =	shalt  }
0x6a: {  	_ =	shalt  }
0x6b: {  	_ =	shalt  }
0x6c: {  	_ =	shalt  }
0x6d: {  	_ =	shalt  }
0x6e: {  	_ =	shalt  }
0x6f: {  	_ =	shalt  }
0x70: {  	_ =	shalt  }
0x71: {  	_ =	shalt  }
0x72: {  	_ =	shalt  }
0x73: {  	_ =	shalt  }
0x74: {  	_ =	shalt  }
0x75: {  	_ =	shalt  }
0x76: {  	_ =	shalt  }
0x77: {  	_ =	shalt  }
0x78: {  	_ =	shalt  }
0x79: {  	_ =	shalt  }
0x7a: {  	_ =	shalt  }
0x7b: {  	_ =	shalt  }
0x7c: {  	_ =	shalt  }
0x7d: {  	_ =	shalt  }
0x7e: {  	_ =	shalt  }
0x7f: {  	_ =	shalt  }
0x80: {  	_ =	shalt  }
0x81: {  	_ =	shalt  }
0x82: {  	_ =	shalt  }
0x83: {  	_ =	shalt  }
0x84: {  	_ =	shalt  }
0x85: {  	_ =	shalt  }
0x86: {  	_ =	shalt  }
0x87: {  	_ =	shalt  }
.Lfunc_end0:
.L_simem_size_0:
called_computation.2_lowered:
.L_overlay_start_0:
0x88: {  	s2 =	sld [smem:$0x3FD9]  }
0x89: {  	s3 =	sld [smem:$0x3FFE];
	_ =	sdelay $0x1  }
0x8a: {  	s1 =	srdreg.scid  }
0x8b: {  	s0 =	sand.u32 $0x1, s1  }
0x8c: {  	s16 =	sshll.u32 s0, $0xA;
	s2 =	sadd.s32 s3, s2  }
0x8d: {  	s2 =	sadd.s32 s2, s16  }
0x8e: {  	[smem:$0x3FC0] =	sst s2  }
0x8f: {  	_ = 	snop  }
0x90: {  	(tm) =	ssettm $0x1  }
0x91: {  	s17 =	sld [smem:$0x3FFB];
	_ =	sdelay $0x3  }
0x92: {  	_ =	strace s17  }
0x93: {  	s2 =	sld [smem:$0x3FFC];
	_ =	sdelay $0x3  }
0x94: {  	_ =	strace s2  }
0x95: {  	s2 =	sld [smem:$0x3FFD];
	_ =	sdelay $0x3  }
0x96: {  	_ =	strace s2  }
0x97: {  	_ =	strace $0x8FFFFFFF  }
0x98: {  	s18 =	sld [smem:$0x3FDB];
	_ =	sdelay $0x1  }
0x99: {  	s19 =	simm.s32 $_scs_section_size  }
0x9a: {  	s4 =	simm.s32 $_size__tile_overlayer_lowered;
	s5 =	simm.s32 $_tile_overlayer_lowered  }
0x9b: {  	s22 =	simm.s32 $0x1BFF;
	s21 =	sshll.u32 s5, $0x1;
	s2 =	sadd.s32 s19, s18  }
0x9c: {  	s6 =	simm.s32 $0x0;
	s20 =	sshll.u32 s4, $0x1;
	s4 =	sadd.s32 s21, s2  }
0x9d: {  	[timem:s6], [sflag:s22] =	dma.local [hbm:s4], s20  }
0x9e: {  	_ =	swait.ge [sflag:s22], s20  }
0x9f: {  	s3 =	ssub.s32 $0x0, s20;
	[sflag:s22] =	ssyncset.done $0x0  }
0xa0: {  	[sflag:s22] =	ssyncadd.s32 s3;
	_ =	sdelay $0x1  }
0xa1: {  	s23 =	simm.s32 $0x1B8B  }
0xa2: {  	_ =	swait.ge [sflag:s23], $0x1  }
0xa3: {  	[sflag:s23] =	ssyncset.done $0x0  }
0xa4: {  	s25 =	simm.s32 $0x1B8E;
	s24 =	sld [smem:$0x3FFE];
	[sflag:s23] =	ssyncadd.s32 $0xFFFFFFFF  }
0xa5: {  	s26 =	simm.s32 $execute0_lowered;
	[smem:$0x3FD2] =	sst s25  }
0xa6: {  	s4 =	sshll.u32 s26, $0x1;
	_ =	strace $0x8000004C;
	[dreg:$0x1] =	wrdreg $0xFFFFFFFF  }
0xa7: {  	s28 =	simm.s32 $_size_execute0_lowered;
	s2 =	sadd.s32 s2, s4;
	[dreg:$0x0] =	wrdreg $0x0  }
0xa8: {  	s4 =	sshll.u32 s28, $0x1;
	[dreg:$0x2] =	wrdreg s2  }
0xa9: {  	[dreg:$0x3] =	wrdreg s4  }
0xaa: {  	[dreg:$0x4] =	wrdreg $0xC0  }
0xab: {  	_ =	task [dreg:s6], $0x5FFFF  }
0xac: {  	[dreg:$0x1] =	wrdreg $0xFFFFFFFF  }
0xad: {  	[dreg:$0x0] =	wrdreg $0x60  }
0xae: {  	[dreg:$0x2] =	wrdreg s24  }
0xaf: {  	[dreg:$0x3] =	wrdreg $0xC0000  }
0xb0: {  	[dreg:$0x4] =	wrdreg $0x9  }
0xb1: {  	_ =	task.clear_ibuf [dreg:s6], $0x5FFFF;
	_ =	strace $0x9000004C  }
0xb2: {  	s29 =	simm.s32 $0x9;
	_ =	strace $0x8000004E  }
0xb3: {  	_ =	swait.ge [sflag:s29], $0x1  }
0xb4: {  	[sflag:s29] =	ssyncadd.s32 $0xFFFFFFFF  }
0xb5: {  	_ =	strace $0x9000004E  }
0xb6: {  	_ =	sfence  }
0xb7: {  	s30 =	sld [smem:$0x0];
	_ =	sdelay $0x2  }
0xb8: {  	s31 =	sshll.u32 s1, $0xD;
	s1 =	sshrl.u32 s1, $0x2  }
0xb9: {  	s3 =	sand.u32 $0x4000, s31;
	s1 =	sadd.s32 s1, s30  }
0xba: {  	s0 =	sor.u32 s3, s0;
	s1 =	sshll.u32 s1, $0x11  }
0xbb: {  	s0 =	sor.u32 s1, s0  }
0xbc: {  	s0 =	sadd.s32 $0x8F2B, s0  }
0xbd: {  	[sflag:s0] =	ssyncadd.remote.s32 $0x1  }
0xbe: {  	_ =	sfence.sel $0xFFFF  }
0xbf: {  	[dreg:$0x0] =	wrdreg $0xFFFFFFFF;
	(pc) =	sbr.abs _section_cstart, $3  }
0xc0: {  	[dreg:$0x1] =	wrdreg $0xFFFFFFFF  }
0xc1: {  	_ =	task.clear_ibuf [dreg:s6], $0x2FFFF;
	_ =	strace $0x9FFFFFFF  }
0xc2: {  	(tm) =	ssettm $0x7FFFFFFF  }
0xc3: {  	_ =	shalt  }
tec
execute0_lowered:
.L_overlay_start_1:
0x0: {  	(tag) =	ssettag $0x1  }
0x1: {  	s0 =	rddreg [dreg:$0x0]  }
0x2: {  	s1 =	rddreg [dreg:$0x1];
	s2 =	srdreg.scid  }
0x3: {  	s3 =	simm.s32 $0x0;
	s9 =	stileid.u32;
	s17 =	simm.s32 $0xA  }
0x4: {  	s12 =	simm.s32 $0x50;
	s13 =	simm.s32 $0x2000;
	s15 =	simm.s32 $0x4800  }
0x5: {  	s18 =	simm.s32 $0x1;
	s20 =	simm.s32 $0x7000;
	s21 =	simm.s32 $0x2  }
0x6: {  	s28 =	simm.s32 $0x1000;
	s29 =	simm.s32 $0x1800;
	s30 =	simm.s32 $0x5  }
0x7: {  	s16 =	simm.s32 $0x7;
	s14 =	simm.s32 $0x8;
	s11 =	simm.s32 $0x1700  }
0x8: {  	s31 =	simm.s32 $0x1780;
	s10 =	simm.s32 $0x0;
	s2 =	sand.u32 $0x1, s2  }
0x9: {  	[smem:$0x7FF] =	sst s3;
	s5 =	smul.u32 $0x14000, s9;
	s6 =	sshll.u32 s9, $0xC  }
0xa: {  	s8 =	smul.u32 $0x50000, s9;
	s22 =	sadd.s32 $0x72400, s0;
	s26 =	sshll.u32 s9, $0x6  }
0xb: {  	s9 =	simm.s32 $0x1F80;
	s4 =	smul.u32 $0x140000, s2;
	_ =	strace $0x8000004D  }
0xc: {  	s6 =	sadd.s32 s6, s0;
	s2 =	ssub.s32 $0x2, s2;
	[dreg:$0x3] =	wrdreg s22  }
0xd: {  	s19 =	sor.u32 $0x1C0A, s26;
	s26 =	simm.s32 $0x1E80;
	[dreg:$0x8] =	wrdreg s10  }
0xe: {  	s23 =	sshrl.u32 s2, $0x1;
	s24 =	sshrl.u32 s8, $0x2;
	s8 =	simm.s32 $0x9  }
0xf: {  	[dreg:$0x6] =	wrdreg s19;
	s7 =	sshrl.u32 s4, $0x3;
	s4 =	sadd.s32 s5, s4  }
0x10: {  	s2 =	ssub.s32 s2, s23;
	s5 =	sadd.s32 $0x2400, s6;
	s6 =	sadd.s32 $0x12400, s6  }
0x11: {  	s23 =	simm.s32 $0x1E00;
	s7 =	sadd.s32 s7, s0;
	s4 =	sshrl.u32 s4, $0x3  }
.Ltmp0:
0x12: {  	s25 =	smax.u32 s2, $0x1;
	s2 =	simm.s32 $0x1F00;
	(pc) =	sbr.rel .LBB2_1-.Ltmp0, $4  }
0x13: {  	s0 =	sadd.s32 s4, s0;
	s7 =	sadd.s32 $0x22400, s7;
	s4 =	sadd.s32 s24, s1  }
0x14: {  	[dreg:$0x5] =	wrdreg s25;
	s24 =	simm.s32 $0x9800;
	s0 =	sadd.s32 $0x74C00, s0  }
0x15: {  	s25 =	simm.s32 $0x3;
	s22 =	sshrl.u32 s4, $0x3;
	[dreg:$0x4] =	wrdreg s0  }
0x16: {  	s4 =	simm.s32 $0x6;
	s0 =	simm.s32 $0x4;
	[dreg:$0x7] =	wrdreg s22  }
.LBB2_4:
0x17: {  	_ =	swait.ge [sflag:s0], $0x2800  }
0x18: {  	[sflag:s0] =	ssyncset.done $0x0  }
0x19: {  	[sflag:s0] =	ssyncadd.s32 $0xFFFFD800  }
0x1a: {  	[spmem:s1] =	stream.indirect.scatter.add.f32 [tilespmem:s24], [sflag:$0x8], $0x80, s9, s12, $0xb8;
	v63 =	vld [tilespmem:$0x0]  }
0x1b: {  	_ =	swait.ge [sflag:s4], $0x2800  }
0x1c: {  	[sflag:s4] =	ssyncset.done $0x0  }
0x1d: {  	[sflag:s4] =	ssyncadd.s32 $0xFFFFD800  }
0x1e: {  	_ =	swait.ge [sflag:s16], $0x2800  }
0x1f: {  	[sflag:s16] =	ssyncset.done $0x0  }
0x20: {  	[sflag:s16] =	ssyncadd.s32 $0xFFFFD800  }
0x21: {  	_ =	swait.ge [sflag:s14], $0x2800  }
0x22: {  	[sflag:s14] =	ssyncset.done $0x0  }
0x23: {  	[sflag:s14] =	ssyncadd.s32 $0xFFFFD800  }
0x24: {  	[bflag:$0x0] =	sbarrier.arrive $0xFFFF  }
0x25: {  	s10 =	rddreg [dreg:$0x4]  }
0x26: {  	s19 =	rddreg [dreg:$0x6]  }
0x27: {  	s17 =	simm.s32 $0xA;
	s22 =	rddreg [dreg:$0x7]  }
0x28: {  	[hbm:s10], [sflag:s19] =	dma.local [spmem:s22], $0x2800  }
0x29: {  	_ =	swait.ge [sflag:s17], $0x2800  }
0x2a: {  	s23 =	rddreg [dreg:$0x8]  }
0x2b: {  	s10 =	rddreg [dreg:$0x5];
	s23 =	sadd.s32 $0x1, s23  }
0x2c: {  	p0 =	sne.s32 s23, s10  }
.Ltmp1:
0x2d: {  	_ = 	snop;
	(pc) =	sbr.rel @!p0 .LBB2_5-.Ltmp1, $3  }
0x2e: {  	_ =	sdelay $0x1  }
0x2f: {  	[sflag:s17] =	ssyncset.done $0x0  }
0x30: {  	[sflag:s17] =	ssyncadd.s32 $0xFFFFD800;
	[dreg:$0x8] =	wrdreg s23;
	s23 =	simm.s32 $0x1E00  }
.LBB2_1:
0x31: {  	[tilespmem:s3], [sflag:$0xA] =	stream.linear.gather [hbm4b:s5+s3], $0x800, $0x38;
	v63 =	vld [tilespmem:$0x0]  }
0x32: {  	_ =	swait.ge [sflag:s17], $0x800  }
0x33: {  	[sflag:s17] =	ssyncset.done $0x0  }
0x34: {  	s10 =	simm.s32 $0x800;
	[sflag:s17] =	ssyncadd.s32 $0xFFFFF800  }
0x35: {  	[tilespmem:s10], [sflag:$0xA] =	stream.linear.gather [hbm4b:s6+s3], $0x800, $0x38;
	v63 =	vld [tilespmem:$0x0]  }
0x36: {  	_ =	swait.ge [sflag:s17], $0x800  }
0x37: {  	[sflag:s17] =	ssyncset.done $0x0  }
0x38: {  	[sflag:s17] =	ssyncadd.s32 $0xFFFFF800  }
0x39: {  	[tilespmem:s13], [sflag:$0x1] =	stream.indirect.gather [hbm4b:s7+s12], $0x80, s3, s12, $0xb8;
	v63 =	vld [tilespmem:$0x0]  }
0x3a: {  	s10 =	simm.s32 $0x80  }
0x3b: {  	[tilespmem:s15], [sflag:$0x2] =	stream.indirect.gather [hbm4b:s7+s12], $0x80, s10, s12, $0xb8;
	v63 =	vld [tilespmem:$0x0]  }
0x3c: {  	s10 =	rddreg [dreg:$0x3]  }
0x3d: {  	[spmem:s22], [sflag:s19] =	dma.local [hbm:s10], $0x2800  }
0x3e: {  	_ =	swait.ge [sflag:s17], $0x2800  }
0x3f: {  	[sflag:s17] =	ssyncset.done $0x0  }
0x40: {  	[sflag:s17] =	ssyncadd.s32 $0xFFFFD800  }
0x41: {  	s17 =	simm.s32 $0x0;
	[bflag:$0x0] =	sbarrier.arrive $0xFFFF  }
.LBB2_2:
0x42: {  	_ =	swait.ge [sflag:s18], $0x2800  }
0x43: {  	[sflag:s18] =	ssyncset.done $0x0  }
0x44: {  	s10 =	simm.s32 $0x800;
	p0 =	seq.s32 s17, $0x0;
	[sflag:s18] =	ssyncadd.s32 $0xFFFFD800  }
0x45: {  	[spmem:s1] =	stream.indirect.scatter.add.f32 [tilespmem:s13], [sflag:$0x5], $0x80, s10, s12, $0xb8;
	v63 =	vld [tilespmem:$0x0]  }
0x46: {  	s10 =	simm.s32 @!p0 $0x7  }
0x47: {  	_ =	swait.ge @!p0 [sflag:s10], $0x2800  }
0x48: {  	[sflag:s10] =	ssyncset.done @!p0 $0x0  }
0x49: {  	s19 =	simm.s32 $0x100;
	[sflag:s10] =	ssyncadd.s32 @!p0 $0xFFFFD800  }
0x4a: {  	[tilespmem:s20], [sflag:$0x3] =	stream.indirect.gather [hbm4b:s7+s12], $0x80, s19, s12, $0xb8;
	v63 =	vld [tilespmem:$0x0]  }
0x4b: {  	_ =	swait.ge [sflag:s21], $0x2800  }
0x4c: {  	[sflag:s21] =	ssyncset.done $0x0  }
0x4d: {  	s22 =	simm.s32 $0x880;
	s10 =	simm.s32 @!p0 $0x8;
	[sflag:s21] =	ssyncadd.s32 $0xFFFFD800  }
0x4e: {  	[spmem:s1] =	stream.indirect.scatter.add.f32 [tilespmem:s15], [sflag:$0x6], $0x80, s22, s12, $0xb8;
	v63 =	vld [tilespmem:$0x0]  }
0x4f: {  	_ =	swait.ge @!p0 [sflag:s10], $0x2800  }
0x50: {  	[sflag:s10] =	ssyncset.done @!p0 $0x0  }
0x51: {  	s19 =	simm.s32 $0x180;
	[sflag:s10] =	ssyncadd.s32 @!p0 $0xFFFFD800  }
0x52: {  	[tilespmem:s24], [sflag:$0x4] =	stream.indirect.gather [hbm4b:s7+s12], $0x80, s19, s12, $0xb8;
	v63 =	vld [tilespmem:$0x0]  }
0x53: {  	_ =	swait.ge [sflag:s25], $0x2800  }
0x54: {  	[sflag:s25] =	ssyncset.done $0x0  }
0x55: {  	s22 =	sadd.s32 s17, s5;
	s19 =	simm.s32 $0x900;
	[sflag:s25] =	ssyncadd.s32 $0xFFFFD800  }
0x56: {  	[spmem:s1] =	stream.indirect.scatter.add.f32 [tilespmem:s20], [sflag:$0x7], $0x80, s19, s12, $0xb8;
	v63 =	vld [tilespmem:$0x0]  }
0x57: {  	s10 =	sadd.s32 $0x100, s22;
	s22 =	sadd.s32 s17, s6  }
0x58: {  	[tilespmem:s28], [sflag:$0x9] =	stream.linear.gather [hbm4b:s10+s3], $0x800, $0x38;
	v63 =	vld [tilespmem:$0x0]  }
0x59: {  	s19 =	sadd.s32 $0x100, s22  }
0x5a: {  	[tilespmem:s29], [sflag:$0x9] =	stream.linear.gather [hbm4b:s19+s3], $0x800, $0x38;
	v63 =	vld [tilespmem:$0x0]  }
0x5b: {  	_ =	swait.ge [sflag:s30], $0x2800  }
0x5c: {  	[sflag:s30] =	ssyncset.done $0x0  }
0x5d: {  	s22 =	simm.s32 $0x200;
	[sflag:s30] =	ssyncadd.s32 $0xFFFFD800  }
0x5e: {  	[tilespmem:s13], [sflag:$0x1] =	stream.indirect.gather [hbm4b:s7+s12], $0x80, s22, s12, $0xb8;
	v63 =	vld [tilespmem:$0x0]  }
0x5f: {  	_ =	swait.ge [sflag:s0], $0x2800  }
0x60: {  	[sflag:s0] =	ssyncset.done $0x0  }
0x61: {  	s19 =	simm.s32 $0x980;
	[sflag:s0] =	ssyncadd.s32 $0xFFFFD800  }
0x62: {  	[spmem:s1] =	stream.indirect.scatter.add.f32 [tilespmem:s24], [sflag:$0x8], $0x80, s19, s12, $0xb8;
	v63 =	vld [tilespmem:$0x0]  }
0x63: {  	_ =	swait.ge [sflag:s4], $0x2800  }
0x64: {  	[sflag:s4] =	ssyncset.done $0x0  }
0x65: {  	s22 =	simm.s32 $0x280;
	[sflag:s4] =	ssyncadd.s32 $0xFFFFD800  }
0x66: {  	[tilespmem:s15], [sflag:$0x2] =	stream.indirect.gather [hbm4b:s7+s12], $0x80, s22, s12, $0xb8;
	v63 =	vld [tilespmem:$0x0]  }
0x67: {  	_ =	swait.ge [sflag:s18], $0x2800  }
0x68: {  	[sflag:s18] =	ssyncset.done $0x0  }
0x69: {  	s19 =	simm.s32 $0xA00;
	[sflag:s18] =	ssyncadd.s32 $0xFFFFD800  }
0x6a: {  	[spmem:s1] =	stream.indirect.scatter.add.f32 [tilespmem:s13], [sflag:$0x5], $0x80, s19, s12, $0xb8;
	v63 =	vld [tilespmem:$0x0]  }
0x6b: {  	_ =	swait.ge [sflag:s16], $0x2800  }
0x6c: {  	[sflag:s16] =	ssyncset.done $0x0  }
0x6d: {  	s22 =	simm.s32 $0x300;
	[sflag:s16] =	ssyncadd.s32 $0xFFFFD800  }
0x6e: {  	[tilespmem:s20], [sflag:$0x3] =	stream.indirect.gather [hbm4b:s7+s12], $0x80, s22, s12, $0xb8;
	v63 =	vld [tilespmem:$0x0]  }
0x6f: {  	_ =	swait.ge [sflag:s21], $0x2800  }
0x70: {  	[sflag:s21] =	ssyncset.done $0x0  }
0x71: {  	s19 =	simm.s32 $0xA80;
	[sflag:s21] =	ssyncadd.s32 $0xFFFFD800  }
0x72: {  	[spmem:s1] =	stream.indirect.scatter.add.f32 [tilespmem:s15], [sflag:$0x6], $0x80, s19, s12, $0xb8;
	v63 =	vld [tilespmem:$0x0]  }
0x73: {  	_ =	swait.ge [sflag:s14], $0x2800  }
0x74: {  	[sflag:s14] =	ssyncset.done $0x0  }
0x75: {  	s22 =	simm.s32 $0x380;
	[sflag:s14] =	ssyncadd.s32 $0xFFFFD800  }
0x76: {  	[tilespmem:s24], [sflag:$0x4] =	stream.indirect.gather [hbm4b:s7+s12], $0x80, s22, s12, $0xb8;
	v63 =	vld [tilespmem:$0x0]  }
0x77: {  	_ =	swait.ge [sflag:s25], $0x2800  }
0x78: {  	[sflag:s25] =	ssyncset.done $0x0  }
0x79: {  	s19 =	simm.s32 $0xB00;
	[sflag:s25] =	ssyncadd.s32 $0xFFFFD800  }
0x7a: {  	[spmem:s1] =	stream.indirect.scatter.add.f32 [tilespmem:s20], [sflag:$0x7], $0x80, s19, s12, $0xb8;
	v63 =	vld [tilespmem:$0x0]  }
0x7b: {  	_ =	swait.ge [sflag:s30], $0x2800  }
0x7c: {  	[sflag:s30] =	ssyncset.done $0x0  }
0x7d: {  	s22 =	simm.s32 $0x400;
	[sflag:s30] =	ssyncadd.s32 $0xFFFFD800  }
0x7e: {  	[tilespmem:s13], [sflag:$0x1] =	stream.indirect.gather [hbm4b:s7+s12], $0x80, s22, s12, $0xb8;
	v63 =	vld [tilespmem:$0x0]  }
0x7f: {  	_ =	swait.ge [sflag:s0], $0x2800  }
0x80: {  	[sflag:s0] =	ssyncset.done $0x0  }
0x81: {  	s19 =	simm.s32 $0xB80;
	[sflag:s0] =	ssyncadd.s32 $0xFFFFD800  }
0x82: {  	[spmem:s1] =	stream.indirect.scatter.add.f32 [tilespmem:s24], [sflag:$0x8], $0x80, s19, s12, $0xb8;
	v63 =	vld [tilespmem:$0x0]  }
0x83: {  	_ =	swait.ge [sflag:s4], $0x2800  }
0x84: {  	[sflag:s4] =	ssyncset.done $0x0  }
0x85: {  	s22 =	simm.s32 $0x480;
	[sflag:s4] =	ssyncadd.s32 $0xFFFFD800  }
0x86: {  	[tilespmem:s15], [sflag:$0x2] =	stream.indirect.gather [hbm4b:s7+s12], $0x80, s22, s12, $0xb8;
	v63 =	vld [tilespmem:$0x0]  }
0x87: {  	_ =	swait.ge [sflag:s18], $0x2800  }
0x88: {  	[sflag:s18] =	ssyncset.done $0x0  }
0x89: {  	s19 =	simm.s32 $0xC00;
	[sflag:s18] =	ssyncadd.s32 $0xFFFFD800  }
0x8a: {  	[spmem:s1] =	stream.indirect.scatter.add.f32 [tilespmem:s13], [sflag:$0x5], $0x80, s19, s12, $0xb8;
	v63 =	vld [tilespmem:$0x0]  }
0x8b: {  	_ =	swait.ge [sflag:s16], $0x2800  }
0x8c: {  	[sflag:s16] =	ssyncset.done $0x0  }
0x8d: {  	s22 =	simm.s32 $0x500;
	[sflag:s16] =	ssyncadd.s32 $0xFFFFD800  }
0x8e: {  	[tilespmem:s20], [sflag:$0x3] =	stream.indirect.gather [hbm4b:s7+s12], $0x80, s22, s12, $0xb8;
	v63 =	vld [tilespmem:$0x0]  }
0x8f: {  	_ =	swait.ge [sflag:s21], $0x2800  }
0x90: {  	[sflag:s21] =	ssyncset.done $0x0  }
0x91: {  	s19 =	simm.s32 $0xC80;
	[sflag:s21] =	ssyncadd.s32 $0xFFFFD800  }
0x92: {  	[spmem:s1] =	stream.indirect.scatter.add.f32 [tilespmem:s15], [sflag:$0x6], $0x80, s19, s12, $0xb8;
	v63 =	vld [tilespmem:$0x0]  }
0x93: {  	_ =	swait.ge [sflag:s14], $0x2800  }
0x94: {  	[sflag:s14] =	ssyncset.done $0x0  }
0x95: {  	s22 =	simm.s32 $0x580;
	[sflag:s14] =	ssyncadd.s32 $0xFFFFD800  }
0x96: {  	[tilespmem:s24], [sflag:$0x4] =	stream.indirect.gather [hbm4b:s7+s12], $0x80, s22, s12, $0xb8;
	v63 =	vld [tilespmem:$0x0]  }
0x97: {  	_ =	swait.ge [sflag:s25], $0x2800  }
0x98: {  	[sflag:s25] =	ssyncset.done $0x0  }
0x99: {  	s19 =	simm.s32 $0xD00;
	[sflag:s25] =	ssyncadd.s32 $0xFFFFD800  }
0x9a: {  	[spmem:s1] =	stream.indirect.scatter.add.f32 [tilespmem:s20], [sflag:$0x7], $0x80, s19, s12, $0xb8;
	v63 =	vld [tilespmem:$0x0]  }
0x9b: {  	_ =	swait.ge [sflag:s30], $0x2800  }
0x9c: {  	[sflag:s30] =	ssyncset.done $0x0  }
0x9d: {  	s22 =	simm.s32 $0x600;
	[sflag:s30] =	ssyncadd.s32 $0xFFFFD800  }
0x9e: {  	[tilespmem:s13], [sflag:$0x1] =	stream.indirect.gather [hbm4b:s7+s12], $0x80, s22, s12, $0xb8;
	v63 =	vld [tilespmem:$0x0]  }
0x9f: {  	_ =	swait.ge [sflag:s0], $0x2800  }
0xa0: {  	[sflag:s0] =	ssyncset.done $0x0  }
0xa1: {  	s19 =	simm.s32 $0xD80;
	[sflag:s0] =	ssyncadd.s32 $0xFFFFD800  }
0xa2: {  	[spmem:s1] =	stream.indirect.scatter.add.f32 [tilespmem:s24], [sflag:$0x8], $0x80, s19, s12, $0xb8;
	v63 =	vld [tilespmem:$0x0]  }
0xa3: {  	_ =	swait.ge [sflag:s4], $0x2800  }
0xa4: {  	[sflag:s4] =	ssyncset.done $0x0  }
0xa5: {  	s22 =	simm.s32 $0x680;
	[sflag:s4] =	ssyncadd.s32 $0xFFFFD800  }
0xa6: {  	[tilespmem:s15], [sflag:$0x2] =	stream.indirect.gather [hbm4b:s7+s12], $0x80, s22, s12, $0xb8;
	v63 =	vld [tilespmem:$0x0]  }
0xa7: {  	_ =	swait.ge [sflag:s18], $0x2800  }
0xa8: {  	[sflag:s18] =	ssyncset.done $0x0  }
0xa9: {  	s19 =	simm.s32 $0xE00;
	[sflag:s18] =	ssyncadd.s32 $0xFFFFD800  }
0xaa: {  	[spmem:s1] =	stream.indirect.scatter.add.f32 [tilespmem:s13], [sflag:$0x5], $0x80, s19, s12, $0xb8;
	v63 =	vld [tilespmem:$0x0]  }
0xab: {  	_ =	swait.ge [sflag:s16], $0x2800  }
0xac: {  	[sflag:s16] =	ssyncset.done $0x0  }
0xad: {  	s22 =	simm.s32 $0x700;
	[sflag:s16] =	ssyncadd.s32 $0xFFFFD800  }
0xae: {  	[tilespmem:s20], [sflag:$0x3] =	stream.indirect.gather [hbm4b:s7+s12], $0x80, s22, s12, $0xb8;
	v63 =	vld [tilespmem:$0x0]  }
0xaf: {  	_ =	swait.ge [sflag:s21], $0x2800  }
0xb0: {  	[sflag:s21] =	ssyncset.done $0x0  }
0xb1: {  	s19 =	simm.s32 $0xE80;
	[sflag:s21] =	ssyncadd.s32 $0xFFFFD800  }
0xb2: {  	[spmem:s1] =	stream.indirect.scatter.add.f32 [tilespmem:s15], [sflag:$0x6], $0x80, s19, s12, $0xb8;
	v63 =	vld [tilespmem:$0x0]  }
0xb3: {  	_ =	swait.ge [sflag:s14], $0x2800  }
0xb4: {  	[sflag:s14] =	ssyncset.done $0x0  }
0xb5: {  	s22 =	simm.s32 $0x780;
	[sflag:s14] =	ssyncadd.s32 $0xFFFFD800  }
0xb6: {  	[tilespmem:s24], [sflag:$0x4] =	stream.indirect.gather [hbm4b:s7+s12], $0x80, s22, s12, $0xb8;
	v63 =	vld [tilespmem:$0x0]  }
0xb7: {  	_ =	swait.ge [sflag:s25], $0x2800  }
0xb8: {  	[sflag:s25] =	ssyncset.done $0x0  }
0xb9: {  	s19 =	simm.s32 $0xF00;
	[sflag:s25] =	ssyncadd.s32 $0xFFFFD800  }
0xba: {  	[spmem:s1] =	stream.indirect.scatter.add.f32 [tilespmem:s20], [sflag:$0x7], $0x80, s19, s12, $0xb8;
	v63 =	vld [tilespmem:$0x0]  }
0xbb: {  	_ =	swait.ge [sflag:s30], $0x2800  }
0xbc: {  	[sflag:s30] =	ssyncset.done $0x0  }
0xbd: {  	[sflag:s30] =	ssyncadd.s32 $0xFFFFD800  }
0xbe: {  	_ =	swait.ge [sflag:s8], $0x800  }
0xbf: {  	[sflag:s8] =	ssyncset.done $0x0  }
0xc0: {  	[sflag:s8] =	ssyncadd.s32 $0xFFFFF800  }
0xc1: {  	_ =	swait.ge [sflag:s8], $0x800  }
0xc2: {  	[sflag:s8] =	ssyncset.done $0x0  }
0xc3: {  	[sflag:s8] =	ssyncadd.s32 $0xFFFFF800  }
0xc4: {  	[tilespmem:s13], [sflag:$0x1] =	stream.indirect.gather [hbm4b:s7+s12], $0x80, s28, s12, $0xb8;
	v63 =	vld [tilespmem:$0x0]  }
0xc5: {  	_ =	swait.ge [sflag:s0], $0x2800  }
0xc6: {  	[sflag:s0] =	ssyncset.done $0x0  }
0xc7: {  	s22 =	simm.s32 $0xF80;
	[sflag:s0] =	ssyncadd.s32 $0xFFFFD800  }
0xc8: {  	[spmem:s1] =	stream.indirect.scatter.add.f32 [tilespmem:s24], [sflag:$0x8], $0x80, s22, s12, $0xb8;
	v63 =	vld [tilespmem:$0x0]  }
0xc9: {  	_ =	swait.ge [sflag:s4], $0x2800  }
0xca: {  	[sflag:s4] =	ssyncset.done $0x0  }
0xcb: {  	s19 =	simm.s32 $0x1080;
	[sflag:s4] =	ssyncadd.s32 $0xFFFFD800  }
0xcc: {  	[tilespmem:s15], [sflag:$0x2] =	stream.indirect.gather [hbm4b:s7+s12], $0x80, s19, s12, $0xb8;
	v63 =	vld [tilespmem:$0x0]  }
0xcd: {  	_ =	swait.ge [sflag:s18], $0x2800  }
0xce: {  	[sflag:s18] =	ssyncset.done $0x0  }
0xcf: {  	[sflag:s18] =	ssyncadd.s32 $0xFFFFD800  }
0xd0: {  	[spmem:s1] =	stream.indirect.scatter.add.f32 [tilespmem:s13], [sflag:$0x5], $0x80, s29, s12, $0xb8;
	v63 =	vld [tilespmem:$0x0]  }
0xd1: {  	_ =	swait.ge [sflag:s16], $0x2800  }
0xd2: {  	[sflag:s16] =	ssyncset.done $0x0  }
0xd3: {  	s22 =	simm.s32 $0x1100;
	[sflag:s16] =	ssyncadd.s32 $0xFFFFD800  }
0xd4: {  	[tilespmem:s20], [sflag:$0x3] =	stream.indirect.gather [hbm4b:s7+s12], $0x80, s22, s12, $0xb8;
	v63 =	vld [tilespmem:$0x0]  }
0xd5: {  	_ =	swait.ge [sflag:s21], $0x2800  }
0xd6: {  	[sflag:s21] =	ssyncset.done $0x0  }
0xd7: {  	s19 =	simm.s32 $0x1880;
	[sflag:s21] =	ssyncadd.s32 $0xFFFFD800  }
0xd8: {  	[spmem:s1] =	stream.indirect.scatter.add.f32 [tilespmem:s15], [sflag:$0x6], $0x80, s19, s12, $0xb8;
	v63 =	vld [tilespmem:$0x0]  }
0xd9: {  	_ =	swait.ge [sflag:s14], $0x2800  }
0xda: {  	[sflag:s14] =	ssyncset.done $0x0  }
0xdb: {  	s22 =	simm.s32 $0x1180;
	[sflag:s14] =	ssyncadd.s32 $0xFFFFD800  }
0xdc: {  	[tilespmem:s24], [sflag:$0x4] =	stream.indirect.gather [hbm4b:s7+s12], $0x80, s22, s12, $0xb8;
	v63 =	vld [tilespmem:$0x0]  }
0xdd: {  	_ =	swait.ge [sflag:s25], $0x2800  }
0xde: {  	p0 =	seq.s32 s17, $0xE00;
	[sflag:s25] =	ssyncset.done $0x0  }
0xdf: {  	s10 =	sadd.s32 @!p0 s17, s5;
	s19 =	simm.s32 $0x1900;
	[sflag:s25] =	ssyncadd.s32 $0xFFFFD800  }
0xe0: {  	[spmem:s1] =	stream.indirect.scatter.add.f32 [tilespmem:s20], [sflag:$0x7], $0x80, s19, s12, $0xb8;
	v63 =	vld [tilespmem:$0x0]  }
0xe1: {  	s10 =	sadd.s32 @!p0 $0x200, s10;
	s22 =	simm.s32 @!p0 $0x0;
	s19 =	sadd.s32 @!p0 s17, s6  }
0xe2: {  	[tilespmem:s22], [sflag:$0x9] =	stream.linear.gather @!p0 [hbm4b:s10+s22], $0x800, $0x38;
	v63 =	vld [tilespmem:$0x0]  }
0xe3: {  	s10 =	sadd.s32 @!p0 $0x200, s19;
	s19 =	simm.s32 @!p0 $0x800  }
0xe4: {  	[tilespmem:s19], [sflag:$0x9] =	stream.linear.gather @!p0 [hbm4b:s10+s22], $0x800, $0x38;
	v63 =	vld [tilespmem:$0x0]  }
0xe5: {  	_ =	swait.ge [sflag:s30], $0x2800  }
0xe6: {  	[sflag:s30] =	ssyncset.done $0x0  }
0xe7: {  	s22 =	simm.s32 $0x1200;
	[sflag:s30] =	ssyncadd.s32 $0xFFFFD800  }
0xe8: {  	[tilespmem:s13], [sflag:$0x1] =	stream.indirect.gather [hbm4b:s7+s12], $0x80, s22, s12, $0xb8;
	v63 =	vld [tilespmem:$0x0]  }
0xe9: {  	_ =	swait.ge [sflag:s0], $0x2800  }
0xea: {  	[sflag:s0] =	ssyncset.done $0x0  }
0xeb: {  	s19 =	simm.s32 $0x1980;
	[sflag:s0] =	ssyncadd.s32 $0xFFFFD800  }
0xec: {  	[spmem:s1] =	stream.indirect.scatter.add.f32 [tilespmem:s24], [sflag:$0x8], $0x80, s19, s12, $0xb8;
	v63 =	vld [tilespmem:$0x0]  }
0xed: {  	_ =	swait.ge [sflag:s4], $0x2800  }
0xee: {  	[sflag:s4] =	ssyncset.done $0x0  }
0xef: {  	s22 =	simm.s32 $0x1280;
	[sflag:s4] =	ssyncadd.s32 $0xFFFFD800  }
0xf0: {  	[tilespmem:s15], [sflag:$0x2] =	stream.indirect.gather [hbm4b:s7+s12], $0x80, s22, s12, $0xb8;
	v63 =	vld [tilespmem:$0x0]  }
0xf1: {  	_ =	swait.ge [sflag:s18], $0x2800  }
0xf2: {  	[sflag:s18] =	ssyncset.done $0x0  }
0xf3: {  	s19 =	simm.s32 $0x1A00;
	[sflag:s18] =	ssyncadd.s32 $0xFFFFD800  }
0xf4: {  	[spmem:s1] =	stream.indirect.scatter.add.f32 [tilespmem:s13], [sflag:$0x5], $0x80, s19, s12, $0xb8;
	v63 =	vld [tilespmem:$0x0]  }
0xf5: {  	_ =	swait.ge [sflag:s16], $0x2800  }
0xf6: {  	[sflag:s16] =	ssyncset.done $0x0  }
0xf7: {  	s22 =	simm.s32 $0x1300;
	[sflag:s16] =	ssyncadd.s32 $0xFFFFD800  }
0xf8: {  	[tilespmem:s20], [sflag:$0x3] =	stream.indirect.gather [hbm4b:s7+s12], $0x80, s22, s12, $0xb8;
	v63 =	vld [tilespmem:$0x0]  }
0xf9: {  	_ =	swait.ge [sflag:s21], $0x2800  }
0xfa: {  	[sflag:s21] =	ssyncset.done $0x0  }
0xfb: {  	s19 =	simm.s32 $0x1A80;
	[sflag:s21] =	ssyncadd.s32 $0xFFFFD800  }
0xfc: {  	[spmem:s1] =	stream.indirect.scatter.add.f32 [tilespmem:s15], [sflag:$0x6], $0x80, s19, s12, $0xb8;
	v63 =	vld [tilespmem:$0x0]  }
0xfd: {  	_ =	swait.ge [sflag:s14], $0x2800  }
0xfe: {  	[sflag:s14] =	ssyncset.done $0x0  }
0xff: {  	s22 =	simm.s32 $0x1380;
	[sflag:s14] =	ssyncadd.s32 $0xFFFFD800  }
0x100: {  	[tilespmem:s24], [sflag:$0x4] =	stream.indirect.gather [hbm4b:s7+s12], $0x80, s22, s12, $0xb8;
	v63 =	vld [tilespmem:$0x0]  }
0x101: {  	_ =	swait.ge [sflag:s25], $0x2800  }
0x102: {  	[sflag:s25] =	ssyncset.done $0x0  }
0x103: {  	s19 =	simm.s32 $0x1B00;
	[sflag:s25] =	ssyncadd.s32 $0xFFFFD800  }
0x104: {  	[spmem:s1] =	stream.indirect.scatter.add.f32 [tilespmem:s20], [sflag:$0x7], $0x80, s19, s12, $0xb8;
	v63 =	vld [tilespmem:$0x0]  }
0x105: {  	_ =	swait.ge [sflag:s30], $0x2800  }
0x106: {  	[sflag:s30] =	ssyncset.done $0x0  }
0x107: {  	s22 =	simm.s32 $0x1400;
	[sflag:s30] =	ssyncadd.s32 $0xFFFFD800  }
0x108: {  	[tilespmem:s13], [sflag:$0x1] =	stream.indirect.gather [hbm4b:s7+s12], $0x80, s22, s12, $0xb8;
	v63 =	vld [tilespmem:$0x0]  }
0x109: {  	_ =	swait.ge [sflag:s0], $0x2800  }
0x10a: {  	[sflag:s0] =	ssyncset.done $0x0  }
0x10b: {  	s19 =	simm.s32 $0x1B80;
	[sflag:s0] =	ssyncadd.s32 $0xFFFFD800  }
0x10c: {  	[spmem:s1] =	stream.indirect.scatter.add.f32 [tilespmem:s24], [sflag:$0x8], $0x80, s19, s12, $0xb8;
	v63 =	vld [tilespmem:$0x0]  }
0x10d: {  	_ =	swait.ge [sflag:s4], $0x2800  }
0x10e: {  	[sflag:s4] =	ssyncset.done $0x0  }
0x10f: {  	s22 =	simm.s32 $0x1480;
	[sflag:s4] =	ssyncadd.s32 $0xFFFFD800  }
0x110: {  	[tilespmem:s15], [sflag:$0x2] =	stream.indirect.gather [hbm4b:s7+s12], $0x80, s22, s12, $0xb8;
	v63 =	vld [tilespmem:$0x0]  }
0x111: {  	_ =	swait.ge [sflag:s18], $0x2800  }
0x112: {  	[sflag:s18] =	ssyncset.done $0x0  }
0x113: {  	s19 =	simm.s32 $0x1C00;
	[sflag:s18] =	ssyncadd.s32 $0xFFFFD800  }
0x114: {  	[spmem:s1] =	stream.indirect.scatter.add.f32 [tilespmem:s13], [sflag:$0x5], $0x80, s19, s12, $0xb8;
	v63 =	vld [tilespmem:$0x0]  }
0x115: {  	_ =	swait.ge [sflag:s16], $0x2800  }
0x116: {  	[sflag:s16] =	ssyncset.done $0x0  }
0x117: {  	s22 =	simm.s32 $0x1500;
	[sflag:s16] =	ssyncadd.s32 $0xFFFFD800  }
0x118: {  	[tilespmem:s20], [sflag:$0x3] =	stream.indirect.gather [hbm4b:s7+s12], $0x80, s22, s12, $0xb8;
	v63 =	vld [tilespmem:$0x0]  }
0x119: {  	_ =	swait.ge [sflag:s21], $0x2800  }
0x11a: {  	[sflag:s21] =	ssyncset.done $0x0  }
0x11b: {  	s19 =	simm.s32 $0x1C80;
	[sflag:s21] =	ssyncadd.s32 $0xFFFFD800  }
0x11c: {  	[spmem:s1] =	stream.indirect.scatter.add.f32 [tilespmem:s15], [sflag:$0x6], $0x80, s19, s12, $0xb8;
	v63 =	vld [tilespmem:$0x0]  }
0x11d: {  	_ =	swait.ge [sflag:s14], $0x2800  }
0x11e: {  	[sflag:s14] =	ssyncset.done $0x0  }
0x11f: {  	s22 =	simm.s32 $0x1580;
	[sflag:s14] =	ssyncadd.s32 $0xFFFFD800  }
0x120: {  	[tilespmem:s24], [sflag:$0x4] =	stream.indirect.gather [hbm4b:s7+s12], $0x80, s22, s12, $0xb8;
	v63 =	vld [tilespmem:$0x0]  }
0x121: {  	_ =	swait.ge [sflag:s25], $0x2800  }
0x122: {  	[sflag:s25] =	ssyncset.done $0x0  }
0x123: {  	s19 =	simm.s32 $0x1D00;
	[sflag:s25] =	ssyncadd.s32 $0xFFFFD800  }
0x124: {  	[spmem:s1] =	stream.indirect.scatter.add.f32 [tilespmem:s20], [sflag:$0x7], $0x80, s19, s12, $0xb8;
	v63 =	vld [tilespmem:$0x0]  }
0x125: {  	_ =	swait.ge [sflag:s30], $0x2800  }
0x126: {  	[sflag:s30] =	ssyncset.done $0x0  }
0x127: {  	s22 =	simm.s32 $0x1600;
	[sflag:s30] =	ssyncadd.s32 $0xFFFFD800  }
0x128: {  	[tilespmem:s13], [sflag:$0x1] =	stream.indirect.gather [hbm4b:s7+s12], $0x80, s22, s12, $0xb8;
	v63 =	vld [tilespmem:$0x0]  }
0x129: {  	_ =	swait.ge [sflag:s0], $0x2800  }
0x12a: {  	[sflag:s0] =	ssyncset.done $0x0  }
0x12b: {  	s19 =	simm.s32 $0x1D80;
	[sflag:s0] =	ssyncadd.s32 $0xFFFFD800  }
0x12c: {  	[spmem:s1] =	stream.indirect.scatter.add.f32 [tilespmem:s24], [sflag:$0x8], $0x80, s19, s12, $0xb8;
	v63 =	vld [tilespmem:$0x0]  }
0x12d: {  	_ =	swait.ge [sflag:s4], $0x2800  }
0x12e: {  	[sflag:s4] =	ssyncset.done $0x0  }
0x12f: {  	s22 =	simm.s32 $0x1680;
	[sflag:s4] =	ssyncadd.s32 $0xFFFFD800  }
0x130: {  	[tilespmem:s15], [sflag:$0x2] =	stream.indirect.gather [hbm4b:s7+s12], $0x80, s22, s12, $0xb8;
	v63 =	vld [tilespmem:$0x0]  }
0x131: {  	_ =	swait.ge [sflag:s18], $0x2800  }
0x132: {  	[sflag:s18] =	ssyncset.done $0x0  }
0x133: {  	[sflag:s18] =	ssyncadd.s32 $0xFFFFD800  }
0x134: {  	[spmem:s1] =	stream.indirect.scatter.add.f32 [tilespmem:s13], [sflag:$0x5], $0x80, s23, s12, $0xb8;
	v63 =	vld [tilespmem:$0x0]  }
0x135: {  	_ =	swait.ge [sflag:s16], $0x2800  }
0x136: {  	[sflag:s16] =	ssyncset.done $0x0  }
0x137: {  	[sflag:s16] =	ssyncadd.s32 $0xFFFFD800  }
0x138: {  	[tilespmem:s20], [sflag:$0x3] =	stream.indirect.gather [hbm4b:s7+s12], $0x80, s11, s12, $0xb8;
	v63 =	vld [tilespmem:$0x0]  }
0x139: {  	_ =	swait.ge [sflag:s21], $0x2800  }
0x13a: {  	[sflag:s21] =	ssyncset.done $0x0  }
0x13b: {  	[sflag:s21] =	ssyncadd.s32 $0xFFFFD800  }
0x13c: {  	[spmem:s1] =	stream.indirect.scatter.add.f32 [tilespmem:s15], [sflag:$0x6], $0x80, s26, s12, $0xb8;
	v63 =	vld [tilespmem:$0x0]  }
0x13d: {  	_ =	swait.ge [sflag:s14], $0x2800  }
0x13e: {  	[sflag:s14] =	ssyncset.done $0x0  }
0x13f: {  	[sflag:s14] =	ssyncadd.s32 $0xFFFFD800  }
0x140: {  	[tilespmem:s24], [sflag:$0x4] =	stream.indirect.gather [hbm4b:s7+s12], $0x80, s31, s12, $0xb8;
	v63 =	vld [tilespmem:$0x0]  }
0x141: {  	_ =	swait.ge [sflag:s25], $0x2800  }
0x142: {  	[sflag:s25] =	ssyncset.done $0x0  }
.Ltmp2:
0x143: {  	[sflag:s25] =	ssyncadd.s32 $0xFFFFD800;
	(pc) =	sbr.rel @p0 .LBB2_4-.Ltmp2, $4  }
0x144: {  	[spmem:s1] =	stream.indirect.scatter.add.f32 [tilespmem:s20], [sflag:$0x7], $0x80, s2, s12, $0xb8;
	v63 =	vld [tilespmem:$0x0]  }
0x145: {  	_ =	swait.ge [sflag:s30], $0x2800  }
0x146: {  	[sflag:s30] =	ssyncset.done $0x0  }
0x147: {  	[sflag:s30] =	ssyncadd.s32 $0xFFFFD800  }
0x148: {  	_ =	swait.ge [sflag:s8], $0x800  }
0x149: {  	[sflag:s8] =	ssyncset.done $0x0  }
0x14a: {  	[sflag:s8] =	ssyncadd.s32 $0xFFFFF800  }
0x14b: {  	_ =	swait.ge [sflag:s8], $0x800  }
0x14c: {  	[sflag:s8] =	ssyncset.done $0x0  }
0x14d: {  	[sflag:s8] =	ssyncadd.s32 $0xFFFFF800  }
0x14e: {  	[tilespmem:s13], [sflag:$0x1] =	stream.indirect.gather [hbm4b:s7+s12], $0x80, s3, s12, $0xb8;
	v63 =	vld [tilespmem:$0x0]  }
0x14f: {  	_ =	swait.ge [sflag:s0], $0x2800  }
0x150: {  	[sflag:s0] =	ssyncset.done $0x0  }
0x151: {  	[sflag:s0] =	ssyncadd.s32 $0xFFFFD800  }
0x152: {  	[spmem:s1] =	stream.indirect.scatter.add.f32 [tilespmem:s24], [sflag:$0x8], $0x80, s9, s12, $0xb8;
	v63 =	vld [tilespmem:$0x0]  }
.Ltmp3:
0x153: {  	_ = 	snop;
	(pc) =	sbr.rel .LBB2_2-.Ltmp3, $4  }
0x154: {  	_ =	swait.ge [sflag:s4], $0x2800  }
0x155: {  	[sflag:s4] =	ssyncset.done $0x0  }
0x156: {  	s10 =	simm.s32 $0x80;
	s17 =	sadd.s32 $0x200, s17;
	[sflag:s4] =	ssyncadd.s32 $0xFFFFD800  }
0x157: {  	[tilespmem:s15], [sflag:$0x2] =	stream.indirect.gather [hbm4b:s7+s12], $0x80, s10, s12, $0xb8;
	v63 =	vld [tilespmem:$0x0]  }
.LBB2_5:
0x158: {  	_ =	sfence.sel $0x180000  }
0x159: {  	[bflag:$0x0] =	sbarrier.arrive $0xFFFF  }
0x15a: {  	_ =	strace $0x9000004D  }
0x15b: {  	s0 =	stileid.u32;
	[bflag:$0x2] =	sbarrier.arrive $0xFFFF  }
0x15c: {  	p0 =	sne.s32 s0, $0x0;
	s0 =	rddreg [dreg:$0x2]  }
0x15d: {  	s0 =	sadd.s32 @!p0 $0x100000, s0  }
0x15e: {  	[sflag:s0] =	ssyncadd.tile.s32 @!p0 $0x1;
	_ =	shalt  }
.Lfunc_end2:
_tile_overlayer_lowered:
.L_overlay_start_2:
0x15f: {  	(tag) =	ssettag $0x2  }
0x160: {  	s0 =	rddreg [dreg:$0x0];
	s2 =	stileid.u32  }
0x161: {  	s1 =	rddreg [dreg:$0x1];
	p0 =	sne.s32 s2, $0x0  }
0x162: {  	s3 =	rddreg [dreg:$0x2];
	[bflag:$0x3] =	sbarrier.arrive $0xFFFF;
	s2 =	simm.s32 @!p0 $0x1C0A  }
0x163: {  	[timem:s3], [sflag:s2] =	dma.local @!p0 [hbm:s0], s1  }
0x164: {  	s0 =	simm.s32 @!p0 $0xA  }
0x165: {  	_ =	swait.ge @!p0 [sflag:s0], s1  }
0x166: {  	s1 =	ssub.s32 @!p0 $0x0, s1;
	[sflag:s0] =	ssyncset.done @!p0 $0x0  }
0x167: {  	[sflag:s0] =	ssyncadd.s32 @!p0 s1  }
0x168: {  	[bflag:$0x3] =	sbarrier.arrive $0xFFFF  }
0x169: {  	_ =	shalt  }

// kernel: kernel.8.cloned.1.call-start
scs
__scs_entry_jumppad:
0x0: {  	(pc) =	sbr.rel $0x88, $3  }
0x1: {  	(tag) =	ssettag $0x0;
	lr =	simm.s32 $0x1  }
0x2: {  	[smem:$0x3F99] =	sst lr;
	_ =	strace $0xD0000000  }
0x3: {  	_ = 	snop  }
0x4: {  	_ = 	snop  }
0x5: {  	_ = 	snop  }
0x6: {  	_ = 	snop  }
0x7: {  	_ = 	snop  }
__scs_overlays_trampoline_lowered:
0x8: {  	[smem:$0x3FA8] =	sst s0  }
0x9: {  	[smem:$0x3FA9] =	sst s1  }
0xa: {  	[smem:$0x3FAA] =	sst s2  }
0xb: {  	[smem:$0x3FAB] =	sst s3  }
0xc: {  	[smem:$0x3FAC] =	sst s4  }
0xd: {  	[smem:$0x3FAD] =	sst s5  }
0xe: {  	[smem:$0x3FAE] =	sst s6  }
0xf: {  	[smem:$0x3FAF] =	sst s7  }
0x10: {  	[smem:$0x3FB0] =	sst s8  }
0x11: {  	[smem:$0x3FB1] =	sst s9;
	s0 =	simm.s32 @!p0 $0x0  }
0x12: {  	s1 =	sld [smem:$0x3F97];
	s0 =	simm.s32 @p0 $0x1  }
0x13: {  	[smem:$0x3FB2] =	sst s0;
	s0 =	simm.s32 @!p1 $0x0  }
0x14: {  	s2 =	sld [smem:$0x3F96];
	s0 =	simm.s32 @p1 $0x1  }
0x15: {  	[smem:$0x3FB3] =	sst s0;
	s0 =	simm.s32 @!p2 $0x0  }
0x16: {  	s3 =	sld [smem:$0x3FDB];
	s0 =	simm.s32 @p2 $0x1  }
0x17: {  	s4 =	simm.s32 $0x1BF5;
	[smem:$0x3FB5] =	sst s0  }
0x18: {  	s0 =	sld [smem:$0x3F98];
	_ =	swait.ge [sflag:s4], $0x0  }
0x19: {  	s7 =	sld [smem:$0x3F99]  }
0x1a: {  	s8 =	sadd.s32 $0xFFFFE003, lr  }
0x1b: {  	s9 =	sadd.s32 $0xFFFFFEF7, lr;
	s5 =	simm.s32 $0xFFFFFFFF;
	p2 =	slt.u32 s8, $0xFFFFF086  }
0x1c: {  	p1 =	slt.u32 s9, $0xF7A;
	s5 =	simm.s32 @!p2 $0x0  }
0x1d: {  	s5 =	simm.s32 @p1 $0x1;
	p0 =	seq.s32 s7, s2  }
0x1e: {  	s7 =	smul.u32 @!p0 $0xF7A, s2;
	p2 =	seq.s32 @!p0 s5, $0x0  }
0x1f: {  	s9 =	smul.u32 $0xF7A, s1;
	s8 =	simm.s32 @!p0 $0x1BF5;
	p2 =	por !p2, p0  }
0x20: {  	[sflag:s8] =	ssyncset.s32 @!p0 $0xFFFFF086;
	s6 =	sadd.s32 @!p0 s3, s7;
	s7 =	simm.s32 @!p0 $0x108  }
0x21: {  	s3 =	sadd.s32 s3, s9;
	s6 =	sadd.s32 @!p0 $0x88, s6;
	s7 =	simm.s32 @p2 $0x1082  }
0x22: {  	[simem:s7], [sflag:s8] =	dma.local @!p0 [hbm:s6], $0xF7A  }
0x23: {  	s9 =	sor.u32 $0xD0000000, s2;
	s6 =	simm.s32 $0x108;
	_ =	swait.ge @!p0 [sflag:s8], $0x0  }
0x24: {  	s3 =	sadd.s32 $0x88, s3;
	s6 =	simm.s32 @!p1 $0x1082;
	[sflag:s4] =	ssyncset.s32 $0xFFFFF086  }
0x25: {  	[simem:s6], [sflag:s4] =	dma.local [hbm:s3], $0xF7A  }
0x26: {  	[smem:$0x3F99] =	sst s1;
	(tag) =	ssettag s2;
	_ =	strace s9  }
0x27: {  	s1 =	sld [smem:$0x3FA9]  }
0x28: {  	s2 =	sld [smem:$0x3FAA]  }
0x29: {  	s4 =	sld [smem:$0x3FAC]  }
0x2a: {  	p0 =	seq.s32 s5, $0x0;
	s5 =	sld [smem:$0x3FAD]  }
0x2b: {  	s6 =	sld [smem:$0x3FAE]  }
0x2c: {  	s7 =	sld [smem:$0x3FAF]  }
0x2d: {  	s3 =	simm.s32 $0x108;
	s8 =	sld [smem:$0x3FB0]  }
0x2e: {  	s3 =	simm.s32 @!p0 $0x1082;
	s9 =	sld [smem:$0x3FB1]  }
0x2f: {  	lr =	sadd.s32 s0, s3;
	s0 =	sld [smem:$0x3FA8]  }
0x30: {  	s3 =	sld [smem:$0x3FAB]  }
0x31: {  	[smem:$0x3FB4] =	sst s10  }
0x32: {  	s10 =	sld [smem:$0x3FB2];
	_ =	sdelay $0x3  }
0x33: {  	p0 =	seq.s32 s10, $0x1;
	s10 =	sld [smem:$0x3FB4];
	_ =	sdelay $0x3  }
0x34: {  	[smem:$0x3FB4] =	sst s10  }
0x35: {  	s10 =	sld [smem:$0x3FB3];
	_ =	sdelay $0x3  }
0x36: {  	p1 =	seq.s32 s10, $0x1;
	s10 =	sld [smem:$0x3FB4];
	_ =	sdelay $0x3  }
0x37: {  	[smem:$0x3FB4] =	sst s10  }
0x38: {  	s10 =	sld [smem:$0x3FB5]  }
0x39: {  	_ = 	snop;
	(pc) =	sbr.ind lr, $3  }
0x3a: {  	_ = 	snop  }
0x3b: {  	_ = 	snop  }
0x3c: {  	p2 =	seq.s32 s10, $0x1;
	s10 =	sld [smem:$0x3FB4]  }
0x3d: {  	_ =	shalt  }
0x3e: {  	_ =	shalt  }
0x3f: {  	_ =	shalt  }
0x40: {  	_ =	shalt  }
0x41: {  	_ =	shalt  }
0x42: {  	_ =	shalt  }
0x43: {  	_ =	shalt  }
0x44: {  	_ =	shalt  }
0x45: {  	_ =	shalt  }
0x46: {  	_ =	shalt  }
0x47: {  	_ =	shalt  }
0x48: {  	_ =	shalt  }
0x49: {  	_ =	shalt  }
0x4a: {  	_ =	shalt  }
0x4b: {  	_ =	shalt  }
0x4c: {  	_ =	shalt  }
0x4d: {  	_ =	shalt  }
0x4e: {  	_ =	shalt  }
0x4f: {  	_ =	shalt  }
0x50: {  	_ =	shalt  }
0x51: {  	_ =	shalt  }
0x52: {  	_ =	shalt  }
0x53: {  	_ =	shalt  }
0x54: {  	_ =	shalt  }
0x55: {  	_ =	shalt  }
0x56: {  	_ =	shalt  }
0x57: {  	_ =	shalt  }
0x58: {  	_ =	shalt  }
0x59: {  	_ =	shalt  }
0x5a: {  	_ =	shalt  }
0x5b: {  	_ =	shalt  }
0x5c: {  	_ =	shalt  }
0x5d: {  	_ =	shalt  }
0x5e: {  	_ =	shalt  }
0x5f: {  	_ =	shalt  }
0x60: {  	_ =	shalt  }
0x61: {  	_ =	shalt  }
0x62: {  	_ =	shalt  }
0x63: {  	_ =	shalt  }
0x64: {  	_ =	shalt  }
0x65: {  	_ =	shalt  }
0x66: {  	_ =	shalt  }
0x67: {  	_ =	shalt  }
0x68: {  	_ =	shalt  }
0x69: {  	_ =	shalt  }
0x6a: {  	_ =	shalt  }
0x6b: {  	_ =	shalt  }
0x6c: {  	_ =	shalt  }
0x6d: {  	_ =	shalt  }
0x6e: {  	_ =	shalt  }
0x6f: {  	_ =	shalt  }
0x70: {  	_ =	shalt  }
0x71: {  	_ =	shalt  }
0x72: {  	_ =	shalt  }
0x73: {  	_ =	shalt  }
0x74: {  	_ =	shalt  }
0x75: {  	_ =	shalt  }
0x76: {  	_ =	shalt  }
0x77: {  	_ =	shalt  }
0x78: {  	_ =	shalt  }
0x79: {  	_ =	shalt  }
0x7a: {  	_ =	shalt  }
0x7b: {  	_ =	shalt  }
0x7c: {  	_ =	shalt  }
0x7d: {  	_ =	shalt  }
0x7e: {  	_ =	shalt  }
0x7f: {  	_ =	shalt  }
0x80: {  	_ =	shalt  }
0x81: {  	_ =	shalt  }
0x82: {  	_ =	shalt  }
0x83: {  	_ =	shalt  }
0x84: {  	_ =	shalt  }
0x85: {  	_ =	shalt  }
0x86: {  	_ =	shalt  }
0x87: {  	_ =	shalt  }
.Lfunc_end0:
.L_simem_size_0:
called_computation_lowered:
.L_overlay_start_0:
0x88: {  	s2 =	sld [smem:$0x3FD9]  }
0x89: {  	s3 =	sld [smem:$0x3FFE];
	_ =	sdelay $0x1  }
0x8a: {  	s1 =	srdreg.scid  }
0x8b: {  	s0 =	sand.u32 $0x1, s1  }
0x8c: {  	s17 =	sshll.u32 s0, $0xA;
	s2 =	sadd.s32 s3, s2  }
0x8d: {  	s2 =	sadd.s32 s2, s17  }
0x8e: {  	[smem:$0x3FC0] =	sst s2  }
0x8f: {  	_ = 	snop  }
0x90: {  	s2 =	sld [smem:$0x3FD0];
	(tm) =	ssettm $0x1  }
0x91: {  	s18 =	sld [smem:$0x3FFB];
	_ =	sdelay $0x3  }
0x92: {  	_ =	strace s18  }
0x93: {  	s3 =	sld [smem:$0x3FFC];
	_ =	sdelay $0x3  }
0x94: {  	_ =	strace s3  }
0x95: {  	s3 =	sld [smem:$0x3FFD];
	_ =	sdelay $0x3  }
0x96: {  	_ =	strace s3  }
0x97: {  	_ =	strace $0x8FFFFFFF  }
0x98: {  	s19 =	sld [smem:$0x3FDB];
	_ =	sdelay $0x1  }
0x99: {  	s4 =	simm.s32 $_scs_section_size  }
0x9a: {  	s5 =	simm.s32 $_size__tile_overlayer_lowered;
	s6 =	simm.s32 $_tile_overlayer_lowered  }
0x9b: {  	s22 =	simm.s32 $0x1BFF;
	s21 =	sshll.u32 s6, $0x1;
	s3 =	sadd.s32 s4, s19  }
0x9c: {  	s7 =	simm.s32 $0x0;
	s20 =	sshll.u32 s5, $0x1;
	s5 =	sadd.s32 s21, s3  }
0x9d: {  	[timem:s7], [sflag:s22] =	dma.local [hbm:s5], s20  }
0x9e: {  	_ =	swait.ge [sflag:s22], s20  }
0x9f: {  	s4 =	ssub.s32 $0x0, s20;
	[sflag:s22] =	ssyncset.done $0x0  }
0xa0: {  	[sflag:s22] =	ssyncadd.s32 s4;
	_ =	sdelay $0x1  }
0xa1: {  	s23 =	simm.s32 $0x1B8B  }
0xa2: {  	_ =	swait.ge [sflag:s23], $0x1  }
0xa3: {  	[sflag:s23] =	ssyncset.done $0x0  }
0xa4: {  	s25 =	simm.s32 $0x1B8E;
	s24 =	sld [smem:$0x3FFE];
	[sflag:s23] =	ssyncadd.s32 $0xFFFFFFFF  }
0xa5: {  	s26 =	simm.s32 $execute0_lowered;
	[smem:$0x3FD2] =	sst s25  }
0xa6: {  	s5 =	sshll.u32 s26, $0x1;
	_ =	strace $0x80000046;
	[dreg:$0x1] =	wrdreg $0xFFFFFFFF  }
0xa7: {  	s28 =	simm.s32 $_size_execute0_lowered;
	s3 =	sadd.s32 s3, s5;
	[dreg:$0x0] =	wrdreg $0x0  }
0xa8: {  	s5 =	sshll.u32 s28, $0x1;
	[dreg:$0x2] =	wrdreg s3  }
0xa9: {  	[dreg:$0x3] =	wrdreg s5  }
0xaa: {  	[dreg:$0x4] =	wrdreg $0xC0  }
0xab: {  	_ =	task [dreg:s7], $0x5FFFF  }
0xac: {  	[dreg:$0x1] =	wrdreg $0xFFFFFFFF  }
0xad: {  	[dreg:$0x0] =	wrdreg $0x60  }
0xae: {  	[dreg:$0x2] =	wrdreg s24  }
0xaf: {  	[dreg:$0x3] =	wrdreg s2  }
0xb0: {  	[dreg:$0x4] =	wrdreg $0x80800  }
0xb1: {  	[dreg:$0x5] =	wrdreg $0x83000  }
0xb2: {  	[dreg:$0x6] =	wrdreg $0x9  }
0xb3: {  	_ =	task.clear_ibuf [dreg:s7], $0x7FFFF;
	_ =	strace $0x90000046  }
0xb4: {  	s29 =	simm.s32 $0x9;
	_ =	strace $0x80000048  }
0xb5: {  	_ =	swait.ge [sflag:s29], $0x1  }
0xb6: {  	[sflag:s29] =	ssyncadd.s32 $0xFFFFFFFF  }
0xb7: {  	_ =	strace $0x90000048  }
0xb8: {  	_ =	sfence  }
0xb9: {  	s30 =	sld [smem:$0x0];
	_ =	sdelay $0x2  }
0xba: {  	s31 =	sshll.u32 s1, $0xD;
	s1 =	sshrl.u32 s1, $0x2  }
0xbb: {  	s3 =	sand.u32 $0x4000, s31;
	s1 =	sadd.s32 s1, s30  }
0xbc: {  	s0 =	sor.u32 s3, s0;
	s1 =	sshll.u32 s1, $0x11  }
0xbd: {  	s0 =	sor.u32 s1, s0  }
0xbe: {  	s0 =	sadd.s32 $0x8F2B, s0  }
0xbf: {  	[sflag:s0] =	ssyncadd.remote.s32 $0x1  }
0xc0: {  	_ =	sfence.sel $0xFFFF  }
0xc1: {  	[dreg:$0x0] =	wrdreg $0xFFFFFFFF;
	(pc) =	sbr.abs _section_cstart, $3  }
0xc2: {  	[dreg:$0x1] =	wrdreg $0xFFFFFFFF  }
0xc3: {  	_ =	task.clear_ibuf [dreg:s7], $0x2FFFF;
	_ =	strace $0x9FFFFFFF  }
0xc4: {  	(tm) =	ssettm $0x7FFFFFFF  }
0xc5: {  	_ =	shalt  }
tec
execute0_lowered:
.L_overlay_start_1:
0x0: {  	(tag) =	ssettag $0x1  }
0x1: {  	s0 =	rddreg [dreg:$0x0]  }
0x2: {  	s2 =	rddreg [dreg:$0x2]  }
0x3: {  	s3 =	rddreg [dreg:$0x3];
	s1 =	srdreg.scid;
	s5 =	simm.s32 $0x0  }
0x4: {  	s10 =	stileid.u32;
	s14 =	simm.s32 $0x9;
	s16 =	simm.s32 $0x8000  }
0x5: {  	s17 =	simm.s32 $0x4000;
	s18 =	simm.s32 $0x50;
	s28 =	simm.s32 $0x2  }
0x6: {  	s29 =	simm.s32 $0x6;
	s30 =	simm.s32 $0x3;
	s31 =	simm.s32 $0x7  }
0x7: {  	s19 =	simm.s32 $0x10;
	s20 =	simm.s32 $0x0;
	s8 =	smul.u32 $0x500, s10  }
0x8: {  	s1 =	sand.u32 $0x1, s1;
	s6 =	sshll.u32 s10, $0xC;
	s23 =	smul.u32 $0x280, s10  }
0x9: {  	[smem:$0x7FF] =	sst s5;
	s26 =	sshll.u32 s10, $0x6;
	s4 =	smul.u32 $0x5000, s1  }
0xa: {  	s7 =	sshll.u32 s1, $0xB;
	_ =	strace $0x80000047;
	s1 =	ssub.s32 $0x2, s1  }
0xb: {  	s6 =	sor.u32 s7, s6;
	s24 =	sshrl.u32 s1, $0x1;
	s25 =	sadd.s32 s23, s2  }
0xc: {  	s7 =	sor.u32 $0x1C09, s26;
	s15 =	sadd.s32 s23, s3;
	s26 =	simm.s32 $0x5  }
0xd: {  	s9 =	sadd.s32 s6, s0;
	s4 =	sadd.s32 s8, s4;
	s6 =	sadd.s32 $0x22400, s0  }
0xe: {  	s1 =	ssub.s32 s1, s24;
	s13 =	sshrl.u32 s25, $0x3;
	s15 =	sshrl.u32 s15, $0x3  }
0xf: {  	s24 =	simm.s32 $0x4180;
	s25 =	simm.s32 $0x1;
	s4 =	sshrl.u32 s4, $0x3  }
0x10: {  	s8 =	sadd.s32 $0x2400, s9;
	s9 =	sadd.s32 $0x12400, s9;
	s12 =	smax.u32 s1, $0x1  }
0x11: {  	s1 =	simm.s32 $0x20;
	s0 =	sadd.s32 s4, s0;
	s4 =	simm.s32 $0x8  }
0x12: {  	s10 =	sadd.s32 $0x22600, s0;
	s11 =	sadd.s32 $0x22610, s0;
	s0 =	simm.s32 $0x4  }
.LBB2_1:
0x13: {  	[spmem:s13], [sflag:s7] =	dma.local [hbm:s6], $0x50  }
0x14: {  	_ =	swait.ge [sflag:s14], $0x50  }
0x15: {  	[sflag:s14] =	ssyncset.done $0x0  }
0x16: {  	[sflag:s14] =	ssyncadd.s32 $0xFFFFFFB0  }
0x17: {  	[spmem:s15], [sflag:s7] =	dma.local [hbm:s6], $0x50  }
0x18: {  	_ =	swait.ge [sflag:s14], $0x50  }
0x19: {  	[sflag:s14] =	ssyncset.done $0x0  }
0x1a: {  	[sflag:s14] =	ssyncadd.s32 $0xFFFFFFB0  }
0x1b: {  	s21 =	rddreg [dreg:$0x1]  }
0x1c: {  	[tilespmem:s16], [sflag:$0x9] =	stream.linear.gather [hbm4b:s21+s5], $0x80, $0x38;
	[tilespmem:$0x8580] =	vst v63  }
0x1d: {  	_ =	swait.ge [sflag:s14], $0x80  }
0x1e: {  	[sflag:s14] =	ssyncset.done $0x0  }
0x1f: {  	[sflag:s14] =	ssyncadd.s32 $0xFFFFFF80  }
0x20: {  	[tilespmem:s5], [sflag:$0x9] =	stream.linear.gather [hbm4b:s8+s5], $0x4000, $0x38;
	[tilespmem:$0x8580] =	vst v63  }
0x21: {  	_ =	swait.ge [sflag:s14], $0x4000  }
0x22: {  	[sflag:s14] =	ssyncset.done $0x0  }
0x23: {  	[sflag:s14] =	ssyncadd.s32 $0xFFFFC000  }
0x24: {  	[tilespmem:s17], [sflag:$0x9] =	stream.linear.gather [hbm4b:s9+s5], $0x4000, $0x38;
	[tilespmem:$0x8580] =	vst v63  }
0x25: {  	_ =	swait.ge [sflag:s14], $0x4000  }
0x26: {  	[sflag:s14] =	ssyncset.done $0x0  }
0x27: {  	[sflag:s14] =	ssyncadd.s32 $0xFFFFC000  }
0x28: {  	[bflag:$0x0] =	sbarrier.arrive $0xFFFF  }
0x29: {  	[spmem:s2] =	stream.indirect.scatter.add.f32 [tilespmem:s16], [sflag:$0x1], $0x1, s5, s18, $0xb8;
	[tilespmem:$0x8580] =	vst v63  }
0x2a: {  	_ = 	snop  }
0x2b: {  	[spmem:s3] =	stream.indirect.scatter.add.f32 [tilespmem:s16], [sflag:$0x5], $0x1, s17, s18, $0xb8;
	[tilespmem:$0x8580] =	vst v63  }
0x2c: {  	s22 =	simm.s32 $0x80  }
0x2d: {  	[spmem:s2] =	stream.indirect.scatter.add.f32 [tilespmem:s16], [sflag:$0x2], $0x1, s22, s18, $0xb8;
	[tilespmem:$0x8580] =	vst v63  }
0x2e: {  	s23 =	simm.s32 $0x4080  }
0x2f: {  	[spmem:s3] =	stream.indirect.scatter.add.f32 [tilespmem:s16], [sflag:$0x6], $0x1, s23, s18, $0xb8;
	[tilespmem:$0x8580] =	vst v63  }
0x30: {  	s22 =	simm.s32 $0x100  }
0x31: {  	[spmem:s2] =	stream.indirect.scatter.add.f32 [tilespmem:s16], [sflag:$0x3], $0x1, s22, s18, $0xb8;
	[tilespmem:$0x8580] =	vst v63  }
0x32: {  	s23 =	simm.s32 $0x4100  }
0x33: {  	[spmem:s3] =	stream.indirect.scatter.add.f32 [tilespmem:s16], [sflag:$0x7], $0x1, s23, s18, $0xb8;
	[tilespmem:$0x8580] =	vst v63  }
0x34: {  	s22 =	simm.s32 $0x180  }
0x35: {  	[spmem:s2] =	stream.indirect.scatter.add.f32 [tilespmem:s16], [sflag:$0x4], $0x1, s22, s18, $0xb8;
	[tilespmem:$0x8580] =	vst v63  }
0x36: {  	_ = 	snop  }
0x37: {  	[spmem:s3] =	stream.indirect.scatter.add.f32 [tilespmem:s16], [sflag:$0x8], $0x1, s24, s18, $0xb8;
	[tilespmem:$0x8580] =	vst v63  }
0x38: {  	_ =	swait.ge [sflag:s25], $0x50  }
0x39: {  	[sflag:s25] =	ssyncset.done $0x0  }
0x3a: {  	[sflag:s25] =	ssyncadd.s32 $0xFFFFFFB0  }
0x3b: {  	_ =	swait.ge [sflag:s26], $0x50  }
0x3c: {  	[sflag:s26] =	ssyncset.done $0x0  }
0x3d: {  	s23 =	simm.s32 $0x200;
	[sflag:s26] =	ssyncadd.s32 $0xFFFFFFB0  }
0x3e: {  	[spmem:s2] =	stream.indirect.scatter.add.f32 [tilespmem:s16], [sflag:$0x1], $0x1, s23, s18, $0xb8;
	[tilespmem:$0x8580] =	vst v63  }
0x3f: {  	s22 =	simm.s32 $0x4200  }
0x40: {  	[spmem:s3] =	stream.indirect.scatter.add.f32 [tilespmem:s16], [sflag:$0x5], $0x1, s22, s18, $0xb8;
	[tilespmem:$0x8580] =	vst v63  }
0x41: {  	_ =	swait.ge [sflag:s28], $0x50  }
0x42: {  	[sflag:s28] =	ssyncset.done $0x0  }
0x43: {  	[sflag:s28] =	ssyncadd.s32 $0xFFFFFFB0  }
0x44: {  	_ =	swait.ge [sflag:s29], $0x50  }
0x45: {  	[sflag:s29] =	ssyncset.done $0x0  }
0x46: {  	s23 =	simm.s32 $0x280;
	[sflag:s29] =	ssyncadd.s32 $0xFFFFFFB0  }
0x47: {  	[spmem:s2] =	stream.indirect.scatter.add.f32 [tilespmem:s16], [sflag:$0x2], $0x1, s23, s18, $0xb8;
	[tilespmem:$0x8580] =	vst v63  }
0x48: {  	s22 =	simm.s32 $0x4280  }
0x49: {  	[spmem:s3] =	stream.indirect.scatter.add.f32 [tilespmem:s16], [sflag:$0x6], $0x1, s22, s18, $0xb8;
	[tilespmem:$0x8580] =	vst v63  }
0x4a: {  	_ =	swait.ge [sflag:s30], $0x50  }
0x4b: {  	[sflag:s30] =	ssyncset.done $0x0  }
0x4c: {  	[sflag:s30] =	ssyncadd.s32 $0xFFFFFFB0  }
0x4d: {  	_ =	swait.ge [sflag:s31], $0x50  }
0x4e: {  	[sflag:s31] =	ssyncset.done $0x0  }
0x4f: {  	s23 =	simm.s32 $0x300;
	[sflag:s31] =	ssyncadd.s32 $0xFFFFFFB0  }
0x50: {  	[spmem:s2] =	stream.indirect.scatter.add.f32 [tilespmem:s16], [sflag:$0x3], $0x1, s23, s18, $0xb8;
	[tilespmem:$0x8580] =	vst v63  }
0x51: {  	s22 =	simm.s32 $0x4300  }
0x52: {  	[spmem:s3] =	stream.indirect.scatter.add.f32 [tilespmem:s16], [sflag:$0x7], $0x1, s22, s18, $0xb8;
	[tilespmem:$0x8580] =	vst v63  }
0x53: {  	_ =	swait.ge [sflag:s0], $0x50  }
0x54: {  	[sflag:s0] =	ssyncset.done $0x0  }
0x55: {  	[sflag:s0] =	ssyncadd.s32 $0xFFFFFFB0  }
0x56: {  	_ =	swait.ge [sflag:s4], $0x50  }
0x57: {  	s21 =	simm.s32 $0x800;
	[sflag:s4] =	ssyncset.done $0x0  }
0x58: {  	s23 =	simm.s32 $0x380;
	s22 =	simm.s32 $0x4380;
	[sflag:s4] =	ssyncadd.s32 $0xFFFFFFB0  }
0x59: {  	[spmem:s2] =	stream.indirect.scatter.add.f32 [tilespmem:s16], [sflag:$0x4], $0x1, s23, s18, $0xb8;
	[tilespmem:$0x8580] =	vst v63  }
.LBB2_2:
0x5a: {  	[spmem:s3] =	stream.indirect.scatter.add.f32 [tilespmem:s16], [sflag:$0x8], $0x1, s22, s18, $0xb8;
	[tilespmem:$0x8580] =	vst v63  }
0x5b: {  	s22 =	smov.u32 s21  }
0x5c: {  	p0 =	sne.s32 s21, $0xF000;
	s21 =	sadd.s32 $0x800, s21;
	_ =	swait.ge [sflag:s25], $0x50  }
0x5d: {  	[sflag:s25] =	ssyncset.done $0x0  }
0x5e: {  	[sflag:s25] =	ssyncadd.s32 $0xFFFFFFB0  }
0x5f: {  	_ =	swait.ge [sflag:s26], $0x50  }
0x60: {  	s22 =	sshra.s32 s22, $0x2;
	[sflag:s26] =	ssyncset.done $0x0  }
0x61: {  	s23 =	sadd.s32 $0x200, s22;
	[sflag:s26] =	ssyncadd.s32 $0xFFFFFFB0  }
0x62: {  	[spmem:s2] =	stream.indirect.scatter.add.f32 [tilespmem:s16], [sflag:$0x1], $0x1, s23, s18, $0xb8;
	[tilespmem:$0x8580] =	vst v63  }
0x63: {  	s23 =	sadd.s32 $0x4200, s22  }
0x64: {  	[spmem:s3] =	stream.indirect.scatter.add.f32 [tilespmem:s16], [sflag:$0x5], $0x1, s23, s18, $0xb8;
	[tilespmem:$0x8580] =	vst v63  }
0x65: {  	_ =	swait.ge [sflag:s28], $0x50  }
0x66: {  	[sflag:s28] =	ssyncset.done $0x0  }
0x67: {  	[sflag:s28] =	ssyncadd.s32 $0xFFFFFFB0  }
0x68: {  	_ =	swait.ge [sflag:s29], $0x50  }
0x69: {  	[sflag:s29] =	ssyncset.done $0x0  }
0x6a: {  	s23 =	sadd.s32 $0x280, s22;
	[sflag:s29] =	ssyncadd.s32 $0xFFFFFFB0  }
0x6b: {  	[spmem:s2] =	stream.indirect.scatter.add.f32 [tilespmem:s16], [sflag:$0x2], $0x1, s23, s18, $0xb8;
	[tilespmem:$0x8580] =	vst v63  }
0x6c: {  	s23 =	sadd.s32 $0x4280, s22  }
0x6d: {  	[spmem:s3] =	stream.indirect.scatter.add.f32 [tilespmem:s16], [sflag:$0x6], $0x1, s23, s18, $0xb8;
	[tilespmem:$0x8580] =	vst v63  }
0x6e: {  	_ =	swait.ge [sflag:s30], $0x50  }
0x6f: {  	[sflag:s30] =	ssyncset.done $0x0  }
0x70: {  	[sflag:s30] =	ssyncadd.s32 $0xFFFFFFB0  }
0x71: {  	_ =	swait.ge [sflag:s31], $0x50  }
0x72: {  	[sflag:s31] =	ssyncset.done $0x0  }
0x73: {  	s23 =	sadd.s32 $0x300, s22;
	[sflag:s31] =	ssyncadd.s32 $0xFFFFFFB0  }
0x74: {  	[spmem:s2] =	stream.indirect.scatter.add.f32 [tilespmem:s16], [sflag:$0x3], $0x1, s23, s18, $0xb8;
	[tilespmem:$0x8580] =	vst v63  }
0x75: {  	s23 =	sadd.s32 $0x4300, s22  }
0x76: {  	[spmem:s3] =	stream.indirect.scatter.add.f32 [tilespmem:s16], [sflag:$0x7], $0x1, s23, s18, $0xb8;
	[tilespmem:$0x8580] =	vst v63  }
0x77: {  	_ =	swait.ge [sflag:s0], $0x50  }
0x78: {  	[sflag:s0] =	ssyncset.done $0x0  }
0x79: {  	[sflag:s0] =	ssyncadd.s32 $0xFFFFFFB0  }
.Ltmp0:
0x7a: {  	_ =	swait.ge [sflag:s4], $0x50;
	(pc) =	sbr.rel @p0 .LBB2_2-.Ltmp0, $4  }
0x7b: {  	[sflag:s4] =	ssyncset.done $0x0  }
0x7c: {  	s23 =	sadd.s32 $0x380, s22;
	[sflag:s4] =	ssyncadd.s32 $0xFFFFFFB0  }
0x7d: {  	[spmem:s2] =	stream.indirect.scatter.add.f32 [tilespmem:s16], [sflag:$0x4], $0x1, s23, s18, $0xb8;
	[tilespmem:$0x8580] =	vst v63  }
0x7e: {  	s22 =	sadd.s32 $0x4380, s22  }
0x7f: {  	[spmem:s3] =	stream.indirect.scatter.add.f32 [tilespmem:s16], [sflag:$0x8], $0x1, s22, s18, $0xb8;
	[tilespmem:$0x8580] =	vst v63  }
0x80: {  	_ =	swait.ge [sflag:s25], $0x50  }
0x81: {  	[sflag:s25] =	ssyncset.done $0x0  }
0x82: {  	[sflag:s25] =	ssyncadd.s32 $0xFFFFFFB0  }
0x83: {  	_ =	swait.ge [sflag:s26], $0x50  }
0x84: {  	[sflag:s26] =	ssyncset.done $0x0  }
0x85: {  	[sflag:s26] =	ssyncadd.s32 $0xFFFFFFB0  }
0x86: {  	_ =	swait.ge [sflag:s28], $0x50  }
0x87: {  	[sflag:s28] =	ssyncset.done $0x0  }
0x88: {  	[sflag:s28] =	ssyncadd.s32 $0xFFFFFFB0  }
0x89: {  	_ =	swait.ge [sflag:s29], $0x50  }
0x8a: {  	[sflag:s29] =	ssyncset.done $0x0  }
0x8b: {  	[sflag:s29] =	ssyncadd.s32 $0xFFFFFFB0  }
0x8c: {  	_ =	swait.ge [sflag:s30], $0x50  }
0x8d: {  	[sflag:s30] =	ssyncset.done $0x0  }
0x8e: {  	[sflag:s30] =	ssyncadd.s32 $0xFFFFFFB0  }
0x8f: {  	_ =	swait.ge [sflag:s31], $0x50  }
0x90: {  	[sflag:s31] =	ssyncset.done $0x0  }
0x91: {  	[sflag:s31] =	ssyncadd.s32 $0xFFFFFFB0  }
0x92: {  	_ =	swait.ge [sflag:s0], $0x50  }
0x93: {  	[sflag:s0] =	ssyncset.done $0x0  }
0x94: {  	[sflag:s0] =	ssyncadd.s32 $0xFFFFFFB0  }
0x95: {  	_ =	swait.ge [sflag:s4], $0x50  }
0x96: {  	[sflag:s4] =	ssyncset.done $0x0  }
0x97: {  	[sflag:s4] =	ssyncadd.s32 $0xFFFFFFB0  }
0x98: {  	[bflag:$0x0] =	sbarrier.arrive $0xFFFF  }
0x99: {  	[hbm:s10@s1], [sflag:s7] =	dma.strided [spmem:s13@s19], $0x50, s25, $0x10   }
0x9a: {  	s20 =	sadd.s32 $0x1, s20;
	_ =	swait.ge [sflag:s14], $0x50  }
0x9b: {  	p0 =	sne.s32 s20, s12;
	[sflag:s14] =	ssyncset.done $0x0  }
.Ltmp1:
0x9c: {  	[sflag:s14] =	ssyncadd.s32 $0xFFFFFFB0;
	(pc) =	sbr.rel @p0 .LBB2_1-.Ltmp1, $4  }
0x9d: {  	[hbm:s11@s1], [sflag:s7] =	dma.strided [spmem:s15@s19], $0x50, s25, $0x10   }
0x9e: {  	_ =	swait.ge [sflag:s14], $0x50  }
0x9f: {  	[sflag:s14] =	ssyncset.done $0x0  }
0xa0: {  	[sflag:s14] =	ssyncadd.s32 $0xFFFFFFB0  }
0xa1: {  	_ =	sfence.sel $0x180000  }
0xa2: {  	[bflag:$0x0] =	sbarrier.arrive $0xFFFF  }
0xa3: {  	_ =	strace $0x90000047  }
0xa4: {  	s0 =	stileid.u32;
	[bflag:$0x2] =	sbarrier.arrive $0xFFFF  }
0xa5: {  	p0 =	sne.s32 s0, $0x0;
	s0 =	rddreg [dreg:$0x4]  }
0xa6: {  	s0 =	sadd.s32 @!p0 $0x100000, s0  }
0xa7: {  	[sflag:s0] =	ssyncadd.tile.s32 @!p0 $0x1;
	_ =	shalt  }
.Lfunc_end2:
_tile_overlayer_lowered:
.L_overlay_start_2:
0xa8: {  	(tag) =	ssettag $0x2  }
0xa9: {  	s0 =	rddreg [dreg:$0x0];
	s2 =	stileid.u32  }
0xaa: {  	s1 =	rddreg [dreg:$0x1];
	p0 =	sne.s32 s2, $0x0  }
0xab: {  	s3 =	rddreg [dreg:$0x2];
	[bflag:$0x3] =	sbarrier.arrive $0xFFFF;
	s2 =	simm.s32 @!p0 $0x1C09  }
0xac: {  	[timem:s3], [sflag:s2] =	dma.local @!p0 [hbm:s0], s1  }
0xad: {  	s0 =	simm.s32 @!p0 $0x9  }
0xae: {  	_ =	swait.ge @!p0 [sflag:s0], s1  }
0xaf: {  	s1 =	ssub.s32 @!p0 $0x0, s1;
	[sflag:s0] =	ssyncset.done @!p0 $0x0  }
0xb0: {  	[sflag:s0] =	ssyncadd.s32 @!p0 s1  }
0xb1: {  	[bflag:$0x3] =	sbarrier.arrive $0xFFFF  }
0xb2: {  	_ =	shalt  }

</sc_bundles>
